<compile_context>
chip_gen: v7x
topology: tpu7x:2x2x1
jax: 0.10.2.dev20260603
libtpu: 0.0.44.dev20260713+nightly
codegen_flags: <defaults>
</compile_context>

<pallas_src>
import jax
import jax.numpy as jnp
from jax import lax
from jax.experimental import pallas as pl
from jax.experimental.pallas import tpu as pltpu
from jax.experimental.pallas import tpu_sc as plsc

N = 10000
E = 320000
D_IN = 128
D_H = 256
D_OUT = 10

NT = 16
EPT = E // NT
NPAD = 10240
SLICE = NPAD // NT
WIN = 4000
NWIN = EPT // WIN
CSEG = 2048
CCAP = WIN + 48
GB = 16
CAPR = 4096
DUMMY = CAPR
TCB = 1024
NBLK = NPAD // TCB


def _newton_rsqrt(d):
    i = plsc.bitcast(d, jnp.int32)
    y = plsc.bitcast(jnp.int32(0x5F3759DF) - (i >> 1), jnp.float32)
    for _ in range(3):
        y = y * (1.5 - 0.5 * d * y * y)
    return y


def _sload(ref, i):
    return ref[pl.ds(i, 16)][0]


def _sstore(ref, i, val):
    lanes = lax.iota(jnp.int32, 16)
    ivec = jnp.broadcast_to(i, (16,)).astype(jnp.int32)
    vvec = jnp.broadcast_to(val, (16,))
    plsc.store_scatter(ref, [ivec], vvec, mask=lanes == 0)


def _sc_body(
    x_hbm, src_hbm, dst_hbm, ntb_hbm,
    A_hbm, wv_hbm, scl_hbm, meta_hbm,
    srcw, dstw, dinvl, flagl, Ul, wvl,
    matchb, srcm, pm, xrows, pbuf, acc,
    cntl, cntall, kidxl, idxgbuf, idxsbuf, sclbuf, ntl,
    part_sh, degdinv_sh, C_sh, cnts_sh, flag_sh, U_sh, kidx_sh, a_sh,
    sem,
):
    wid = lax.axis_index("s")
    i32 = jnp.int32
    f32 = jnp.float32
    lanes = lax.iota(i32, 16)

    base_e = wid * EPT
    pltpu.sync_copy(ntb_hbm, ntl)
    idx = _sload(ntl, 0) - 1

    zf = jnp.zeros((16,), f32)
    ones = jnp.ones((16,), f32)

    def zero_hist(k, _):
        dinvl[pl.ds(k * 16, 16)] = zf
        return 0

    lax.fori_loop(0, NPAD // 16, zero_hist, 0)

    def hist_win(w, cnt):
        pltpu.sync_copy(dst_hbm.at[pl.ds(base_e + w * WIN, WIN)],
                        dstw.at[pl.ds(0, WIN)])

        def hist(k, hit):
            iv0 = dstw[pl.ds(k * 32, 16)]
            iv1 = dstw[pl.ds(k * 32 + 16, 16)]
            plsc.addupdate_scatter(dinvl, [iv0], ones)
            plsc.addupdate_scatter(dinvl, [iv1], ones)
            return (hit + jnp.sum(jnp.where(iv0 == idx, 1, 0))
                    + jnp.sum(jnp.where(iv1 == idx, 1, 0)))

        hits = lax.fori_loop(0, WIN // 32, hist, jnp.int32(0))

        def with_src(cnt):
            pltpu.sync_copy(src_hbm.at[pl.ds(base_e + w * WIN, WIN)],
                            srcw.at[pl.ds(0, WIN)])

            def scan_b_vec(v, cnt):
                off = v * 16
                dv = dstw[pl.ds(off, 16)]
                nhit = jnp.sum(jnp.where(dv == idx, 1, 0))

                def slow(cnt):
                    def lane(l, cnt):
                        d = _sload(dstw, off + l)
                        _sstore(matchb, jnp.minimum(cnt, CSEG + 16),
                                _sload(srcw, off + l))
                        return cnt + jnp.where(d == idx, 1, 0)

                    return lax.fori_loop(0, 16, lane, cnt)

                return lax.cond(nhit > 0, slow, lambda c: c, cnt)

            return lax.fori_loop(0, WIN // 16, scan_b_vec, cnt)

        return lax.cond(hits > 0, with_src, lambda c: c, cnt)

    cnt_b = lax.fori_loop(0, NWIN, hist_win, jnp.int32(0))

    def flush(ch, _):
        pltpu.sync_copy(matchb.at[pl.ds(ch * 256, 256)],
                        C_sh.at[wid, pl.ds(ch * 256, 256)])
        return 0

    lax.fori_loop(0, (jnp.minimum(cnt_b, CSEG) + 255) // 256, flush, 0)
    cntl[...] = jnp.broadcast_to(cnt_b, (16,)).astype(i32)
    pltpu.sync_copy(cntl, cnts_sh.at[wid])

    pltpu.sync_copy(dinvl, part_sh.at[wid])
    plsc.subcore_barrier()
    sbase = wid * SLICE

    def accum_zero(k, _):
        acc[pl.ds(k * 16, 16)] = zf
        return 0

    lax.fori_loop(0, SLICE // 16, accum_zero, 0)

    def accum_tile(t, _):
        pltpu.sync_copy(part_sh.at[t, pl.ds(sbase, SLICE)],
                        pbuf.at[pl.ds(0, SLICE)])

        def add_v(k, _):
            acc[pl.ds(k * 16, 16)] = (
                acc[pl.ds(k * 16, 16)] + pbuf[pl.ds(k * 16, 16)])
            return 0

        lax.fori_loop(0, SLICE // 16, add_v, 0)
        return 0

    lax.fori_loop(0, NT, accum_tile, 0)

    def dinv_v(k, _):
        d = acc[pl.ds(k * 16, 16)] + 1.0
        acc[pl.ds(k * 16, 16)] = _newton_rsqrt(d)
        return 0

    lax.fori_loop(0, SLICE // 16, dinv_v, 0)
    pltpu.sync_copy(acc.at[pl.ds(0, SLICE)], degdinv_sh.at[pl.ds(sbase, SLICE)])
    plsc.subcore_barrier()
    pltpu.sync_copy(degdinv_sh, dinvl)

    @pl.when(wid == 0)
    def _dedup():
        mone = jnp.full((16,), -1, i32)

        def zero_flag(k, _):
            flagl[pl.ds(k * 16, 16)] = mone
            return 0

        lax.fori_loop(0, NPAD // 16, zero_flag, 0)

        def load_cnts(t, _):
            pltpu.sync_copy(cnts_sh.at[t], cntall.at[pl.ds(t * 16, 16)])
            return 0

        lax.fori_loop(0, NT, load_cnts, 0)

        def dedup_one(s, K, extra):
            f = _sload(flagl, s)
            isnew = f < 0
            slot = jnp.where(isnew, K, f)
            _sstore(flagl, s, slot)
            _sstore(Ul, slot, s)
            dv = _sload(dinvl, s) + extra
            old = jnp.where(isnew, 0.0, _sload(wvl, slot))
            _sstore(wvl, slot, old + dv)
            return K + jnp.where(isnew, 1, 0)

        def seg(t, K):
            cnt = _sload(cntall, t * 16)

            def from_c(K):
                def load(ch, _):
                    pltpu.sync_copy(C_sh.at[t, pl.ds(ch * 256, 256)],
                                    matchb.at[pl.ds(ch * 256, 256)])
                    return 0

                lax.fori_loop(0, (cnt + 255) // 256, load, 0)

                def ent(i, K):
                    return dedup_one(_sload(matchb, i), K, jnp.float32(0.0))

                return lax.fori_loop(0, cnt, ent, K)

            def rescan(K):
                def rw(w, K):
                    tb = t * EPT + w * WIN
                    pltpu.sync_copy(dst_hbm.at[pl.ds(tb, WIN)],
                                    dstw.at[pl.ds(0, WIN)])
                    pltpu.sync_copy(src_hbm.at[pl.ds(tb, WIN)],
                                    srcw.at[pl.ds(0, WIN)])

                    def rv(v, K):
                        off = v * 16
                        dv = dstw[pl.ds(off, 16)]
                        nhit = jnp.sum(jnp.where(dv == idx, 1, 0))

                        def slow(K):
                            def lane(l, K):
                                d = _sload(dstw, off + l)

                                def hitfn(K):
                                    return dedup_one(
                                        _sload(srcw, off + l), K,
                                        jnp.float32(0.0))

                                return lax.cond(d == idx, hitfn,
                                                lambda K: K, K)

                            return lax.fori_loop(0, 16, lane, K)

                        return lax.cond(nhit > 0, slow, lambda K: K, K)

                    return lax.fori_loop(0, WIN // 16, rv, K)

                return lax.fori_loop(0, NWIN, rw, K)

            return lax.cond(cnt <= CSEG, from_c, rescan, K)

        K = lax.fori_loop(0, NT, seg, jnp.int32(0))
        K = dedup_one(idx, K, jnp.float32(0.0))
        kidxl[...] = jnp.broadcast_to(K, (16,)).astype(i32)
        pltpu.sync_copy(kidxl, kidx_sh)
        pltpu.sync_copy(flagl, flag_sh)
        pltpu.sync_copy(Ul, U_sh)
        pltpu.sync_copy(wvl, wv_hbm)

    plsc.subcore_barrier()
    pltpu.sync_copy(flag_sh, flagl)
    pltpu.sync_copy(U_sh, Ul)
    pltpu.sync_copy(kidx_sh, kidxl)
    K = _sload(kidxl, 0)

    def run_batch(ivec, svec, scl):
        idxgbuf[...] = ivec
        idxsbuf[...] = svec
        sclbuf[pl.ds(0, 16)] = scl
        pltpu.async_copy(x_hbm.at[idxgbuf], xrows, sem).wait()

        def scale_row(r, _):
            s = _sload(sclbuf, r)
            sv = jnp.broadcast_to(s, (16,))
            for c in range(D_IN // 16):
                xrows[r, pl.ds(c * 16, 16)] = xrows[r, pl.ds(c * 16, 16)] * sv
            return 0

        lax.fori_loop(0, GB, scale_row, 0)
        pltpu.sync_copy(xrows, a_sh.at[idxsbuf], add=True)

    npass = (K + CAPR - 1) // CAPR

    def one_pass(p, _):
        lo = p * CAPR
        nloc = jnp.minimum(CAPR, K - lo)
        nblk = (nloc + GB - 1) // GB
        nmine = jnp.maximum(0, (nblk - wid + NT - 1) // NT)

        def rezero_xrows(r, _):
            for c in range(D_IN // 16):
                xrows[r, pl.ds(c * 16, 16)] = zf
            return 0

        lax.fori_loop(0, GB, rezero_xrows, 0)

        def zero_blk(ii, _):
            b = wid + ii * NT
            pltpu.sync_copy(xrows, a_sh.at[pl.ds(b * GB, GB)])
            return 0

        lax.fori_loop(0, nmine, zero_blk, 0)
        plsc.subcore_barrier()

        def scan_d_win(w, cnt):
            pltpu.sync_copy(dst_hbm.at[pl.ds(base_e + w * WIN, WIN)],
                            dstw.at[pl.ds(0, WIN)])
            pltpu.sync_copy(src_hbm.at[pl.ds(base_e + w * WIN, WIN)],
                            srcw.at[pl.ds(0, WIN)])

            def scan_d_vec(v, cnt):
                off = v * 16
                dv = dstw[pl.ds(off, 16)]
                fv = plsc.load_gather(flagl, [dv])
                hit = (fv >= lo) & (fv < lo + nloc)
                nhit = jnp.sum(jnp.where(hit, 1, 0))

                def slow(cnt):
                    def lane(l, cnt):
                        q = _sload(flagl, _sload(dstw, off + l))
                        _sstore(srcm, cnt, _sload(srcw, off + l))
                        _sstore(pm, cnt, q - lo)
                        take = (q >= lo) & (q < lo + nloc)
                        return cnt + jnp.where(take, 1, 0)

                    return lax.fori_loop(0, 16, lane, cnt)

                return lax.cond(nhit > 0, slow, lambda c: c, cnt)

            cnt = lax.fori_loop(0, WIN // 16, scan_d_vec, cnt)
            nfull = cnt // GB

            def batch(b, _):
                sv = srcm[pl.ds(b * GB, GB)]
                pv = pm[pl.ds(b * GB, GB)]
                dg = plsc.load_gather(dinvl, [sv])
                run_batch(sv, pv, dg)
                return 0

            lax.fori_loop(0, nfull, batch, 0)
            srcm[pl.ds(0, 16)] = srcm[pl.ds(nfull * GB, 16)]
            pm[pl.ds(0, 16)] = pm[pl.ds(nfull * GB, 16)]
            return cnt - nfull * GB

        cnt_end = lax.fori_loop(0, NWIN, scan_d_win, jnp.int32(0))

        @pl.when(cnt_end > 0)
        def _final_batch():
            valid = lanes < cnt_end
            sv = jnp.where(valid, srcm[pl.ds(0, 16)], 0)
            pv = jnp.where(valid, pm[pl.ds(0, 16)], DUMMY)
            dg = plsc.load_gather(dinvl, [sv])
            scl = jnp.where(valid, dg, 0.0)
            run_batch(sv, pv, scl)

        def self_blk(ii, _):
            b = wid + ii * NT
            uv = Ul[pl.ds(lo + b * GB, GB)]
            valid = b * GB + lanes < nloc
            ivec = jnp.where(valid, uv, 0)
            svec = jnp.where(valid, b * GB + lanes, DUMMY)
            dg = plsc.load_gather(dinvl, [ivec])
            scl = jnp.where(valid, dg, 0.0)
            run_batch(ivec, svec, scl)
            return 0

        lax.fori_loop(0, nmine, self_blk, 0)
        plsc.subcore_barrier()

        def out_blk(ii, _):
            b = wid + ii * NT
            pltpu.sync_copy(a_sh.at[pl.ds(b * GB, GB)],
                            A_hbm.at[pl.ds(lo + b * GB, GB)])
            return 0

        lax.fori_loop(0, nmine, out_blk, 0)
        plsc.subcore_barrier()
        return 0

    lax.fori_loop(0, npass, one_pass, 0)

    def scl_v(k, _):
        off = sbase + k * 16
        uv = Ul[pl.ds(off, 16)]
        valid = off + lanes < K
        uv = jnp.where(valid, uv, 0)
        dg = plsc.load_gather(dinvl, [uv])
        acc[pl.ds(k * 16, 16)] = jnp.where(valid, dg, 0.0)
        return 0

    lax.fori_loop(0, SLICE // 16, scl_v, 0)
    pltpu.sync_copy(acc.at[pl.ds(0, SLICE)], scl_hbm.at[pl.ds(sbase, SLICE)])

    @pl.when(wid == 0)
    def _meta():
        dii = _sload(dinvl, idx)
        kf = K.astype(f32)
        mv = jnp.where(lanes == 0, kf, jnp.where(lanes == 1, dii, 0.0))
        sclbuf[pl.ds(0, 16)] = mv
        pltpu.sync_copy(sclbuf.at[pl.ds(0, 16)], meta_hbm)


@jax.jit
def _sc_call(x, srcv, dstv, ntb):
    mesh = plsc.VectorSubcoreMesh(
        core_axis_name="c", subcore_axis_name="s", num_cores=1)
    f32 = jnp.float32
    i32 = jnp.int32
    kern = pl.kernel(
        _sc_body,
        out_type=[
            jax.ShapeDtypeStruct((NPAD, D_IN), f32),
            jax.ShapeDtypeStruct((NPAD,), f32),
            jax.ShapeDtypeStruct((NPAD,), f32),
            jax.ShapeDtypeStruct((16,), f32),
        ],
        mesh=mesh,
        compiler_params=pltpu.CompilerParams(needs_layout_passes=False),
        scratch_types=[
            pltpu.VMEM((WIN + 16,), i32),
            pltpu.VMEM((WIN + 16,), i32),
            pltpu.VMEM((NPAD,), f32),
            pltpu.VMEM((NPAD,), i32),
            pltpu.VMEM((NPAD,), i32),
            pltpu.VMEM((NPAD,), f32),
            pltpu.VMEM((CSEG + 48,), i32),
            pltpu.VMEM((CCAP,), i32),
            pltpu.VMEM((CCAP,), i32),
            pltpu.VMEM((GB, D_IN), f32),
            pltpu.VMEM((SLICE + 16,), f32),
            pltpu.VMEM((SLICE + 16,), f32),
            pltpu.VMEM((16,), i32),
            pltpu.VMEM((NT * 16 + 16,), i32),
            pltpu.VMEM((16,), i32),
            pltpu.VMEM((GB,), i32),
            pltpu.VMEM((GB,), i32),
            pltpu.VMEM((32,), f32),
            pltpu.VMEM((16,), i32),
            pltpu.VMEM_SHARED((NT, NPAD), f32),
            pltpu.VMEM_SHARED((NPAD,), f32),
            pltpu.VMEM_SHARED((NT, CSEG), i32),
            pltpu.VMEM_SHARED((NT, 16), i32),
            pltpu.VMEM_SHARED((NPAD,), i32),
            pltpu.VMEM_SHARED((NPAD,), i32),
            pltpu.VMEM_SHARED((16,), i32),
            pltpu.VMEM_SHARED((CAPR + 16, D_IN), f32),
            pltpu.SemaphoreType.DMA,
        ],
    )
    return kern(x, srcv, dstv, ntb)


def _tc_body(A_ref, wv_ref, scl_ref, meta_ref,
             W1_ref, b1_ref, W2_ref, b2_ref,
             Wc1_ref, bc1_ref, Wc2_ref, bc2_ref,
             out_ref, u_scr):
    i = pl.program_id(0)
    f32 = jnp.float32
    Ki = meta_ref[0, 0].astype(jnp.int32)

    blk = A_ref[...]
    M = jnp.dot(blk, W1_ref[...], preferred_element_type=f32)
    h1 = jnp.maximum(b1_ref[...] + scl_ref[...] * M, 0.0)
    rid = i * TCB + lax.broadcasted_iota(jnp.int32, (TCB, 1), 0)
    mask = rid < Ki
    part = jnp.sum(jnp.where(mask, wv_ref[...] * h1, 0.0),
                   axis=0, keepdims=True)

    @pl.when(i == 0)
    def _init():
        u_scr[0:1, :] = part

    @pl.when(i > 0)
    def _acc():
        u_scr[0:1, :] = u_scr[0:1, :] + part

    @pl.when(i == NBLK - 1)
    def _tail():
        dii = meta_ref[0, 1]
        u = u_scr[0:1, :]
        h2 = b2_ref[...] + dii * jnp.dot(u, W2_ref[...],
                                         preferred_element_type=f32)
        z = jnp.maximum(jnp.dot(h2, Wc1_ref[...],
                                preferred_element_type=f32) + bc1_ref[...],
                        0.0)
        o = jnp.dot(z, Wc2_ref[...], preferred_element_type=f32) + bc2_ref[...]
        res = 1.0 / (1.0 + jnp.exp(-o))
        out_ref[...] = jnp.broadcast_to(res, (8, 128))


@jax.jit
def _tc_call(A, wv2, scl2, meta2, W1, b12, W2, b22, Wc1, bc12, Wc2p, bc2p):
    f32 = jnp.float32
    return pl.pallas_call(
        _tc_body,
        grid=(NBLK,),
        in_specs=[
            pl.BlockSpec((TCB, D_IN), lambda i: (i, 0)),
            pl.BlockSpec((TCB, 1), lambda i: (i, 0)),
            pl.BlockSpec((TCB, 1), lambda i: (i, 0)),
            pl.BlockSpec((1, 16), lambda i: (0, 0)),
            pl.BlockSpec((D_IN, D_H), lambda i: (0, 0)),
            pl.BlockSpec((1, D_H), lambda i: (0, 0)),
            pl.BlockSpec((D_H, D_H), lambda i: (0, 0)),
            pl.BlockSpec((1, D_H), lambda i: (0, 0)),
            pl.BlockSpec((D_H, D_H), lambda i: (0, 0)),
            pl.BlockSpec((1, D_H), lambda i: (0, 0)),
            pl.BlockSpec((D_H, 128), lambda i: (0, 0)),
            pl.BlockSpec((1, 128), lambda i: (0, 0)),
        ],
        out_specs=pl.BlockSpec((8, 128), lambda i: (0, 0)),
        out_shape=jax.ShapeDtypeStruct((8, 128), f32),
        scratch_shapes=[pltpu.VMEM((8, D_H), f32)],
    )(A, wv2, scl2, meta2, W1, b12, W2, b22, Wc1, bc12, Wc2p, bc2p)


def kernel(x, edge_index, num_timeline, W1, b1, W2, b2, Wc1, bc1, Wc2, bc2):
    srcv = edge_index[0]
    dstv = edge_index[1]
    ntb = jnp.broadcast_to(num_timeline, (16,)).astype(jnp.int32)
    A, wv, scl, meta = _sc_call(x, srcv, dstv, ntb)
    Wc2p = jnp.zeros((D_H, 128), Wc2.dtype).at[:, :D_OUT].set(Wc2)
    bc2p = jnp.zeros((1, 128), bc2.dtype).at[0, :D_OUT].set(bc2)
    out = _tc_call(A, wv[:, None], scl[:, None], meta[None, :],
                   W1, b1[None, :], W2, b2[None, :],
                   Wc1, bc1[None, :], Wc2p, bc2p)
    return out[0:1, :D_OUT]

# --- scband reference (transcript-rebuilt; emitter-appended) ---
"""Pipeline reference for scband-disease-predictor-42992622633303 (READ-ONLY COPY).

The authoritative reference and input builder live on the scoring server;
editing this copy changes nothing except your own understanding.
"""

import jax, jax.numpy as jnp
import numpy as np

N = 10000
E = 320000
D_IN = 128
D_H = 256
D_OUT = 10


def gcn_conv(x, edge_index, W, b):
    # PyG GCNConv: add self-loops, symmetric normalization, scatter-add aggregation
    src = edge_index[0]
    dst = edge_index[1]
    loop = jnp.arange(x.shape[0], dtype=edge_index.dtype)
    src = jnp.concatenate([src, loop])
    dst = jnp.concatenate([dst, loop])
    deg = jnp.zeros((x.shape[0],), dtype=x.dtype).at[dst].add(1.0)
    dinv = jnp.where(deg > 0, jax.lax.rsqrt(deg), 0.0)
    h = x @ W
    coeff = (dinv[src] * dinv[dst])[:, None]
    out = jnp.zeros((x.shape[0], W.shape[1]), dtype=x.dtype).at[dst].add(h[src] * coeff)
    return out + b


def setup_inputs(seed: int = 0):
    key = jax.random.key(seed)
    ks = jax.random.split(key, 12)
    x = jax.random.normal(ks[0], (N, D_IN), dtype=jnp.float32)
    edge_index = jax.random.randint(ks[1], (2, E), 0, N, dtype=jnp.int32)
    num_timeline = jax.random.randint(ks[2], (1,), 1, N + 1, dtype=jnp.int32)
    W1 = jax.random.normal(ks[3], (D_IN, D_H), dtype=jnp.float32) * (1.0 / np.sqrt(D_IN))
    b1 = jnp.zeros((D_H,), dtype=jnp.float32)
    W2 = jax.random.normal(ks[4], (D_H, D_H), dtype=jnp.float32) * (1.0 / np.sqrt(D_H))
    b2 = jnp.zeros((D_H,), dtype=jnp.float32)
    Wc1 = jax.random.normal(ks[5], (D_H, D_H), dtype=jnp.float32) * (1.0 / np.sqrt(D_H))
    bc1 = jnp.zeros((D_H,), dtype=jnp.float32)
    Wc2 = jax.random.normal(ks[6], (D_H, D_OUT), dtype=jnp.float32) * (1.0 / np.sqrt(D_H))
    bc2 = jnp.zeros((D_OUT,), dtype=jnp.float32)
    return {"x": x, "edge_index": edge_index, "num_timeline": num_timeline,
            "W1": W1, "b1": b1, "W2": W2, "b2": b2,
            "Wc1": Wc1, "bc1": bc1, "Wc2": Wc2, "bc2": bc2}


def reference(x, edge_index, num_timeline, W1, b1, W2, b2, Wc1, bc1, Wc2, bc2):
    h = jax.nn.relu(gcn_conv(x, edge_index, W1, b1))
    # dropout p=0.3 is identity in eval mode
    h = gcn_conv(h, edge_index, W2, b2)
    # single-graph path: last_enc_index = num_timeline - 1
    idx = num_timeline[0] - 1
    last_enc_features = h[idx][None, :]
    z = jax.nn.relu(last_enc_features @ Wc1 + bc1)
    z = z @ Wc2 + bc2
    return jax.nn.sigmoid(z)

if __name__ == "__main__":
    import jax
    _d = setup_inputs()
    print(jax.jit(kernel)(*tuple(_d.values())))

</pallas_src>

<mosaic_0001>
#map = affine_map<(d0, d1) -> (0, 0)>
#map1 = affine_map<(d0, d1) -> (0)>
module attributes {stable_mosaic.version = 14 : i64} {
  func.func @_sc_body(%arg0: i32, %arg1: i32, %arg2: memref<10000x128xf32, #tpu.memory_space<hbm>>, %arg3: memref<320000xi32, #tpu.memory_space<hbm>>, %arg4: memref<320000xi32, #tpu.memory_space<hbm>>, %arg5: memref<16xi32, #tpu.memory_space<hbm>>, %arg6: memref<10240x128xf32, #tpu.memory_space<hbm>>, %arg7: memref<10240xf32, #tpu.memory_space<hbm>>, %arg8: memref<10240xf32, #tpu.memory_space<hbm>>, %arg9: memref<16xf32, #tpu.memory_space<hbm>>, %arg10: memref<4016xi32, #tpu.memory_space<vmem>>, %arg11: memref<4016xi32, #tpu.memory_space<vmem>>, %arg12: memref<10240xf32, #tpu.memory_space<vmem>>, %arg13: memref<10240xi32, #tpu.memory_space<vmem>>, %arg14: memref<10240xi32, #tpu.memory_space<vmem>>, %arg15: memref<10240xf32, #tpu.memory_space<vmem>>, %arg16: memref<2096xi32, #tpu.memory_space<vmem>>, %arg17: memref<4048xi32, #tpu.memory_space<vmem>>, %arg18: memref<4048xi32, #tpu.memory_space<vmem>>, %arg19: memref<16x128xf32, #tpu.memory_space<vmem>>, %arg20: memref<656xf32, #tpu.memory_space<vmem>>, %arg21: memref<656xf32, #tpu.memory_space<vmem>>, %arg22: memref<16xi32, #tpu.memory_space<vmem>>, %arg23: memref<272xi32, #tpu.memory_space<vmem>>, %arg24: memref<16xi32, #tpu.memory_space<vmem>>, %arg25: memref<16xi32, #tpu.memory_space<vmem>>, %arg26: memref<16xi32, #tpu.memory_space<vmem>>, %arg27: memref<32xf32, #tpu.memory_space<vmem>>, %arg28: memref<16xi32, #tpu.memory_space<vmem>>, %arg29: memref<16x10240xf32, #tpu.memory_space<vmem_shared>>, %arg30: memref<10240xf32, #tpu.memory_space<vmem_shared>>, %arg31: memref<16x2048xi32, #tpu.memory_space<vmem_shared>>, %arg32: memref<16x16xi32, #tpu.memory_space<vmem_shared>>, %arg33: memref<10240xi32, #tpu.memory_space<vmem_shared>>, %arg34: memref<10240xi32, #tpu.memory_space<vmem_shared>>, %arg35: memref<16xi32, #tpu.memory_space<vmem_shared>>, %arg36: memref<4112x128xf32, #tpu.memory_space<vmem_shared>>, %arg37: memref<!tpu.dma_semaphore, #tpu.memory_space<semaphore_mem>>) attributes {dimension_semantics = [#tpu.dimension_semantics<core_parallel>, #tpu.dimension_semantics<subcore_parallel>], iteration_bounds = array<i64: 1, 16>, scalar_prefetch = 0 : i64, scratch_operands = 28 : i64, tpu.core_type = #tpu.core_type<sc_vector_subcore>, window_params = [{transform_indices = #map}, {transform_indices = #map1}, {transform_indices = #map1}, {transform_indices = #map1}, {transform_indices = #map}, {transform_indices = #map1}, {transform_indices = #map1}, {transform_indices = #map1}]} {
    %iota3A = tpu.iota {dimensions = array<i32: 0>} : vector<16xi32>
    %mul3A = arith.constant 20000 : i32
    %mul3A_0 = arith.muli %arg1, %mul3A : i32
    "tpu.region"() ({
      %run_scoped3A = tpu.sem_alloc : memref<!tpu.dma_semaphore, #tpu.memory_space<semaphore_mem>>
      tpu.enqueue_dma source(%arg5 : memref<16xi32, #tpu.memory_space<hbm>>) target(%arg28 : memref<16xi32, #tpu.memory_space<vmem>>) target_semaphore(%run_scoped3A : memref<!tpu.dma_semaphore, #tpu.memory_space<semaphore_mem>>)
      tpu.wait_dma2 semaphore(%run_scoped3A : memref<!tpu.dma_semaphore, #tpu.memory_space<semaphore_mem>>) src(%arg5 : memref<16xi32, #tpu.memory_space<hbm>>) dst(%arg28 : memref<16xi32, #tpu.memory_space<vmem>>)
      tpu.yield
    }) : () -> ()
    %get3A = arith.constant 0 : index
    %get3A_1 = tpu.vector_load %arg28[%get3A] {strides = array<i32>} : memref<16xi32, #tpu.memory_space<vmem>>, vector<16xi32>,
    %slice3A = vector.extract_strided_slice %get3A_1 {offsets = [0], sizes = [1], strides = [1]} : vector<16xi32> to vector<1xi32>
    %squeeze3A = vector.extract %slice3A[0] : i32 from vector<1xi32>
    %sub3A = arith.constant 1 : i32
    %sub3A_2 = arith.subi %squeeze3A, %sub3A : i32
    %broadcast_in_dim3A = arith.constant 0.000000e+00 : f32
    %broadcast_in_dim3A_3 = vector.broadcast %broadcast_in_dim3A : f32 to vector<16xf32>
    %broadcast_in_dim3A_4 = arith.constant 1.000000e+00 : f32
    %broadcast_in_dim3A_5 = vector.broadcast %broadcast_in_dim3A_4 : f32 to vector<16xf32>
    %scan3A = arith.constant 0 : i32
    %scan3A_6 = arith.constant 0 : i32
    %scan3A_7 = arith.constant 640 : i32
    %scan3A_8 = arith.addi %scan3A_6, %scan3A_7 : i32
    %scan3A_9 = arith.constant 1 : i32
    %scan3A_10 = scf.for %scan3A_134 = %scan3A_6 to %scan3A_8 step %scan3A_9 iter_args(%scan3A_135 = %scan3A) -> (i32)  : i32 {
      %mul3A_136 = arith.constant 16 : i32
      %mul3A_137 = arith.muli %scan3A_134, %mul3A_136 : i32
      %swap3A_138 = arith.index_cast %mul3A_137 : i32 to index
      %swap3A_139 = tpu.vector_load %arg12[%swap3A_138] {strides = array<i32>} : memref<10240xf32, #tpu.memory_space<vmem>>, vector<16xf32>,
      tpu.vector_store %arg12[%swap3A_138], %broadcast_in_dim3A_3 {strides = array<i32>} : memref<10240xf32, #tpu.memory_space<vmem>>, vector<16xf32>,
      %scan3A_140 = arith.constant 0 : i32
      scf.yield %scan3A_140 : i32
    }
    %scan3A_11 = arith.constant 640 : i32
    %scan3A_12 = arith.constant 0 : i32
    %scan3A_13 = arith.constant 0 : i32
    %scan3A_14 = arith.constant 5 : i32
    %scan3A_15 = arith.addi %scan3A_13, %scan3A_14 : i32
    %scan3A_16 = arith.constant 1 : i32
    %scan3A_17 = scf.for %scan3A_134 = %scan3A_13 to %scan3A_15 step %scan3A_16 iter_args(%scan3A_135 = %scan3A_12) -> (i32)  : i32 {
      %mul3A_136 = arith.constant 4000 : i32
      %mul3A_137 = arith.muli %scan3A_134, %mul3A_136 : i32
      %add3A_138 = arith.addi %mul3A_0, %mul3A_137 : i32
      "tpu.region"() ({
        %run_scoped3A = tpu.sem_alloc : memref<!tpu.dma_semaphore, #tpu.memory_space<semaphore_mem>>
        %dma_start3A = arith.constant 0 : i32
        %dma_start3A_151 = tpu.memref_slice %arg11[%dma_start3A] : memref<4016xi32, #tpu.memory_space<vmem>> -> memref<4000xi32, #tpu.memory_space<vmem>>
        %dma_start3A_152 = tpu.memref_slice %arg4[%add3A_138] : memref<320000xi32, #tpu.memory_space<hbm>> -> memref<4000xi32, #tpu.memory_space<hbm>>
        %dma_start3A_153 = arith.constant 0 : i32
        %dma_start3A_154 = tpu.memref_slice %arg11[%dma_start3A_153] : memref<4016xi32, #tpu.memory_space<vmem>> -> memref<4000xi32, #tpu.memory_space<vmem>>
        %dma_start3A_155 = tpu.memref_slice %arg4[%add3A_138] : memref<320000xi32, #tpu.memory_space<hbm>> -> memref<4000xi32, #tpu.memory_space<hbm>>
        tpu.enqueue_dma source(%dma_start3A_155 : memref<4000xi32, #tpu.memory_space<hbm>>) target(%dma_start3A_154 : memref<4000xi32, #tpu.memory_space<vmem>>) target_semaphore(%run_scoped3A : memref<!tpu.dma_semaphore, #tpu.memory_space<semaphore_mem>>)
        %dma_wait3A = arith.constant 0 : i32
        %dma_wait3A_156 = tpu.memref_slice %arg11[%dma_wait3A] : memref<4016xi32, #tpu.memory_space<vmem>> -> memref<4000xi32, #tpu.memory_space<vmem>>
        %dma_wait3A_157 = tpu.memref_slice %arg4[%add3A_138] : memref<320000xi32, #tpu.memory_space<hbm>> -> memref<4000xi32, #tpu.memory_space<hbm>>
        %dma_wait3A_158 = arith.constant 0 : i32
        %dma_wait3A_159 = tpu.memref_slice %arg11[%dma_wait3A_158] : memref<4016xi32, #tpu.memory_space<vmem>> -> memref<4000xi32, #tpu.memory_space<vmem>>
        %dma_wait3A_160 = tpu.memref_slice %arg4[%add3A_138] : memref<320000xi32, #tpu.memory_space<hbm>> -> memref<4000xi32, #tpu.memory_space<hbm>>
        tpu.wait_dma2 semaphore(%run_scoped3A : memref<!tpu.dma_semaphore, #tpu.memory_space<semaphore_mem>>) src(%dma_wait3A_160 : memref<4000xi32, #tpu.memory_space<hbm>>) dst(%dma_wait3A_159 : memref<4000xi32, #tpu.memory_space<vmem>>)
        tpu.yield
      }) : () -> ()
      %scan3A_139 = arith.constant 0 : i32
      %scan3A_140 = arith.constant 0 : i32
      %scan3A_141 = arith.constant 125 : i32
      %scan3A_142 = arith.addi %scan3A_140, %scan3A_141 : i32
      %scan3A_143 = arith.constant 1 : i32
      %scan3A_144 = scf.for %scan3A_151 = %scan3A_140 to %scan3A_142 step %scan3A_143 iter_args(%scan3A_152 = %scan3A_139) -> (i32)  : i32 {
        %mul3A_153 = arith.constant 32 : i32
        %mul3A_154 = arith.muli %scan3A_151, %mul3A_153 : i32
        %get3A_155 = arith.index_cast %mul3A_154 : i32 to index
        %get3A_156 = tpu.vector_load %arg11[%get3A_155] {strides = array<i32>} : memref<4016xi32, #tpu.memory_space<vmem>>, vector<16xi32>,
        %mul3A_157 = arith.constant 32 : i32
        %mul3A_158 = arith.muli %scan3A_151, %mul3A_157 : i32
        %add3A_159 = arith.constant 16 : i32
        %add3A_160 = arith.addi %mul3A_158, %add3A_159 : i32
        %get3A_161 = arith.index_cast %add3A_160 : i32 to index
        %get3A_162 = tpu.vector_load %arg11[%get3A_161] {strides = array<i32>} : memref<4016xi32, #tpu.memory_space<vmem>>, vector<16xi32>,
        tpu.vector_store_idx %arg12[%get3A_156], %broadcast_in_dim3A_5 {add = true} : memref<10240xf32, #tpu.memory_space<vmem>>[vector<16xi32>], vector<16xf32>,
        tpu.vector_store_idx %arg12[%get3A_162], %broadcast_in_dim3A_5 {add = true} : memref<10240xf32, #tpu.memory_space<vmem>>[vector<16xi32>], vector<16xf32>,
        %eq3A_163 = vector.broadcast %sub3A_2 : i32 to vector<16xi32>
        %eq3A_164 = arith.cmpi eq, %get3A_156, %eq3A_163 : vector<16xi32>
        %jit3A_165 = arith.constant 1 : i32
        %jit3A_166 = arith.constant 0 : i32
        %broadcast_in_dim3A_167 = vector.broadcast %jit3A_165 : i32 to vector<16xi32>
        %broadcast_in_dim3A_168 = vector.broadcast %jit3A_166 : i32 to vector<16xi32>
        %select_n3A_169 = arith.select %eq3A_164, %broadcast_in_dim3A_167, %broadcast_in_dim3A_168 : vector<16xi1>, vector<16xi32>
        %reduce_sum3A = arith.constant true
        %reduce_sum3A_170 = vector.broadcast %reduce_sum3A : i1 to vector<16xi1>
        %reduce_sum3A_171 = tpu.scan <sum>, %select_n3A_169 masked %reduce_sum3A_170 : vector<16xi32>, vector<16xi1> -> vector<16xi32>
        %reduce_sum3A_172 = vector.extract %reduce_sum3A_171[15] : i32 from vector<16xi32>
        %add3A_173 = arith.addi %scan3A_152, %reduce_sum3A_172 : i32
        %eq3A_174 = vector.broadcast %sub3A_2 : i32 to vector<16xi32>
        %eq3A_175 = arith.cmpi eq, %get3A_162, %eq3A_174 : vector<16xi32>
        %jit3A_176 = arith.constant 1 : i32
        %jit3A_177 = arith.constant 0 : i32
        %broadcast_in_dim3A_178 = vector.broadcast %jit3A_176 : i32 to vector<16xi32>
        %broadcast_in_dim3A_179 = vector.broadcast %jit3A_177 : i32 to vector<16xi32>
        %select_n3A_180 = arith.select %eq3A_175, %broadcast_in_dim3A_178, %broadcast_in_dim3A_179 : vector<16xi1>, vector<16xi32>
        %reduce_sum3A_181 = arith.constant true
        %reduce_sum3A_182 = vector.broadcast %reduce_sum3A_181 : i1 to vector<16xi1>
        %reduce_sum3A_183 = tpu.scan <sum>, %select_n3A_180 masked %reduce_sum3A_182 : vector<16xi32>, vector<16xi1> -> vector<16xi32>
        %reduce_sum3A_184 = vector.extract %reduce_sum3A_183[15] : i32 from vector<16xi32>
        %add3A_185 = arith.addi %add3A_173, %reduce_sum3A_184 : i32
        scf.yield %add3A_185 : i32
      }
      %scan3A_145 = arith.constant 125 : i32
      %gt3A = arith.constant 0 : i32
      %gt3A_146 = arith.cmpi sgt, %scan3A_144, %gt3A : i32
      %convert_element_type3A_147 = arith.extui %gt3A_146 : i1 to i32
      %cond3A_148 = arith.constant 0 : i32
      %cond3A_149 = arith.cmpi ne, %convert_element_type3A_147, %cond3A_148 : i32
      %cond3A_150 = scf.if %cond3A_149 -> (i32) {
        %mul3A_151 = arith.constant 4000 : i32
        %mul3A_152 = arith.muli %scan3A_134, %mul3A_151 : i32
        %add3A_153 = arith.addi %mul3A_0, %mul3A_152 : i32
        "tpu.region"() ({
          %run_scoped3A = tpu.sem_alloc : memref<!tpu.dma_semaphore, #tpu.memory_space<semaphore_mem>>
          %dma_start3A = arith.constant 0 : i32
          %dma_start3A_160 = tpu.memref_slice %arg10[%dma_start3A] : memref<4016xi32, #tpu.memory_space<vmem>> -> memref<4000xi32, #tpu.memory_space<vmem>>
          %dma_start3A_161 = tpu.memref_slice %arg3[%add3A_153] : memref<320000xi32, #tpu.memory_space<hbm>> -> memref<4000xi32, #tpu.memory_space<hbm>>
          %dma_start3A_162 = arith.constant 0 : i32
          %dma_start3A_163 = tpu.memref_slice %arg10[%dma_start3A_162] : memref<4016xi32, #tpu.memory_space<vmem>> -> memref<4000xi32, #tpu.memory_space<vmem>>
          %dma_start3A_164 = tpu.memref_slice %arg3[%add3A_153] : memref<320000xi32, #tpu.memory_space<hbm>> -> memref<4000xi32, #tpu.memory_space<hbm>>
          tpu.enqueue_dma source(%dma_start3A_164 : memref<4000xi32, #tpu.memory_space<hbm>>) target(%dma_start3A_163 : memref<4000xi32, #tpu.memory_space<vmem>>) target_semaphore(%run_scoped3A : memref<!tpu.dma_semaphore, #tpu.memory_space<semaphore_mem>>)
          %dma_wait3A = arith.constant 0 : i32
          %dma_wait3A_165 = tpu.memref_slice %arg10[%dma_wait3A] : memref<4016xi32, #tpu.memory_space<vmem>> -> memref<4000xi32, #tpu.memory_space<vmem>>
          %dma_wait3A_166 = tpu.memref_slice %arg3[%add3A_153] : memref<320000xi32, #tpu.memory_space<hbm>> -> memref<4000xi32, #tpu.memory_space<hbm>>
          %dma_wait3A_167 = arith.constant 0 : i32
          %dma_wait3A_168 = tpu.memref_slice %arg10[%dma_wait3A_167] : memref<4016xi32, #tpu.memory_space<vmem>> -> memref<4000xi32, #tpu.memory_space<vmem>>
          %dma_wait3A_169 = tpu.memref_slice %arg3[%add3A_153] : memref<320000xi32, #tpu.memory_space<hbm>> -> memref<4000xi32, #tpu.memory_space<hbm>>
          tpu.wait_dma2 semaphore(%run_scoped3A : memref<!tpu.dma_semaphore, #tpu.memory_space<semaphore_mem>>) src(%dma_wait3A_169 : memref<4000xi32, #tpu.memory_space<hbm>>) dst(%dma_wait3A_168 : memref<4000xi32, #tpu.memory_space<vmem>>)
          tpu.yield
        }) : () -> ()
        %scan3A_154 = arith.constant 0 : i32
        %scan3A_155 = arith.constant 250 : i32
        %scan3A_156 = arith.addi %scan3A_154, %scan3A_155 : i32
        %scan3A_157 = arith.constant 1 : i32
        %scan3A_158 = scf.for %scan3A_160 = %scan3A_154 to %scan3A_156 step %scan3A_157 iter_args(%scan3A_161 = %scan3A_135) -> (i32)  : i32 {
          %mul3A_162 = arith.constant 16 : i32
          %mul3A_163 = arith.muli %scan3A_160, %mul3A_162 : i32
          %get3A_164 = arith.index_cast %mul3A_163 : i32 to index
          %get3A_165 = tpu.vector_load %arg11[%get3A_164] {strides = array<i32>} : memref<4016xi32, #tpu.memory_space<vmem>>, vector<16xi32>,
          %eq3A_166 = vector.broadcast %sub3A_2 : i32 to vector<16xi32>
          %eq3A_167 = arith.cmpi eq, %get3A_165, %eq3A_166 : vector<16xi32>
          %jit3A_168 = arith.constant 1 : i32
          %jit3A_169 = arith.constant 0 : i32
          %broadcast_in_dim3A_170 = vector.broadcast %jit3A_168 : i32 to vector<16xi32>
          %broadcast_in_dim3A_171 = vector.broadcast %jit3A_169 : i32 to vector<16xi32>
          %select_n3A_172 = arith.select %eq3A_167, %broadcast_in_dim3A_170, %broadcast_in_dim3A_171 : vector<16xi1>, vector<16xi32>
          %reduce_sum3A = arith.constant true
          %reduce_sum3A_173 = vector.broadcast %reduce_sum3A : i1 to vector<16xi1>
          %reduce_sum3A_174 = tpu.scan <sum>, %select_n3A_172 masked %reduce_sum3A_173 : vector<16xi32>, vector<16xi1> -> vector<16xi32>
          %reduce_sum3A_175 = vector.extract %reduce_sum3A_174[15] : i32 from vector<16xi32>
          %gt3A_176 = arith.constant 0 : i32
          %gt3A_177 = arith.cmpi sgt, %reduce_sum3A_175, %gt3A_176 : i32
          %convert_element_type3A_178 = arith.extui %gt3A_177 : i1 to i32
          %cond3A_179 = arith.constant 0 : i32
          %cond3A_180 = arith.cmpi ne, %convert_element_type3A_178, %cond3A_179 : i32
          %cond3A_181 = scf.if %cond3A_180 -> (i32) {
            %scan3A_182 = arith.constant 0 : i32
            %scan3A_183 = arith.constant 16 : i32
            %scan3A_184 = arith.addi %scan3A_182, %scan3A_183 : i32
            %scan3A_185 = arith.constant 1 : i32
            %scan3A_186 = scf.for %scan3A_188 = %scan3A_182 to %scan3A_184 step %scan3A_185 iter_args(%scan3A_189 = %scan3A_161) -> (i32)  : i32 {
              %add3A_190 = arith.addi %mul3A_163, %scan3A_188 : i32
              %get3A_191 = arith.index_cast %add3A_190 : i32 to index
              %get3A_192 = tpu.vector_load %arg11[%get3A_191] {strides = array<i32>} : memref<4016xi32, #tpu.memory_space<vmem>>, vector<16xi32>,
              %slice3A_193 = vector.extract_strided_slice %get3A_192 {offsets = [0], sizes = [1], strides = [1]} : vector<16xi32> to vector<1xi32>
              %squeeze3A_194 = vector.extract %slice3A_193[0] : i32 from vector<1xi32>
              %min3A_195 = arith.constant 2064 : i32
              %min3A_196 = arith.minsi %scan3A_189, %min3A_195 : i32
              %add3A_197 = arith.addi %mul3A_163, %scan3A_188 : i32
              %get3A_198 = arith.index_cast %add3A_197 : i32 to index
              %get3A_199 = tpu.vector_load %arg10[%get3A_198] {strides = array<i32>} : memref<4016xi32, #tpu.memory_space<vmem>>, vector<16xi32>,
              %slice3A_200 = vector.extract_strided_slice %get3A_199 {offsets = [0], sizes = [1], strides = [1]} : vector<16xi32> to vector<1xi32>
              %squeeze3A_201 = vector.extract %slice3A_200[0] : i32 from vector<1xi32>
              %iota3A_202 = tpu.iota {dimensions = array<i32: 0>} : vector<16xi32>
              %broadcast_in_dim3A_203 = vector.broadcast %min3A_196 : i32 to vector<16xi32>
              %broadcast_in_dim3A_204 = vector.broadcast %squeeze3A_201 : i32 to vector<16xi32>
              %eq3A_205 = arith.constant 0 : i32
              %eq3A_206 = vector.broadcast %eq3A_205 : i32 to vector<16xi32>
              %eq3A_207 = arith.cmpi eq, %iota3A_202, %eq3A_206 : vector<16xi32>
              tpu.vector_store_idx %arg16[%broadcast_in_dim3A_203], %broadcast_in_dim3A_204 masked %eq3A_207 : memref<2096xi32, #tpu.memory_space<vmem>>[vector<16xi32>], vector<16xi32>, vector<16xi1>
              %eq3A_208 = arith.cmpi eq, %squeeze3A_194, %sub3A_2 : i32
              %jit3A_209 = arith.constant 1 : i32
              %jit3A_210 = arith.constant 0 : i32
              %select_n3A_211 = arith.select %eq3A_208, %jit3A_209, %jit3A_210 : i32
              %add3A_212 = arith.addi %scan3A_189, %select_n3A_211 : i32
              scf.yield %add3A_212 : i32
            }
            %scan3A_187 = arith.constant 16 : i32
            scf.yield %scan3A_186 : i32
          } else {
            scf.yield %scan3A_161 : i32
          }
          scf.yield %cond3A_181 : i32
        }
        %scan3A_159 = arith.constant 250 : i32
        scf.yield %scan3A_158 : i32
      } else {
        scf.yield %scan3A_135 : i32
      }
      scf.yield %cond3A_150 : i32
    }
    %scan3A_18 = arith.constant 5 : i32
    %min3A = arith.constant 2048 : i32
    %min3A_19 = arith.minsi %scan3A_17, %min3A : i32
    %add3A = arith.constant 255 : i32
    %add3A_20 = arith.addi %min3A_19, %add3A : i32
    %jit3A = arith.constant 256 : i32
    %div3A = arith.divsi %add3A_20, %jit3A : i32
    %sign3A = arith.constant 0 : i32
    %sign3A_21 = arith.cmpi sgt, %add3A_20, %sign3A : i32
    %sign3A_22 = arith.extui %sign3A_21 : i1 to i32
    %sign3A_23 = arith.constant 0 : i32
    %sign3A_24 = arith.cmpi slt, %add3A_20, %sign3A_23 : i32
    %sign3A_25 = arith.extui %sign3A_24 : i1 to i32
    %sign3A_26 = arith.subi %sign3A_22, %sign3A_25 : i32
    %sign3A_27 = arith.constant 0 : i32
    %sign3A_28 = arith.cmpi sgt, %jit3A, %sign3A_27 : i32
    %sign3A_29 = arith.extui %sign3A_28 : i1 to i32
    %sign3A_30 = arith.constant 0 : i32
    %sign3A_31 = arith.cmpi slt, %jit3A, %sign3A_30 : i32
    %sign3A_32 = arith.extui %sign3A_31 : i1 to i32
    %sign3A_33 = arith.subi %sign3A_29, %sign3A_32 : i32
    %ne3A = arith.cmpi ne, %sign3A_26, %sign3A_33 : i32
    %rem3A = arith.remsi %add3A_20, %jit3A : i32
    %ne3A_34 = arith.constant 0 : i32
    %ne3A_35 = arith.cmpi ne, %rem3A, %ne3A_34 : i32
    %and3A = arith.andi %ne3A, %ne3A_35 : i1
    %sub3A_36 = arith.constant 1 : i32
    %sub3A_37 = arith.subi %div3A, %sub3A_36 : i32
    %select_n3A = arith.select %and3A, %sub3A_37, %div3A : i32
    %while3A = arith.constant 0 : i32
    %while3A_38 = arith.constant 0 : i32
    %while3A_39 = arith.subi %select_n3A, %while3A : i32
    %while3A_40 = arith.addi %while3A, %while3A_39 : i32
    %while3A_41 = arith.constant 1 : i32
    %while3A_42 = arith.divsi %while3A_39, %while3A_41 : i32
    %while3A_43 = arith.muli %while3A_42, %while3A_41 : i32
    %while3A_44 = arith.addi %while3A, %while3A_43 : i32
    %while3A_45 = arith.constant 1 : i32
    %while3A_46 = scf.for %while3A_134 = %while3A to %while3A_44 step %while3A_45 iter_args(%while3A_135 = %while3A_38) -> (i32)  : i32 {
      %mul3A_136 = arith.constant 256 : i32
      %mul3A_137 = arith.muli %while3A_134, %mul3A_136 : i32
      %mul3A_138 = arith.constant 256 : i32
      %mul3A_139 = arith.muli %while3A_134, %mul3A_138 : i32
      "tpu.region"() ({
        %run_scoped3A = tpu.sem_alloc : memref<!tpu.dma_semaphore, #tpu.memory_space<semaphore_mem>>
        %dma_start3A = tpu.memref_slice %arg16[%mul3A_137] : memref<2096xi32, #tpu.memory_space<vmem>> -> memref<256xi32, #tpu.memory_space<vmem>>
        %dma_start3A_141 = tpu.memref_slice %arg31[%arg1, %mul3A_139] : memref<16x2048xi32, #tpu.memory_space<vmem_shared>> -> memref<1x256xi32, #tpu.memory_space<vmem_shared>>
        %dma_start3A_142 = tpu.memref_squeeze %dma_start3A_141 : memref<1x256xi32, #tpu.memory_space<vmem_shared>> -> memref<256xi32, #tpu.memory_space<vmem_shared>>
        %dma_start3A_143 = tpu.memref_slice %arg31[%arg1, %mul3A_139] : memref<16x2048xi32, #tpu.memory_space<vmem_shared>> -> memref<1x256xi32, #tpu.memory_space<vmem_shared>>
        %dma_start3A_144 = tpu.memref_squeeze %dma_start3A_143 : memref<1x256xi32, #tpu.memory_space<vmem_shared>> -> memref<256xi32, #tpu.memory_space<vmem_shared>>
        %dma_start3A_145 = tpu.memref_slice %arg16[%mul3A_137] : memref<2096xi32, #tpu.memory_space<vmem>> -> memref<256xi32, #tpu.memory_space<vmem>>
        tpu.enqueue_dma source(%dma_start3A_145 : memref<256xi32, #tpu.memory_space<vmem>>) target(%dma_start3A_144 : memref<256xi32, #tpu.memory_space<vmem_shared>>) target_semaphore(%run_scoped3A : memref<!tpu.dma_semaphore, #tpu.memory_space<semaphore_mem>>)
        %dma_wait3A = tpu.memref_slice %arg16[%mul3A_137] : memref<2096xi32, #tpu.memory_space<vmem>> -> memref<256xi32, #tpu.memory_space<vmem>>
        %dma_wait3A_146 = tpu.memref_slice %arg31[%arg1, %mul3A_139] : memref<16x2048xi32, #tpu.memory_space<vmem_shared>> -> memref<1x256xi32, #tpu.memory_space<vmem_shared>>
        %dma_wait3A_147 = tpu.memref_squeeze %dma_wait3A_146 : memref<1x256xi32, #tpu.memory_space<vmem_shared>> -> memref<256xi32, #tpu.memory_space<vmem_shared>>
        %dma_wait3A_148 = tpu.memref_slice %arg31[%arg1, %mul3A_139] : memref<16x2048xi32, #tpu.memory_space<vmem_shared>> -> memref<1x256xi32, #tpu.memory_space<vmem_shared>>
        %dma_wait3A_149 = tpu.memref_squeeze %dma_wait3A_148 : memref<1x256xi32, #tpu.memory_space<vmem_shared>> -> memref<256xi32, #tpu.memory_space<vmem_shared>>
        %dma_wait3A_150 = tpu.memref_slice %arg16[%mul3A_137] : memref<2096xi32, #tpu.memory_space<vmem>> -> memref<256xi32, #tpu.memory_space<vmem>>
        tpu.wait_dma2 semaphore(%run_scoped3A : memref<!tpu.dma_semaphore, #tpu.memory_space<semaphore_mem>>) src(%dma_wait3A_150 : memref<256xi32, #tpu.memory_space<vmem>>) dst(%dma_wait3A_149 : memref<256xi32, #tpu.memory_space<vmem_shared>>)
        tpu.yield
      }) : () -> ()
      %while3A_140 = arith.constant 0 : i32
      scf.yield %while3A_140 : i32
    }
    %while3A_47 = arith.constant 1 : i32
    %while3A_48 = scf.for %while3A_134 = %while3A_44 to %while3A_40 step %while3A_47 iter_args(%while3A_135 = %while3A_46) -> (i32)  : i32 {
      %mul3A_136 = arith.constant 256 : i32
      %mul3A_137 = arith.muli %while3A_134, %mul3A_136 : i32
      %mul3A_138 = arith.constant 256 : i32
      %mul3A_139 = arith.muli %while3A_134, %mul3A_138 : i32
      "tpu.region"() ({
        %run_scoped3A = tpu.sem_alloc : memref<!tpu.dma_semaphore, #tpu.memory_space<semaphore_mem>>
        %dma_start3A = tpu.memref_slice %arg16[%mul3A_137] : memref<2096xi32, #tpu.memory_space<vmem>> -> memref<256xi32, #tpu.memory_space<vmem>>
        %dma_start3A_141 = tpu.memref_slice %arg31[%arg1, %mul3A_139] : memref<16x2048xi32, #tpu.memory_space<vmem_shared>> -> memref<1x256xi32, #tpu.memory_space<vmem_shared>>
        %dma_start3A_142 = tpu.memref_squeeze %dma_start3A_141 : memref<1x256xi32, #tpu.memory_space<vmem_shared>> -> memref<256xi32, #tpu.memory_space<vmem_shared>>
        %dma_start3A_143 = tpu.memref_slice %arg31[%arg1, %mul3A_139] : memref<16x2048xi32, #tpu.memory_space<vmem_shared>> -> memref<1x256xi32, #tpu.memory_space<vmem_shared>>
        %dma_start3A_144 = tpu.memref_squeeze %dma_start3A_143 : memref<1x256xi32, #tpu.memory_space<vmem_shared>> -> memref<256xi32, #tpu.memory_space<vmem_shared>>
        %dma_start3A_145 = tpu.memref_slice %arg16[%mul3A_137] : memref<2096xi32, #tpu.memory_space<vmem>> -> memref<256xi32, #tpu.memory_space<vmem>>
        tpu.enqueue_dma source(%dma_start3A_145 : memref<256xi32, #tpu.memory_space<vmem>>) target(%dma_start3A_144 : memref<256xi32, #tpu.memory_space<vmem_shared>>) target_semaphore(%run_scoped3A : memref<!tpu.dma_semaphore, #tpu.memory_space<semaphore_mem>>)
        %dma_wait3A = tpu.memref_slice %arg16[%mul3A_137] : memref<2096xi32, #tpu.memory_space<vmem>> -> memref<256xi32, #tpu.memory_space<vmem>>
        %dma_wait3A_146 = tpu.memref_slice %arg31[%arg1, %mul3A_139] : memref<16x2048xi32, #tpu.memory_space<vmem_shared>> -> memref<1x256xi32, #tpu.memory_space<vmem_shared>>
        %dma_wait3A_147 = tpu.memref_squeeze %dma_wait3A_146 : memref<1x256xi32, #tpu.memory_space<vmem_shared>> -> memref<256xi32, #tpu.memory_space<vmem_shared>>
        %dma_wait3A_148 = tpu.memref_slice %arg31[%arg1, %mul3A_139] : memref<16x2048xi32, #tpu.memory_space<vmem_shared>> -> memref<1x256xi32, #tpu.memory_space<vmem_shared>>
        %dma_wait3A_149 = tpu.memref_squeeze %dma_wait3A_148 : memref<1x256xi32, #tpu.memory_space<vmem_shared>> -> memref<256xi32, #tpu.memory_space<vmem_shared>>
        %dma_wait3A_150 = tpu.memref_slice %arg16[%mul3A_137] : memref<2096xi32, #tpu.memory_space<vmem>> -> memref<256xi32, #tpu.memory_space<vmem>>
        tpu.wait_dma2 semaphore(%run_scoped3A : memref<!tpu.dma_semaphore, #tpu.memory_space<semaphore_mem>>) src(%dma_wait3A_150 : memref<256xi32, #tpu.memory_space<vmem>>) dst(%dma_wait3A_149 : memref<256xi32, #tpu.memory_space<vmem_shared>>)
        tpu.yield
      }) : () -> ()
      %while3A_140 = arith.constant 0 : i32
      scf.yield %while3A_140 : i32
    }
    %broadcast_in_dim3A_49 = vector.broadcast %scan3A_17 : i32 to vector<16xi32>
    %swap3A = arith.constant 0 : index
    %swap3A_50 = tpu.vector_load %arg22[%swap3A] {strides = array<i32>} : memref<16xi32, #tpu.memory_space<vmem>>, vector<16xi32>,
    tpu.vector_store %arg22[%swap3A], %broadcast_in_dim3A_49 {strides = array<i32>} : memref<16xi32, #tpu.memory_space<vmem>>, vector<16xi32>,
    "tpu.region"() ({
      %run_scoped3A = tpu.sem_alloc : memref<!tpu.dma_semaphore, #tpu.memory_space<semaphore_mem>>
      %dma_start3A = arith.constant 0 : i32
      %dma_start3A_134 = tpu.memref_slice %arg32[%arg1, %dma_start3A] : memref<16x16xi32, #tpu.memory_space<vmem_shared>> -> memref<1x16xi32, #tpu.memory_space<vmem_shared>>
      %dma_start3A_135 = tpu.memref_squeeze %dma_start3A_134 : memref<1x16xi32, #tpu.memory_space<vmem_shared>> -> memref<16xi32, #tpu.memory_space<vmem_shared>>
      %dma_start3A_136 = arith.constant 0 : i32
      %dma_start3A_137 = tpu.memref_slice %arg32[%arg1, %dma_start3A_136] : memref<16x16xi32, #tpu.memory_space<vmem_shared>> -> memref<1x16xi32, #tpu.memory_space<vmem_shared>>
      %dma_start3A_138 = tpu.memref_squeeze %dma_start3A_137 : memref<1x16xi32, #tpu.memory_space<vmem_shared>> -> memref<16xi32, #tpu.memory_space<vmem_shared>>
      tpu.enqueue_dma source(%arg22 : memref<16xi32, #tpu.memory_space<vmem>>) target(%dma_start3A_138 : memref<16xi32, #tpu.memory_space<vmem_shared>>) target_semaphore(%run_scoped3A : memref<!tpu.dma_semaphore, #tpu.memory_space<semaphore_mem>>)
      %dma_wait3A = arith.constant 0 : i32
      %dma_wait3A_139 = tpu.memref_slice %arg32[%arg1, %dma_wait3A] : memref<16x16xi32, #tpu.memory_space<vmem_shared>> -> memref<1x16xi32, #tpu.memory_space<vmem_shared>>
      %dma_wait3A_140 = tpu.memref_squeeze %dma_wait3A_139 : memref<1x16xi32, #tpu.memory_space<vmem_shared>> -> memref<16xi32, #tpu.memory_space<vmem_shared>>
      %dma_wait3A_141 = arith.constant 0 : i32
      %dma_wait3A_142 = tpu.memref_slice %arg32[%arg1, %dma_wait3A_141] : memref<16x16xi32, #tpu.memory_space<vmem_shared>> -> memref<1x16xi32, #tpu.memory_space<vmem_shared>>
      %dma_wait3A_143 = tpu.memref_squeeze %dma_wait3A_142 : memref<1x16xi32, #tpu.memory_space<vmem_shared>> -> memref<16xi32, #tpu.memory_space<vmem_shared>>
      tpu.wait_dma2 semaphore(%run_scoped3A : memref<!tpu.dma_semaphore, #tpu.memory_space<semaphore_mem>>) src(%arg22 : memref<16xi32, #tpu.memory_space<vmem>>) dst(%dma_wait3A_143 : memref<16xi32, #tpu.memory_space<vmem_shared>>)
      tpu.yield
    }) : () -> ()
    "tpu.region"() ({
      %run_scoped3A = tpu.sem_alloc : memref<!tpu.dma_semaphore, #tpu.memory_space<semaphore_mem>>
      %dma_start3A = arith.constant 0 : i32
      %dma_start3A_134 = tpu.memref_slice %arg29[%arg1, %dma_start3A] : memref<16x10240xf32, #tpu.memory_space<vmem_shared>> -> memref<1x10240xf32, #tpu.memory_space<vmem_shared>>
      %dma_start3A_135 = tpu.memref_squeeze %dma_start3A_134 : memref<1x10240xf32, #tpu.memory_space<vmem_shared>> -> memref<10240xf32, #tpu.memory_space<vmem_shared>>
      %dma_start3A_136 = arith.constant 0 : i32
      %dma_start3A_137 = tpu.memref_slice %arg29[%arg1, %dma_start3A_136] : memref<16x10240xf32, #tpu.memory_space<vmem_shared>> -> memref<1x10240xf32, #tpu.memory_space<vmem_shared>>
      %dma_start3A_138 = tpu.memref_squeeze %dma_start3A_137 : memref<1x10240xf32, #tpu.memory_space<vmem_shared>> -> memref<10240xf32, #tpu.memory_space<vmem_shared>>
      tpu.enqueue_dma source(%arg12 : memref<10240xf32, #tpu.memory_space<vmem>>) target(%dma_start3A_138 : memref<10240xf32, #tpu.memory_space<vmem_shared>>) target_semaphore(%run_scoped3A : memref<!tpu.dma_semaphore, #tpu.memory_space<semaphore_mem>>)
      %dma_wait3A = arith.constant 0 : i32
      %dma_wait3A_139 = tpu.memref_slice %arg29[%arg1, %dma_wait3A] : memref<16x10240xf32, #tpu.memory_space<vmem_shared>> -> memref<1x10240xf32, #tpu.memory_space<vmem_shared>>
      %dma_wait3A_140 = tpu.memref_squeeze %dma_wait3A_139 : memref<1x10240xf32, #tpu.memory_space<vmem_shared>> -> memref<10240xf32, #tpu.memory_space<vmem_shared>>
      %dma_wait3A_141 = arith.constant 0 : i32
      %dma_wait3A_142 = tpu.memref_slice %arg29[%arg1, %dma_wait3A_141] : memref<16x10240xf32, #tpu.memory_space<vmem_shared>> -> memref<1x10240xf32, #tpu.memory_space<vmem_shared>>
      %dma_wait3A_143 = tpu.memref_squeeze %dma_wait3A_142 : memref<1x10240xf32, #tpu.memory_space<vmem_shared>> -> memref<10240xf32, #tpu.memory_space<vmem_shared>>
      tpu.wait_dma2 semaphore(%run_scoped3A : memref<!tpu.dma_semaphore, #tpu.memory_space<semaphore_mem>>) src(%arg12 : memref<10240xf32, #tpu.memory_space<vmem>>) dst(%dma_wait3A_143 : memref<10240xf32, #tpu.memory_space<vmem_shared>>)
      tpu.yield
    }) : () -> ()
    %barrier3A = arith.constant 0 : index
    tpu.barrier barrier_id(%barrier3A)
    %mul3A_51 = arith.constant 640 : i32
    %mul3A_52 = arith.muli %arg1, %mul3A_51 : i32
    %scan3A_53 = arith.constant 0 : i32
    %scan3A_54 = arith.constant 0 : i32
    %scan3A_55 = arith.constant 40 : i32
    %scan3A_56 = arith.addi %scan3A_54, %scan3A_55 : i32
    %scan3A_57 = arith.constant 1 : i32
    %scan3A_58 = scf.for %scan3A_134 = %scan3A_54 to %scan3A_56 step %scan3A_57 iter_args(%scan3A_135 = %scan3A_53) -> (i32)  : i32 {
      %mul3A_136 = arith.constant 16 : i32
      %mul3A_137 = arith.muli %scan3A_134, %mul3A_136 : i32
      %swap3A_138 = arith.index_cast %mul3A_137 : i32 to index
      %swap3A_139 = tpu.vector_load %arg21[%swap3A_138] {strides = array<i32>} : memref<656xf32, #tpu.memory_space<vmem>>, vector<16xf32>,
      tpu.vector_store %arg21[%swap3A_138], %broadcast_in_dim3A_3 {strides = array<i32>} : memref<656xf32, #tpu.memory_space<vmem>>, vector<16xf32>,
      %scan3A_140 = arith.constant 0 : i32
      scf.yield %scan3A_140 : i32
    }
    %scan3A_59 = arith.constant 40 : i32
    %scan3A_60 = arith.constant 0 : i32
    %scan3A_61 = arith.constant 0 : i32
    %scan3A_62 = arith.constant 16 : i32
    %scan3A_63 = arith.addi %scan3A_61, %scan3A_62 : i32
    %scan3A_64 = arith.constant 1 : i32
    %scan3A_65 = scf.for %scan3A_134 = %scan3A_61 to %scan3A_63 step %scan3A_64 iter_args(%scan3A_135 = %scan3A_60) -> (i32)  : i32 {
      "tpu.region"() ({
        %run_scoped3A = tpu.sem_alloc : memref<!tpu.dma_semaphore, #tpu.memory_space<semaphore_mem>>
        %dma_start3A = arith.constant 0 : i32
        %dma_start3A_144 = tpu.memref_slice %arg20[%dma_start3A] : memref<656xf32, #tpu.memory_space<vmem>> -> memref<640xf32, #tpu.memory_space<vmem>>
        %dma_start3A_145 = tpu.memref_slice %arg29[%scan3A_134, %mul3A_52] : memref<16x10240xf32, #tpu.memory_space<vmem_shared>> -> memref<1x640xf32, #tpu.memory_space<vmem_shared>>
        %dma_start3A_146 = tpu.memref_squeeze %dma_start3A_145 : memref<1x640xf32, #tpu.memory_space<vmem_shared>> -> memref<640xf32, #tpu.memory_space<vmem_shared>>
        %dma_start3A_147 = arith.constant 0 : i32
        %dma_start3A_148 = tpu.memref_slice %arg20[%dma_start3A_147] : memref<656xf32, #tpu.memory_space<vmem>> -> memref<640xf32, #tpu.memory_space<vmem>>
        %dma_start3A_149 = tpu.memref_slice %arg29[%scan3A_134, %mul3A_52] : memref<16x10240xf32, #tpu.memory_space<vmem_shared>> -> memref<1x640xf32, #tpu.memory_space<vmem_shared>>
        %dma_start3A_150 = tpu.memref_squeeze %dma_start3A_149 : memref<1x640xf32, #tpu.memory_space<vmem_shared>> -> memref<640xf32, #tpu.memory_space<vmem_shared>>
        tpu.enqueue_dma source(%dma_start3A_150 : memref<640xf32, #tpu.memory_space<vmem_shared>>) target(%dma_start3A_148 : memref<640xf32, #tpu.memory_space<vmem>>) target_semaphore(%run_scoped3A : memref<!tpu.dma_semaphore, #tpu.memory_space<semaphore_mem>>)
        %dma_wait3A = arith.constant 0 : i32
        %dma_wait3A_151 = tpu.memref_slice %arg20[%dma_wait3A] : memref<656xf32, #tpu.memory_space<vmem>> -> memref<640xf32, #tpu.memory_space<vmem>>
        %dma_wait3A_152 = tpu.memref_slice %arg29[%scan3A_134, %mul3A_52] : memref<16x10240xf32, #tpu.memory_space<vmem_shared>> -> memref<1x640xf32, #tpu.memory_space<vmem_shared>>
        %dma_wait3A_153 = tpu.memref_squeeze %dma_wait3A_152 : memref<1x640xf32, #tpu.memory_space<vmem_shared>> -> memref<640xf32, #tpu.memory_space<vmem_shared>>
        %dma_wait3A_154 = arith.constant 0 : i32
        %dma_wait3A_155 = tpu.memref_slice %arg20[%dma_wait3A_154] : memref<656xf32, #tpu.memory_space<vmem>> -> memref<640xf32, #tpu.memory_space<vmem>>
        %dma_wait3A_156 = tpu.memref_slice %arg29[%scan3A_134, %mul3A_52] : memref<16x10240xf32, #tpu.memory_space<vmem_shared>> -> memref<1x640xf32, #tpu.memory_space<vmem_shared>>
        %dma_wait3A_157 = tpu.memref_squeeze %dma_wait3A_156 : memref<1x640xf32, #tpu.memory_space<vmem_shared>> -> memref<640xf32, #tpu.memory_space<vmem_shared>>
        tpu.wait_dma2 semaphore(%run_scoped3A : memref<!tpu.dma_semaphore, #tpu.memory_space<semaphore_mem>>) src(%dma_wait3A_157 : memref<640xf32, #tpu.memory_space<vmem_shared>>) dst(%dma_wait3A_155 : memref<640xf32, #tpu.memory_space<vmem>>)
        tpu.yield
      }) : () -> ()
      %scan3A_136 = arith.constant 0 : i32
      %scan3A_137 = arith.constant 0 : i32
      %scan3A_138 = arith.constant 40 : i32
      %scan3A_139 = arith.addi %scan3A_137, %scan3A_138 : i32
      %scan3A_140 = arith.constant 1 : i32
      %scan3A_141 = scf.for %scan3A_144 = %scan3A_137 to %scan3A_139 step %scan3A_140 iter_args(%scan3A_145 = %scan3A_136) -> (i32)  : i32 {
        %mul3A_146 = arith.constant 16 : i32
        %mul3A_147 = arith.muli %scan3A_144, %mul3A_146 : i32
        %get3A_148 = arith.index_cast %mul3A_147 : i32 to index
        %get3A_149 = tpu.vector_load %arg21[%get3A_148] {strides = array<i32>} : memref<656xf32, #tpu.memory_space<vmem>>, vector<16xf32>,
        %mul3A_150 = arith.constant 16 : i32
        %mul3A_151 = arith.muli %scan3A_144, %mul3A_150 : i32
        %get3A_152 = arith.index_cast %mul3A_151 : i32 to index
        %get3A_153 = tpu.vector_load %arg20[%get3A_152] {strides = array<i32>} : memref<656xf32, #tpu.memory_space<vmem>>, vector<16xf32>,
        %add3A_154 = arith.addf %get3A_149, %get3A_153 : vector<16xf32>
        %mul3A_155 = arith.constant 16 : i32
        %mul3A_156 = arith.muli %scan3A_144, %mul3A_155 : i32
        %swap3A_157 = arith.index_cast %mul3A_156 : i32 to index
        %swap3A_158 = tpu.vector_load %arg21[%swap3A_157] {strides = array<i32>} : memref<656xf32, #tpu.memory_space<vmem>>, vector<16xf32>,
        tpu.vector_store %arg21[%swap3A_157], %add3A_154 {strides = array<i32>} : memref<656xf32, #tpu.memory_space<vmem>>, vector<16xf32>,
        %scan3A_159 = arith.constant 0 : i32
        scf.yield %scan3A_159 : i32
      }
      %scan3A_142 = arith.constant 40 : i32
      %scan3A_143 = arith.constant 0 : i32
      scf.yield %scan3A_143 : i32
    }
    %scan3A_66 = arith.constant 16 : i32
    %scan3A_67 = arith.constant 0 : i32
    %scan3A_68 = arith.constant 0 : i32
    %scan3A_69 = arith.constant 40 : i32
    %scan3A_70 = arith.addi %scan3A_68, %scan3A_69 : i32
    %scan3A_71 = arith.constant 1 : i32
    %scan3A_72 = scf.for %scan3A_134 = %scan3A_68 to %scan3A_70 step %scan3A_71 iter_args(%scan3A_135 = %scan3A_67) -> (i32)  : i32 {
      %mul3A_136 = arith.constant 16 : i32
      %mul3A_137 = arith.muli %scan3A_134, %mul3A_136 : i32
      %get3A_138 = arith.index_cast %mul3A_137 : i32 to index
      %get3A_139 = tpu.vector_load %arg21[%get3A_138] {strides = array<i32>} : memref<656xf32, #tpu.memory_space<vmem>>, vector<16xf32>,
      %add3A_140 = arith.constant 1.000000e+00 : f32
      %add3A_141 = vector.broadcast %add3A_140 : f32 to vector<16xf32>
      %add3A_142 = arith.addf %get3A_139, %add3A_141 : vector<16xf32>
      %bitcast3A = vector.bitcast %add3A_142 : vector<16xf32> to vector<16xi32>
      %shift_right_arithmetic3A = arith.constant 1 : i32
      %shift_right_arithmetic3A_143 = vector.broadcast %shift_right_arithmetic3A : i32 to vector<16xi32>
      %shift_right_arithmetic3A_144 = arith.shrsi %bitcast3A, %shift_right_arithmetic3A_143 : vector<16xi32>
      %sub3A_145 = arith.constant 1597463007 : i32
      %sub3A_146 = vector.broadcast %sub3A_145 : i32 to vector<16xi32>
      %sub3A_147 = arith.subi %sub3A_146, %shift_right_arithmetic3A_144 : vector<16xi32>
      %bitcast3A_148 = vector.bitcast %sub3A_147 : vector<16xi32> to vector<16xf32>
      %mul3A_149 = arith.constant 5.000000e-01 : f32
      %mul3A_150 = vector.broadcast %mul3A_149 : f32 to vector<16xf32>
      %mul3A_151 = arith.mulf %mul3A_150, %add3A_142 : vector<16xf32>
      %mul3A_152 = arith.mulf %mul3A_151, %bitcast3A_148 : vector<16xf32>
      %mul3A_153 = arith.mulf %mul3A_152, %bitcast3A_148 : vector<16xf32>
      %sub3A_154 = arith.constant 1.500000e+00 : f32
      %sub3A_155 = vector.broadcast %sub3A_154 : f32 to vector<16xf32>
      %sub3A_156 = arith.subf %sub3A_155, %mul3A_153 : vector<16xf32>
      %mul3A_157 = arith.mulf %bitcast3A_148, %sub3A_156 : vector<16xf32>
      %mul3A_158 = arith.constant 5.000000e-01 : f32
      %mul3A_159 = vector.broadcast %mul3A_158 : f32 to vector<16xf32>
      %mul3A_160 = arith.mulf %mul3A_159, %add3A_142 : vector<16xf32>
      %mul3A_161 = arith.mulf %mul3A_160, %mul3A_157 : vector<16xf32>
      %mul3A_162 = arith.mulf %mul3A_161, %mul3A_157 : vector<16xf32>
      %sub3A_163 = arith.constant 1.500000e+00 : f32
      %sub3A_164 = vector.broadcast %sub3A_163 : f32 to vector<16xf32>
      %sub3A_165 = arith.subf %sub3A_164, %mul3A_162 : vector<16xf32>
      %mul3A_166 = arith.mulf %mul3A_157, %sub3A_165 : vector<16xf32>
      %mul3A_167 = arith.constant 5.000000e-01 : f32
      %mul3A_168 = vector.broadcast %mul3A_167 : f32 to vector<16xf32>
      %mul3A_169 = arith.mulf %mul3A_168, %add3A_142 : vector<16xf32>
      %mul3A_170 = arith.mulf %mul3A_169, %mul3A_166 : vector<16xf32>
      %mul3A_171 = arith.mulf %mul3A_170, %mul3A_166 : vector<16xf32>
      %sub3A_172 = arith.constant 1.500000e+00 : f32
      %sub3A_173 = vector.broadcast %sub3A_172 : f32 to vector<16xf32>
      %sub3A_174 = arith.subf %sub3A_173, %mul3A_171 : vector<16xf32>
      %mul3A_175 = arith.mulf %mul3A_166, %sub3A_174 : vector<16xf32>
      %mul3A_176 = arith.constant 16 : i32
      %mul3A_177 = arith.muli %scan3A_134, %mul3A_176 : i32
      %swap3A_178 = arith.index_cast %mul3A_177 : i32 to index
      %swap3A_179 = tpu.vector_load %arg21[%swap3A_178] {strides = array<i32>} : memref<656xf32, #tpu.memory_space<vmem>>, vector<16xf32>,
      tpu.vector_store %arg21[%swap3A_178], %mul3A_175 {strides = array<i32>} : memref<656xf32, #tpu.memory_space<vmem>>, vector<16xf32>,
      %scan3A_180 = arith.constant 0 : i32
      scf.yield %scan3A_180 : i32
    }
    %scan3A_73 = arith.constant 40 : i32
    "tpu.region"() ({
      %run_scoped3A = tpu.sem_alloc : memref<!tpu.dma_semaphore, #tpu.memory_space<semaphore_mem>>
      %dma_start3A = arith.constant 0 : i32
      %dma_start3A_134 = tpu.memref_slice %arg21[%dma_start3A] : memref<656xf32, #tpu.memory_space<vmem>> -> memref<640xf32, #tpu.memory_space<vmem>>
      %dma_start3A_135 = tpu.memref_slice %arg30[%mul3A_52] : memref<10240xf32, #tpu.memory_space<vmem_shared>> -> memref<640xf32, #tpu.memory_space<vmem_shared>>
      %dma_start3A_136 = tpu.memref_slice %arg30[%mul3A_52] : memref<10240xf32, #tpu.memory_space<vmem_shared>> -> memref<640xf32, #tpu.memory_space<vmem_shared>>
      %dma_start3A_137 = arith.constant 0 : i32
      %dma_start3A_138 = tpu.memref_slice %arg21[%dma_start3A_137] : memref<656xf32, #tpu.memory_space<vmem>> -> memref<640xf32, #tpu.memory_space<vmem>>
      tpu.enqueue_dma source(%dma_start3A_138 : memref<640xf32, #tpu.memory_space<vmem>>) target(%dma_start3A_136 : memref<640xf32, #tpu.memory_space<vmem_shared>>) target_semaphore(%run_scoped3A : memref<!tpu.dma_semaphore, #tpu.memory_space<semaphore_mem>>)
      %dma_wait3A = arith.constant 0 : i32
      %dma_wait3A_139 = tpu.memref_slice %arg21[%dma_wait3A] : memref<656xf32, #tpu.memory_space<vmem>> -> memref<640xf32, #tpu.memory_space<vmem>>
      %dma_wait3A_140 = tpu.memref_slice %arg30[%mul3A_52] : memref<10240xf32, #tpu.memory_space<vmem_shared>> -> memref<640xf32, #tpu.memory_space<vmem_shared>>
      %dma_wait3A_141 = tpu.memref_slice %arg30[%mul3A_52] : memref<10240xf32, #tpu.memory_space<vmem_shared>> -> memref<640xf32, #tpu.memory_space<vmem_shared>>
      %dma_wait3A_142 = arith.constant 0 : i32
      %dma_wait3A_143 = tpu.memref_slice %arg21[%dma_wait3A_142] : memref<656xf32, #tpu.memory_space<vmem>> -> memref<640xf32, #tpu.memory_space<vmem>>
      tpu.wait_dma2 semaphore(%run_scoped3A : memref<!tpu.dma_semaphore, #tpu.memory_space<semaphore_mem>>) src(%dma_wait3A_143 : memref<640xf32, #tpu.memory_space<vmem>>) dst(%dma_wait3A_141 : memref<640xf32, #tpu.memory_space<vmem_shared>>)
      tpu.yield
    }) : () -> ()
    %barrier3A_74 = arith.constant 0 : index
    tpu.barrier barrier_id(%barrier3A_74)
    "tpu.region"() ({
      %run_scoped3A = tpu.sem_alloc : memref<!tpu.dma_semaphore, #tpu.memory_space<semaphore_mem>>
      tpu.enqueue_dma source(%arg30 : memref<10240xf32, #tpu.memory_space<vmem_shared>>) target(%arg12 : memref<10240xf32, #tpu.memory_space<vmem>>) target_semaphore(%run_scoped3A : memref<!tpu.dma_semaphore, #tpu.memory_space<semaphore_mem>>)
      tpu.wait_dma2 semaphore(%run_scoped3A : memref<!tpu.dma_semaphore, #tpu.memory_space<semaphore_mem>>) src(%arg30 : memref<10240xf32, #tpu.memory_space<vmem_shared>>) dst(%arg12 : memref<10240xf32, #tpu.memory_space<vmem>>)
      tpu.yield
    }) : () -> ()
    %eq3A = arith.constant 0 : i32
    %eq3A_75 = arith.cmpi eq, %arg1, %eq3A : i32
    %convert_element_type3A = arith.extui %eq3A_75 : i1 to i32
    %cond3A = arith.constant 0 : i32
    %cond3A_76 = arith.cmpi ne, %convert_element_type3A, %cond3A : i32
    scf.if %cond3A_76 {
      %broadcast_in_dim3A_134 = arith.constant -1 : i32
      %broadcast_in_dim3A_135 = vector.broadcast %broadcast_in_dim3A_134 : i32 to vector<16xi32>
      %scan3A_136 = arith.constant 0 : i32
      %scan3A_137 = arith.constant 0 : i32
      %scan3A_138 = arith.constant 640 : i32
      %scan3A_139 = arith.addi %scan3A_137, %scan3A_138 : i32
      %scan3A_140 = arith.constant 1 : i32
      %scan3A_141 = scf.for %scan3A_201 = %scan3A_137 to %scan3A_139 step %scan3A_140 iter_args(%scan3A_202 = %scan3A_136) -> (i32)  : i32 {
        %mul3A_203 = arith.constant 16 : i32
        %mul3A_204 = arith.muli %scan3A_201, %mul3A_203 : i32
        %swap3A_205 = arith.index_cast %mul3A_204 : i32 to index
        %swap3A_206 = tpu.vector_load %arg13[%swap3A_205] {strides = array<i32>} : memref<10240xi32, #tpu.memory_space<vmem>>, vector<16xi32>,
        tpu.vector_store %arg13[%swap3A_205], %broadcast_in_dim3A_135 {strides = array<i32>} : memref<10240xi32, #tpu.memory_space<vmem>>, vector<16xi32>,
        %scan3A_207 = arith.constant 0 : i32
        scf.yield %scan3A_207 : i32
      }
      %scan3A_142 = arith.constant 640 : i32
      %scan3A_143 = arith.constant 0 : i32
      %scan3A_144 = arith.constant 0 : i32
      %scan3A_145 = arith.constant 16 : i32
      %scan3A_146 = arith.addi %scan3A_144, %scan3A_145 : i32
      %scan3A_147 = arith.constant 1 : i32
      %scan3A_148 = scf.for %scan3A_201 = %scan3A_144 to %scan3A_146 step %scan3A_147 iter_args(%scan3A_202 = %scan3A_143) -> (i32)  : i32 {
        %mul3A_203 = arith.constant 16 : i32
        %mul3A_204 = arith.muli %scan3A_201, %mul3A_203 : i32
        "tpu.region"() ({
          %run_scoped3A = tpu.sem_alloc : memref<!tpu.dma_semaphore, #tpu.memory_space<semaphore_mem>>
          %dma_start3A = tpu.memref_slice %arg23[%mul3A_204] : memref<272xi32, #tpu.memory_space<vmem>> -> memref<16xi32, #tpu.memory_space<vmem>>
          %dma_start3A_206 = arith.constant 0 : i32
          %dma_start3A_207 = tpu.memref_slice %arg32[%scan3A_201, %dma_start3A_206] : memref<16x16xi32, #tpu.memory_space<vmem_shared>> -> memref<1x16xi32, #tpu.memory_space<vmem_shared>>
          %dma_start3A_208 = tpu.memref_squeeze %dma_start3A_207 : memref<1x16xi32, #tpu.memory_space<vmem_shared>> -> memref<16xi32, #tpu.memory_space<vmem_shared>>
          %dma_start3A_209 = tpu.memref_slice %arg23[%mul3A_204] : memref<272xi32, #tpu.memory_space<vmem>> -> memref<16xi32, #tpu.memory_space<vmem>>
          %dma_start3A_210 = arith.constant 0 : i32
          %dma_start3A_211 = tpu.memref_slice %arg32[%scan3A_201, %dma_start3A_210] : memref<16x16xi32, #tpu.memory_space<vmem_shared>> -> memref<1x16xi32, #tpu.memory_space<vmem_shared>>
          %dma_start3A_212 = tpu.memref_squeeze %dma_start3A_211 : memref<1x16xi32, #tpu.memory_space<vmem_shared>> -> memref<16xi32, #tpu.memory_space<vmem_shared>>
          tpu.enqueue_dma source(%dma_start3A_212 : memref<16xi32, #tpu.memory_space<vmem_shared>>) target(%dma_start3A_209 : memref<16xi32, #tpu.memory_space<vmem>>) target_semaphore(%run_scoped3A : memref<!tpu.dma_semaphore, #tpu.memory_space<semaphore_mem>>)
          %dma_wait3A = tpu.memref_slice %arg23[%mul3A_204] : memref<272xi32, #tpu.memory_space<vmem>> -> memref<16xi32, #tpu.memory_space<vmem>>
          %dma_wait3A_213 = arith.constant 0 : i32
          %dma_wait3A_214 = tpu.memref_slice %arg32[%scan3A_201, %dma_wait3A_213] : memref<16x16xi32, #tpu.memory_space<vmem_shared>> -> memref<1x16xi32, #tpu.memory_space<vmem_shared>>
          %dma_wait3A_215 = tpu.memref_squeeze %dma_wait3A_214 : memref<1x16xi32, #tpu.memory_space<vmem_shared>> -> memref<16xi32, #tpu.memory_space<vmem_shared>>
          %dma_wait3A_216 = tpu.memref_slice %arg23[%mul3A_204] : memref<272xi32, #tpu.memory_space<vmem>> -> memref<16xi32, #tpu.memory_space<vmem>>
          %dma_wait3A_217 = arith.constant 0 : i32
          %dma_wait3A_218 = tpu.memref_slice %arg32[%scan3A_201, %dma_wait3A_217] : memref<16x16xi32, #tpu.memory_space<vmem_shared>> -> memref<1x16xi32, #tpu.memory_space<vmem_shared>>
          %dma_wait3A_219 = tpu.memref_squeeze %dma_wait3A_218 : memref<1x16xi32, #tpu.memory_space<vmem_shared>> -> memref<16xi32, #tpu.memory_space<vmem_shared>>
          tpu.wait_dma2 semaphore(%run_scoped3A : memref<!tpu.dma_semaphore, #tpu.memory_space<semaphore_mem>>) src(%dma_wait3A_219 : memref<16xi32, #tpu.memory_space<vmem_shared>>) dst(%dma_wait3A_216 : memref<16xi32, #tpu.memory_space<vmem>>)
          tpu.yield
        }) : () -> ()
        %scan3A_205 = arith.constant 0 : i32
        scf.yield %scan3A_205 : i32
      }
      %scan3A_149 = arith.constant 16 : i32
      %scan3A_150 = arith.constant 0 : i32
      %scan3A_151 = arith.constant 0 : i32
      %scan3A_152 = arith.constant 16 : i32
      %scan3A_153 = arith.addi %scan3A_151, %scan3A_152 : i32
      %scan3A_154 = arith.constant 1 : i32
      %scan3A_155 = scf.for %scan3A_201 = %scan3A_151 to %scan3A_153 step %scan3A_154 iter_args(%scan3A_202 = %scan3A_150) -> (i32)  : i32 {
        %mul3A_203 = arith.constant 16 : i32
        %mul3A_204 = arith.muli %scan3A_201, %mul3A_203 : i32
        %get3A_205 = arith.index_cast %mul3A_204 : i32 to index
        %get3A_206 = tpu.vector_load %arg23[%get3A_205] {strides = array<i32>} : memref<272xi32, #tpu.memory_space<vmem>>, vector<16xi32>,
        %slice3A_207 = vector.extract_strided_slice %get3A_206 {offsets = [0], sizes = [1], strides = [1]} : vector<16xi32> to vector<1xi32>
        %squeeze3A_208 = vector.extract %slice3A_207[0] : i32 from vector<1xi32>
        %le3A = arith.constant 2048 : i32
        %le3A_209 = arith.cmpi sle, %squeeze3A_208, %le3A : i32
        %convert_element_type3A_210 = arith.extui %le3A_209 : i1 to i32
        %cond3A_211 = arith.constant 0 : i32
        %cond3A_212 = arith.cmpi ne, %convert_element_type3A_210, %cond3A_211 : i32
        %cond3A_213 = scf.if %cond3A_212 -> (i32) {
          %add3A_214 = arith.constant 255 : i32
          %add3A_215 = arith.addi %squeeze3A_208, %add3A_214 : i32
          %jit3A_216 = arith.constant 256 : i32
          %div3A_217 = arith.divsi %add3A_215, %jit3A_216 : i32
          %sign3A_218 = arith.constant 0 : i32
          %sign3A_219 = arith.cmpi sgt, %add3A_215, %sign3A_218 : i32
          %sign3A_220 = arith.extui %sign3A_219 : i1 to i32
          %sign3A_221 = arith.constant 0 : i32
          %sign3A_222 = arith.cmpi slt, %add3A_215, %sign3A_221 : i32
          %sign3A_223 = arith.extui %sign3A_222 : i1 to i32
          %sign3A_224 = arith.subi %sign3A_220, %sign3A_223 : i32
          %sign3A_225 = arith.constant 0 : i32
          %sign3A_226 = arith.cmpi sgt, %jit3A_216, %sign3A_225 : i32
          %sign3A_227 = arith.extui %sign3A_226 : i1 to i32
          %sign3A_228 = arith.constant 0 : i32
          %sign3A_229 = arith.cmpi slt, %jit3A_216, %sign3A_228 : i32
          %sign3A_230 = arith.extui %sign3A_229 : i1 to i32
          %sign3A_231 = arith.subi %sign3A_227, %sign3A_230 : i32
          %ne3A_232 = arith.cmpi ne, %sign3A_224, %sign3A_231 : i32
          %rem3A_233 = arith.remsi %add3A_215, %jit3A_216 : i32
          %ne3A_234 = arith.constant 0 : i32
          %ne3A_235 = arith.cmpi ne, %rem3A_233, %ne3A_234 : i32
          %and3A_236 = arith.andi %ne3A_232, %ne3A_235 : i1
          %sub3A_237 = arith.constant 1 : i32
          %sub3A_238 = arith.subi %div3A_217, %sub3A_237 : i32
          %select_n3A_239 = arith.select %and3A_236, %sub3A_238, %div3A_217 : i32
          %while3A_240 = arith.constant 0 : i32
          %while3A_241 = arith.constant 0 : i32
          %while3A_242 = arith.subi %select_n3A_239, %while3A_240 : i32
          %while3A_243 = arith.addi %while3A_240, %while3A_242 : i32
          %while3A_244 = arith.constant 1 : i32
          %while3A_245 = arith.divsi %while3A_242, %while3A_244 : i32
          %while3A_246 = arith.muli %while3A_245, %while3A_244 : i32
          %while3A_247 = arith.addi %while3A_240, %while3A_246 : i32
          %while3A_248 = arith.constant 1 : i32
          %while3A_249 = scf.for %while3A_263 = %while3A_240 to %while3A_247 step %while3A_248 iter_args(%while3A_264 = %while3A_241) -> (i32)  : i32 {
            %mul3A_265 = arith.constant 256 : i32
            %mul3A_266 = arith.muli %while3A_263, %mul3A_265 : i32
            %mul3A_267 = arith.constant 256 : i32
            %mul3A_268 = arith.muli %while3A_263, %mul3A_267 : i32
            "tpu.region"() ({
              %run_scoped3A = tpu.sem_alloc : memref<!tpu.dma_semaphore, #tpu.memory_space<semaphore_mem>>
              %dma_start3A = tpu.memref_slice %arg16[%mul3A_268] : memref<2096xi32, #tpu.memory_space<vmem>> -> memref<256xi32, #tpu.memory_space<vmem>>
              %dma_start3A_270 = tpu.memref_slice %arg31[%scan3A_201, %mul3A_266] : memref<16x2048xi32, #tpu.memory_space<vmem_shared>> -> memref<1x256xi32, #tpu.memory_space<vmem_shared>>
              %dma_start3A_271 = tpu.memref_squeeze %dma_start3A_270 : memref<1x256xi32, #tpu.memory_space<vmem_shared>> -> memref<256xi32, #tpu.memory_space<vmem_shared>>
              %dma_start3A_272 = tpu.memref_slice %arg16[%mul3A_268] : memref<2096xi32, #tpu.memory_space<vmem>> -> memref<256xi32, #tpu.memory_space<vmem>>
              %dma_start3A_273 = tpu.memref_slice %arg31[%scan3A_201, %mul3A_266] : memref<16x2048xi32, #tpu.memory_space<vmem_shared>> -> memref<1x256xi32, #tpu.memory_space<vmem_shared>>
              %dma_start3A_274 = tpu.memref_squeeze %dma_start3A_273 : memref<1x256xi32, #tpu.memory_space<vmem_shared>> -> memref<256xi32, #tpu.memory_space<vmem_shared>>
              tpu.enqueue_dma source(%dma_start3A_274 : memref<256xi32, #tpu.memory_space<vmem_shared>>) target(%dma_start3A_272 : memref<256xi32, #tpu.memory_space<vmem>>) target_semaphore(%run_scoped3A : memref<!tpu.dma_semaphore, #tpu.memory_space<semaphore_mem>>)
              %dma_wait3A = tpu.memref_slice %arg16[%mul3A_268] : memref<2096xi32, #tpu.memory_space<vmem>> -> memref<256xi32, #tpu.memory_space<vmem>>
              %dma_wait3A_275 = tpu.memref_slice %arg31[%scan3A_201, %mul3A_266] : memref<16x2048xi32, #tpu.memory_space<vmem_shared>> -> memref<1x256xi32, #tpu.memory_space<vmem_shared>>
              %dma_wait3A_276 = tpu.memref_squeeze %dma_wait3A_275 : memref<1x256xi32, #tpu.memory_space<vmem_shared>> -> memref<256xi32, #tpu.memory_space<vmem_shared>>
              %dma_wait3A_277 = tpu.memref_slice %arg16[%mul3A_268] : memref<2096xi32, #tpu.memory_space<vmem>> -> memref<256xi32, #tpu.memory_space<vmem>>
              %dma_wait3A_278 = tpu.memref_slice %arg31[%scan3A_201, %mul3A_266] : memref<16x2048xi32, #tpu.memory_space<vmem_shared>> -> memref<1x256xi32, #tpu.memory_space<vmem_shared>>
              %dma_wait3A_279 = tpu.memref_squeeze %dma_wait3A_278 : memref<1x256xi32, #tpu.memory_space<vmem_shared>> -> memref<256xi32, #tpu.memory_space<vmem_shared>>
              tpu.wait_dma2 semaphore(%run_scoped3A : memref<!tpu.dma_semaphore, #tpu.memory_space<semaphore_mem>>) src(%dma_wait3A_279 : memref<256xi32, #tpu.memory_space<vmem_shared>>) dst(%dma_wait3A_277 : memref<256xi32, #tpu.memory_space<vmem>>)
              tpu.yield
            }) : () -> ()
            %while3A_269 = arith.constant 0 : i32
            scf.yield %while3A_269 : i32
          }
          %while3A_250 = arith.constant 1 : i32
          %while3A_251 = scf.for %while3A_263 = %while3A_247 to %while3A_243 step %while3A_250 iter_args(%while3A_264 = %while3A_249) -> (i32)  : i32 {
            %mul3A_265 = arith.constant 256 : i32
            %mul3A_266 = arith.muli %while3A_263, %mul3A_265 : i32
            %mul3A_267 = arith.constant 256 : i32
            %mul3A_268 = arith.muli %while3A_263, %mul3A_267 : i32
            "tpu.region"() ({
              %run_scoped3A = tpu.sem_alloc : memref<!tpu.dma_semaphore, #tpu.memory_space<semaphore_mem>>
              %dma_start3A = tpu.memref_slice %arg16[%mul3A_268] : memref<2096xi32, #tpu.memory_space<vmem>> -> memref<256xi32, #tpu.memory_space<vmem>>
              %dma_start3A_270 = tpu.memref_slice %arg31[%scan3A_201, %mul3A_266] : memref<16x2048xi32, #tpu.memory_space<vmem_shared>> -> memref<1x256xi32, #tpu.memory_space<vmem_shared>>
              %dma_start3A_271 = tpu.memref_squeeze %dma_start3A_270 : memref<1x256xi32, #tpu.memory_space<vmem_shared>> -> memref<256xi32, #tpu.memory_space<vmem_shared>>
              %dma_start3A_272 = tpu.memref_slice %arg16[%mul3A_268] : memref<2096xi32, #tpu.memory_space<vmem>> -> memref<256xi32, #tpu.memory_space<vmem>>
              %dma_start3A_273 = tpu.memref_slice %arg31[%scan3A_201, %mul3A_266] : memref<16x2048xi32, #tpu.memory_space<vmem_shared>> -> memref<1x256xi32, #tpu.memory_space<vmem_shared>>
              %dma_start3A_274 = tpu.memref_squeeze %dma_start3A_273 : memref<1x256xi32, #tpu.memory_space<vmem_shared>> -> memref<256xi32, #tpu.memory_space<vmem_shared>>
              tpu.enqueue_dma source(%dma_start3A_274 : memref<256xi32, #tpu.memory_space<vmem_shared>>) target(%dma_start3A_272 : memref<256xi32, #tpu.memory_space<vmem>>) target_semaphore(%run_scoped3A : memref<!tpu.dma_semaphore, #tpu.memory_space<semaphore_mem>>)
              %dma_wait3A = tpu.memref_slice %arg16[%mul3A_268] : memref<2096xi32, #tpu.memory_space<vmem>> -> memref<256xi32, #tpu.memory_space<vmem>>
              %dma_wait3A_275 = tpu.memref_slice %arg31[%scan3A_201, %mul3A_266] : memref<16x2048xi32, #tpu.memory_space<vmem_shared>> -> memref<1x256xi32, #tpu.memory_space<vmem_shared>>
              %dma_wait3A_276 = tpu.memref_squeeze %dma_wait3A_275 : memref<1x256xi32, #tpu.memory_space<vmem_shared>> -> memref<256xi32, #tpu.memory_space<vmem_shared>>
              %dma_wait3A_277 = tpu.memref_slice %arg16[%mul3A_268] : memref<2096xi32, #tpu.memory_space<vmem>> -> memref<256xi32, #tpu.memory_space<vmem>>
              %dma_wait3A_278 = tpu.memref_slice %arg31[%scan3A_201, %mul3A_266] : memref<16x2048xi32, #tpu.memory_space<vmem_shared>> -> memref<1x256xi32, #tpu.memory_space<vmem_shared>>
              %dma_wait3A_279 = tpu.memref_squeeze %dma_wait3A_278 : memref<1x256xi32, #tpu.memory_space<vmem_shared>> -> memref<256xi32, #tpu.memory_space<vmem_shared>>
              tpu.wait_dma2 semaphore(%run_scoped3A : memref<!tpu.dma_semaphore, #tpu.memory_space<semaphore_mem>>) src(%dma_wait3A_279 : memref<256xi32, #tpu.memory_space<vmem_shared>>) dst(%dma_wait3A_277 : memref<256xi32, #tpu.memory_space<vmem>>)
              tpu.yield
            }) : () -> ()
            %while3A_269 = arith.constant 0 : i32
            scf.yield %while3A_269 : i32
          }
          %while3A_252 = arith.constant 0 : i32
          %while3A_253 = arith.subi %squeeze3A_208, %while3A_252 : i32
          %while3A_254 = arith.addi %while3A_252, %while3A_253 : i32
          %while3A_255 = arith.constant 1 : i32
          %while3A_256 = arith.divsi %while3A_253, %while3A_255 : i32
          %while3A_257 = arith.muli %while3A_256, %while3A_255 : i32
          %while3A_258 = arith.addi %while3A_252, %while3A_257 : i32
          %while3A_259 = arith.constant 1 : i32
          %while3A_260 = scf.for %while3A_263 = %while3A_252 to %while3A_258 step %while3A_259 iter_args(%while3A_264 = %scan3A_202) -> (i32)  : i32 {
            %get3A_265 = arith.index_cast %while3A_263 : i32 to index
            %get3A_266 = tpu.vector_load %arg16[%get3A_265] {strides = array<i32>} : memref<2096xi32, #tpu.memory_space<vmem>>, vector<16xi32>,
            %slice3A_267 = vector.extract_strided_slice %get3A_266 {offsets = [0], sizes = [1], strides = [1]} : vector<16xi32> to vector<1xi32>
            %squeeze3A_268 = vector.extract %slice3A_267[0] : i32 from vector<1xi32>
            %get3A_269 = arith.index_cast %squeeze3A_268 : i32 to index
            %get3A_270 = tpu.vector_load %arg13[%get3A_269] {strides = array<i32>} : memref<10240xi32, #tpu.memory_space<vmem>>, vector<16xi32>,
            %slice3A_271 = vector.extract_strided_slice %get3A_270 {offsets = [0], sizes = [1], strides = [1]} : vector<16xi32> to vector<1xi32>
            %squeeze3A_272 = vector.extract %slice3A_271[0] : i32 from vector<1xi32>
            %lt3A_273 = arith.constant 0 : i32
            %lt3A_274 = arith.cmpi slt, %squeeze3A_272, %lt3A_273 : i32
            %select_n3A_275 = arith.select %lt3A_274, %while3A_264, %squeeze3A_272 : i32
            %iota3A_276 = tpu.iota {dimensions = array<i32: 0>} : vector<16xi32>
            %broadcast_in_dim3A_277 = vector.broadcast %squeeze3A_268 : i32 to vector<16xi32>
            %broadcast_in_dim3A_278 = vector.broadcast %select_n3A_275 : i32 to vector<16xi32>
            %eq3A_279 = arith.constant 0 : i32
            %eq3A_280 = vector.broadcast %eq3A_279 : i32 to vector<16xi32>
            %eq3A_281 = arith.cmpi eq, %iota3A_276, %eq3A_280 : vector<16xi32>
            tpu.vector_store_idx %arg13[%broadcast_in_dim3A_277], %broadcast_in_dim3A_278 masked %eq3A_281 : memref<10240xi32, #tpu.memory_space<vmem>>[vector<16xi32>], vector<16xi32>, vector<16xi1>
            %iota3A_282 = tpu.iota {dimensions = array<i32: 0>} : vector<16xi32>
            %broadcast_in_dim3A_283 = vector.broadcast %select_n3A_275 : i32 to vector<16xi32>
            %broadcast_in_dim3A_284 = vector.broadcast %squeeze3A_268 : i32 to vector<16xi32>
            %eq3A_285 = arith.constant 0 : i32
            %eq3A_286 = vector.broadcast %eq3A_285 : i32 to vector<16xi32>
            %eq3A_287 = arith.cmpi eq, %iota3A_282, %eq3A_286 : vector<16xi32>
            tpu.vector_store_idx %arg14[%broadcast_in_dim3A_283], %broadcast_in_dim3A_284 masked %eq3A_287 : memref<10240xi32, #tpu.memory_space<vmem>>[vector<16xi32>], vector<16xi32>, vector<16xi1>
            %get3A_288 = arith.index_cast %squeeze3A_268 : i32 to index
            %get3A_289 = tpu.vector_load %arg12[%get3A_288] {strides = array<i32>} : memref<10240xf32, #tpu.memory_space<vmem>>, vector<16xf32>,
            %slice3A_290 = vector.extract_strided_slice %get3A_289 {offsets = [0], sizes = [1], strides = [1]} : vector<16xf32> to vector<1xf32>
            %squeeze3A_291 = vector.extract %slice3A_290[0] : f32 from vector<1xf32>
            %add3A_292 = arith.constant 0.000000e+00 : f32
            %add3A_293 = arith.addf %squeeze3A_291, %add3A_292 : f32
            %get3A_294 = arith.index_cast %select_n3A_275 : i32 to index
            %get3A_295 = tpu.vector_load %arg15[%get3A_294] {strides = array<i32>} : memref<10240xf32, #tpu.memory_space<vmem>>, vector<16xf32>,
            %slice3A_296 = vector.extract_strided_slice %get3A_295 {offsets = [0], sizes = [1], strides = [1]} : vector<16xf32> to vector<1xf32>
            %squeeze3A_297 = vector.extract %slice3A_296[0] : f32 from vector<1xf32>
            %jit3A_298 = arith.constant 0.000000e+00 : f32
            %select_n3A_299 = arith.select %lt3A_274, %jit3A_298, %squeeze3A_297 : f32
            %add3A_300 = arith.addf %select_n3A_299, %add3A_293 : f32
            %iota3A_301 = tpu.iota {dimensions = array<i32: 0>} : vector<16xi32>
            %broadcast_in_dim3A_302 = vector.broadcast %select_n3A_275 : i32 to vector<16xi32>
            %broadcast_in_dim3A_303 = vector.broadcast %add3A_300 : f32 to vector<16xf32>
            %eq3A_304 = arith.constant 0 : i32
            %eq3A_305 = vector.broadcast %eq3A_304 : i32 to vector<16xi32>
            %eq3A_306 = arith.cmpi eq, %iota3A_301, %eq3A_305 : vector<16xi32>
            tpu.vector_store_idx %arg15[%broadcast_in_dim3A_302], %broadcast_in_dim3A_303 masked %eq3A_306 : memref<10240xf32, #tpu.memory_space<vmem>>[vector<16xi32>], vector<16xf32>, vector<16xi1>
            %jit3A_307 = arith.constant 1 : i32
            %jit3A_308 = arith.constant 0 : i32
            %select_n3A_309 = arith.select %lt3A_274, %jit3A_307, %jit3A_308 : i32
            %add3A_310 = arith.addi %while3A_264, %select_n3A_309 : i32
            scf.yield %add3A_310 : i32
          }
          %while3A_261 = arith.constant 1 : i32
          %while3A_262 = scf.for %while3A_263 = %while3A_258 to %while3A_254 step %while3A_261 iter_args(%while3A_264 = %while3A_260) -> (i32)  : i32 {
            %get3A_265 = arith.index_cast %while3A_263 : i32 to index
            %get3A_266 = tpu.vector_load %arg16[%get3A_265] {strides = array<i32>} : memref<2096xi32, #tpu.memory_space<vmem>>, vector<16xi32>,
            %slice3A_267 = vector.extract_strided_slice %get3A_266 {offsets = [0], sizes = [1], strides = [1]} : vector<16xi32> to vector<1xi32>
            %squeeze3A_268 = vector.extract %slice3A_267[0] : i32 from vector<1xi32>
            %get3A_269 = arith.index_cast %squeeze3A_268 : i32 to index
            %get3A_270 = tpu.vector_load %arg13[%get3A_269] {strides = array<i32>} : memref<10240xi32, #tpu.memory_space<vmem>>, vector<16xi32>,
            %slice3A_271 = vector.extract_strided_slice %get3A_270 {offsets = [0], sizes = [1], strides = [1]} : vector<16xi32> to vector<1xi32>
            %squeeze3A_272 = vector.extract %slice3A_271[0] : i32 from vector<1xi32>
            %lt3A_273 = arith.constant 0 : i32
            %lt3A_274 = arith.cmpi slt, %squeeze3A_272, %lt3A_273 : i32
            %select_n3A_275 = arith.select %lt3A_274, %while3A_264, %squeeze3A_272 : i32
            %iota3A_276 = tpu.iota {dimensions = array<i32: 0>} : vector<16xi32>
            %broadcast_in_dim3A_277 = vector.broadcast %squeeze3A_268 : i32 to vector<16xi32>
            %broadcast_in_dim3A_278 = vector.broadcast %select_n3A_275 : i32 to vector<16xi32>
            %eq3A_279 = arith.constant 0 : i32
            %eq3A_280 = vector.broadcast %eq3A_279 : i32 to vector<16xi32>
            %eq3A_281 = arith.cmpi eq, %iota3A_276, %eq3A_280 : vector<16xi32>
            tpu.vector_store_idx %arg13[%broadcast_in_dim3A_277], %broadcast_in_dim3A_278 masked %eq3A_281 : memref<10240xi32, #tpu.memory_space<vmem>>[vector<16xi32>], vector<16xi32>, vector<16xi1>
            %iota3A_282 = tpu.iota {dimensions = array<i32: 0>} : vector<16xi32>
            %broadcast_in_dim3A_283 = vector.broadcast %select_n3A_275 : i32 to vector<16xi32>
            %broadcast_in_dim3A_284 = vector.broadcast %squeeze3A_268 : i32 to vector<16xi32>
            %eq3A_285 = arith.constant 0 : i32
            %eq3A_286 = vector.broadcast %eq3A_285 : i32 to vector<16xi32>
            %eq3A_287 = arith.cmpi eq, %iota3A_282, %eq3A_286 : vector<16xi32>
            tpu.vector_store_idx %arg14[%broadcast_in_dim3A_283], %broadcast_in_dim3A_284 masked %eq3A_287 : memref<10240xi32, #tpu.memory_space<vmem>>[vector<16xi32>], vector<16xi32>, vector<16xi1>
            %get3A_288 = arith.index_cast %squeeze3A_268 : i32 to index
            %get3A_289 = tpu.vector_load %arg12[%get3A_288] {strides = array<i32>} : memref<10240xf32, #tpu.memory_space<vmem>>, vector<16xf32>,
            %slice3A_290 = vector.extract_strided_slice %get3A_289 {offsets = [0], sizes = [1], strides = [1]} : vector<16xf32> to vector<1xf32>
            %squeeze3A_291 = vector.extract %slice3A_290[0] : f32 from vector<1xf32>
            %add3A_292 = arith.constant 0.000000e+00 : f32
            %add3A_293 = arith.addf %squeeze3A_291, %add3A_292 : f32
            %get3A_294 = arith.index_cast %select_n3A_275 : i32 to index
            %get3A_295 = tpu.vector_load %arg15[%get3A_294] {strides = array<i32>} : memref<10240xf32, #tpu.memory_space<vmem>>, vector<16xf32>,
            %slice3A_296 = vector.extract_strided_slice %get3A_295 {offsets = [0], sizes = [1], strides = [1]} : vector<16xf32> to vector<1xf32>
            %squeeze3A_297 = vector.extract %slice3A_296[0] : f32 from vector<1xf32>
            %jit3A_298 = arith.constant 0.000000e+00 : f32
            %select_n3A_299 = arith.select %lt3A_274, %jit3A_298, %squeeze3A_297 : f32
            %add3A_300 = arith.addf %select_n3A_299, %add3A_293 : f32
            %iota3A_301 = tpu.iota {dimensions = array<i32: 0>} : vector<16xi32>
            %broadcast_in_dim3A_302 = vector.broadcast %select_n3A_275 : i32 to vector<16xi32>
            %broadcast_in_dim3A_303 = vector.broadcast %add3A_300 : f32 to vector<16xf32>
            %eq3A_304 = arith.constant 0 : i32
            %eq3A_305 = vector.broadcast %eq3A_304 : i32 to vector<16xi32>
            %eq3A_306 = arith.cmpi eq, %iota3A_301, %eq3A_305 : vector<16xi32>
            tpu.vector_store_idx %arg15[%broadcast_in_dim3A_302], %broadcast_in_dim3A_303 masked %eq3A_306 : memref<10240xf32, #tpu.memory_space<vmem>>[vector<16xi32>], vector<16xf32>, vector<16xi1>
            %jit3A_307 = arith.constant 1 : i32
            %jit3A_308 = arith.constant 0 : i32
            %select_n3A_309 = arith.select %lt3A_274, %jit3A_307, %jit3A_308 : i32
            %add3A_310 = arith.addi %while3A_264, %select_n3A_309 : i32
            scf.yield %add3A_310 : i32
          }
          scf.yield %while3A_262 : i32
        } else {
          %scan3A_214 = arith.constant 0 : i32
          %scan3A_215 = arith.constant 5 : i32
          %scan3A_216 = arith.addi %scan3A_214, %scan3A_215 : i32
          %scan3A_217 = arith.constant 1 : i32
          %scan3A_218 = scf.for %scan3A_220 = %scan3A_214 to %scan3A_216 step %scan3A_217 iter_args(%scan3A_221 = %scan3A_202) -> (i32)  : i32 {
            %mul3A_222 = arith.constant 20000 : i32
            %mul3A_223 = arith.muli %scan3A_201, %mul3A_222 : i32
            %mul3A_224 = arith.constant 4000 : i32
            %mul3A_225 = arith.muli %scan3A_220, %mul3A_224 : i32
            %add3A_226 = arith.addi %mul3A_223, %mul3A_225 : i32
            "tpu.region"() ({
              %run_scoped3A = tpu.sem_alloc : memref<!tpu.dma_semaphore, #tpu.memory_space<semaphore_mem>>
              %dma_start3A = arith.constant 0 : i32
              %dma_start3A_233 = tpu.memref_slice %arg11[%dma_start3A] : memref<4016xi32, #tpu.memory_space<vmem>> -> memref<4000xi32, #tpu.memory_space<vmem>>
              %dma_start3A_234 = tpu.memref_slice %arg4[%add3A_226] : memref<320000xi32, #tpu.memory_space<hbm>> -> memref<4000xi32, #tpu.memory_space<hbm>>
              %dma_start3A_235 = arith.constant 0 : i32
              %dma_start3A_236 = tpu.memref_slice %arg11[%dma_start3A_235] : memref<4016xi32, #tpu.memory_space<vmem>> -> memref<4000xi32, #tpu.memory_space<vmem>>
              %dma_start3A_237 = tpu.memref_slice %arg4[%add3A_226] : memref<320000xi32, #tpu.memory_space<hbm>> -> memref<4000xi32, #tpu.memory_space<hbm>>
              tpu.enqueue_dma source(%dma_start3A_237 : memref<4000xi32, #tpu.memory_space<hbm>>) target(%dma_start3A_236 : memref<4000xi32, #tpu.memory_space<vmem>>) target_semaphore(%run_scoped3A : memref<!tpu.dma_semaphore, #tpu.memory_space<semaphore_mem>>)
              %dma_wait3A = arith.constant 0 : i32
              %dma_wait3A_238 = tpu.memref_slice %arg11[%dma_wait3A] : memref<4016xi32, #tpu.memory_space<vmem>> -> memref<4000xi32, #tpu.memory_space<vmem>>
              %dma_wait3A_239 = tpu.memref_slice %arg4[%add3A_226] : memref<320000xi32, #tpu.memory_space<hbm>> -> memref<4000xi32, #tpu.memory_space<hbm>>
              %dma_wait3A_240 = arith.constant 0 : i32
              %dma_wait3A_241 = tpu.memref_slice %arg11[%dma_wait3A_240] : memref<4016xi32, #tpu.memory_space<vmem>> -> memref<4000xi32, #tpu.memory_space<vmem>>
              %dma_wait3A_242 = tpu.memref_slice %arg4[%add3A_226] : memref<320000xi32, #tpu.memory_space<hbm>> -> memref<4000xi32, #tpu.memory_space<hbm>>
              tpu.wait_dma2 semaphore(%run_scoped3A : memref<!tpu.dma_semaphore, #tpu.memory_space<semaphore_mem>>) src(%dma_wait3A_242 : memref<4000xi32, #tpu.memory_space<hbm>>) dst(%dma_wait3A_241 : memref<4000xi32, #tpu.memory_space<vmem>>)
              tpu.yield
            }) : () -> ()
            "tpu.region"() ({
              %run_scoped3A = tpu.sem_alloc : memref<!tpu.dma_semaphore, #tpu.memory_space<semaphore_mem>>
              %dma_start3A = arith.constant 0 : i32
              %dma_start3A_233 = tpu.memref_slice %arg10[%dma_start3A] : memref<4016xi32, #tpu.memory_space<vmem>> -> memref<4000xi32, #tpu.memory_space<vmem>>
              %dma_start3A_234 = tpu.memref_slice %arg3[%add3A_226] : memref<320000xi32, #tpu.memory_space<hbm>> -> memref<4000xi32, #tpu.memory_space<hbm>>
              %dma_start3A_235 = arith.constant 0 : i32
              %dma_start3A_236 = tpu.memref_slice %arg10[%dma_start3A_235] : memref<4016xi32, #tpu.memory_space<vmem>> -> memref<4000xi32, #tpu.memory_space<vmem>>
              %dma_start3A_237 = tpu.memref_slice %arg3[%add3A_226] : memref<320000xi32, #tpu.memory_space<hbm>> -> memref<4000xi32, #tpu.memory_space<hbm>>
              tpu.enqueue_dma source(%dma_start3A_237 : memref<4000xi32, #tpu.memory_space<hbm>>) target(%dma_start3A_236 : memref<4000xi32, #tpu.memory_space<vmem>>) target_semaphore(%run_scoped3A : memref<!tpu.dma_semaphore, #tpu.memory_space<semaphore_mem>>)
              %dma_wait3A = arith.constant 0 : i32
              %dma_wait3A_238 = tpu.memref_slice %arg10[%dma_wait3A] : memref<4016xi32, #tpu.memory_space<vmem>> -> memref<4000xi32, #tpu.memory_space<vmem>>
              %dma_wait3A_239 = tpu.memref_slice %arg3[%add3A_226] : memref<320000xi32, #tpu.memory_space<hbm>> -> memref<4000xi32, #tpu.memory_space<hbm>>
              %dma_wait3A_240 = arith.constant 0 : i32
              %dma_wait3A_241 = tpu.memref_slice %arg10[%dma_wait3A_240] : memref<4016xi32, #tpu.memory_space<vmem>> -> memref<4000xi32, #tpu.memory_space<vmem>>
              %dma_wait3A_242 = tpu.memref_slice %arg3[%add3A_226] : memref<320000xi32, #tpu.memory_space<hbm>> -> memref<4000xi32, #tpu.memory_space<hbm>>
              tpu.wait_dma2 semaphore(%run_scoped3A : memref<!tpu.dma_semaphore, #tpu.memory_space<semaphore_mem>>) src(%dma_wait3A_242 : memref<4000xi32, #tpu.memory_space<hbm>>) dst(%dma_wait3A_241 : memref<4000xi32, #tpu.memory_space<vmem>>)
              tpu.yield
            }) : () -> ()
            %scan3A_227 = arith.constant 0 : i32
            %scan3A_228 = arith.constant 250 : i32
            %scan3A_229 = arith.addi %scan3A_227, %scan3A_228 : i32
            %scan3A_230 = arith.constant 1 : i32
            %scan3A_231 = scf.for %scan3A_233 = %scan3A_227 to %scan3A_229 step %scan3A_230 iter_args(%scan3A_234 = %scan3A_221) -> (i32)  : i32 {
              %mul3A_235 = arith.constant 16 : i32
              %mul3A_236 = arith.muli %scan3A_233, %mul3A_235 : i32
              %get3A_237 = arith.index_cast %mul3A_236 : i32 to index
              %get3A_238 = tpu.vector_load %arg11[%get3A_237] {strides = array<i32>} : memref<4016xi32, #tpu.memory_space<vmem>>, vector<16xi32>,
              %eq3A_239 = vector.broadcast %sub3A_2 : i32 to vector<16xi32>
              %eq3A_240 = arith.cmpi eq, %get3A_238, %eq3A_239 : vector<16xi32>
              %jit3A_241 = arith.constant 1 : i32
              %jit3A_242 = arith.constant 0 : i32
              %broadcast_in_dim3A_243 = vector.broadcast %jit3A_241 : i32 to vector<16xi32>
              %broadcast_in_dim3A_244 = vector.broadcast %jit3A_242 : i32 to vector<16xi32>
              %select_n3A_245 = arith.select %eq3A_240, %broadcast_in_dim3A_243, %broadcast_in_dim3A_244 : vector<16xi1>, vector<16xi32>
              %reduce_sum3A = arith.constant true
              %reduce_sum3A_246 = vector.broadcast %reduce_sum3A : i1 to vector<16xi1>
              %reduce_sum3A_247 = tpu.scan <sum>, %select_n3A_245 masked %reduce_sum3A_246 : vector<16xi32>, vector<16xi1> -> vector<16xi32>
              %reduce_sum3A_248 = vector.extract %reduce_sum3A_247[15] : i32 from vector<16xi32>
              %gt3A = arith.constant 0 : i32
              %gt3A_249 = arith.cmpi sgt, %reduce_sum3A_248, %gt3A : i32
              %convert_element_type3A_250 = arith.extui %gt3A_249 : i1 to i32
              %cond3A_251 = arith.constant 0 : i32
              %cond3A_252 = arith.cmpi ne, %convert_element_type3A_250, %cond3A_251 : i32
              %cond3A_253 = scf.if %cond3A_252 -> (i32) {
                %scan3A_254 = arith.constant 0 : i32
                %scan3A_255 = arith.constant 16 : i32
                %scan3A_256 = arith.addi %scan3A_254, %scan3A_255 : i32
                %scan3A_257 = arith.constant 1 : i32
                %scan3A_258 = scf.for %scan3A_260 = %scan3A_254 to %scan3A_256 step %scan3A_257 iter_args(%scan3A_261 = %scan3A_234) -> (i32)  : i32 {
                  %add3A_262 = arith.addi %mul3A_236, %scan3A_260 : i32
                  %get3A_263 = arith.index_cast %add3A_262 : i32 to index
                  %get3A_264 = tpu.vector_load %arg11[%get3A_263] {strides = array<i32>} : memref<4016xi32, #tpu.memory_space<vmem>>, vector<16xi32>,
                  %slice3A_265 = vector.extract_strided_slice %get3A_264 {offsets = [0], sizes = [1], strides = [1]} : vector<16xi32> to vector<1xi32>
                  %squeeze3A_266 = vector.extract %slice3A_265[0] : i32 from vector<1xi32>
                  %eq3A_267 = arith.cmpi eq, %squeeze3A_266, %sub3A_2 : i32
                  %convert_element_type3A_268 = arith.extui %eq3A_267 : i1 to i32
                  %cond3A_269 = arith.constant 0 : i32
                  %cond3A_270 = arith.cmpi ne, %convert_element_type3A_268, %cond3A_269 : i32
                  %cond3A_271 = scf.if %cond3A_270 -> (i32) {
                    %add3A_272 = arith.addi %mul3A_236, %scan3A_260 : i32
                    %get3A_273 = arith.index_cast %add3A_272 : i32 to index
                    %get3A_274 = tpu.vector_load %arg10[%get3A_273] {strides = array<i32>} : memref<4016xi32, #tpu.memory_space<vmem>>, vector<16xi32>,
                    %slice3A_275 = vector.extract_strided_slice %get3A_274 {offsets = [0], sizes = [1], strides = [1]} : vector<16xi32> to vector<1xi32>
                    %squeeze3A_276 = vector.extract %slice3A_275[0] : i32 from vector<1xi32>
                    %get3A_277 = arith.index_cast %squeeze3A_276 : i32 to index
                    %get3A_278 = tpu.vector_load %arg13[%get3A_277] {strides = array<i32>} : memref<10240xi32, #tpu.memory_space<vmem>>, vector<16xi32>,
                    %slice3A_279 = vector.extract_strided_slice %get3A_278 {offsets = [0], sizes = [1], strides = [1]} : vector<16xi32> to vector<1xi32>
                    %squeeze3A_280 = vector.extract %slice3A_279[0] : i32 from vector<1xi32>
                    %lt3A_281 = arith.constant 0 : i32
                    %lt3A_282 = arith.cmpi slt, %squeeze3A_280, %lt3A_281 : i32
                    %select_n3A_283 = arith.select %lt3A_282, %scan3A_261, %squeeze3A_280 : i32
                    %iota3A_284 = tpu.iota {dimensions = array<i32: 0>} : vector<16xi32>
                    %broadcast_in_dim3A_285 = vector.broadcast %squeeze3A_276 : i32 to vector<16xi32>
                    %broadcast_in_dim3A_286 = vector.broadcast %select_n3A_283 : i32 to vector<16xi32>
                    %eq3A_287 = arith.constant 0 : i32
                    %eq3A_288 = vector.broadcast %eq3A_287 : i32 to vector<16xi32>
                    %eq3A_289 = arith.cmpi eq, %iota3A_284, %eq3A_288 : vector<16xi32>
                    tpu.vector_store_idx %arg13[%broadcast_in_dim3A_285], %broadcast_in_dim3A_286 masked %eq3A_289 : memref<10240xi32, #tpu.memory_space<vmem>>[vector<16xi32>], vector<16xi32>, vector<16xi1>
                    %iota3A_290 = tpu.iota {dimensions = array<i32: 0>} : vector<16xi32>
                    %broadcast_in_dim3A_291 = vector.broadcast %select_n3A_283 : i32 to vector<16xi32>
                    %broadcast_in_dim3A_292 = vector.broadcast %squeeze3A_276 : i32 to vector<16xi32>
                    %eq3A_293 = arith.constant 0 : i32
                    %eq3A_294 = vector.broadcast %eq3A_293 : i32 to vector<16xi32>
                    %eq3A_295 = arith.cmpi eq, %iota3A_290, %eq3A_294 : vector<16xi32>
                    tpu.vector_store_idx %arg14[%broadcast_in_dim3A_291], %broadcast_in_dim3A_292 masked %eq3A_295 : memref<10240xi32, #tpu.memory_space<vmem>>[vector<16xi32>], vector<16xi32>, vector<16xi1>
                    %get3A_296 = arith.index_cast %squeeze3A_276 : i32 to index
                    %get3A_297 = tpu.vector_load %arg12[%get3A_296] {strides = array<i32>} : memref<10240xf32, #tpu.memory_space<vmem>>, vector<16xf32>,
                    %slice3A_298 = vector.extract_strided_slice %get3A_297 {offsets = [0], sizes = [1], strides = [1]} : vector<16xf32> to vector<1xf32>
                    %squeeze3A_299 = vector.extract %slice3A_298[0] : f32 from vector<1xf32>
                    %add3A_300 = arith.constant 0.000000e+00 : f32
                    %add3A_301 = arith.addf %squeeze3A_299, %add3A_300 : f32
                    %get3A_302 = arith.index_cast %select_n3A_283 : i32 to index
                    %get3A_303 = tpu.vector_load %arg15[%get3A_302] {strides = array<i32>} : memref<10240xf32, #tpu.memory_space<vmem>>, vector<16xf32>,
                    %slice3A_304 = vector.extract_strided_slice %get3A_303 {offsets = [0], sizes = [1], strides = [1]} : vector<16xf32> to vector<1xf32>
                    %squeeze3A_305 = vector.extract %slice3A_304[0] : f32 from vector<1xf32>
                    %jit3A_306 = arith.constant 0.000000e+00 : f32
                    %select_n3A_307 = arith.select %lt3A_282, %jit3A_306, %squeeze3A_305 : f32
                    %add3A_308 = arith.addf %select_n3A_307, %add3A_301 : f32
                    %iota3A_309 = tpu.iota {dimensions = array<i32: 0>} : vector<16xi32>
                    %broadcast_in_dim3A_310 = vector.broadcast %select_n3A_283 : i32 to vector<16xi32>
                    %broadcast_in_dim3A_311 = vector.broadcast %add3A_308 : f32 to vector<16xf32>
                    %eq3A_312 = arith.constant 0 : i32
                    %eq3A_313 = vector.broadcast %eq3A_312 : i32 to vector<16xi32>
                    %eq3A_314 = arith.cmpi eq, %iota3A_309, %eq3A_313 : vector<16xi32>
                    tpu.vector_store_idx %arg15[%broadcast_in_dim3A_310], %broadcast_in_dim3A_311 masked %eq3A_314 : memref<10240xf32, #tpu.memory_space<vmem>>[vector<16xi32>], vector<16xf32>, vector<16xi1>
                    %jit3A_315 = arith.constant 1 : i32
                    %jit3A_316 = arith.constant 0 : i32
                    %select_n3A_317 = arith.select %lt3A_282, %jit3A_315, %jit3A_316 : i32
                    %add3A_318 = arith.addi %scan3A_261, %select_n3A_317 : i32
                    scf.yield %add3A_318 : i32
                  } else {
                    scf.yield %scan3A_261 : i32
                  }
                  scf.yield %cond3A_271 : i32
                }
                %scan3A_259 = arith.constant 16 : i32
                scf.yield %scan3A_258 : i32
              } else {
                scf.yield %scan3A_234 : i32
              }
              scf.yield %cond3A_253 : i32
            }
            %scan3A_232 = arith.constant 250 : i32
            scf.yield %scan3A_231 : i32
          }
          %scan3A_219 = arith.constant 5 : i32
          scf.yield %scan3A_218 : i32
        }
        scf.yield %cond3A_213 : i32
      }
      %scan3A_156 = arith.constant 16 : i32
      %get3A_157 = arith.index_cast %sub3A_2 : i32 to index
      %get3A_158 = tpu.vector_load %arg13[%get3A_157] {strides = array<i32>} : memref<10240xi32, #tpu.memory_space<vmem>>, vector<16xi32>,
      %slice3A_159 = vector.extract_strided_slice %get3A_158 {offsets = [0], sizes = [1], strides = [1]} : vector<16xi32> to vector<1xi32>
      %squeeze3A_160 = vector.extract %slice3A_159[0] : i32 from vector<1xi32>
      %lt3A = arith.constant 0 : i32
      %lt3A_161 = arith.cmpi slt, %squeeze3A_160, %lt3A : i32
      %select_n3A_162 = arith.select %lt3A_161, %scan3A_155, %squeeze3A_160 : i32
      %iota3A_163 = tpu.iota {dimensions = array<i32: 0>} : vector<16xi32>
      %broadcast_in_dim3A_164 = vector.broadcast %sub3A_2 : i32 to vector<16xi32>
      %broadcast_in_dim3A_165 = vector.broadcast %select_n3A_162 : i32 to vector<16xi32>
      %eq3A_166 = arith.constant 0 : i32
      %eq3A_167 = vector.broadcast %eq3A_166 : i32 to vector<16xi32>
      %eq3A_168 = arith.cmpi eq, %iota3A_163, %eq3A_167 : vector<16xi32>
      tpu.vector_store_idx %arg13[%broadcast_in_dim3A_164], %broadcast_in_dim3A_165 masked %eq3A_168 : memref<10240xi32, #tpu.memory_space<vmem>>[vector<16xi32>], vector<16xi32>, vector<16xi1>
      %iota3A_169 = tpu.iota {dimensions = array<i32: 0>} : vector<16xi32>
      %broadcast_in_dim3A_170 = vector.broadcast %select_n3A_162 : i32 to vector<16xi32>
      %broadcast_in_dim3A_171 = vector.broadcast %sub3A_2 : i32 to vector<16xi32>
      %eq3A_172 = arith.constant 0 : i32
      %eq3A_173 = vector.broadcast %eq3A_172 : i32 to vector<16xi32>
      %eq3A_174 = arith.cmpi eq, %iota3A_169, %eq3A_173 : vector<16xi32>
      tpu.vector_store_idx %arg14[%broadcast_in_dim3A_170], %broadcast_in_dim3A_171 masked %eq3A_174 : memref<10240xi32, #tpu.memory_space<vmem>>[vector<16xi32>], vector<16xi32>, vector<16xi1>
      %get3A_175 = arith.index_cast %sub3A_2 : i32 to index
      %get3A_176 = tpu.vector_load %arg12[%get3A_175] {strides = array<i32>} : memref<10240xf32, #tpu.memory_space<vmem>>, vector<16xf32>,
      %slice3A_177 = vector.extract_strided_slice %get3A_176 {offsets = [0], sizes = [1], strides = [1]} : vector<16xf32> to vector<1xf32>
      %squeeze3A_178 = vector.extract %slice3A_177[0] : f32 from vector<1xf32>
      %add3A_179 = arith.constant 0.000000e+00 : f32
      %add3A_180 = arith.addf %squeeze3A_178, %add3A_179 : f32
      %get3A_181 = arith.index_cast %select_n3A_162 : i32 to index
      %get3A_182 = tpu.vector_load %arg15[%get3A_181] {strides = array<i32>} : memref<10240xf32, #tpu.memory_space<vmem>>, vector<16xf32>,
      %slice3A_183 = vector.extract_strided_slice %get3A_182 {offsets = [0], sizes = [1], strides = [1]} : vector<16xf32> to vector<1xf32>
      %squeeze3A_184 = vector.extract %slice3A_183[0] : f32 from vector<1xf32>
      %jit3A_185 = arith.constant 0.000000e+00 : f32
      %select_n3A_186 = arith.select %lt3A_161, %jit3A_185, %squeeze3A_184 : f32
      %add3A_187 = arith.addf %select_n3A_186, %add3A_180 : f32
      %iota3A_188 = tpu.iota {dimensions = array<i32: 0>} : vector<16xi32>
      %broadcast_in_dim3A_189 = vector.broadcast %select_n3A_162 : i32 to vector<16xi32>
      %broadcast_in_dim3A_190 = vector.broadcast %add3A_187 : f32 to vector<16xf32>
      %eq3A_191 = arith.constant 0 : i32
      %eq3A_192 = vector.broadcast %eq3A_191 : i32 to vector<16xi32>
      %eq3A_193 = arith.cmpi eq, %iota3A_188, %eq3A_192 : vector<16xi32>
      tpu.vector_store_idx %arg15[%broadcast_in_dim3A_189], %broadcast_in_dim3A_190 masked %eq3A_193 : memref<10240xf32, #tpu.memory_space<vmem>>[vector<16xi32>], vector<16xf32>, vector<16xi1>
      %jit3A_194 = arith.constant 1 : i32
      %jit3A_195 = arith.constant 0 : i32
      %select_n3A_196 = arith.select %lt3A_161, %jit3A_194, %jit3A_195 : i32
      %add3A_197 = arith.addi %scan3A_155, %select_n3A_196 : i32
      %broadcast_in_dim3A_198 = vector.broadcast %add3A_197 : i32 to vector<16xi32>
      %swap3A_199 = arith.constant 0 : index
      %swap3A_200 = tpu.vector_load %arg24[%swap3A_199] {strides = array<i32>} : memref<16xi32, #tpu.memory_space<vmem>>, vector<16xi32>,
      tpu.vector_store %arg24[%swap3A_199], %broadcast_in_dim3A_198 {strides = array<i32>} : memref<16xi32, #tpu.memory_space<vmem>>, vector<16xi32>,
      "tpu.region"() ({
        %run_scoped3A = tpu.sem_alloc : memref<!tpu.dma_semaphore, #tpu.memory_space<semaphore_mem>>
        tpu.enqueue_dma source(%arg24 : memref<16xi32, #tpu.memory_space<vmem>>) target(%arg35 : memref<16xi32, #tpu.memory_space<vmem_shared>>) target_semaphore(%run_scoped3A : memref<!tpu.dma_semaphore, #tpu.memory_space<semaphore_mem>>)
        tpu.wait_dma2 semaphore(%run_scoped3A : memref<!tpu.dma_semaphore, #tpu.memory_space<semaphore_mem>>) src(%arg24 : memref<16xi32, #tpu.memory_space<vmem>>) dst(%arg35 : memref<16xi32, #tpu.memory_space<vmem_shared>>)
        tpu.yield
      }) : () -> ()
      "tpu.region"() ({
        %run_scoped3A = tpu.sem_alloc : memref<!tpu.dma_semaphore, #tpu.memory_space<semaphore_mem>>
        tpu.enqueue_dma source(%arg13 : memref<10240xi32, #tpu.memory_space<vmem>>) target(%arg33 : memref<10240xi32, #tpu.memory_space<vmem_shared>>) target_semaphore(%run_scoped3A : memref<!tpu.dma_semaphore, #tpu.memory_space<semaphore_mem>>)
        tpu.wait_dma2 semaphore(%run_scoped3A : memref<!tpu.dma_semaphore, #tpu.memory_space<semaphore_mem>>) src(%arg13 : memref<10240xi32, #tpu.memory_space<vmem>>) dst(%arg33 : memref<10240xi32, #tpu.memory_space<vmem_shared>>)
        tpu.yield
      }) : () -> ()
      "tpu.region"() ({
        %run_scoped3A = tpu.sem_alloc : memref<!tpu.dma_semaphore, #tpu.memory_space<semaphore_mem>>
        tpu.enqueue_dma source(%arg14 : memref<10240xi32, #tpu.memory_space<vmem>>) target(%arg34 : memref<10240xi32, #tpu.memory_space<vmem_shared>>) target_semaphore(%run_scoped3A : memref<!tpu.dma_semaphore, #tpu.memory_space<semaphore_mem>>)
        tpu.wait_dma2 semaphore(%run_scoped3A : memref<!tpu.dma_semaphore, #tpu.memory_space<semaphore_mem>>) src(%arg14 : memref<10240xi32, #tpu.memory_space<vmem>>) dst(%arg34 : memref<10240xi32, #tpu.memory_space<vmem_shared>>)
        tpu.yield
      }) : () -> ()
      "tpu.region"() ({
        %run_scoped3A = tpu.sem_alloc : memref<!tpu.dma_semaphore, #tpu.memory_space<semaphore_mem>>
        tpu.enqueue_dma source(%arg15 : memref<10240xf32, #tpu.memory_space<vmem>>) target(%arg7 : memref<10240xf32, #tpu.memory_space<hbm>>) target_semaphore(%run_scoped3A : memref<!tpu.dma_semaphore, #tpu.memory_space<semaphore_mem>>)
        tpu.wait_dma2 semaphore(%run_scoped3A : memref<!tpu.dma_semaphore, #tpu.memory_space<semaphore_mem>>) src(%arg15 : memref<10240xf32, #tpu.memory_space<vmem>>) dst(%arg7 : memref<10240xf32, #tpu.memory_space<hbm>>)
        tpu.yield
      }) : () -> ()
    } else {
    }
    %barrier3A_77 = arith.constant 0 : index
    tpu.barrier barrier_id(%barrier3A_77)
    "tpu.region"() ({
      %run_scoped3A = tpu.sem_alloc : memref<!tpu.dma_semaphore, #tpu.memory_space<semaphore_mem>>
      tpu.enqueue_dma source(%arg33 : memref<10240xi32, #tpu.memory_space<vmem_shared>>) target(%arg13 : memref<10240xi32, #tpu.memory_space<vmem>>) target_semaphore(%run_scoped3A : memref<!tpu.dma_semaphore, #tpu.memory_space<semaphore_mem>>)
      tpu.wait_dma2 semaphore(%run_scoped3A : memref<!tpu.dma_semaphore, #tpu.memory_space<semaphore_mem>>) src(%arg33 : memref<10240xi32, #tpu.memory_space<vmem_shared>>) dst(%arg13 : memref<10240xi32, #tpu.memory_space<vmem>>)
      tpu.yield
    }) : () -> ()
    "tpu.region"() ({
      %run_scoped3A = tpu.sem_alloc : memref<!tpu.dma_semaphore, #tpu.memory_space<semaphore_mem>>
      tpu.enqueue_dma source(%arg34 : memref<10240xi32, #tpu.memory_space<vmem_shared>>) target(%arg14 : memref<10240xi32, #tpu.memory_space<vmem>>) target_semaphore(%run_scoped3A : memref<!tpu.dma_semaphore, #tpu.memory_space<semaphore_mem>>)
      tpu.wait_dma2 semaphore(%run_scoped3A : memref<!tpu.dma_semaphore, #tpu.memory_space<semaphore_mem>>) src(%arg34 : memref<10240xi32, #tpu.memory_space<vmem_shared>>) dst(%arg14 : memref<10240xi32, #tpu.memory_space<vmem>>)
      tpu.yield
    }) : () -> ()
    "tpu.region"() ({
      %run_scoped3A = tpu.sem_alloc : memref<!tpu.dma_semaphore, #tpu.memory_space<semaphore_mem>>
      tpu.enqueue_dma source(%arg35 : memref<16xi32, #tpu.memory_space<vmem_shared>>) target(%arg24 : memref<16xi32, #tpu.memory_space<vmem>>) target_semaphore(%run_scoped3A : memref<!tpu.dma_semaphore, #tpu.memory_space<semaphore_mem>>)
      tpu.wait_dma2 semaphore(%run_scoped3A : memref<!tpu.dma_semaphore, #tpu.memory_space<semaphore_mem>>) src(%arg35 : memref<16xi32, #tpu.memory_space<vmem_shared>>) dst(%arg24 : memref<16xi32, #tpu.memory_space<vmem>>)
      tpu.yield
    }) : () -> ()
    %get3A_78 = arith.constant 0 : index
    %get3A_79 = tpu.vector_load %arg24[%get3A_78] {strides = array<i32>} : memref<16xi32, #tpu.memory_space<vmem>>, vector<16xi32>,
    %slice3A_80 = vector.extract_strided_slice %get3A_79 {offsets = [0], sizes = [1], strides = [1]} : vector<16xi32> to vector<1xi32>
    %squeeze3A_81 = vector.extract %slice3A_80[0] : i32 from vector<1xi32>
    %add3A_82 = arith.constant 4096 : i32
    %add3A_83 = arith.addi %squeeze3A_81, %add3A_82 : i32
    %sub3A_84 = arith.constant 1 : i32
    %sub3A_85 = arith.subi %add3A_83, %sub3A_84 : i32
    %jit3A_86 = arith.constant 4096 : i32
    %div3A_87 = arith.divsi %sub3A_85, %jit3A_86 : i32
    %sign3A_88 = arith.constant 0 : i32
    %sign3A_89 = arith.cmpi sgt, %sub3A_85, %sign3A_88 : i32
    %sign3A_90 = arith.extui %sign3A_89 : i1 to i32
    %sign3A_91 = arith.constant 0 : i32
    %sign3A_92 = arith.cmpi slt, %sub3A_85, %sign3A_91 : i32
    %sign3A_93 = arith.extui %sign3A_92 : i1 to i32
    %sign3A_94 = arith.subi %sign3A_90, %sign3A_93 : i32
    %sign3A_95 = arith.constant 0 : i32
    %sign3A_96 = arith.cmpi sgt, %jit3A_86, %sign3A_95 : i32
    %sign3A_97 = arith.extui %sign3A_96 : i1 to i32
    %sign3A_98 = arith.constant 0 : i32
    %sign3A_99 = arith.cmpi slt, %jit3A_86, %sign3A_98 : i32
    %sign3A_100 = arith.extui %sign3A_99 : i1 to i32
    %sign3A_101 = arith.subi %sign3A_97, %sign3A_100 : i32
    %ne3A_102 = arith.cmpi ne, %sign3A_94, %sign3A_101 : i32
    %rem3A_103 = arith.remsi %sub3A_85, %jit3A_86 : i32
    %ne3A_104 = arith.constant 0 : i32
    %ne3A_105 = arith.cmpi ne, %rem3A_103, %ne3A_104 : i32
    %and3A_106 = arith.andi %ne3A_102, %ne3A_105 : i1
    %sub3A_107 = arith.constant 1 : i32
    %sub3A_108 = arith.subi %div3A_87, %sub3A_107 : i32
    %select_n3A_109 = arith.select %and3A_106, %sub3A_108, %div3A_87 : i32
    %while3A_110 = arith.constant 0 : i32
    %while3A_111 = arith.constant 0 : i32
    %while3A_112 = arith.subi %select_n3A_109, %while3A_110 : i32
    %while3A_113 = arith.addi %while3A_110, %while3A_112 : i32
    %while3A_114 = arith.constant 1 : i32
    %while3A_115 = arith.divsi %while3A_112, %while3A_114 : i32
    %while3A_116 = arith.muli %while3A_115, %while3A_114 : i32
    %while3A_117 = arith.addi %while3A_110, %while3A_116 : i32
    %while3A_118 = arith.constant 1 : i32
    %while3A_119 = scf.for %while3A_134 = %while3A_110 to %while3A_117 step %while3A_118 iter_args(%while3A_135 = %while3A_111) -> (i32)  : i32 {
      %mul3A_136 = arith.constant 4096 : i32
      %mul3A_137 = arith.muli %while3A_134, %mul3A_136 : i32
      %sub3A_138 = arith.subi %squeeze3A_81, %mul3A_137 : i32
      %min3A_139 = arith.constant 4096 : i32
      %min3A_140 = arith.minsi %min3A_139, %sub3A_138 : i32
      %add3A_141 = arith.constant 16 : i32
      %add3A_142 = arith.addi %min3A_140, %add3A_141 : i32
      %sub3A_143 = arith.constant 1 : i32
      %sub3A_144 = arith.subi %add3A_142, %sub3A_143 : i32
      %jit3A_145 = arith.constant 16 : i32
      %div3A_146 = arith.divsi %sub3A_144, %jit3A_145 : i32
      %sign3A_147 = arith.constant 0 : i32
      %sign3A_148 = arith.cmpi sgt, %sub3A_144, %sign3A_147 : i32
      %sign3A_149 = arith.extui %sign3A_148 : i1 to i32
      %sign3A_150 = arith.constant 0 : i32
      %sign3A_151 = arith.cmpi slt, %sub3A_144, %sign3A_150 : i32
      %sign3A_152 = arith.extui %sign3A_151 : i1 to i32
      %sign3A_153 = arith.subi %sign3A_149, %sign3A_152 : i32
      %sign3A_154 = arith.constant 0 : i32
      %sign3A_155 = arith.cmpi sgt, %jit3A_145, %sign3A_154 : i32
      %sign3A_156 = arith.extui %sign3A_155 : i1 to i32
      %sign3A_157 = arith.constant 0 : i32
      %sign3A_158 = arith.cmpi slt, %jit3A_145, %sign3A_157 : i32
      %sign3A_159 = arith.extui %sign3A_158 : i1 to i32
      %sign3A_160 = arith.subi %sign3A_156, %sign3A_159 : i32
      %ne3A_161 = arith.cmpi ne, %sign3A_153, %sign3A_160 : i32
      %rem3A_162 = arith.remsi %sub3A_144, %jit3A_145 : i32
      %ne3A_163 = arith.constant 0 : i32
      %ne3A_164 = arith.cmpi ne, %rem3A_162, %ne3A_163 : i32
      %and3A_165 = arith.andi %ne3A_161, %ne3A_164 : i1
      %sub3A_166 = arith.constant 1 : i32
      %sub3A_167 = arith.subi %div3A_146, %sub3A_166 : i32
      %select_n3A_168 = arith.select %and3A_165, %sub3A_167, %div3A_146 : i32
      %sub3A_169 = arith.subi %select_n3A_168, %arg1 : i32
      %add3A_170 = arith.constant 16 : i32
      %add3A_171 = arith.addi %sub3A_169, %add3A_170 : i32
      %sub3A_172 = arith.constant 1 : i32
      %sub3A_173 = arith.subi %add3A_171, %sub3A_172 : i32
      %jit3A_174 = arith.constant 16 : i32
      %div3A_175 = arith.divsi %sub3A_173, %jit3A_174 : i32
      %sign3A_176 = arith.constant 0 : i32
      %sign3A_177 = arith.cmpi sgt, %sub3A_173, %sign3A_176 : i32
      %sign3A_178 = arith.extui %sign3A_177 : i1 to i32
      %sign3A_179 = arith.constant 0 : i32
      %sign3A_180 = arith.cmpi slt, %sub3A_173, %sign3A_179 : i32
      %sign3A_181 = arith.extui %sign3A_180 : i1 to i32
      %sign3A_182 = arith.subi %sign3A_178, %sign3A_181 : i32
      %sign3A_183 = arith.constant 0 : i32
      %sign3A_184 = arith.cmpi sgt, %jit3A_174, %sign3A_183 : i32
      %sign3A_185 = arith.extui %sign3A_184 : i1 to i32
      %sign3A_186 = arith.constant 0 : i32
      %sign3A_187 = arith.cmpi slt, %jit3A_174, %sign3A_186 : i32
      %sign3A_188 = arith.extui %sign3A_187 : i1 to i32
      %sign3A_189 = arith.subi %sign3A_185, %sign3A_188 : i32
      %ne3A_190 = arith.cmpi ne, %sign3A_182, %sign3A_189 : i32
      %rem3A_191 = arith.remsi %sub3A_173, %jit3A_174 : i32
      %ne3A_192 = arith.constant 0 : i32
      %ne3A_193 = arith.cmpi ne, %rem3A_191, %ne3A_192 : i32
      %and3A_194 = arith.andi %ne3A_190, %ne3A_193 : i1
      %sub3A_195 = arith.constant 1 : i32
      %sub3A_196 = arith.subi %div3A_175, %sub3A_195 : i32
      %select_n3A_197 = arith.select %and3A_194, %sub3A_196, %div3A_175 : i32
      %max3A = arith.constant 0 : i32
      %max3A_198 = arith.maxsi %max3A, %select_n3A_197 : i32
      %scan3A_199 = arith.constant 0 : i32
      %scan3A_200 = arith.constant 0 : i32
      %scan3A_201 = arith.constant 16 : i32
      %scan3A_202 = arith.addi %scan3A_200, %scan3A_201 : i32
      %scan3A_203 = arith.constant 1 : i32
      %scan3A_204 = scf.for %scan3A_257 = %scan3A_200 to %scan3A_202 step %scan3A_203 iter_args(%scan3A_258 = %scan3A_199) -> (i32)  : i32 {
        %swap3A_259 = arith.index_cast %scan3A_257 : i32 to index
        %swap3A_260 = arith.constant 0 : index
        %swap3A_261 = tpu.vector_load %arg19[%swap3A_259, %swap3A_260] {strides = array<i32>} : memref<16x128xf32, #tpu.memory_space<vmem>>, vector<16xf32>,
        tpu.vector_store %arg19[%swap3A_259, %swap3A_260], %broadcast_in_dim3A_3 {strides = array<i32>} : memref<16x128xf32, #tpu.memory_space<vmem>>, vector<16xf32>,
        %swap3A_262 = arith.index_cast %scan3A_257 : i32 to index
        %swap3A_263 = arith.constant 16 : index
        %swap3A_264 = tpu.vector_load %arg19[%swap3A_262, %swap3A_263] {strides = array<i32>} : memref<16x128xf32, #tpu.memory_space<vmem>>, vector<16xf32>,
        tpu.vector_store %arg19[%swap3A_262, %swap3A_263], %broadcast_in_dim3A_3 {strides = array<i32>} : memref<16x128xf32, #tpu.memory_space<vmem>>, vector<16xf32>,
        %swap3A_265 = arith.index_cast %scan3A_257 : i32 to index
        %swap3A_266 = arith.constant 32 : index
        %swap3A_267 = tpu.vector_load %arg19[%swap3A_265, %swap3A_266] {strides = array<i32>} : memref<16x128xf32, #tpu.memory_space<vmem>>, vector<16xf32>,
        tpu.vector_store %arg19[%swap3A_265, %swap3A_266], %broadcast_in_dim3A_3 {strides = array<i32>} : memref<16x128xf32, #tpu.memory_space<vmem>>, vector<16xf32>,
        %swap3A_268 = arith.index_cast %scan3A_257 : i32 to index
        %swap3A_269 = arith.constant 48 : index
        %swap3A_270 = tpu.vector_load %arg19[%swap3A_268, %swap3A_269] {strides = array<i32>} : memref<16x128xf32, #tpu.memory_space<vmem>>, vector<16xf32>,
        tpu.vector_store %arg19[%swap3A_268, %swap3A_269], %broadcast_in_dim3A_3 {strides = array<i32>} : memref<16x128xf32, #tpu.memory_space<vmem>>, vector<16xf32>,
        %swap3A_271 = arith.index_cast %scan3A_257 : i32 to index
        %swap3A_272 = arith.constant 64 : index
        %swap3A_273 = tpu.vector_load %arg19[%swap3A_271, %swap3A_272] {strides = array<i32>} : memref<16x128xf32, #tpu.memory_space<vmem>>, vector<16xf32>,
        tpu.vector_store %arg19[%swap3A_271, %swap3A_272], %broadcast_in_dim3A_3 {strides = array<i32>} : memref<16x128xf32, #tpu.memory_space<vmem>>, vector<16xf32>,
        %swap3A_274 = arith.index_cast %scan3A_257 : i32 to index
        %swap3A_275 = arith.constant 80 : index
        %swap3A_276 = tpu.vector_load %arg19[%swap3A_274, %swap3A_275] {strides = array<i32>} : memref<16x128xf32, #tpu.memory_space<vmem>>, vector<16xf32>,
        tpu.vector_store %arg19[%swap3A_274, %swap3A_275], %broadcast_in_dim3A_3 {strides = array<i32>} : memref<16x128xf32, #tpu.memory_space<vmem>>, vector<16xf32>,
        %swap3A_277 = arith.index_cast %scan3A_257 : i32 to index
        %swap3A_278 = arith.constant 96 : index
        %swap3A_279 = tpu.vector_load %arg19[%swap3A_277, %swap3A_278] {strides = array<i32>} : memref<16x128xf32, #tpu.memory_space<vmem>>, vector<16xf32>,
        tpu.vector_store %arg19[%swap3A_277, %swap3A_278], %broadcast_in_dim3A_3 {strides = array<i32>} : memref<16x128xf32, #tpu.memory_space<vmem>>, vector<16xf32>,
        %swap3A_280 = arith.index_cast %scan3A_257 : i32 to index
        %swap3A_281 = arith.constant 112 : index
        %swap3A_282 = tpu.vector_load %arg19[%swap3A_280, %swap3A_281] {strides = array<i32>} : memref<16x128xf32, #tpu.memory_space<vmem>>, vector<16xf32>,
        tpu.vector_store %arg19[%swap3A_280, %swap3A_281], %broadcast_in_dim3A_3 {strides = array<i32>} : memref<16x128xf32, #tpu.memory_space<vmem>>, vector<16xf32>,
        %scan3A_283 = arith.constant 0 : i32
        scf.yield %scan3A_283 : i32
      }
      %scan3A_205 = arith.constant 16 : i32
      %while3A_206 = arith.constant 0 : i32
      %while3A_207 = arith.constant 0 : i32
      %while3A_208 = arith.subi %max3A_198, %while3A_206 : i32
      %while3A_209 = arith.addi %while3A_206, %while3A_208 : i32
      %while3A_210 = arith.constant 1 : i32
      %while3A_211 = arith.divsi %while3A_208, %while3A_210 : i32
      %while3A_212 = arith.muli %while3A_211, %while3A_210 : i32
      %while3A_213 = arith.addi %while3A_206, %while3A_212 : i32
      %while3A_214 = arith.constant 1 : i32
      %while3A_215 = scf.for %while3A_257 = %while3A_206 to %while3A_213 step %while3A_214 iter_args(%while3A_258 = %while3A_207) -> (i32)  : i32 {
        %mul3A_259 = arith.constant 16 : i32
        %mul3A_260 = arith.muli %while3A_257, %mul3A_259 : i32
        %add3A_261 = arith.addi %arg1, %mul3A_260 : i32
        %mul3A_262 = arith.constant 16 : i32
        %mul3A_263 = arith.muli %add3A_261, %mul3A_262 : i32
        "tpu.region"() ({
          %run_scoped3A = tpu.sem_alloc : memref<!tpu.dma_semaphore, #tpu.memory_space<semaphore_mem>>
          %dma_start3A = arith.constant 0 : i32
          %dma_start3A_265 = tpu.memref_slice %arg36[%mul3A_263, %dma_start3A] : memref<4112x128xf32, #tpu.memory_space<vmem_shared>> -> memref<16x128xf32, #tpu.memory_space<vmem_shared>>
          %dma_start3A_266 = arith.constant 0 : i32
          %dma_start3A_267 = tpu.memref_slice %arg36[%mul3A_263, %dma_start3A_266] : memref<4112x128xf32, #tpu.memory_space<vmem_shared>> -> memref<16x128xf32, #tpu.memory_space<vmem_shared>>
          tpu.enqueue_dma source(%arg19 : memref<16x128xf32, #tpu.memory_space<vmem>>) target(%dma_start3A_267 : memref<16x128xf32, #tpu.memory_space<vmem_shared>>) target_semaphore(%run_scoped3A : memref<!tpu.dma_semaphore, #tpu.memory_space<semaphore_mem>>)
          %dma_wait3A = arith.constant 0 : i32
          %dma_wait3A_268 = tpu.memref_slice %arg36[%mul3A_263, %dma_wait3A] : memref<4112x128xf32, #tpu.memory_space<vmem_shared>> -> memref<16x128xf32, #tpu.memory_space<vmem_shared>>
          %dma_wait3A_269 = arith.constant 0 : i32
          %dma_wait3A_270 = tpu.memref_slice %arg36[%mul3A_263, %dma_wait3A_269] : memref<4112x128xf32, #tpu.memory_space<vmem_shared>> -> memref<16x128xf32, #tpu.memory_space<vmem_shared>>
          tpu.wait_dma2 semaphore(%run_scoped3A : memref<!tpu.dma_semaphore, #tpu.memory_space<semaphore_mem>>) src(%arg19 : memref<16x128xf32, #tpu.memory_space<vmem>>) dst(%dma_wait3A_270 : memref<16x128xf32, #tpu.memory_space<vmem_shared>>)
          tpu.yield
        }) : () -> ()
        %while3A_264 = arith.constant 0 : i32
        scf.yield %while3A_264 : i32
      }
      %while3A_216 = arith.constant 1 : i32
      %while3A_217 = scf.for %while3A_257 = %while3A_213 to %while3A_209 step %while3A_216 iter_args(%while3A_258 = %while3A_215) -> (i32)  : i32 {
        %mul3A_259 = arith.constant 16 : i32
        %mul3A_260 = arith.muli %while3A_257, %mul3A_259 : i32
        %add3A_261 = arith.addi %arg1, %mul3A_260 : i32
        %mul3A_262 = arith.constant 16 : i32
        %mul3A_263 = arith.muli %add3A_261, %mul3A_262 : i32
        "tpu.region"() ({
          %run_scoped3A = tpu.sem_alloc : memref<!tpu.dma_semaphore, #tpu.memory_space<semaphore_mem>>
          %dma_start3A = arith.constant 0 : i32
          %dma_start3A_265 = tpu.memref_slice %arg36[%mul3A_263, %dma_start3A] : memref<4112x128xf32, #tpu.memory_space<vmem_shared>> -> memref<16x128xf32, #tpu.memory_space<vmem_shared>>
          %dma_start3A_266 = arith.constant 0 : i32
          %dma_start3A_267 = tpu.memref_slice %arg36[%mul3A_263, %dma_start3A_266] : memref<4112x128xf32, #tpu.memory_space<vmem_shared>> -> memref<16x128xf32, #tpu.memory_space<vmem_shared>>
          tpu.enqueue_dma source(%arg19 : memref<16x128xf32, #tpu.memory_space<vmem>>) target(%dma_start3A_267 : memref<16x128xf32, #tpu.memory_space<vmem_shared>>) target_semaphore(%run_scoped3A : memref<!tpu.dma_semaphore, #tpu.memory_space<semaphore_mem>>)
          %dma_wait3A = arith.constant 0 : i32
          %dma_wait3A_268 = tpu.memref_slice %arg36[%mul3A_263, %dma_wait3A] : memref<4112x128xf32, #tpu.memory_space<vmem_shared>> -> memref<16x128xf32, #tpu.memory_space<vmem_shared>>
          %dma_wait3A_269 = arith.constant 0 : i32
          %dma_wait3A_270 = tpu.memref_slice %arg36[%mul3A_263, %dma_wait3A_269] : memref<4112x128xf32, #tpu.memory_space<vmem_shared>> -> memref<16x128xf32, #tpu.memory_space<vmem_shared>>
          tpu.wait_dma2 semaphore(%run_scoped3A : memref<!tpu.dma_semaphore, #tpu.memory_space<semaphore_mem>>) src(%arg19 : memref<16x128xf32, #tpu.memory_space<vmem>>) dst(%dma_wait3A_270 : memref<16x128xf32, #tpu.memory_space<vmem_shared>>)
          tpu.yield
        }) : () -> ()
        %while3A_264 = arith.constant 0 : i32
        scf.yield %while3A_264 : i32
      }
      %barrier3A_218 = arith.constant 0 : index
      tpu.barrier barrier_id(%barrier3A_218)
      %scan3A_219 = arith.constant 0 : i32
      %scan3A_220 = arith.constant 0 : i32
      %scan3A_221 = arith.constant 5 : i32
      %scan3A_222 = arith.addi %scan3A_220, %scan3A_221 : i32
      %scan3A_223 = arith.constant 1 : i32
      %scan3A_224 = scf.for %scan3A_257 = %scan3A_220 to %scan3A_222 step %scan3A_223 iter_args(%scan3A_258 = %scan3A_219) -> (i32)  : i32 {
        %mul3A_259 = arith.constant 4000 : i32
        %mul3A_260 = arith.muli %scan3A_257, %mul3A_259 : i32
        %add3A_261 = arith.addi %mul3A_0, %mul3A_260 : i32
        "tpu.region"() ({
          %run_scoped3A = tpu.sem_alloc : memref<!tpu.dma_semaphore, #tpu.memory_space<semaphore_mem>>
          %dma_start3A = arith.constant 0 : i32
          %dma_start3A_322 = tpu.memref_slice %arg11[%dma_start3A] : memref<4016xi32, #tpu.memory_space<vmem>> -> memref<4000xi32, #tpu.memory_space<vmem>>
          %dma_start3A_323 = tpu.memref_slice %arg4[%add3A_261] : memref<320000xi32, #tpu.memory_space<hbm>> -> memref<4000xi32, #tpu.memory_space<hbm>>
          %dma_start3A_324 = arith.constant 0 : i32
          %dma_start3A_325 = tpu.memref_slice %arg11[%dma_start3A_324] : memref<4016xi32, #tpu.memory_space<vmem>> -> memref<4000xi32, #tpu.memory_space<vmem>>
          %dma_start3A_326 = tpu.memref_slice %arg4[%add3A_261] : memref<320000xi32, #tpu.memory_space<hbm>> -> memref<4000xi32, #tpu.memory_space<hbm>>
          tpu.enqueue_dma source(%dma_start3A_326 : memref<4000xi32, #tpu.memory_space<hbm>>) target(%dma_start3A_325 : memref<4000xi32, #tpu.memory_space<vmem>>) target_semaphore(%run_scoped3A : memref<!tpu.dma_semaphore, #tpu.memory_space<semaphore_mem>>)
          %dma_wait3A = arith.constant 0 : i32
          %dma_wait3A_327 = tpu.memref_slice %arg11[%dma_wait3A] : memref<4016xi32, #tpu.memory_space<vmem>> -> memref<4000xi32, #tpu.memory_space<vmem>>
          %dma_wait3A_328 = tpu.memref_slice %arg4[%add3A_261] : memref<320000xi32, #tpu.memory_space<hbm>> -> memref<4000xi32, #tpu.memory_space<hbm>>
          %dma_wait3A_329 = arith.constant 0 : i32
          %dma_wait3A_330 = tpu.memref_slice %arg11[%dma_wait3A_329] : memref<4016xi32, #tpu.memory_space<vmem>> -> memref<4000xi32, #tpu.memory_space<vmem>>
          %dma_wait3A_331 = tpu.memref_slice %arg4[%add3A_261] : memref<320000xi32, #tpu.memory_space<hbm>> -> memref<4000xi32, #tpu.memory_space<hbm>>
          tpu.wait_dma2 semaphore(%run_scoped3A : memref<!tpu.dma_semaphore, #tpu.memory_space<semaphore_mem>>) src(%dma_wait3A_331 : memref<4000xi32, #tpu.memory_space<hbm>>) dst(%dma_wait3A_330 : memref<4000xi32, #tpu.memory_space<vmem>>)
          tpu.yield
        }) : () -> ()
        %mul3A_262 = arith.constant 4000 : i32
        %mul3A_263 = arith.muli %scan3A_257, %mul3A_262 : i32
        %add3A_264 = arith.addi %mul3A_0, %mul3A_263 : i32
        "tpu.region"() ({
          %run_scoped3A = tpu.sem_alloc : memref<!tpu.dma_semaphore, #tpu.memory_space<semaphore_mem>>
          %dma_start3A = arith.constant 0 : i32
          %dma_start3A_322 = tpu.memref_slice %arg10[%dma_start3A] : memref<4016xi32, #tpu.memory_space<vmem>> -> memref<4000xi32, #tpu.memory_space<vmem>>
          %dma_start3A_323 = tpu.memref_slice %arg3[%add3A_264] : memref<320000xi32, #tpu.memory_space<hbm>> -> memref<4000xi32, #tpu.memory_space<hbm>>
          %dma_start3A_324 = arith.constant 0 : i32
          %dma_start3A_325 = tpu.memref_slice %arg10[%dma_start3A_324] : memref<4016xi32, #tpu.memory_space<vmem>> -> memref<4000xi32, #tpu.memory_space<vmem>>
          %dma_start3A_326 = tpu.memref_slice %arg3[%add3A_264] : memref<320000xi32, #tpu.memory_space<hbm>> -> memref<4000xi32, #tpu.memory_space<hbm>>
          tpu.enqueue_dma source(%dma_start3A_326 : memref<4000xi32, #tpu.memory_space<hbm>>) target(%dma_start3A_325 : memref<4000xi32, #tpu.memory_space<vmem>>) target_semaphore(%run_scoped3A : memref<!tpu.dma_semaphore, #tpu.memory_space<semaphore_mem>>)
          %dma_wait3A = arith.constant 0 : i32
          %dma_wait3A_327 = tpu.memref_slice %arg10[%dma_wait3A] : memref<4016xi32, #tpu.memory_space<vmem>> -> memref<4000xi32, #tpu.memory_space<vmem>>
          %dma_wait3A_328 = tpu.memref_slice %arg3[%add3A_264] : memref<320000xi32, #tpu.memory_space<hbm>> -> memref<4000xi32, #tpu.memory_space<hbm>>
          %dma_wait3A_329 = arith.constant 0 : i32
          %dma_wait3A_330 = tpu.memref_slice %arg10[%dma_wait3A_329] : memref<4016xi32, #tpu.memory_space<vmem>> -> memref<4000xi32, #tpu.memory_space<vmem>>
          %dma_wait3A_331 = tpu.memref_slice %arg3[%add3A_264] : memref<320000xi32, #tpu.memory_space<hbm>> -> memref<4000xi32, #tpu.memory_space<hbm>>
          tpu.wait_dma2 semaphore(%run_scoped3A : memref<!tpu.dma_semaphore, #tpu.memory_space<semaphore_mem>>) src(%dma_wait3A_331 : memref<4000xi32, #tpu.memory_space<hbm>>) dst(%dma_wait3A_330 : memref<4000xi32, #tpu.memory_space<vmem>>)
          tpu.yield
        }) : () -> ()
        %scan3A_265 = arith.constant 0 : i32
        %scan3A_266 = arith.constant 250 : i32
        %scan3A_267 = arith.addi %scan3A_265, %scan3A_266 : i32
        %scan3A_268 = arith.constant 1 : i32
        %scan3A_269 = scf.for %scan3A_322 = %scan3A_265 to %scan3A_267 step %scan3A_268 iter_args(%scan3A_323 = %scan3A_258) -> (i32)  : i32 {
          %mul3A_324 = arith.constant 16 : i32
          %mul3A_325 = arith.muli %scan3A_322, %mul3A_324 : i32
          %get3A_326 = arith.index_cast %mul3A_325 : i32 to index
          %get3A_327 = tpu.vector_load %arg11[%get3A_326] {strides = array<i32>} : memref<4016xi32, #tpu.memory_space<vmem>>, vector<16xi32>,
          %gather3A = tpu.vector_load_idx %arg13[%get3A_327] : memref<10240xi32, #tpu.memory_space<vmem>>[vector<16xi32>], vector<16xi32>,
          %ge3A = vector.broadcast %mul3A_137 : i32 to vector<16xi32>
          %ge3A_328 = arith.cmpi sge, %gather3A, %ge3A : vector<16xi32>
          %add3A_329 = arith.addi %mul3A_137, %min3A_140 : i32
          %lt3A = vector.broadcast %add3A_329 : i32 to vector<16xi32>
          %lt3A_330 = arith.cmpi slt, %gather3A, %lt3A : vector<16xi32>
          %and3A_331 = arith.andi %ge3A_328, %lt3A_330 : vector<16xi1>
          %jit3A_332 = arith.constant 1 : i32
          %jit3A_333 = arith.constant 0 : i32
          %broadcast_in_dim3A_334 = vector.broadcast %jit3A_332 : i32 to vector<16xi32>
          %broadcast_in_dim3A_335 = vector.broadcast %jit3A_333 : i32 to vector<16xi32>
          %select_n3A_336 = arith.select %and3A_331, %broadcast_in_dim3A_334, %broadcast_in_dim3A_335 : vector<16xi1>, vector<16xi32>
          %reduce_sum3A = arith.constant true
          %reduce_sum3A_337 = vector.broadcast %reduce_sum3A : i1 to vector<16xi1>
          %reduce_sum3A_338 = tpu.scan <sum>, %select_n3A_336 masked %reduce_sum3A_337 : vector<16xi32>, vector<16xi1> -> vector<16xi32>
          %reduce_sum3A_339 = vector.extract %reduce_sum3A_338[15] : i32 from vector<16xi32>
          %gt3A_340 = arith.constant 0 : i32
          %gt3A_341 = arith.cmpi sgt, %reduce_sum3A_339, %gt3A_340 : i32
          %convert_element_type3A_342 = arith.extui %gt3A_341 : i1 to i32
          %cond3A_343 = arith.constant 0 : i32
          %cond3A_344 = arith.cmpi ne, %convert_element_type3A_342, %cond3A_343 : i32
          %cond3A_345 = scf.if %cond3A_344 -> (i32) {
            %scan3A_346 = arith.constant 0 : i32
            %scan3A_347 = arith.constant 16 : i32
            %scan3A_348 = arith.addi %scan3A_346, %scan3A_347 : i32
            %scan3A_349 = arith.constant 1 : i32
            %scan3A_350 = scf.for %scan3A_352 = %scan3A_346 to %scan3A_348 step %scan3A_349 iter_args(%scan3A_353 = %scan3A_323) -> (i32)  : i32 {
              %add3A_354 = arith.addi %mul3A_325, %scan3A_352 : i32
              %get3A_355 = arith.index_cast %add3A_354 : i32 to index
              %get3A_356 = tpu.vector_load %arg11[%get3A_355] {strides = array<i32>} : memref<4016xi32, #tpu.memory_space<vmem>>, vector<16xi32>,
              %slice3A_357 = vector.extract_strided_slice %get3A_356 {offsets = [0], sizes = [1], strides = [1]} : vector<16xi32> to vector<1xi32>
              %squeeze3A_358 = vector.extract %slice3A_357[0] : i32 from vector<1xi32>
              %get3A_359 = arith.index_cast %squeeze3A_358 : i32 to index
              %get3A_360 = tpu.vector_load %arg13[%get3A_359] {strides = array<i32>} : memref<10240xi32, #tpu.memory_space<vmem>>, vector<16xi32>,
              %slice3A_361 = vector.extract_strided_slice %get3A_360 {offsets = [0], sizes = [1], strides = [1]} : vector<16xi32> to vector<1xi32>
              %squeeze3A_362 = vector.extract %slice3A_361[0] : i32 from vector<1xi32>
              %add3A_363 = arith.addi %mul3A_325, %scan3A_352 : i32
              %get3A_364 = arith.index_cast %add3A_363 : i32 to index
              %get3A_365 = tpu.vector_load %arg10[%get3A_364] {strides = array<i32>} : memref<4016xi32, #tpu.memory_space<vmem>>, vector<16xi32>,
              %slice3A_366 = vector.extract_strided_slice %get3A_365 {offsets = [0], sizes = [1], strides = [1]} : vector<16xi32> to vector<1xi32>
              %squeeze3A_367 = vector.extract %slice3A_366[0] : i32 from vector<1xi32>
              %iota3A_368 = tpu.iota {dimensions = array<i32: 0>} : vector<16xi32>
              %broadcast_in_dim3A_369 = vector.broadcast %scan3A_353 : i32 to vector<16xi32>
              %broadcast_in_dim3A_370 = vector.broadcast %squeeze3A_367 : i32 to vector<16xi32>
              %eq3A_371 = arith.constant 0 : i32
              %eq3A_372 = vector.broadcast %eq3A_371 : i32 to vector<16xi32>
              %eq3A_373 = arith.cmpi eq, %iota3A_368, %eq3A_372 : vector<16xi32>
              tpu.vector_store_idx %arg17[%broadcast_in_dim3A_369], %broadcast_in_dim3A_370 masked %eq3A_373 : memref<4048xi32, #tpu.memory_space<vmem>>[vector<16xi32>], vector<16xi32>, vector<16xi1>
              %sub3A_374 = arith.subi %squeeze3A_362, %mul3A_137 : i32
              %iota3A_375 = tpu.iota {dimensions = array<i32: 0>} : vector<16xi32>
              %broadcast_in_dim3A_376 = vector.broadcast %scan3A_353 : i32 to vector<16xi32>
              %broadcast_in_dim3A_377 = vector.broadcast %sub3A_374 : i32 to vector<16xi32>
              %eq3A_378 = arith.constant 0 : i32
              %eq3A_379 = vector.broadcast %eq3A_378 : i32 to vector<16xi32>
              %eq3A_380 = arith.cmpi eq, %iota3A_375, %eq3A_379 : vector<16xi32>
              tpu.vector_store_idx %arg18[%broadcast_in_dim3A_376], %broadcast_in_dim3A_377 masked %eq3A_380 : memref<4048xi32, #tpu.memory_space<vmem>>[vector<16xi32>], vector<16xi32>, vector<16xi1>
              %ge3A_381 = arith.cmpi sge, %squeeze3A_362, %mul3A_137 : i32
              %add3A_382 = arith.addi %mul3A_137, %min3A_140 : i32
              %lt3A_383 = arith.cmpi slt, %squeeze3A_362, %add3A_382 : i32
              %and3A_384 = arith.andi %ge3A_381, %lt3A_383 : i1
              %jit3A_385 = arith.constant 1 : i32
              %jit3A_386 = arith.constant 0 : i32
              %select_n3A_387 = arith.select %and3A_384, %jit3A_385, %jit3A_386 : i32
              %add3A_388 = arith.addi %scan3A_353, %select_n3A_387 : i32
              scf.yield %add3A_388 : i32
            }
            %scan3A_351 = arith.constant 16 : i32
            scf.yield %scan3A_350 : i32
          } else {
            scf.yield %scan3A_323 : i32
          }
          scf.yield %cond3A_345 : i32
        }
        %scan3A_270 = arith.constant 250 : i32
        %jit3A_271 = arith.constant 16 : i32
        %div3A_272 = arith.divsi %scan3A_269, %jit3A_271 : i32
        %sign3A_273 = arith.constant 0 : i32
        %sign3A_274 = arith.cmpi sgt, %scan3A_269, %sign3A_273 : i32
        %sign3A_275 = arith.extui %sign3A_274 : i1 to i32
        %sign3A_276 = arith.constant 0 : i32
        %sign3A_277 = arith.cmpi slt, %scan3A_269, %sign3A_276 : i32
        %sign3A_278 = arith.extui %sign3A_277 : i1 to i32
        %sign3A_279 = arith.subi %sign3A_275, %sign3A_278 : i32
        %sign3A_280 = arith.constant 0 : i32
        %sign3A_281 = arith.cmpi sgt, %jit3A_271, %sign3A_280 : i32
        %sign3A_282 = arith.extui %sign3A_281 : i1 to i32
        %sign3A_283 = arith.constant 0 : i32
        %sign3A_284 = arith.cmpi slt, %jit3A_271, %sign3A_283 : i32
        %sign3A_285 = arith.extui %sign3A_284 : i1 to i32
        %sign3A_286 = arith.subi %sign3A_282, %sign3A_285 : i32
        %ne3A_287 = arith.cmpi ne, %sign3A_279, %sign3A_286 : i32
        %rem3A_288 = arith.remsi %scan3A_269, %jit3A_271 : i32
        %ne3A_289 = arith.constant 0 : i32
        %ne3A_290 = arith.cmpi ne, %rem3A_288, %ne3A_289 : i32
        %and3A_291 = arith.andi %ne3A_287, %ne3A_290 : i1
        %sub3A_292 = arith.constant 1 : i32
        %sub3A_293 = arith.subi %div3A_272, %sub3A_292 : i32
        %select_n3A_294 = arith.select %and3A_291, %sub3A_293, %div3A_272 : i32
        %while3A_295 = arith.constant 0 : i32
        %while3A_296 = arith.constant 0 : i32
        %while3A_297 = arith.subi %select_n3A_294, %while3A_295 : i32
        %while3A_298 = arith.addi %while3A_295, %while3A_297 : i32
        %while3A_299 = arith.constant 1 : i32
        %while3A_300 = arith.divsi %while3A_297, %while3A_299 : i32
        %while3A_301 = arith.muli %while3A_300, %while3A_299 : i32
        %while3A_302 = arith.addi %while3A_295, %while3A_301 : i32
        %while3A_303 = arith.constant 1 : i32
        %while3A_304 = scf.for %while3A_322 = %while3A_295 to %while3A_302 step %while3A_303 iter_args(%while3A_323 = %while3A_296) -> (i32)  : i32 {
          %mul3A_324 = arith.constant 16 : i32
          %mul3A_325 = arith.muli %while3A_322, %mul3A_324 : i32
          %get3A_326 = arith.index_cast %mul3A_325 : i32 to index
          %get3A_327 = tpu.vector_load %arg17[%get3A_326] {strides = array<i32>} : memref<4048xi32, #tpu.memory_space<vmem>>, vector<16xi32>,
          %mul3A_328 = arith.constant 16 : i32
          %mul3A_329 = arith.muli %while3A_322, %mul3A_328 : i32
          %get3A_330 = arith.index_cast %mul3A_329 : i32 to index
          %get3A_331 = tpu.vector_load %arg18[%get3A_330] {strides = array<i32>} : memref<4048xi32, #tpu.memory_space<vmem>>, vector<16xi32>,
          %gather3A = tpu.vector_load_idx %arg12[%get3A_327] : memref<10240xf32, #tpu.memory_space<vmem>>[vector<16xi32>], vector<16xf32>,
          %swap3A_332 = arith.constant 0 : index
          %swap3A_333 = tpu.vector_load %arg25[%swap3A_332] {strides = array<i32>} : memref<16xi32, #tpu.memory_space<vmem>>, vector<16xi32>,
          tpu.vector_store %arg25[%swap3A_332], %get3A_327 {strides = array<i32>} : memref<16xi32, #tpu.memory_space<vmem>>, vector<16xi32>,
          %swap3A_334 = arith.constant 0 : index
          %swap3A_335 = tpu.vector_load %arg26[%swap3A_334] {strides = array<i32>} : memref<16xi32, #tpu.memory_space<vmem>>, vector<16xi32>,
          tpu.vector_store %arg26[%swap3A_334], %get3A_331 {strides = array<i32>} : memref<16xi32, #tpu.memory_space<vmem>>, vector<16xi32>,
          %swap3A_336 = arith.constant 0 : index
          %swap3A_337 = tpu.vector_load %arg27[%swap3A_336] {strides = array<i32>} : memref<32xf32, #tpu.memory_space<vmem>>, vector<16xf32>,
          tpu.vector_store %arg27[%swap3A_336], %gather3A {strides = array<i32>} : memref<32xf32, #tpu.memory_space<vmem>>, vector<16xf32>,
          %dma_start3A = arith.constant 0 : i32
          %dma_start3A_338 = arith.constant 0 : i32
          %dma_start3A_339 = tpu.memref_slice %arg2[%dma_start3A, %dma_start3A_338] : memref<10000x128xf32, #tpu.memory_space<hbm>> -> memref<10000x128xf32, #tpu.memory_space<hbm>>
          tpu.enqueue_indirect_dma source(%dma_start3A_339 : memref<10000x128xf32, #tpu.memory_space<hbm>>) target(%arg19 : memref<16x128xf32, #tpu.memory_space<vmem>>) offsets(%arg25 : memref<16xi32, #tpu.memory_space<vmem>>) semaphore(%arg37 : memref<!tpu.dma_semaphore, #tpu.memory_space<semaphore_mem>>)
          %dma_wait3A = arith.constant 0 : i32
          %dma_wait3A_340 = arith.constant 0 : i32
          %dma_wait3A_341 = tpu.memref_slice %arg2[%dma_wait3A, %dma_wait3A_340] : memref<10000x128xf32, #tpu.memory_space<hbm>> -> memref<10000x128xf32, #tpu.memory_space<hbm>>
          tpu.wait_indirect_dma semaphore(%arg37 : memref<!tpu.dma_semaphore, #tpu.memory_space<semaphore_mem>>) src(%dma_wait3A_341 : memref<10000x128xf32, #tpu.memory_space<hbm>>) dst(%arg19 : memref<16x128xf32, #tpu.memory_space<vmem>>)
          %scan3A_342 = arith.constant 0 : i32
          %scan3A_343 = arith.constant 0 : i32
          %scan3A_344 = arith.constant 16 : i32
          %scan3A_345 = arith.addi %scan3A_343, %scan3A_344 : i32
          %scan3A_346 = arith.constant 1 : i32
          %scan3A_347 = scf.for %scan3A_350 = %scan3A_343 to %scan3A_345 step %scan3A_346 iter_args(%scan3A_351 = %scan3A_342) -> (i32)  : i32 {
            %get3A_352 = arith.index_cast %scan3A_350 : i32 to index
            %get3A_353 = tpu.vector_load %arg27[%get3A_352] {strides = array<i32>} : memref<32xf32, #tpu.memory_space<vmem>>, vector<16xf32>,
            %slice3A_354 = vector.extract_strided_slice %get3A_353 {offsets = [0], sizes = [1], strides = [1]} : vector<16xf32> to vector<1xf32>
            %squeeze3A_355 = vector.extract %slice3A_354[0] : f32 from vector<1xf32>
            %broadcast_in_dim3A_356 = vector.broadcast %squeeze3A_355 : f32 to vector<16xf32>
            %get3A_357 = arith.index_cast %scan3A_350 : i32 to index
            %get3A_358 = arith.constant 0 : index
            %get3A_359 = tpu.vector_load %arg19[%get3A_357, %get3A_358] {strides = array<i32>} : memref<16x128xf32, #tpu.memory_space<vmem>>, vector<16xf32>,
            %mul3A_360 = arith.mulf %get3A_359, %broadcast_in_dim3A_356 : vector<16xf32>
            %swap3A_361 = arith.index_cast %scan3A_350 : i32 to index
            %swap3A_362 = arith.constant 0 : index
            %swap3A_363 = tpu.vector_load %arg19[%swap3A_361, %swap3A_362] {strides = array<i32>} : memref<16x128xf32, #tpu.memory_space<vmem>>, vector<16xf32>,
            tpu.vector_store %arg19[%swap3A_361, %swap3A_362], %mul3A_360 {strides = array<i32>} : memref<16x128xf32, #tpu.memory_space<vmem>>, vector<16xf32>,
            %get3A_364 = arith.index_cast %scan3A_350 : i32 to index
            %get3A_365 = arith.constant 16 : index
            %get3A_366 = tpu.vector_load %arg19[%get3A_364, %get3A_365] {strides = array<i32>} : memref<16x128xf32, #tpu.memory_space<vmem>>, vector<16xf32>,
            %mul3A_367 = arith.mulf %get3A_366, %broadcast_in_dim3A_356 : vector<16xf32>
            %swap3A_368 = arith.index_cast %scan3A_350 : i32 to index
            %swap3A_369 = arith.constant 16 : index
            %swap3A_370 = tpu.vector_load %arg19[%swap3A_368, %swap3A_369] {strides = array<i32>} : memref<16x128xf32, #tpu.memory_space<vmem>>, vector<16xf32>,
            tpu.vector_store %arg19[%swap3A_368, %swap3A_369], %mul3A_367 {strides = array<i32>} : memref<16x128xf32, #tpu.memory_space<vmem>>, vector<16xf32>,
            %get3A_371 = arith.index_cast %scan3A_350 : i32 to index
            %get3A_372 = arith.constant 32 : index
            %get3A_373 = tpu.vector_load %arg19[%get3A_371, %get3A_372] {strides = array<i32>} : memref<16x128xf32, #tpu.memory_space<vmem>>, vector<16xf32>,
            %mul3A_374 = arith.mulf %get3A_373, %broadcast_in_dim3A_356 : vector<16xf32>
            %swap3A_375 = arith.index_cast %scan3A_350 : i32 to index
            %swap3A_376 = arith.constant 32 : index
            %swap3A_377 = tpu.vector_load %arg19[%swap3A_375, %swap3A_376] {strides = array<i32>} : memref<16x128xf32, #tpu.memory_space<vmem>>, vector<16xf32>,
            tpu.vector_store %arg19[%swap3A_375, %swap3A_376], %mul3A_374 {strides = array<i32>} : memref<16x128xf32, #tpu.memory_space<vmem>>, vector<16xf32>,
            %get3A_378 = arith.index_cast %scan3A_350 : i32 to index
            %get3A_379 = arith.constant 48 : index
            %get3A_380 = tpu.vector_load %arg19[%get3A_378, %get3A_379] {strides = array<i32>} : memref<16x128xf32, #tpu.memory_space<vmem>>, vector<16xf32>,
            %mul3A_381 = arith.mulf %get3A_380, %broadcast_in_dim3A_356 : vector<16xf32>
            %swap3A_382 = arith.index_cast %scan3A_350 : i32 to index
            %swap3A_383 = arith.constant 48 : index
            %swap3A_384 = tpu.vector_load %arg19[%swap3A_382, %swap3A_383] {strides = array<i32>} : memref<16x128xf32, #tpu.memory_space<vmem>>, vector<16xf32>,
            tpu.vector_store %arg19[%swap3A_382, %swap3A_383], %mul3A_381 {strides = array<i32>} : memref<16x128xf32, #tpu.memory_space<vmem>>, vector<16xf32>,
            %get3A_385 = arith.index_cast %scan3A_350 : i32 to index
            %get3A_386 = arith.constant 64 : index
            %get3A_387 = tpu.vector_load %arg19[%get3A_385, %get3A_386] {strides = array<i32>} : memref<16x128xf32, #tpu.memory_space<vmem>>, vector<16xf32>,
            %mul3A_388 = arith.mulf %get3A_387, %broadcast_in_dim3A_356 : vector<16xf32>
            %swap3A_389 = arith.index_cast %scan3A_350 : i32 to index
            %swap3A_390 = arith.constant 64 : index
            %swap3A_391 = tpu.vector_load %arg19[%swap3A_389, %swap3A_390] {strides = array<i32>} : memref<16x128xf32, #tpu.memory_space<vmem>>, vector<16xf32>,
            tpu.vector_store %arg19[%swap3A_389, %swap3A_390], %mul3A_388 {strides = array<i32>} : memref<16x128xf32, #tpu.memory_space<vmem>>, vector<16xf32>,
            %get3A_392 = arith.index_cast %scan3A_350 : i32 to index
            %get3A_393 = arith.constant 80 : index
            %get3A_394 = tpu.vector_load %arg19[%get3A_392, %get3A_393] {strides = array<i32>} : memref<16x128xf32, #tpu.memory_space<vmem>>, vector<16xf32>,
            %mul3A_395 = arith.mulf %get3A_394, %broadcast_in_dim3A_356 : vector<16xf32>
            %swap3A_396 = arith.index_cast %scan3A_350 : i32 to index
            %swap3A_397 = arith.constant 80 : index
            %swap3A_398 = tpu.vector_load %arg19[%swap3A_396, %swap3A_397] {strides = array<i32>} : memref<16x128xf32, #tpu.memory_space<vmem>>, vector<16xf32>,
            tpu.vector_store %arg19[%swap3A_396, %swap3A_397], %mul3A_395 {strides = array<i32>} : memref<16x128xf32, #tpu.memory_space<vmem>>, vector<16xf32>,
            %get3A_399 = arith.index_cast %scan3A_350 : i32 to index
            %get3A_400 = arith.constant 96 : index
            %get3A_401 = tpu.vector_load %arg19[%get3A_399, %get3A_400] {strides = array<i32>} : memref<16x128xf32, #tpu.memory_space<vmem>>, vector<16xf32>,
            %mul3A_402 = arith.mulf %get3A_401, %broadcast_in_dim3A_356 : vector<16xf32>
            %swap3A_403 = arith.index_cast %scan3A_350 : i32 to index
            %swap3A_404 = arith.constant 96 : index
            %swap3A_405 = tpu.vector_load %arg19[%swap3A_403, %swap3A_404] {strides = array<i32>} : memref<16x128xf32, #tpu.memory_space<vmem>>, vector<16xf32>,
            tpu.vector_store %arg19[%swap3A_403, %swap3A_404], %mul3A_402 {strides = array<i32>} : memref<16x128xf32, #tpu.memory_space<vmem>>, vector<16xf32>,
            %get3A_406 = arith.index_cast %scan3A_350 : i32 to index
            %get3A_407 = arith.constant 112 : index
            %get3A_408 = tpu.vector_load %arg19[%get3A_406, %get3A_407] {strides = array<i32>} : memref<16x128xf32, #tpu.memory_space<vmem>>, vector<16xf32>,
            %mul3A_409 = arith.mulf %get3A_408, %broadcast_in_dim3A_356 : vector<16xf32>
            %swap3A_410 = arith.index_cast %scan3A_350 : i32 to index
            %swap3A_411 = arith.constant 112 : index
            %swap3A_412 = tpu.vector_load %arg19[%swap3A_410, %swap3A_411] {strides = array<i32>} : memref<16x128xf32, #tpu.memory_space<vmem>>, vector<16xf32>,
            tpu.vector_store %arg19[%swap3A_410, %swap3A_411], %mul3A_409 {strides = array<i32>} : memref<16x128xf32, #tpu.memory_space<vmem>>, vector<16xf32>,
            %scan3A_413 = arith.constant 0 : i32
            scf.yield %scan3A_413 : i32
          }
          %scan3A_348 = arith.constant 16 : i32
          "tpu.region"() ({
            %run_scoped3A = tpu.sem_alloc : memref<!tpu.dma_semaphore, #tpu.memory_space<semaphore_mem>>
            %dma_start3A_350 = arith.constant 0 : i32
            %dma_start3A_351 = arith.constant 0 : i32
            %dma_start3A_352 = tpu.memref_slice %arg36[%dma_start3A_350, %dma_start3A_351] : memref<4112x128xf32, #tpu.memory_space<vmem_shared>> -> memref<4112x128xf32, #tpu.memory_space<vmem_shared>>
            tpu.enqueue_indirect_dma source(%arg19 : memref<16x128xf32, #tpu.memory_space<vmem>>) target(%dma_start3A_352 : memref<4112x128xf32, #tpu.memory_space<vmem_shared>>) offsets(%arg26 : memref<16xi32, #tpu.memory_space<vmem>>) semaphore(%run_scoped3A : memref<!tpu.dma_semaphore, #tpu.memory_space<semaphore_mem>>) {add = true}
            %dma_wait3A_353 = arith.constant 0 : i32
            %dma_wait3A_354 = arith.constant 0 : i32
            %dma_wait3A_355 = tpu.memref_slice %arg36[%dma_wait3A_353, %dma_wait3A_354] : memref<4112x128xf32, #tpu.memory_space<vmem_shared>> -> memref<4112x128xf32, #tpu.memory_space<vmem_shared>>
            tpu.wait_indirect_dma semaphore(%run_scoped3A : memref<!tpu.dma_semaphore, #tpu.memory_space<semaphore_mem>>) src(%arg19 : memref<16x128xf32, #tpu.memory_space<vmem>>) dst(%dma_wait3A_355 : memref<4112x128xf32, #tpu.memory_space<vmem_shared>>)
            tpu.yield
          }) : () -> ()
          %while3A_349 = arith.constant 0 : i32
          scf.yield %while3A_349 : i32
        }
        %while3A_305 = arith.constant 1 : i32
        %while3A_306 = scf.for %while3A_322 = %while3A_302 to %while3A_298 step %while3A_305 iter_args(%while3A_323 = %while3A_304) -> (i32)  : i32 {
          %mul3A_324 = arith.constant 16 : i32
          %mul3A_325 = arith.muli %while3A_322, %mul3A_324 : i32
          %get3A_326 = arith.index_cast %mul3A_325 : i32 to index
          %get3A_327 = tpu.vector_load %arg17[%get3A_326] {strides = array<i32>} : memref<4048xi32, #tpu.memory_space<vmem>>, vector<16xi32>,
          %mul3A_328 = arith.constant 16 : i32
          %mul3A_329 = arith.muli %while3A_322, %mul3A_328 : i32
          %get3A_330 = arith.index_cast %mul3A_329 : i32 to index
          %get3A_331 = tpu.vector_load %arg18[%get3A_330] {strides = array<i32>} : memref<4048xi32, #tpu.memory_space<vmem>>, vector<16xi32>,
          %gather3A = tpu.vector_load_idx %arg12[%get3A_327] : memref<10240xf32, #tpu.memory_space<vmem>>[vector<16xi32>], vector<16xf32>,
          %swap3A_332 = arith.constant 0 : index
          %swap3A_333 = tpu.vector_load %arg25[%swap3A_332] {strides = array<i32>} : memref<16xi32, #tpu.memory_space<vmem>>, vector<16xi32>,
          tpu.vector_store %arg25[%swap3A_332], %get3A_327 {strides = array<i32>} : memref<16xi32, #tpu.memory_space<vmem>>, vector<16xi32>,
          %swap3A_334 = arith.constant 0 : index
          %swap3A_335 = tpu.vector_load %arg26[%swap3A_334] {strides = array<i32>} : memref<16xi32, #tpu.memory_space<vmem>>, vector<16xi32>,
          tpu.vector_store %arg26[%swap3A_334], %get3A_331 {strides = array<i32>} : memref<16xi32, #tpu.memory_space<vmem>>, vector<16xi32>,
          %swap3A_336 = arith.constant 0 : index
          %swap3A_337 = tpu.vector_load %arg27[%swap3A_336] {strides = array<i32>} : memref<32xf32, #tpu.memory_space<vmem>>, vector<16xf32>,
          tpu.vector_store %arg27[%swap3A_336], %gather3A {strides = array<i32>} : memref<32xf32, #tpu.memory_space<vmem>>, vector<16xf32>,
          %dma_start3A = arith.constant 0 : i32
          %dma_start3A_338 = arith.constant 0 : i32
          %dma_start3A_339 = tpu.memref_slice %arg2[%dma_start3A, %dma_start3A_338] : memref<10000x128xf32, #tpu.memory_space<hbm>> -> memref<10000x128xf32, #tpu.memory_space<hbm>>
          tpu.enqueue_indirect_dma source(%dma_start3A_339 : memref<10000x128xf32, #tpu.memory_space<hbm>>) target(%arg19 : memref<16x128xf32, #tpu.memory_space<vmem>>) offsets(%arg25 : memref<16xi32, #tpu.memory_space<vmem>>) semaphore(%arg37 : memref<!tpu.dma_semaphore, #tpu.memory_space<semaphore_mem>>)
          %dma_wait3A = arith.constant 0 : i32
          %dma_wait3A_340 = arith.constant 0 : i32
          %dma_wait3A_341 = tpu.memref_slice %arg2[%dma_wait3A, %dma_wait3A_340] : memref<10000x128xf32, #tpu.memory_space<hbm>> -> memref<10000x128xf32, #tpu.memory_space<hbm>>
          tpu.wait_indirect_dma semaphore(%arg37 : memref<!tpu.dma_semaphore, #tpu.memory_space<semaphore_mem>>) src(%dma_wait3A_341 : memref<10000x128xf32, #tpu.memory_space<hbm>>) dst(%arg19 : memref<16x128xf32, #tpu.memory_space<vmem>>)
          %scan3A_342 = arith.constant 0 : i32
          %scan3A_343 = arith.constant 0 : i32
          %scan3A_344 = arith.constant 16 : i32
          %scan3A_345 = arith.addi %scan3A_343, %scan3A_344 : i32
          %scan3A_346 = arith.constant 1 : i32
          %scan3A_347 = scf.for %scan3A_350 = %scan3A_343 to %scan3A_345 step %scan3A_346 iter_args(%scan3A_351 = %scan3A_342) -> (i32)  : i32 {
            %get3A_352 = arith.index_cast %scan3A_350 : i32 to index
            %get3A_353 = tpu.vector_load %arg27[%get3A_352] {strides = array<i32>} : memref<32xf32, #tpu.memory_space<vmem>>, vector<16xf32>,
            %slice3A_354 = vector.extract_strided_slice %get3A_353 {offsets = [0], sizes = [1], strides = [1]} : vector<16xf32> to vector<1xf32>
            %squeeze3A_355 = vector.extract %slice3A_354[0] : f32 from vector<1xf32>
            %broadcast_in_dim3A_356 = vector.broadcast %squeeze3A_355 : f32 to vector<16xf32>
            %get3A_357 = arith.index_cast %scan3A_350 : i32 to index
            %get3A_358 = arith.constant 0 : index
            %get3A_359 = tpu.vector_load %arg19[%get3A_357, %get3A_358] {strides = array<i32>} : memref<16x128xf32, #tpu.memory_space<vmem>>, vector<16xf32>,
            %mul3A_360 = arith.mulf %get3A_359, %broadcast_in_dim3A_356 : vector<16xf32>
            %swap3A_361 = arith.index_cast %scan3A_350 : i32 to index
            %swap3A_362 = arith.constant 0 : index
            %swap3A_363 = tpu.vector_load %arg19[%swap3A_361, %swap3A_362] {strides = array<i32>} : memref<16x128xf32, #tpu.memory_space<vmem>>, vector<16xf32>,
            tpu.vector_store %arg19[%swap3A_361, %swap3A_362], %mul3A_360 {strides = array<i32>} : memref<16x128xf32, #tpu.memory_space<vmem>>, vector<16xf32>,
            %get3A_364 = arith.index_cast %scan3A_350 : i32 to index
            %get3A_365 = arith.constant 16 : index
            %get3A_366 = tpu.vector_load %arg19[%get3A_364, %get3A_365] {strides = array<i32>} : memref<16x128xf32, #tpu.memory_space<vmem>>, vector<16xf32>,
            %mul3A_367 = arith.mulf %get3A_366, %broadcast_in_dim3A_356 : vector<16xf32>
            %swap3A_368 = arith.index_cast %scan3A_350 : i32 to index
            %swap3A_369 = arith.constant 16 : index
            %swap3A_370 = tpu.vector_load %arg19[%swap3A_368, %swap3A_369] {strides = array<i32>} : memref<16x128xf32, #tpu.memory_space<vmem>>, vector<16xf32>,
            tpu.vector_store %arg19[%swap3A_368, %swap3A_369], %mul3A_367 {strides = array<i32>} : memref<16x128xf32, #tpu.memory_space<vmem>>, vector<16xf32>,
            %get3A_371 = arith.index_cast %scan3A_350 : i32 to index
            %get3A_372 = arith.constant 32 : index
            %get3A_373 = tpu.vector_load %arg19[%get3A_371, %get3A_372] {strides = array<i32>} : memref<16x128xf32, #tpu.memory_space<vmem>>, vector<16xf32>,
            %mul3A_374 = arith.mulf %get3A_373, %broadcast_in_dim3A_356 : vector<16xf32>
            %swap3A_375 = arith.index_cast %scan3A_350 : i32 to index
            %swap3A_376 = arith.constant 32 : index
            %swap3A_377 = tpu.vector_load %arg19[%swap3A_375, %swap3A_376] {strides = array<i32>} : memref<16x128xf32, #tpu.memory_space<vmem>>, vector<16xf32>,
            tpu.vector_store %arg19[%swap3A_375, %swap3A_376], %mul3A_374 {strides = array<i32>} : memref<16x128xf32, #tpu.memory_space<vmem>>, vector<16xf32>,
            %get3A_378 = arith.index_cast %scan3A_350 : i32 to index
            %get3A_379 = arith.constant 48 : index
            %get3A_380 = tpu.vector_load %arg19[%get3A_378, %get3A_379] {strides = array<i32>} : memref<16x128xf32, #tpu.memory_space<vmem>>, vector<16xf32>,
            %mul3A_381 = arith.mulf %get3A_380, %broadcast_in_dim3A_356 : vector<16xf32>
            %swap3A_382 = arith.index_cast %scan3A_350 : i32 to index
            %swap3A_383 = arith.constant 48 : index
            %swap3A_384 = tpu.vector_load %arg19[%swap3A_382, %swap3A_383] {strides = array<i32>} : memref<16x128xf32, #tpu.memory_space<vmem>>, vector<16xf32>,
            tpu.vector_store %arg19[%swap3A_382, %swap3A_383], %mul3A_381 {strides = array<i32>} : memref<16x128xf32, #tpu.memory_space<vmem>>, vector<16xf32>,
            %get3A_385 = arith.index_cast %scan3A_350 : i32 to index
            %get3A_386 = arith.constant 64 : index
            %get3A_387 = tpu.vector_load %arg19[%get3A_385, %get3A_386] {strides = array<i32>} : memref<16x128xf32, #tpu.memory_space<vmem>>, vector<16xf32>,
            %mul3A_388 = arith.mulf %get3A_387, %broadcast_in_dim3A_356 : vector<16xf32>
            %swap3A_389 = arith.index_cast %scan3A_350 : i32 to index
            %swap3A_390 = arith.constant 64 : index
            %swap3A_391 = tpu.vector_load %arg19[%swap3A_389, %swap3A_390] {strides = array<i32>} : memref<16x128xf32, #tpu.memory_space<vmem>>, vector<16xf32>,
            tpu.vector_store %arg19[%swap3A_389, %swap3A_390], %mul3A_388 {strides = array<i32>} : memref<16x128xf32, #tpu.memory_space<vmem>>, vector<16xf32>,
            %get3A_392 = arith.index_cast %scan3A_350 : i32 to index
            %get3A_393 = arith.constant 80 : index
            %get3A_394 = tpu.vector_load %arg19[%get3A_392, %get3A_393] {strides = array<i32>} : memref<16x128xf32, #tpu.memory_space<vmem>>, vector<16xf32>,
            %mul3A_395 = arith.mulf %get3A_394, %broadcast_in_dim3A_356 : vector<16xf32>
            %swap3A_396 = arith.index_cast %scan3A_350 : i32 to index
            %swap3A_397 = arith.constant 80 : index
            %swap3A_398 = tpu.vector_load %arg19[%swap3A_396, %swap3A_397] {strides = array<i32>} : memref<16x128xf32, #tpu.memory_space<vmem>>, vector<16xf32>,
            tpu.vector_store %arg19[%swap3A_396, %swap3A_397], %mul3A_395 {strides = array<i32>} : memref<16x128xf32, #tpu.memory_space<vmem>>, vector<16xf32>,
            %get3A_399 = arith.index_cast %scan3A_350 : i32 to index
            %get3A_400 = arith.constant 96 : index
            %get3A_401 = tpu.vector_load %arg19[%get3A_399, %get3A_400] {strides = array<i32>} : memref<16x128xf32, #tpu.memory_space<vmem>>, vector<16xf32>,
            %mul3A_402 = arith.mulf %get3A_401, %broadcast_in_dim3A_356 : vector<16xf32>
            %swap3A_403 = arith.index_cast %scan3A_350 : i32 to index
            %swap3A_404 = arith.constant 96 : index
            %swap3A_405 = tpu.vector_load %arg19[%swap3A_403, %swap3A_404] {strides = array<i32>} : memref<16x128xf32, #tpu.memory_space<vmem>>, vector<16xf32>,
            tpu.vector_store %arg19[%swap3A_403, %swap3A_404], %mul3A_402 {strides = array<i32>} : memref<16x128xf32, #tpu.memory_space<vmem>>, vector<16xf32>,
            %get3A_406 = arith.index_cast %scan3A_350 : i32 to index
            %get3A_407 = arith.constant 112 : index
            %get3A_408 = tpu.vector_load %arg19[%get3A_406, %get3A_407] {strides = array<i32>} : memref<16x128xf32, #tpu.memory_space<vmem>>, vector<16xf32>,
            %mul3A_409 = arith.mulf %get3A_408, %broadcast_in_dim3A_356 : vector<16xf32>
            %swap3A_410 = arith.index_cast %scan3A_350 : i32 to index
            %swap3A_411 = arith.constant 112 : index
            %swap3A_412 = tpu.vector_load %arg19[%swap3A_410, %swap3A_411] {strides = array<i32>} : memref<16x128xf32, #tpu.memory_space<vmem>>, vector<16xf32>,
            tpu.vector_store %arg19[%swap3A_410, %swap3A_411], %mul3A_409 {strides = array<i32>} : memref<16x128xf32, #tpu.memory_space<vmem>>, vector<16xf32>,
            %scan3A_413 = arith.constant 0 : i32
            scf.yield %scan3A_413 : i32
          }
          %scan3A_348 = arith.constant 16 : i32
          "tpu.region"() ({
            %run_scoped3A = tpu.sem_alloc : memref<!tpu.dma_semaphore, #tpu.memory_space<semaphore_mem>>
            %dma_start3A_350 = arith.constant 0 : i32
            %dma_start3A_351 = arith.constant 0 : i32
            %dma_start3A_352 = tpu.memref_slice %arg36[%dma_start3A_350, %dma_start3A_351] : memref<4112x128xf32, #tpu.memory_space<vmem_shared>> -> memref<4112x128xf32, #tpu.memory_space<vmem_shared>>
            tpu.enqueue_indirect_dma source(%arg19 : memref<16x128xf32, #tpu.memory_space<vmem>>) target(%dma_start3A_352 : memref<4112x128xf32, #tpu.memory_space<vmem_shared>>) offsets(%arg26 : memref<16xi32, #tpu.memory_space<vmem>>) semaphore(%run_scoped3A : memref<!tpu.dma_semaphore, #tpu.memory_space<semaphore_mem>>) {add = true}
            %dma_wait3A_353 = arith.constant 0 : i32
            %dma_wait3A_354 = arith.constant 0 : i32
            %dma_wait3A_355 = tpu.memref_slice %arg36[%dma_wait3A_353, %dma_wait3A_354] : memref<4112x128xf32, #tpu.memory_space<vmem_shared>> -> memref<4112x128xf32, #tpu.memory_space<vmem_shared>>
            tpu.wait_indirect_dma semaphore(%run_scoped3A : memref<!tpu.dma_semaphore, #tpu.memory_space<semaphore_mem>>) src(%arg19 : memref<16x128xf32, #tpu.memory_space<vmem>>) dst(%dma_wait3A_355 : memref<4112x128xf32, #tpu.memory_space<vmem_shared>>)
            tpu.yield
          }) : () -> ()
          %while3A_349 = arith.constant 0 : i32
          scf.yield %while3A_349 : i32
        }
        %mul3A_307 = arith.constant 16 : i32
        %mul3A_308 = arith.muli %select_n3A_294, %mul3A_307 : i32
        %get3A_309 = arith.index_cast %mul3A_308 : i32 to index
        %get3A_310 = tpu.vector_load %arg17[%get3A_309] {strides = array<i32>} : memref<4048xi32, #tpu.memory_space<vmem>>, vector<16xi32>,
        %swap3A_311 = arith.constant 0 : index
        %swap3A_312 = tpu.vector_load %arg17[%swap3A_311] {strides = array<i32>} : memref<4048xi32, #tpu.memory_space<vmem>>, vector<16xi32>,
        tpu.vector_store %arg17[%swap3A_311], %get3A_310 {strides = array<i32>} : memref<4048xi32, #tpu.memory_space<vmem>>, vector<16xi32>,
        %mul3A_313 = arith.constant 16 : i32
        %mul3A_314 = arith.muli %select_n3A_294, %mul3A_313 : i32
        %get3A_315 = arith.index_cast %mul3A_314 : i32 to index
        %get3A_316 = tpu.vector_load %arg18[%get3A_315] {strides = array<i32>} : memref<4048xi32, #tpu.memory_space<vmem>>, vector<16xi32>,
        %swap3A_317 = arith.constant 0 : index
        %swap3A_318 = tpu.vector_load %arg18[%swap3A_317] {strides = array<i32>} : memref<4048xi32, #tpu.memory_space<vmem>>, vector<16xi32>,
        tpu.vector_store %arg18[%swap3A_317], %get3A_316 {strides = array<i32>} : memref<4048xi32, #tpu.memory_space<vmem>>, vector<16xi32>,
        %mul3A_319 = arith.constant 16 : i32
        %mul3A_320 = arith.muli %select_n3A_294, %mul3A_319 : i32
        %sub3A_321 = arith.subi %scan3A_269, %mul3A_320 : i32
        scf.yield %sub3A_321 : i32
      }
      %scan3A_225 = arith.constant 5 : i32
      %gt3A = arith.constant 0 : i32
      %gt3A_226 = arith.cmpi sgt, %scan3A_224, %gt3A : i32
      %convert_element_type3A_227 = arith.extui %gt3A_226 : i1 to i32
      %cond3A_228 = arith.constant 0 : i32
      %cond3A_229 = arith.cmpi ne, %convert_element_type3A_227, %cond3A_228 : i32
      scf.if %cond3A_229 {
        %lt3A = vector.broadcast %scan3A_224 : i32 to vector<16xi32>
        %lt3A_257 = arith.cmpi slt, %iota3A, %lt3A : vector<16xi32>
        %get3A_258 = arith.constant 0 : index
        %get3A_259 = tpu.vector_load %arg17[%get3A_258] {strides = array<i32>} : memref<4048xi32, #tpu.memory_space<vmem>>, vector<16xi32>,
        %jit3A_260 = arith.constant 0 : i32
        %broadcast_in_dim3A_261 = vector.broadcast %jit3A_260 : i32 to vector<16xi32>
        %select_n3A_262 = arith.select %lt3A_257, %get3A_259, %broadcast_in_dim3A_261 : vector<16xi1>, vector<16xi32>
        %get3A_263 = arith.constant 0 : index
        %get3A_264 = tpu.vector_load %arg18[%get3A_263] {strides = array<i32>} : memref<4048xi32, #tpu.memory_space<vmem>>, vector<16xi32>,
        %jit3A_265 = arith.constant 4096 : i32
        %broadcast_in_dim3A_266 = vector.broadcast %jit3A_265 : i32 to vector<16xi32>
        %select_n3A_267 = arith.select %lt3A_257, %get3A_264, %broadcast_in_dim3A_266 : vector<16xi1>, vector<16xi32>
        %gather3A = tpu.vector_load_idx %arg12[%select_n3A_262] : memref<10240xf32, #tpu.memory_space<vmem>>[vector<16xi32>], vector<16xf32>,
        %jit3A_268 = arith.constant 0.000000e+00 : f32
        %broadcast_in_dim3A_269 = vector.broadcast %jit3A_268 : f32 to vector<16xf32>
        %select_n3A_270 = arith.select %lt3A_257, %gather3A, %broadcast_in_dim3A_269 : vector<16xi1>, vector<16xf32>
        %swap3A_271 = arith.constant 0 : index
        %swap3A_272 = tpu.vector_load %arg25[%swap3A_271] {strides = array<i32>} : memref<16xi32, #tpu.memory_space<vmem>>, vector<16xi32>,
        tpu.vector_store %arg25[%swap3A_271], %select_n3A_262 {strides = array<i32>} : memref<16xi32, #tpu.memory_space<vmem>>, vector<16xi32>,
        %swap3A_273 = arith.constant 0 : index
        %swap3A_274 = tpu.vector_load %arg26[%swap3A_273] {strides = array<i32>} : memref<16xi32, #tpu.memory_space<vmem>>, vector<16xi32>,
        tpu.vector_store %arg26[%swap3A_273], %select_n3A_267 {strides = array<i32>} : memref<16xi32, #tpu.memory_space<vmem>>, vector<16xi32>,
        %swap3A_275 = arith.constant 0 : index
        %swap3A_276 = tpu.vector_load %arg27[%swap3A_275] {strides = array<i32>} : memref<32xf32, #tpu.memory_space<vmem>>, vector<16xf32>,
        tpu.vector_store %arg27[%swap3A_275], %select_n3A_270 {strides = array<i32>} : memref<32xf32, #tpu.memory_space<vmem>>, vector<16xf32>,
        %dma_start3A = arith.constant 0 : i32
        %dma_start3A_277 = arith.constant 0 : i32
        %dma_start3A_278 = tpu.memref_slice %arg2[%dma_start3A, %dma_start3A_277] : memref<10000x128xf32, #tpu.memory_space<hbm>> -> memref<10000x128xf32, #tpu.memory_space<hbm>>
        tpu.enqueue_indirect_dma source(%dma_start3A_278 : memref<10000x128xf32, #tpu.memory_space<hbm>>) target(%arg19 : memref<16x128xf32, #tpu.memory_space<vmem>>) offsets(%arg25 : memref<16xi32, #tpu.memory_space<vmem>>) semaphore(%arg37 : memref<!tpu.dma_semaphore, #tpu.memory_space<semaphore_mem>>)
        %dma_wait3A = arith.constant 0 : i32
        %dma_wait3A_279 = arith.constant 0 : i32
        %dma_wait3A_280 = tpu.memref_slice %arg2[%dma_wait3A, %dma_wait3A_279] : memref<10000x128xf32, #tpu.memory_space<hbm>> -> memref<10000x128xf32, #tpu.memory_space<hbm>>
        tpu.wait_indirect_dma semaphore(%arg37 : memref<!tpu.dma_semaphore, #tpu.memory_space<semaphore_mem>>) src(%dma_wait3A_280 : memref<10000x128xf32, #tpu.memory_space<hbm>>) dst(%arg19 : memref<16x128xf32, #tpu.memory_space<vmem>>)
        %scan3A_281 = arith.constant 0 : i32
        %scan3A_282 = arith.constant 0 : i32
        %scan3A_283 = arith.constant 16 : i32
        %scan3A_284 = arith.addi %scan3A_282, %scan3A_283 : i32
        %scan3A_285 = arith.constant 1 : i32
        %scan3A_286 = scf.for %scan3A_288 = %scan3A_282 to %scan3A_284 step %scan3A_285 iter_args(%scan3A_289 = %scan3A_281) -> (i32)  : i32 {
          %get3A_290 = arith.index_cast %scan3A_288 : i32 to index
          %get3A_291 = tpu.vector_load %arg27[%get3A_290] {strides = array<i32>} : memref<32xf32, #tpu.memory_space<vmem>>, vector<16xf32>,
          %slice3A_292 = vector.extract_strided_slice %get3A_291 {offsets = [0], sizes = [1], strides = [1]} : vector<16xf32> to vector<1xf32>
          %squeeze3A_293 = vector.extract %slice3A_292[0] : f32 from vector<1xf32>
          %broadcast_in_dim3A_294 = vector.broadcast %squeeze3A_293 : f32 to vector<16xf32>
          %get3A_295 = arith.index_cast %scan3A_288 : i32 to index
          %get3A_296 = arith.constant 0 : index
          %get3A_297 = tpu.vector_load %arg19[%get3A_295, %get3A_296] {strides = array<i32>} : memref<16x128xf32, #tpu.memory_space<vmem>>, vector<16xf32>,
          %mul3A_298 = arith.mulf %get3A_297, %broadcast_in_dim3A_294 : vector<16xf32>
          %swap3A_299 = arith.index_cast %scan3A_288 : i32 to index
          %swap3A_300 = arith.constant 0 : index
          %swap3A_301 = tpu.vector_load %arg19[%swap3A_299, %swap3A_300] {strides = array<i32>} : memref<16x128xf32, #tpu.memory_space<vmem>>, vector<16xf32>,
          tpu.vector_store %arg19[%swap3A_299, %swap3A_300], %mul3A_298 {strides = array<i32>} : memref<16x128xf32, #tpu.memory_space<vmem>>, vector<16xf32>,
          %get3A_302 = arith.index_cast %scan3A_288 : i32 to index
          %get3A_303 = arith.constant 16 : index
          %get3A_304 = tpu.vector_load %arg19[%get3A_302, %get3A_303] {strides = array<i32>} : memref<16x128xf32, #tpu.memory_space<vmem>>, vector<16xf32>,
          %mul3A_305 = arith.mulf %get3A_304, %broadcast_in_dim3A_294 : vector<16xf32>
          %swap3A_306 = arith.index_cast %scan3A_288 : i32 to index
          %swap3A_307 = arith.constant 16 : index
          %swap3A_308 = tpu.vector_load %arg19[%swap3A_306, %swap3A_307] {strides = array<i32>} : memref<16x128xf32, #tpu.memory_space<vmem>>, vector<16xf32>,
          tpu.vector_store %arg19[%swap3A_306, %swap3A_307], %mul3A_305 {strides = array<i32>} : memref<16x128xf32, #tpu.memory_space<vmem>>, vector<16xf32>,
          %get3A_309 = arith.index_cast %scan3A_288 : i32 to index
          %get3A_310 = arith.constant 32 : index
          %get3A_311 = tpu.vector_load %arg19[%get3A_309, %get3A_310] {strides = array<i32>} : memref<16x128xf32, #tpu.memory_space<vmem>>, vector<16xf32>,
          %mul3A_312 = arith.mulf %get3A_311, %broadcast_in_dim3A_294 : vector<16xf32>
          %swap3A_313 = arith.index_cast %scan3A_288 : i32 to index
          %swap3A_314 = arith.constant 32 : index
          %swap3A_315 = tpu.vector_load %arg19[%swap3A_313, %swap3A_314] {strides = array<i32>} : memref<16x128xf32, #tpu.memory_space<vmem>>, vector<16xf32>,
          tpu.vector_store %arg19[%swap3A_313, %swap3A_314], %mul3A_312 {strides = array<i32>} : memref<16x128xf32, #tpu.memory_space<vmem>>, vector<16xf32>,
          %get3A_316 = arith.index_cast %scan3A_288 : i32 to index
          %get3A_317 = arith.constant 48 : index
          %get3A_318 = tpu.vector_load %arg19[%get3A_316, %get3A_317] {strides = array<i32>} : memref<16x128xf32, #tpu.memory_space<vmem>>, vector<16xf32>,
          %mul3A_319 = arith.mulf %get3A_318, %broadcast_in_dim3A_294 : vector<16xf32>
          %swap3A_320 = arith.index_cast %scan3A_288 : i32 to index
          %swap3A_321 = arith.constant 48 : index
          %swap3A_322 = tpu.vector_load %arg19[%swap3A_320, %swap3A_321] {strides = array<i32>} : memref<16x128xf32, #tpu.memory_space<vmem>>, vector<16xf32>,
          tpu.vector_store %arg19[%swap3A_320, %swap3A_321], %mul3A_319 {strides = array<i32>} : memref<16x128xf32, #tpu.memory_space<vmem>>, vector<16xf32>,
          %get3A_323 = arith.index_cast %scan3A_288 : i32 to index
          %get3A_324 = arith.constant 64 : index
          %get3A_325 = tpu.vector_load %arg19[%get3A_323, %get3A_324] {strides = array<i32>} : memref<16x128xf32, #tpu.memory_space<vmem>>, vector<16xf32>,
          %mul3A_326 = arith.mulf %get3A_325, %broadcast_in_dim3A_294 : vector<16xf32>
          %swap3A_327 = arith.index_cast %scan3A_288 : i32 to index
          %swap3A_328 = arith.constant 64 : index
          %swap3A_329 = tpu.vector_load %arg19[%swap3A_327, %swap3A_328] {strides = array<i32>} : memref<16x128xf32, #tpu.memory_space<vmem>>, vector<16xf32>,
          tpu.vector_store %arg19[%swap3A_327, %swap3A_328], %mul3A_326 {strides = array<i32>} : memref<16x128xf32, #tpu.memory_space<vmem>>, vector<16xf32>,
          %get3A_330 = arith.index_cast %scan3A_288 : i32 to index
          %get3A_331 = arith.constant 80 : index
          %get3A_332 = tpu.vector_load %arg19[%get3A_330, %get3A_331] {strides = array<i32>} : memref<16x128xf32, #tpu.memory_space<vmem>>, vector<16xf32>,
          %mul3A_333 = arith.mulf %get3A_332, %broadcast_in_dim3A_294 : vector<16xf32>
          %swap3A_334 = arith.index_cast %scan3A_288 : i32 to index
          %swap3A_335 = arith.constant 80 : index
          %swap3A_336 = tpu.vector_load %arg19[%swap3A_334, %swap3A_335] {strides = array<i32>} : memref<16x128xf32, #tpu.memory_space<vmem>>, vector<16xf32>,
          tpu.vector_store %arg19[%swap3A_334, %swap3A_335], %mul3A_333 {strides = array<i32>} : memref<16x128xf32, #tpu.memory_space<vmem>>, vector<16xf32>,
          %get3A_337 = arith.index_cast %scan3A_288 : i32 to index
          %get3A_338 = arith.constant 96 : index
          %get3A_339 = tpu.vector_load %arg19[%get3A_337, %get3A_338] {strides = array<i32>} : memref<16x128xf32, #tpu.memory_space<vmem>>, vector<16xf32>,
          %mul3A_340 = arith.mulf %get3A_339, %broadcast_in_dim3A_294 : vector<16xf32>
          %swap3A_341 = arith.index_cast %scan3A_288 : i32 to index
          %swap3A_342 = arith.constant 96 : index
          %swap3A_343 = tpu.vector_load %arg19[%swap3A_341, %swap3A_342] {strides = array<i32>} : memref<16x128xf32, #tpu.memory_space<vmem>>, vector<16xf32>,
          tpu.vector_store %arg19[%swap3A_341, %swap3A_342], %mul3A_340 {strides = array<i32>} : memref<16x128xf32, #tpu.memory_space<vmem>>, vector<16xf32>,
          %get3A_344 = arith.index_cast %scan3A_288 : i32 to index
          %get3A_345 = arith.constant 112 : index
          %get3A_346 = tpu.vector_load %arg19[%get3A_344, %get3A_345] {strides = array<i32>} : memref<16x128xf32, #tpu.memory_space<vmem>>, vector<16xf32>,
          %mul3A_347 = arith.mulf %get3A_346, %broadcast_in_dim3A_294 : vector<16xf32>
          %swap3A_348 = arith.index_cast %scan3A_288 : i32 to index
          %swap3A_349 = arith.constant 112 : index
          %swap3A_350 = tpu.vector_load %arg19[%swap3A_348, %swap3A_349] {strides = array<i32>} : memref<16x128xf32, #tpu.memory_space<vmem>>, vector<16xf32>,
          tpu.vector_store %arg19[%swap3A_348, %swap3A_349], %mul3A_347 {strides = array<i32>} : memref<16x128xf32, #tpu.memory_space<vmem>>, vector<16xf32>,
          %scan3A_351 = arith.constant 0 : i32
          scf.yield %scan3A_351 : i32
        }
        %scan3A_287 = arith.constant 16 : i32
        "tpu.region"() ({
          %run_scoped3A = tpu.sem_alloc : memref<!tpu.dma_semaphore, #tpu.memory_space<semaphore_mem>>
          %dma_start3A_288 = arith.constant 0 : i32
          %dma_start3A_289 = arith.constant 0 : i32
          %dma_start3A_290 = tpu.memref_slice %arg36[%dma_start3A_288, %dma_start3A_289] : memref<4112x128xf32, #tpu.memory_space<vmem_shared>> -> memref<4112x128xf32, #tpu.memory_space<vmem_shared>>
          tpu.enqueue_indirect_dma source(%arg19 : memref<16x128xf32, #tpu.memory_space<vmem>>) target(%dma_start3A_290 : memref<4112x128xf32, #tpu.memory_space<vmem_shared>>) offsets(%arg26 : memref<16xi32, #tpu.memory_space<vmem>>) semaphore(%run_scoped3A : memref<!tpu.dma_semaphore, #tpu.memory_space<semaphore_mem>>) {add = true}
          %dma_wait3A_291 = arith.constant 0 : i32
          %dma_wait3A_292 = arith.constant 0 : i32
          %dma_wait3A_293 = tpu.memref_slice %arg36[%dma_wait3A_291, %dma_wait3A_292] : memref<4112x128xf32, #tpu.memory_space<vmem_shared>> -> memref<4112x128xf32, #tpu.memory_space<vmem_shared>>
          tpu.wait_indirect_dma semaphore(%run_scoped3A : memref<!tpu.dma_semaphore, #tpu.memory_space<semaphore_mem>>) src(%arg19 : memref<16x128xf32, #tpu.memory_space<vmem>>) dst(%dma_wait3A_293 : memref<4112x128xf32, #tpu.memory_space<vmem_shared>>)
          tpu.yield
        }) : () -> ()
      } else {
      }
      %while3A_230 = arith.constant 0 : i32
      %while3A_231 = arith.constant 0 : i32
      %while3A_232 = arith.subi %max3A_198, %while3A_230 : i32
      %while3A_233 = arith.addi %while3A_230, %while3A_232 : i32
      %while3A_234 = arith.constant 1 : i32
      %while3A_235 = arith.divsi %while3A_232, %while3A_234 : i32
      %while3A_236 = arith.muli %while3A_235, %while3A_234 : i32
      %while3A_237 = arith.addi %while3A_230, %while3A_236 : i32
      %while3A_238 = arith.constant 1 : i32
      %while3A_239 = scf.for %while3A_257 = %while3A_230 to %while3A_237 step %while3A_238 iter_args(%while3A_258 = %while3A_231) -> (i32)  : i32 {
        %mul3A_259 = arith.constant 16 : i32
        %mul3A_260 = arith.muli %while3A_257, %mul3A_259 : i32
        %add3A_261 = arith.addi %arg1, %mul3A_260 : i32
        %mul3A_262 = arith.constant 16 : i32
        %mul3A_263 = arith.muli %add3A_261, %mul3A_262 : i32
        %add3A_264 = arith.addi %mul3A_137, %mul3A_263 : i32
        %get3A_265 = arith.index_cast %add3A_264 : i32 to index
        %get3A_266 = tpu.vector_load %arg14[%get3A_265] {strides = array<i32>} : memref<10240xi32, #tpu.memory_space<vmem>>, vector<16xi32>,
        %mul3A_267 = arith.constant 16 : i32
        %mul3A_268 = arith.muli %add3A_261, %mul3A_267 : i32
        %add3A_269 = vector.broadcast %mul3A_268 : i32 to vector<16xi32>
        %add3A_270 = arith.addi %add3A_269, %iota3A : vector<16xi32>
        %lt3A = vector.broadcast %min3A_140 : i32 to vector<16xi32>
        %lt3A_271 = arith.cmpi slt, %add3A_270, %lt3A : vector<16xi32>
        %jit3A_272 = arith.constant 0 : i32
        %broadcast_in_dim3A_273 = vector.broadcast %jit3A_272 : i32 to vector<16xi32>
        %select_n3A_274 = arith.select %lt3A_271, %get3A_266, %broadcast_in_dim3A_273 : vector<16xi1>, vector<16xi32>
        %mul3A_275 = arith.constant 16 : i32
        %mul3A_276 = arith.muli %add3A_261, %mul3A_275 : i32
        %add3A_277 = vector.broadcast %mul3A_276 : i32 to vector<16xi32>
        %add3A_278 = arith.addi %add3A_277, %iota3A : vector<16xi32>
        %jit3A_279 = arith.constant 4096 : i32
        %broadcast_in_dim3A_280 = vector.broadcast %jit3A_279 : i32 to vector<16xi32>
        %select_n3A_281 = arith.select %lt3A_271, %add3A_278, %broadcast_in_dim3A_280 : vector<16xi1>, vector<16xi32>
        %gather3A = tpu.vector_load_idx %arg12[%select_n3A_274] : memref<10240xf32, #tpu.memory_space<vmem>>[vector<16xi32>], vector<16xf32>,
        %jit3A_282 = arith.constant 0.000000e+00 : f32
        %broadcast_in_dim3A_283 = vector.broadcast %jit3A_282 : f32 to vector<16xf32>
        %select_n3A_284 = arith.select %lt3A_271, %gather3A, %broadcast_in_dim3A_283 : vector<16xi1>, vector<16xf32>
        %swap3A_285 = arith.constant 0 : index
        %swap3A_286 = tpu.vector_load %arg25[%swap3A_285] {strides = array<i32>} : memref<16xi32, #tpu.memory_space<vmem>>, vector<16xi32>,
        tpu.vector_store %arg25[%swap3A_285], %select_n3A_274 {strides = array<i32>} : memref<16xi32, #tpu.memory_space<vmem>>, vector<16xi32>,
        %swap3A_287 = arith.constant 0 : index
        %swap3A_288 = tpu.vector_load %arg26[%swap3A_287] {strides = array<i32>} : memref<16xi32, #tpu.memory_space<vmem>>, vector<16xi32>,
        tpu.vector_store %arg26[%swap3A_287], %select_n3A_281 {strides = array<i32>} : memref<16xi32, #tpu.memory_space<vmem>>, vector<16xi32>,
        %swap3A_289 = arith.constant 0 : index
        %swap3A_290 = tpu.vector_load %arg27[%swap3A_289] {strides = array<i32>} : memref<32xf32, #tpu.memory_space<vmem>>, vector<16xf32>,
        tpu.vector_store %arg27[%swap3A_289], %select_n3A_284 {strides = array<i32>} : memref<32xf32, #tpu.memory_space<vmem>>, vector<16xf32>,
        %dma_start3A = arith.constant 0 : i32
        %dma_start3A_291 = arith.constant 0 : i32
        %dma_start3A_292 = tpu.memref_slice %arg2[%dma_start3A, %dma_start3A_291] : memref<10000x128xf32, #tpu.memory_space<hbm>> -> memref<10000x128xf32, #tpu.memory_space<hbm>>
        tpu.enqueue_indirect_dma source(%dma_start3A_292 : memref<10000x128xf32, #tpu.memory_space<hbm>>) target(%arg19 : memref<16x128xf32, #tpu.memory_space<vmem>>) offsets(%arg25 : memref<16xi32, #tpu.memory_space<vmem>>) semaphore(%arg37 : memref<!tpu.dma_semaphore, #tpu.memory_space<semaphore_mem>>)
        %dma_wait3A = arith.constant 0 : i32
        %dma_wait3A_293 = arith.constant 0 : i32
        %dma_wait3A_294 = tpu.memref_slice %arg2[%dma_wait3A, %dma_wait3A_293] : memref<10000x128xf32, #tpu.memory_space<hbm>> -> memref<10000x128xf32, #tpu.memory_space<hbm>>
        tpu.wait_indirect_dma semaphore(%arg37 : memref<!tpu.dma_semaphore, #tpu.memory_space<semaphore_mem>>) src(%dma_wait3A_294 : memref<10000x128xf32, #tpu.memory_space<hbm>>) dst(%arg19 : memref<16x128xf32, #tpu.memory_space<vmem>>)
        %scan3A_295 = arith.constant 0 : i32
        %scan3A_296 = arith.constant 0 : i32
        %scan3A_297 = arith.constant 16 : i32
        %scan3A_298 = arith.addi %scan3A_296, %scan3A_297 : i32
        %scan3A_299 = arith.constant 1 : i32
        %scan3A_300 = scf.for %scan3A_303 = %scan3A_296 to %scan3A_298 step %scan3A_299 iter_args(%scan3A_304 = %scan3A_295) -> (i32)  : i32 {
          %get3A_305 = arith.index_cast %scan3A_303 : i32 to index
          %get3A_306 = tpu.vector_load %arg27[%get3A_305] {strides = array<i32>} : memref<32xf32, #tpu.memory_space<vmem>>, vector<16xf32>,
          %slice3A_307 = vector.extract_strided_slice %get3A_306 {offsets = [0], sizes = [1], strides = [1]} : vector<16xf32> to vector<1xf32>
          %squeeze3A_308 = vector.extract %slice3A_307[0] : f32 from vector<1xf32>
          %broadcast_in_dim3A_309 = vector.broadcast %squeeze3A_308 : f32 to vector<16xf32>
          %get3A_310 = arith.index_cast %scan3A_303 : i32 to index
          %get3A_311 = arith.constant 0 : index
          %get3A_312 = tpu.vector_load %arg19[%get3A_310, %get3A_311] {strides = array<i32>} : memref<16x128xf32, #tpu.memory_space<vmem>>, vector<16xf32>,
          %mul3A_313 = arith.mulf %get3A_312, %broadcast_in_dim3A_309 : vector<16xf32>
          %swap3A_314 = arith.index_cast %scan3A_303 : i32 to index
          %swap3A_315 = arith.constant 0 : index
          %swap3A_316 = tpu.vector_load %arg19[%swap3A_314, %swap3A_315] {strides = array<i32>} : memref<16x128xf32, #tpu.memory_space<vmem>>, vector<16xf32>,
          tpu.vector_store %arg19[%swap3A_314, %swap3A_315], %mul3A_313 {strides = array<i32>} : memref<16x128xf32, #tpu.memory_space<vmem>>, vector<16xf32>,
          %get3A_317 = arith.index_cast %scan3A_303 : i32 to index
          %get3A_318 = arith.constant 16 : index
          %get3A_319 = tpu.vector_load %arg19[%get3A_317, %get3A_318] {strides = array<i32>} : memref<16x128xf32, #tpu.memory_space<vmem>>, vector<16xf32>,
          %mul3A_320 = arith.mulf %get3A_319, %broadcast_in_dim3A_309 : vector<16xf32>
          %swap3A_321 = arith.index_cast %scan3A_303 : i32 to index
          %swap3A_322 = arith.constant 16 : index
          %swap3A_323 = tpu.vector_load %arg19[%swap3A_321, %swap3A_322] {strides = array<i32>} : memref<16x128xf32, #tpu.memory_space<vmem>>, vector<16xf32>,
          tpu.vector_store %arg19[%swap3A_321, %swap3A_322], %mul3A_320 {strides = array<i32>} : memref<16x128xf32, #tpu.memory_space<vmem>>, vector<16xf32>,
          %get3A_324 = arith.index_cast %scan3A_303 : i32 to index
          %get3A_325 = arith.constant 32 : index
          %get3A_326 = tpu.vector_load %arg19[%get3A_324, %get3A_325] {strides = array<i32>} : memref<16x128xf32, #tpu.memory_space<vmem>>, vector<16xf32>,
          %mul3A_327 = arith.mulf %get3A_326, %broadcast_in_dim3A_309 : vector<16xf32>
          %swap3A_328 = arith.index_cast %scan3A_303 : i32 to index
          %swap3A_329 = arith.constant 32 : index
          %swap3A_330 = tpu.vector_load %arg19[%swap3A_328, %swap3A_329] {strides = array<i32>} : memref<16x128xf32, #tpu.memory_space<vmem>>, vector<16xf32>,
          tpu.vector_store %arg19[%swap3A_328, %swap3A_329], %mul3A_327 {strides = array<i32>} : memref<16x128xf32, #tpu.memory_space<vmem>>, vector<16xf32>,
          %get3A_331 = arith.index_cast %scan3A_303 : i32 to index
          %get3A_332 = arith.constant 48 : index
          %get3A_333 = tpu.vector_load %arg19[%get3A_331, %get3A_332] {strides = array<i32>} : memref<16x128xf32, #tpu.memory_space<vmem>>, vector<16xf32>,
          %mul3A_334 = arith.mulf %get3A_333, %broadcast_in_dim3A_309 : vector<16xf32>
          %swap3A_335 = arith.index_cast %scan3A_303 : i32 to index
          %swap3A_336 = arith.constant 48 : index
          %swap3A_337 = tpu.vector_load %arg19[%swap3A_335, %swap3A_336] {strides = array<i32>} : memref<16x128xf32, #tpu.memory_space<vmem>>, vector<16xf32>,
          tpu.vector_store %arg19[%swap3A_335, %swap3A_336], %mul3A_334 {strides = array<i32>} : memref<16x128xf32, #tpu.memory_space<vmem>>, vector<16xf32>,
          %get3A_338 = arith.index_cast %scan3A_303 : i32 to index
          %get3A_339 = arith.constant 64 : index
          %get3A_340 = tpu.vector_load %arg19[%get3A_338, %get3A_339] {strides = array<i32>} : memref<16x128xf32, #tpu.memory_space<vmem>>, vector<16xf32>,
          %mul3A_341 = arith.mulf %get3A_340, %broadcast_in_dim3A_309 : vector<16xf32>
          %swap3A_342 = arith.index_cast %scan3A_303 : i32 to index
          %swap3A_343 = arith.constant 64 : index
          %swap3A_344 = tpu.vector_load %arg19[%swap3A_342, %swap3A_343] {strides = array<i32>} : memref<16x128xf32, #tpu.memory_space<vmem>>, vector<16xf32>,
          tpu.vector_store %arg19[%swap3A_342, %swap3A_343], %mul3A_341 {strides = array<i32>} : memref<16x128xf32, #tpu.memory_space<vmem>>, vector<16xf32>,
          %get3A_345 = arith.index_cast %scan3A_303 : i32 to index
          %get3A_346 = arith.constant 80 : index
          %get3A_347 = tpu.vector_load %arg19[%get3A_345, %get3A_346] {strides = array<i32>} : memref<16x128xf32, #tpu.memory_space<vmem>>, vector<16xf32>,
          %mul3A_348 = arith.mulf %get3A_347, %broadcast_in_dim3A_309 : vector<16xf32>
          %swap3A_349 = arith.index_cast %scan3A_303 : i32 to index
          %swap3A_350 = arith.constant 80 : index
          %swap3A_351 = tpu.vector_load %arg19[%swap3A_349, %swap3A_350] {strides = array<i32>} : memref<16x128xf32, #tpu.memory_space<vmem>>, vector<16xf32>,
          tpu.vector_store %arg19[%swap3A_349, %swap3A_350], %mul3A_348 {strides = array<i32>} : memref<16x128xf32, #tpu.memory_space<vmem>>, vector<16xf32>,
          %get3A_352 = arith.index_cast %scan3A_303 : i32 to index
          %get3A_353 = arith.constant 96 : index
          %get3A_354 = tpu.vector_load %arg19[%get3A_352, %get3A_353] {strides = array<i32>} : memref<16x128xf32, #tpu.memory_space<vmem>>, vector<16xf32>,
          %mul3A_355 = arith.mulf %get3A_354, %broadcast_in_dim3A_309 : vector<16xf32>
          %swap3A_356 = arith.index_cast %scan3A_303 : i32 to index
          %swap3A_357 = arith.constant 96 : index
          %swap3A_358 = tpu.vector_load %arg19[%swap3A_356, %swap3A_357] {strides = array<i32>} : memref<16x128xf32, #tpu.memory_space<vmem>>, vector<16xf32>,
          tpu.vector_store %arg19[%swap3A_356, %swap3A_357], %mul3A_355 {strides = array<i32>} : memref<16x128xf32, #tpu.memory_space<vmem>>, vector<16xf32>,
          %get3A_359 = arith.index_cast %scan3A_303 : i32 to index
          %get3A_360 = arith.constant 112 : index
          %get3A_361 = tpu.vector_load %arg19[%get3A_359, %get3A_360] {strides = array<i32>} : memref<16x128xf32, #tpu.memory_space<vmem>>, vector<16xf32>,
          %mul3A_362 = arith.mulf %get3A_361, %broadcast_in_dim3A_309 : vector<16xf32>
          %swap3A_363 = arith.index_cast %scan3A_303 : i32 to index
          %swap3A_364 = arith.constant 112 : index
          %swap3A_365 = tpu.vector_load %arg19[%swap3A_363, %swap3A_364] {strides = array<i32>} : memref<16x128xf32, #tpu.memory_space<vmem>>, vector<16xf32>,
          tpu.vector_store %arg19[%swap3A_363, %swap3A_364], %mul3A_362 {strides = array<i32>} : memref<16x128xf32, #tpu.memory_space<vmem>>, vector<16xf32>,
          %scan3A_366 = arith.constant 0 : i32
          scf.yield %scan3A_366 : i32
        }
        %scan3A_301 = arith.constant 16 : i32
        "tpu.region"() ({
          %run_scoped3A = tpu.sem_alloc : memref<!tpu.dma_semaphore, #tpu.memory_space<semaphore_mem>>
          %dma_start3A_303 = arith.constant 0 : i32
          %dma_start3A_304 = arith.constant 0 : i32
          %dma_start3A_305 = tpu.memref_slice %arg36[%dma_start3A_303, %dma_start3A_304] : memref<4112x128xf32, #tpu.memory_space<vmem_shared>> -> memref<4112x128xf32, #tpu.memory_space<vmem_shared>>
          tpu.enqueue_indirect_dma source(%arg19 : memref<16x128xf32, #tpu.memory_space<vmem>>) target(%dma_start3A_305 : memref<4112x128xf32, #tpu.memory_space<vmem_shared>>) offsets(%arg26 : memref<16xi32, #tpu.memory_space<vmem>>) semaphore(%run_scoped3A : memref<!tpu.dma_semaphore, #tpu.memory_space<semaphore_mem>>) {add = true}
          %dma_wait3A_306 = arith.constant 0 : i32
          %dma_wait3A_307 = arith.constant 0 : i32
          %dma_wait3A_308 = tpu.memref_slice %arg36[%dma_wait3A_306, %dma_wait3A_307] : memref<4112x128xf32, #tpu.memory_space<vmem_shared>> -> memref<4112x128xf32, #tpu.memory_space<vmem_shared>>
          tpu.wait_indirect_dma semaphore(%run_scoped3A : memref<!tpu.dma_semaphore, #tpu.memory_space<semaphore_mem>>) src(%arg19 : memref<16x128xf32, #tpu.memory_space<vmem>>) dst(%dma_wait3A_308 : memref<4112x128xf32, #tpu.memory_space<vmem_shared>>)
          tpu.yield
        }) : () -> ()
        %while3A_302 = arith.constant 0 : i32
        scf.yield %while3A_302 : i32
      }
      %while3A_240 = arith.constant 1 : i32
      %while3A_241 = scf.for %while3A_257 = %while3A_237 to %while3A_233 step %while3A_240 iter_args(%while3A_258 = %while3A_239) -> (i32)  : i32 {
        %mul3A_259 = arith.constant 16 : i32
        %mul3A_260 = arith.muli %while3A_257, %mul3A_259 : i32
        %add3A_261 = arith.addi %arg1, %mul3A_260 : i32
        %mul3A_262 = arith.constant 16 : i32
        %mul3A_263 = arith.muli %add3A_261, %mul3A_262 : i32
        %add3A_264 = arith.addi %mul3A_137, %mul3A_263 : i32
        %get3A_265 = arith.index_cast %add3A_264 : i32 to index
        %get3A_266 = tpu.vector_load %arg14[%get3A_265] {strides = array<i32>} : memref<10240xi32, #tpu.memory_space<vmem>>, vector<16xi32>,
        %mul3A_267 = arith.constant 16 : i32
        %mul3A_268 = arith.muli %add3A_261, %mul3A_267 : i32
        %add3A_269 = vector.broadcast %mul3A_268 : i32 to vector<16xi32>
        %add3A_270 = arith.addi %add3A_269, %iota3A : vector<16xi32>
        %lt3A = vector.broadcast %min3A_140 : i32 to vector<16xi32>
        %lt3A_271 = arith.cmpi slt, %add3A_270, %lt3A : vector<16xi32>
        %jit3A_272 = arith.constant 0 : i32
        %broadcast_in_dim3A_273 = vector.broadcast %jit3A_272 : i32 to vector<16xi32>
        %select_n3A_274 = arith.select %lt3A_271, %get3A_266, %broadcast_in_dim3A_273 : vector<16xi1>, vector<16xi32>
        %mul3A_275 = arith.constant 16 : i32
        %mul3A_276 = arith.muli %add3A_261, %mul3A_275 : i32
        %add3A_277 = vector.broadcast %mul3A_276 : i32 to vector<16xi32>
        %add3A_278 = arith.addi %add3A_277, %iota3A : vector<16xi32>
        %jit3A_279 = arith.constant 4096 : i32
        %broadcast_in_dim3A_280 = vector.broadcast %jit3A_279 : i32 to vector<16xi32>
        %select_n3A_281 = arith.select %lt3A_271, %add3A_278, %broadcast_in_dim3A_280 : vector<16xi1>, vector<16xi32>
        %gather3A = tpu.vector_load_idx %arg12[%select_n3A_274] : memref<10240xf32, #tpu.memory_space<vmem>>[vector<16xi32>], vector<16xf32>,
        %jit3A_282 = arith.constant 0.000000e+00 : f32
        %broadcast_in_dim3A_283 = vector.broadcast %jit3A_282 : f32 to vector<16xf32>
        %select_n3A_284 = arith.select %lt3A_271, %gather3A, %broadcast_in_dim3A_283 : vector<16xi1>, vector<16xf32>
        %swap3A_285 = arith.constant 0 : index
        %swap3A_286 = tpu.vector_load %arg25[%swap3A_285] {strides = array<i32>} : memref<16xi32, #tpu.memory_space<vmem>>, vector<16xi32>,
        tpu.vector_store %arg25[%swap3A_285], %select_n3A_274 {strides = array<i32>} : memref<16xi32, #tpu.memory_space<vmem>>, vector<16xi32>,
        %swap3A_287 = arith.constant 0 : index
        %swap3A_288 = tpu.vector_load %arg26[%swap3A_287] {strides = array<i32>} : memref<16xi32, #tpu.memory_space<vmem>>, vector<16xi32>,
        tpu.vector_store %arg26[%swap3A_287], %select_n3A_281 {strides = array<i32>} : memref<16xi32, #tpu.memory_space<vmem>>, vector<16xi32>,
        %swap3A_289 = arith.constant 0 : index
        %swap3A_290 = tpu.vector_load %arg27[%swap3A_289] {strides = array<i32>} : memref<32xf32, #tpu.memory_space<vmem>>, vector<16xf32>,
        tpu.vector_store %arg27[%swap3A_289], %select_n3A_284 {strides = array<i32>} : memref<32xf32, #tpu.memory_space<vmem>>, vector<16xf32>,
        %dma_start3A = arith.constant 0 : i32
        %dma_start3A_291 = arith.constant 0 : i32
        %dma_start3A_292 = tpu.memref_slice %arg2[%dma_start3A, %dma_start3A_291] : memref<10000x128xf32, #tpu.memory_space<hbm>> -> memref<10000x128xf32, #tpu.memory_space<hbm>>
        tpu.enqueue_indirect_dma source(%dma_start3A_292 : memref<10000x128xf32, #tpu.memory_space<hbm>>) target(%arg19 : memref<16x128xf32, #tpu.memory_space<vmem>>) offsets(%arg25 : memref<16xi32, #tpu.memory_space<vmem>>) semaphore(%arg37 : memref<!tpu.dma_semaphore, #tpu.memory_space<semaphore_mem>>)
        %dma_wait3A = arith.constant 0 : i32
        %dma_wait3A_293 = arith.constant 0 : i32
        %dma_wait3A_294 = tpu.memref_slice %arg2[%dma_wait3A, %dma_wait3A_293] : memref<10000x128xf32, #tpu.memory_space<hbm>> -> memref<10000x128xf32, #tpu.memory_space<hbm>>
        tpu.wait_indirect_dma semaphore(%arg37 : memref<!tpu.dma_semaphore, #tpu.memory_space<semaphore_mem>>) src(%dma_wait3A_294 : memref<10000x128xf32, #tpu.memory_space<hbm>>) dst(%arg19 : memref<16x128xf32, #tpu.memory_space<vmem>>)
        %scan3A_295 = arith.constant 0 : i32
        %scan3A_296 = arith.constant 0 : i32
        %scan3A_297 = arith.constant 16 : i32
        %scan3A_298 = arith.addi %scan3A_296, %scan3A_297 : i32
        %scan3A_299 = arith.constant 1 : i32
        %scan3A_300 = scf.for %scan3A_303 = %scan3A_296 to %scan3A_298 step %scan3A_299 iter_args(%scan3A_304 = %scan3A_295) -> (i32)  : i32 {
          %get3A_305 = arith.index_cast %scan3A_303 : i32 to index
          %get3A_306 = tpu.vector_load %arg27[%get3A_305] {strides = array<i32>} : memref<32xf32, #tpu.memory_space<vmem>>, vector<16xf32>,
          %slice3A_307 = vector.extract_strided_slice %get3A_306 {offsets = [0], sizes = [1], strides = [1]} : vector<16xf32> to vector<1xf32>
          %squeeze3A_308 = vector.extract %slice3A_307[0] : f32 from vector<1xf32>
          %broadcast_in_dim3A_309 = vector.broadcast %squeeze3A_308 : f32 to vector<16xf32>
          %get3A_310 = arith.index_cast %scan3A_303 : i32 to index
          %get3A_311 = arith.constant 0 : index
          %get3A_312 = tpu.vector_load %arg19[%get3A_310, %get3A_311] {strides = array<i32>} : memref<16x128xf32, #tpu.memory_space<vmem>>, vector<16xf32>,
          %mul3A_313 = arith.mulf %get3A_312, %broadcast_in_dim3A_309 : vector<16xf32>
          %swap3A_314 = arith.index_cast %scan3A_303 : i32 to index
          %swap3A_315 = arith.constant 0 : index
          %swap3A_316 = tpu.vector_load %arg19[%swap3A_314, %swap3A_315] {strides = array<i32>} : memref<16x128xf32, #tpu.memory_space<vmem>>, vector<16xf32>,
          tpu.vector_store %arg19[%swap3A_314, %swap3A_315], %mul3A_313 {strides = array<i32>} : memref<16x128xf32, #tpu.memory_space<vmem>>, vector<16xf32>,
          %get3A_317 = arith.index_cast %scan3A_303 : i32 to index
          %get3A_318 = arith.constant 16 : index
          %get3A_319 = tpu.vector_load %arg19[%get3A_317, %get3A_318] {strides = array<i32>} : memref<16x128xf32, #tpu.memory_space<vmem>>, vector<16xf32>,
          %mul3A_320 = arith.mulf %get3A_319, %broadcast_in_dim3A_309 : vector<16xf32>
          %swap3A_321 = arith.index_cast %scan3A_303 : i32 to index
          %swap3A_322 = arith.constant 16 : index
          %swap3A_323 = tpu.vector_load %arg19[%swap3A_321, %swap3A_322] {strides = array<i32>} : memref<16x128xf32, #tpu.memory_space<vmem>>, vector<16xf32>,
          tpu.vector_store %arg19[%swap3A_321, %swap3A_322], %mul3A_320 {strides = array<i32>} : memref<16x128xf32, #tpu.memory_space<vmem>>, vector<16xf32>,
          %get3A_324 = arith.index_cast %scan3A_303 : i32 to index
          %get3A_325 = arith.constant 32 : index
          %get3A_326 = tpu.vector_load %arg19[%get3A_324, %get3A_325] {strides = array<i32>} : memref<16x128xf32, #tpu.memory_space<vmem>>, vector<16xf32>,
          %mul3A_327 = arith.mulf %get3A_326, %broadcast_in_dim3A_309 : vector<16xf32>
          %swap3A_328 = arith.index_cast %scan3A_303 : i32 to index
          %swap3A_329 = arith.constant 32 : index
          %swap3A_330 = tpu.vector_load %arg19[%swap3A_328, %swap3A_329] {strides = array<i32>} : memref<16x128xf32, #tpu.memory_space<vmem>>, vector<16xf32>,
          tpu.vector_store %arg19[%swap3A_328, %swap3A_329], %mul3A_327 {strides = array<i32>} : memref<16x128xf32, #tpu.memory_space<vmem>>, vector<16xf32>,
          %get3A_331 = arith.index_cast %scan3A_303 : i32 to index
          %get3A_332 = arith.constant 48 : index
          %get3A_333 = tpu.vector_load %arg19[%get3A_331, %get3A_332] {strides = array<i32>} : memref<16x128xf32, #tpu.memory_space<vmem>>, vector<16xf32>,
          %mul3A_334 = arith.mulf %get3A_333, %broadcast_in_dim3A_309 : vector<16xf32>
          %swap3A_335 = arith.index_cast %scan3A_303 : i32 to index
          %swap3A_336 = arith.constant 48 : index
          %swap3A_337 = tpu.vector_load %arg19[%swap3A_335, %swap3A_336] {strides = array<i32>} : memref<16x128xf32, #tpu.memory_space<vmem>>, vector<16xf32>,
          tpu.vector_store %arg19[%swap3A_335, %swap3A_336], %mul3A_334 {strides = array<i32>} : memref<16x128xf32, #tpu.memory_space<vmem>>, vector<16xf32>,
          %get3A_338 = arith.index_cast %scan3A_303 : i32 to index
          %get3A_339 = arith.constant 64 : index
          %get3A_340 = tpu.vector_load %arg19[%get3A_338, %get3A_339] {strides = array<i32>} : memref<16x128xf32, #tpu.memory_space<vmem>>, vector<16xf32>,
          %mul3A_341 = arith.mulf %get3A_340, %broadcast_in_dim3A_309 : vector<16xf32>
          %swap3A_342 = arith.index_cast %scan3A_303 : i32 to index
          %swap3A_343 = arith.constant 64 : index
          %swap3A_344 = tpu.vector_load %arg19[%swap3A_342, %swap3A_343] {strides = array<i32>} : memref<16x128xf32, #tpu.memory_space<vmem>>, vector<16xf32>,
          tpu.vector_store %arg19[%swap3A_342, %swap3A_343], %mul3A_341 {strides = array<i32>} : memref<16x128xf32, #tpu.memory_space<vmem>>, vector<16xf32>,
          %get3A_345 = arith.index_cast %scan3A_303 : i32 to index
          %get3A_346 = arith.constant 80 : index
          %get3A_347 = tpu.vector_load %arg19[%get3A_345, %get3A_346] {strides = array<i32>} : memref<16x128xf32, #tpu.memory_space<vmem>>, vector<16xf32>,
          %mul3A_348 = arith.mulf %get3A_347, %broadcast_in_dim3A_309 : vector<16xf32>
          %swap3A_349 = arith.index_cast %scan3A_303 : i32 to index
          %swap3A_350 = arith.constant 80 : index
          %swap3A_351 = tpu.vector_load %arg19[%swap3A_349, %swap3A_350] {strides = array<i32>} : memref<16x128xf32, #tpu.memory_space<vmem>>, vector<16xf32>,
          tpu.vector_store %arg19[%swap3A_349, %swap3A_350], %mul3A_348 {strides = array<i32>} : memref<16x128xf32, #tpu.memory_space<vmem>>, vector<16xf32>,
          %get3A_352 = arith.index_cast %scan3A_303 : i32 to index
          %get3A_353 = arith.constant 96 : index
          %get3A_354 = tpu.vector_load %arg19[%get3A_352, %get3A_353] {strides = array<i32>} : memref<16x128xf32, #tpu.memory_space<vmem>>, vector<16xf32>,
          %mul3A_355 = arith.mulf %get3A_354, %broadcast_in_dim3A_309 : vector<16xf32>
          %swap3A_356 = arith.index_cast %scan3A_303 : i32 to index
          %swap3A_357 = arith.constant 96 : index
          %swap3A_358 = tpu.vector_load %arg19[%swap3A_356, %swap3A_357] {strides = array<i32>} : memref<16x128xf32, #tpu.memory_space<vmem>>, vector<16xf32>,
          tpu.vector_store %arg19[%swap3A_356, %swap3A_357], %mul3A_355 {strides = array<i32>} : memref<16x128xf32, #tpu.memory_space<vmem>>, vector<16xf32>,
          %get3A_359 = arith.index_cast %scan3A_303 : i32 to index
          %get3A_360 = arith.constant 112 : index
          %get3A_361 = tpu.vector_load %arg19[%get3A_359, %get3A_360] {strides = array<i32>} : memref<16x128xf32, #tpu.memory_space<vmem>>, vector<16xf32>,
          %mul3A_362 = arith.mulf %get3A_361, %broadcast_in_dim3A_309 : vector<16xf32>
          %swap3A_363 = arith.index_cast %scan3A_303 : i32 to index
          %swap3A_364 = arith.constant 112 : index
          %swap3A_365 = tpu.vector_load %arg19[%swap3A_363, %swap3A_364] {strides = array<i32>} : memref<16x128xf32, #tpu.memory_space<vmem>>, vector<16xf32>,
          tpu.vector_store %arg19[%swap3A_363, %swap3A_364], %mul3A_362 {strides = array<i32>} : memref<16x128xf32, #tpu.memory_space<vmem>>, vector<16xf32>,
          %scan3A_366 = arith.constant 0 : i32
          scf.yield %scan3A_366 : i32
        }
        %scan3A_301 = arith.constant 16 : i32
        "tpu.region"() ({
          %run_scoped3A = tpu.sem_alloc : memref<!tpu.dma_semaphore, #tpu.memory_space<semaphore_mem>>
          %dma_start3A_303 = arith.constant 0 : i32
          %dma_start3A_304 = arith.constant 0 : i32
          %dma_start3A_305 = tpu.memref_slice %arg36[%dma_start3A_303, %dma_start3A_304] : memref<4112x128xf32, #tpu.memory_space<vmem_shared>> -> memref<4112x128xf32, #tpu.memory_space<vmem_shared>>
          tpu.enqueue_indirect_dma source(%arg19 : memref<16x128xf32, #tpu.memory_space<vmem>>) target(%dma_start3A_305 : memref<4112x128xf32, #tpu.memory_space<vmem_shared>>) offsets(%arg26 : memref<16xi32, #tpu.memory_space<vmem>>) semaphore(%run_scoped3A : memref<!tpu.dma_semaphore, #tpu.memory_space<semaphore_mem>>) {add = true}
          %dma_wait3A_306 = arith.constant 0 : i32
          %dma_wait3A_307 = arith.constant 0 : i32
          %dma_wait3A_308 = tpu.memref_slice %arg36[%dma_wait3A_306, %dma_wait3A_307] : memref<4112x128xf32, #tpu.memory_space<vmem_shared>> -> memref<4112x128xf32, #tpu.memory_space<vmem_shared>>
          tpu.wait_indirect_dma semaphore(%run_scoped3A : memref<!tpu.dma_semaphore, #tpu.memory_space<semaphore_mem>>) src(%arg19 : memref<16x128xf32, #tpu.memory_space<vmem>>) dst(%dma_wait3A_308 : memref<4112x128xf32, #tpu.memory_space<vmem_shared>>)
          tpu.yield
        }) : () -> ()
        %while3A_302 = arith.constant 0 : i32
        scf.yield %while3A_302 : i32
      }
      %barrier3A_242 = arith.constant 0 : index
      tpu.barrier barrier_id(%barrier3A_242)
      %while3A_243 = arith.constant 0 : i32
      %while3A_244 = arith.constant 0 : i32
      %while3A_245 = arith.subi %max3A_198, %while3A_243 : i32
      %while3A_246 = arith.addi %while3A_243, %while3A_245 : i32
      %while3A_247 = arith.constant 1 : i32
      %while3A_248 = arith.divsi %while3A_245, %while3A_247 : i32
      %while3A_249 = arith.muli %while3A_248, %while3A_247 : i32
      %while3A_250 = arith.addi %while3A_243, %while3A_249 : i32
      %while3A_251 = arith.constant 1 : i32
      %while3A_252 = scf.for %while3A_257 = %while3A_243 to %while3A_250 step %while3A_251 iter_args(%while3A_258 = %while3A_244) -> (i32)  : i32 {
        %mul3A_259 = arith.constant 16 : i32
        %mul3A_260 = arith.muli %while3A_257, %mul3A_259 : i32
        %add3A_261 = arith.addi %arg1, %mul3A_260 : i32
        %mul3A_262 = arith.constant 16 : i32
        %mul3A_263 = arith.muli %add3A_261, %mul3A_262 : i32
        %mul3A_264 = arith.constant 16 : i32
        %mul3A_265 = arith.muli %add3A_261, %mul3A_264 : i32
        %add3A_266 = arith.addi %mul3A_137, %mul3A_265 : i32
        "tpu.region"() ({
          %run_scoped3A = tpu.sem_alloc : memref<!tpu.dma_semaphore, #tpu.memory_space<semaphore_mem>>
          %dma_start3A = arith.constant 0 : i32
          %dma_start3A_268 = tpu.memref_slice %arg6[%add3A_266, %dma_start3A] : memref<10240x128xf32, #tpu.memory_space<hbm>> -> memref<16x128xf32, #tpu.memory_space<hbm>>
          %dma_start3A_269 = arith.constant 0 : i32
          %dma_start3A_270 = tpu.memref_slice %arg36[%mul3A_263, %dma_start3A_269] : memref<4112x128xf32, #tpu.memory_space<vmem_shared>> -> memref<16x128xf32, #tpu.memory_space<vmem_shared>>
          tpu.enqueue_dma source(%dma_start3A_270 : memref<16x128xf32, #tpu.memory_space<vmem_shared>>) target(%dma_start3A_268 : memref<16x128xf32, #tpu.memory_space<hbm>>) target_semaphore(%run_scoped3A : memref<!tpu.dma_semaphore, #tpu.memory_space<semaphore_mem>>)
          %dma_wait3A = arith.constant 0 : i32
          %dma_wait3A_271 = tpu.memref_slice %arg6[%add3A_266, %dma_wait3A] : memref<10240x128xf32, #tpu.memory_space<hbm>> -> memref<16x128xf32, #tpu.memory_space<hbm>>
          %dma_wait3A_272 = arith.constant 0 : i32
          %dma_wait3A_273 = tpu.memref_slice %arg36[%mul3A_263, %dma_wait3A_272] : memref<4112x128xf32, #tpu.memory_space<vmem_shared>> -> memref<16x128xf32, #tpu.memory_space<vmem_shared>>
          tpu.wait_dma2 semaphore(%run_scoped3A : memref<!tpu.dma_semaphore, #tpu.memory_space<semaphore_mem>>) src(%dma_wait3A_273 : memref<16x128xf32, #tpu.memory_space<vmem_shared>>) dst(%dma_wait3A_271 : memref<16x128xf32, #tpu.memory_space<hbm>>)
          tpu.yield
        }) : () -> ()
        %while3A_267 = arith.constant 0 : i32
        scf.yield %while3A_267 : i32
      }
      %while3A_253 = arith.constant 1 : i32
      %while3A_254 = scf.for %while3A_257 = %while3A_250 to %while3A_246 step %while3A_253 iter_args(%while3A_258 = %while3A_252) -> (i32)  : i32 {
        %mul3A_259 = arith.constant 16 : i32
        %mul3A_260 = arith.muli %while3A_257, %mul3A_259 : i32
        %add3A_261 = arith.addi %arg1, %mul3A_260 : i32
        %mul3A_262 = arith.constant 16 : i32
        %mul3A_263 = arith.muli %add3A_261, %mul3A_262 : i32
        %mul3A_264 = arith.constant 16 : i32
        %mul3A_265 = arith.muli %add3A_261, %mul3A_264 : i32
        %add3A_266 = arith.addi %mul3A_137, %mul3A_265 : i32
        "tpu.region"() ({
          %run_scoped3A = tpu.sem_alloc : memref<!tpu.dma_semaphore, #tpu.memory_space<semaphore_mem>>
          %dma_start3A = arith.constant 0 : i32
          %dma_start3A_268 = tpu.memref_slice %arg6[%add3A_266, %dma_start3A] : memref<10240x128xf32, #tpu.memory_space<hbm>> -> memref<16x128xf32, #tpu.memory_space<hbm>>
          %dma_start3A_269 = arith.constant 0 : i32
          %dma_start3A_270 = tpu.memref_slice %arg36[%mul3A_263, %dma_start3A_269] : memref<4112x128xf32, #tpu.memory_space<vmem_shared>> -> memref<16x128xf32, #tpu.memory_space<vmem_shared>>
          tpu.enqueue_dma source(%dma_start3A_270 : memref<16x128xf32, #tpu.memory_space<vmem_shared>>) target(%dma_start3A_268 : memref<16x128xf32, #tpu.memory_space<hbm>>) target_semaphore(%run_scoped3A : memref<!tpu.dma_semaphore, #tpu.memory_space<semaphore_mem>>)
          %dma_wait3A = arith.constant 0 : i32
          %dma_wait3A_271 = tpu.memref_slice %arg6[%add3A_266, %dma_wait3A] : memref<10240x128xf32, #tpu.memory_space<hbm>> -> memref<16x128xf32, #tpu.memory_space<hbm>>
          %dma_wait3A_272 = arith.constant 0 : i32
          %dma_wait3A_273 = tpu.memref_slice %arg36[%mul3A_263, %dma_wait3A_272] : memref<4112x128xf32, #tpu.memory_space<vmem_shared>> -> memref<16x128xf32, #tpu.memory_space<vmem_shared>>
          tpu.wait_dma2 semaphore(%run_scoped3A : memref<!tpu.dma_semaphore, #tpu.memory_space<semaphore_mem>>) src(%dma_wait3A_273 : memref<16x128xf32, #tpu.memory_space<vmem_shared>>) dst(%dma_wait3A_271 : memref<16x128xf32, #tpu.memory_space<hbm>>)
          tpu.yield
        }) : () -> ()
        %while3A_267 = arith.constant 0 : i32
        scf.yield %while3A_267 : i32
      }
      %barrier3A_255 = arith.constant 0 : index
      tpu.barrier barrier_id(%barrier3A_255)
      %while3A_256 = arith.constant 0 : i32
      scf.yield %while3A_256 : i32
    }
    %while3A_120 = arith.constant 1 : i32
    %while3A_121 = scf.for %while3A_134 = %while3A_117 to %while3A_113 step %while3A_120 iter_args(%while3A_135 = %while3A_119) -> (i32)  : i32 {
      %mul3A_136 = arith.constant 4096 : i32
      %mul3A_137 = arith.muli %while3A_134, %mul3A_136 : i32
      %sub3A_138 = arith.subi %squeeze3A_81, %mul3A_137 : i32
      %min3A_139 = arith.constant 4096 : i32
      %min3A_140 = arith.minsi %min3A_139, %sub3A_138 : i32
      %add3A_141 = arith.constant 16 : i32
      %add3A_142 = arith.addi %min3A_140, %add3A_141 : i32
      %sub3A_143 = arith.constant 1 : i32
      %sub3A_144 = arith.subi %add3A_142, %sub3A_143 : i32
      %jit3A_145 = arith.constant 16 : i32
      %div3A_146 = arith.divsi %sub3A_144, %jit3A_145 : i32
      %sign3A_147 = arith.constant 0 : i32
      %sign3A_148 = arith.cmpi sgt, %sub3A_144, %sign3A_147 : i32
      %sign3A_149 = arith.extui %sign3A_148 : i1 to i32
      %sign3A_150 = arith.constant 0 : i32
      %sign3A_151 = arith.cmpi slt, %sub3A_144, %sign3A_150 : i32
      %sign3A_152 = arith.extui %sign3A_151 : i1 to i32
      %sign3A_153 = arith.subi %sign3A_149, %sign3A_152 : i32
      %sign3A_154 = arith.constant 0 : i32
      %sign3A_155 = arith.cmpi sgt, %jit3A_145, %sign3A_154 : i32
      %sign3A_156 = arith.extui %sign3A_155 : i1 to i32
      %sign3A_157 = arith.constant 0 : i32
      %sign3A_158 = arith.cmpi slt, %jit3A_145, %sign3A_157 : i32
      %sign3A_159 = arith.extui %sign3A_158 : i1 to i32
      %sign3A_160 = arith.subi %sign3A_156, %sign3A_159 : i32
      %ne3A_161 = arith.cmpi ne, %sign3A_153, %sign3A_160 : i32
      %rem3A_162 = arith.remsi %sub3A_144, %jit3A_145 : i32
      %ne3A_163 = arith.constant 0 : i32
      %ne3A_164 = arith.cmpi ne, %rem3A_162, %ne3A_163 : i32
      %and3A_165 = arith.andi %ne3A_161, %ne3A_164 : i1
      %sub3A_166 = arith.constant 1 : i32
      %sub3A_167 = arith.subi %div3A_146, %sub3A_166 : i32
      %select_n3A_168 = arith.select %and3A_165, %sub3A_167, %div3A_146 : i32
      %sub3A_169 = arith.subi %select_n3A_168, %arg1 : i32
      %add3A_170 = arith.constant 16 : i32
      %add3A_171 = arith.addi %sub3A_169, %add3A_170 : i32
      %sub3A_172 = arith.constant 1 : i32
      %sub3A_173 = arith.subi %add3A_171, %sub3A_172 : i32
      %jit3A_174 = arith.constant 16 : i32
      %div3A_175 = arith.divsi %sub3A_173, %jit3A_174 : i32
      %sign3A_176 = arith.constant 0 : i32
      %sign3A_177 = arith.cmpi sgt, %sub3A_173, %sign3A_176 : i32
      %sign3A_178 = arith.extui %sign3A_177 : i1 to i32
      %sign3A_179 = arith.constant 0 : i32
      %sign3A_180 = arith.cmpi slt, %sub3A_173, %sign3A_179 : i32
      %sign3A_181 = arith.extui %sign3A_180 : i1 to i32
      %sign3A_182 = arith.subi %sign3A_178, %sign3A_181 : i32
      %sign3A_183 = arith.constant 0 : i32
      %sign3A_184 = arith.cmpi sgt, %jit3A_174, %sign3A_183 : i32
      %sign3A_185 = arith.extui %sign3A_184 : i1 to i32
      %sign3A_186 = arith.constant 0 : i32
      %sign3A_187 = arith.cmpi slt, %jit3A_174, %sign3A_186 : i32
      %sign3A_188 = arith.extui %sign3A_187 : i1 to i32
      %sign3A_189 = arith.subi %sign3A_185, %sign3A_188 : i32
      %ne3A_190 = arith.cmpi ne, %sign3A_182, %sign3A_189 : i32
      %rem3A_191 = arith.remsi %sub3A_173, %jit3A_174 : i32
      %ne3A_192 = arith.constant 0 : i32
      %ne3A_193 = arith.cmpi ne, %rem3A_191, %ne3A_192 : i32
      %and3A_194 = arith.andi %ne3A_190, %ne3A_193 : i1
      %sub3A_195 = arith.constant 1 : i32
      %sub3A_196 = arith.subi %div3A_175, %sub3A_195 : i32
      %select_n3A_197 = arith.select %and3A_194, %sub3A_196, %div3A_175 : i32
      %max3A = arith.constant 0 : i32
      %max3A_198 = arith.maxsi %max3A, %select_n3A_197 : i32
      %scan3A_199 = arith.constant 0 : i32
      %scan3A_200 = arith.constant 0 : i32
      %scan3A_201 = arith.constant 16 : i32
      %scan3A_202 = arith.addi %scan3A_200, %scan3A_201 : i32
      %scan3A_203 = arith.constant 1 : i32
      %scan3A_204 = scf.for %scan3A_257 = %scan3A_200 to %scan3A_202 step %scan3A_203 iter_args(%scan3A_258 = %scan3A_199) -> (i32)  : i32 {
        %swap3A_259 = arith.index_cast %scan3A_257 : i32 to index
        %swap3A_260 = arith.constant 0 : index
        %swap3A_261 = tpu.vector_load %arg19[%swap3A_259, %swap3A_260] {strides = array<i32>} : memref<16x128xf32, #tpu.memory_space<vmem>>, vector<16xf32>,
        tpu.vector_store %arg19[%swap3A_259, %swap3A_260], %broadcast_in_dim3A_3 {strides = array<i32>} : memref<16x128xf32, #tpu.memory_space<vmem>>, vector<16xf32>,
        %swap3A_262 = arith.index_cast %scan3A_257 : i32 to index
        %swap3A_263 = arith.constant 16 : index
        %swap3A_264 = tpu.vector_load %arg19[%swap3A_262, %swap3A_263] {strides = array<i32>} : memref<16x128xf32, #tpu.memory_space<vmem>>, vector<16xf32>,
        tpu.vector_store %arg19[%swap3A_262, %swap3A_263], %broadcast_in_dim3A_3 {strides = array<i32>} : memref<16x128xf32, #tpu.memory_space<vmem>>, vector<16xf32>,
        %swap3A_265 = arith.index_cast %scan3A_257 : i32 to index
        %swap3A_266 = arith.constant 32 : index
        %swap3A_267 = tpu.vector_load %arg19[%swap3A_265, %swap3A_266] {strides = array<i32>} : memref<16x128xf32, #tpu.memory_space<vmem>>, vector<16xf32>,
        tpu.vector_store %arg19[%swap3A_265, %swap3A_266], %broadcast_in_dim3A_3 {strides = array<i32>} : memref<16x128xf32, #tpu.memory_space<vmem>>, vector<16xf32>,
        %swap3A_268 = arith.index_cast %scan3A_257 : i32 to index
        %swap3A_269 = arith.constant 48 : index
        %swap3A_270 = tpu.vector_load %arg19[%swap3A_268, %swap3A_269] {strides = array<i32>} : memref<16x128xf32, #tpu.memory_space<vmem>>, vector<16xf32>,
        tpu.vector_store %arg19[%swap3A_268, %swap3A_269], %broadcast_in_dim3A_3 {strides = array<i32>} : memref<16x128xf32, #tpu.memory_space<vmem>>, vector<16xf32>,
        %swap3A_271 = arith.index_cast %scan3A_257 : i32 to index
        %swap3A_272 = arith.constant 64 : index
        %swap3A_273 = tpu.vector_load %arg19[%swap3A_271, %swap3A_272] {strides = array<i32>} : memref<16x128xf32, #tpu.memory_space<vmem>>, vector<16xf32>,
        tpu.vector_store %arg19[%swap3A_271, %swap3A_272], %broadcast_in_dim3A_3 {strides = array<i32>} : memref<16x128xf32, #tpu.memory_space<vmem>>, vector<16xf32>,
        %swap3A_274 = arith.index_cast %scan3A_257 : i32 to index
        %swap3A_275 = arith.constant 80 : index
        %swap3A_276 = tpu.vector_load %arg19[%swap3A_274, %swap3A_275] {strides = array<i32>} : memref<16x128xf32, #tpu.memory_space<vmem>>, vector<16xf32>,
        tpu.vector_store %arg19[%swap3A_274, %swap3A_275], %broadcast_in_dim3A_3 {strides = array<i32>} : memref<16x128xf32, #tpu.memory_space<vmem>>, vector<16xf32>,
        %swap3A_277 = arith.index_cast %scan3A_257 : i32 to index
        %swap3A_278 = arith.constant 96 : index
        %swap3A_279 = tpu.vector_load %arg19[%swap3A_277, %swap3A_278] {strides = array<i32>} : memref<16x128xf32, #tpu.memory_space<vmem>>, vector<16xf32>,
        tpu.vector_store %arg19[%swap3A_277, %swap3A_278], %broadcast_in_dim3A_3 {strides = array<i32>} : memref<16x128xf32, #tpu.memory_space<vmem>>, vector<16xf32>,
        %swap3A_280 = arith.index_cast %scan3A_257 : i32 to index
        %swap3A_281 = arith.constant 112 : index
        %swap3A_282 = tpu.vector_load %arg19[%swap3A_280, %swap3A_281] {strides = array<i32>} : memref<16x128xf32, #tpu.memory_space<vmem>>, vector<16xf32>,
        tpu.vector_store %arg19[%swap3A_280, %swap3A_281], %broadcast_in_dim3A_3 {strides = array<i32>} : memref<16x128xf32, #tpu.memory_space<vmem>>, vector<16xf32>,
        %scan3A_283 = arith.constant 0 : i32
        scf.yield %scan3A_283 : i32
      }
      %scan3A_205 = arith.constant 16 : i32
      %while3A_206 = arith.constant 0 : i32
      %while3A_207 = arith.constant 0 : i32
      %while3A_208 = arith.subi %max3A_198, %while3A_206 : i32
      %while3A_209 = arith.addi %while3A_206, %while3A_208 : i32
      %while3A_210 = arith.constant 1 : i32
      %while3A_211 = arith.divsi %while3A_208, %while3A_210 : i32
      %while3A_212 = arith.muli %while3A_211, %while3A_210 : i32
      %while3A_213 = arith.addi %while3A_206, %while3A_212 : i32
      %while3A_214 = arith.constant 1 : i32
      %while3A_215 = scf.for %while3A_257 = %while3A_206 to %while3A_213 step %while3A_214 iter_args(%while3A_258 = %while3A_207) -> (i32)  : i32 {
        %mul3A_259 = arith.constant 16 : i32
        %mul3A_260 = arith.muli %while3A_257, %mul3A_259 : i32
        %add3A_261 = arith.addi %arg1, %mul3A_260 : i32
        %mul3A_262 = arith.constant 16 : i32
        %mul3A_263 = arith.muli %add3A_261, %mul3A_262 : i32
        "tpu.region"() ({
          %run_scoped3A = tpu.sem_alloc : memref<!tpu.dma_semaphore, #tpu.memory_space<semaphore_mem>>
          %dma_start3A = arith.constant 0 : i32
          %dma_start3A_265 = tpu.memref_slice %arg36[%mul3A_263, %dma_start3A] : memref<4112x128xf32, #tpu.memory_space<vmem_shared>> -> memref<16x128xf32, #tpu.memory_space<vmem_shared>>
          %dma_start3A_266 = arith.constant 0 : i32
          %dma_start3A_267 = tpu.memref_slice %arg36[%mul3A_263, %dma_start3A_266] : memref<4112x128xf32, #tpu.memory_space<vmem_shared>> -> memref<16x128xf32, #tpu.memory_space<vmem_shared>>
          tpu.enqueue_dma source(%arg19 : memref<16x128xf32, #tpu.memory_space<vmem>>) target(%dma_start3A_267 : memref<16x128xf32, #tpu.memory_space<vmem_shared>>) target_semaphore(%run_scoped3A : memref<!tpu.dma_semaphore, #tpu.memory_space<semaphore_mem>>)
          %dma_wait3A = arith.constant 0 : i32
          %dma_wait3A_268 = tpu.memref_slice %arg36[%mul3A_263, %dma_wait3A] : memref<4112x128xf32, #tpu.memory_space<vmem_shared>> -> memref<16x128xf32, #tpu.memory_space<vmem_shared>>
          %dma_wait3A_269 = arith.constant 0 : i32
          %dma_wait3A_270 = tpu.memref_slice %arg36[%mul3A_263, %dma_wait3A_269] : memref<4112x128xf32, #tpu.memory_space<vmem_shared>> -> memref<16x128xf32, #tpu.memory_space<vmem_shared>>
          tpu.wait_dma2 semaphore(%run_scoped3A : memref<!tpu.dma_semaphore, #tpu.memory_space<semaphore_mem>>) src(%arg19 : memref<16x128xf32, #tpu.memory_space<vmem>>) dst(%dma_wait3A_270 : memref<16x128xf32, #tpu.memory_space<vmem_shared>>)
          tpu.yield
        }) : () -> ()
        %while3A_264 = arith.constant 0 : i32
        scf.yield %while3A_264 : i32
      }
      %while3A_216 = arith.constant 1 : i32
      %while3A_217 = scf.for %while3A_257 = %while3A_213 to %while3A_209 step %while3A_216 iter_args(%while3A_258 = %while3A_215) -> (i32)  : i32 {
        %mul3A_259 = arith.constant 16 : i32
        %mul3A_260 = arith.muli %while3A_257, %mul3A_259 : i32
        %add3A_261 = arith.addi %arg1, %mul3A_260 : i32
        %mul3A_262 = arith.constant 16 : i32
        %mul3A_263 = arith.muli %add3A_261, %mul3A_262 : i32
        "tpu.region"() ({
          %run_scoped3A = tpu.sem_alloc : memref<!tpu.dma_semaphore, #tpu.memory_space<semaphore_mem>>
          %dma_start3A = arith.constant 0 : i32
          %dma_start3A_265 = tpu.memref_slice %arg36[%mul3A_263, %dma_start3A] : memref<4112x128xf32, #tpu.memory_space<vmem_shared>> -> memref<16x128xf32, #tpu.memory_space<vmem_shared>>
          %dma_start3A_266 = arith.constant 0 : i32
          %dma_start3A_267 = tpu.memref_slice %arg36[%mul3A_263, %dma_start3A_266] : memref<4112x128xf32, #tpu.memory_space<vmem_shared>> -> memref<16x128xf32, #tpu.memory_space<vmem_shared>>
          tpu.enqueue_dma source(%arg19 : memref<16x128xf32, #tpu.memory_space<vmem>>) target(%dma_start3A_267 : memref<16x128xf32, #tpu.memory_space<vmem_shared>>) target_semaphore(%run_scoped3A : memref<!tpu.dma_semaphore, #tpu.memory_space<semaphore_mem>>)
          %dma_wait3A = arith.constant 0 : i32
          %dma_wait3A_268 = tpu.memref_slice %arg36[%mul3A_263, %dma_wait3A] : memref<4112x128xf32, #tpu.memory_space<vmem_shared>> -> memref<16x128xf32, #tpu.memory_space<vmem_shared>>
          %dma_wait3A_269 = arith.constant 0 : i32
          %dma_wait3A_270 = tpu.memref_slice %arg36[%mul3A_263, %dma_wait3A_269] : memref<4112x128xf32, #tpu.memory_space<vmem_shared>> -> memref<16x128xf32, #tpu.memory_space<vmem_shared>>
          tpu.wait_dma2 semaphore(%run_scoped3A : memref<!tpu.dma_semaphore, #tpu.memory_space<semaphore_mem>>) src(%arg19 : memref<16x128xf32, #tpu.memory_space<vmem>>) dst(%dma_wait3A_270 : memref<16x128xf32, #tpu.memory_space<vmem_shared>>)
          tpu.yield
        }) : () -> ()
        %while3A_264 = arith.constant 0 : i32
        scf.yield %while3A_264 : i32
      }
      %barrier3A_218 = arith.constant 0 : index
      tpu.barrier barrier_id(%barrier3A_218)
      %scan3A_219 = arith.constant 0 : i32
      %scan3A_220 = arith.constant 0 : i32
      %scan3A_221 = arith.constant 5 : i32
      %scan3A_222 = arith.addi %scan3A_220, %scan3A_221 : i32
      %scan3A_223 = arith.constant 1 : i32
      %scan3A_224 = scf.for %scan3A_257 = %scan3A_220 to %scan3A_222 step %scan3A_223 iter_args(%scan3A_258 = %scan3A_219) -> (i32)  : i32 {
        %mul3A_259 = arith.constant 4000 : i32
        %mul3A_260 = arith.muli %scan3A_257, %mul3A_259 : i32
        %add3A_261 = arith.addi %mul3A_0, %mul3A_260 : i32
        "tpu.region"() ({
          %run_scoped3A = tpu.sem_alloc : memref<!tpu.dma_semaphore, #tpu.memory_space<semaphore_mem>>
          %dma_start3A = arith.constant 0 : i32
          %dma_start3A_322 = tpu.memref_slice %arg11[%dma_start3A] : memref<4016xi32, #tpu.memory_space<vmem>> -> memref<4000xi32, #tpu.memory_space<vmem>>
          %dma_start3A_323 = tpu.memref_slice %arg4[%add3A_261] : memref<320000xi32, #tpu.memory_space<hbm>> -> memref<4000xi32, #tpu.memory_space<hbm>>
          %dma_start3A_324 = arith.constant 0 : i32
          %dma_start3A_325 = tpu.memref_slice %arg11[%dma_start3A_324] : memref<4016xi32, #tpu.memory_space<vmem>> -> memref<4000xi32, #tpu.memory_space<vmem>>
          %dma_start3A_326 = tpu.memref_slice %arg4[%add3A_261] : memref<320000xi32, #tpu.memory_space<hbm>> -> memref<4000xi32, #tpu.memory_space<hbm>>
          tpu.enqueue_dma source(%dma_start3A_326 : memref<4000xi32, #tpu.memory_space<hbm>>) target(%dma_start3A_325 : memref<4000xi32, #tpu.memory_space<vmem>>) target_semaphore(%run_scoped3A : memref<!tpu.dma_semaphore, #tpu.memory_space<semaphore_mem>>)
          %dma_wait3A = arith.constant 0 : i32
          %dma_wait3A_327 = tpu.memref_slice %arg11[%dma_wait3A] : memref<4016xi32, #tpu.memory_space<vmem>> -> memref<4000xi32, #tpu.memory_space<vmem>>
          %dma_wait3A_328 = tpu.memref_slice %arg4[%add3A_261] : memref<320000xi32, #tpu.memory_space<hbm>> -> memref<4000xi32, #tpu.memory_space<hbm>>
          %dma_wait3A_329 = arith.constant 0 : i32
          %dma_wait3A_330 = tpu.memref_slice %arg11[%dma_wait3A_329] : memref<4016xi32, #tpu.memory_space<vmem>> -> memref<4000xi32, #tpu.memory_space<vmem>>
          %dma_wait3A_331 = tpu.memref_slice %arg4[%add3A_261] : memref<320000xi32, #tpu.memory_space<hbm>> -> memref<4000xi32, #tpu.memory_space<hbm>>
          tpu.wait_dma2 semaphore(%run_scoped3A : memref<!tpu.dma_semaphore, #tpu.memory_space<semaphore_mem>>) src(%dma_wait3A_331 : memref<4000xi32, #tpu.memory_space<hbm>>) dst(%dma_wait3A_330 : memref<4000xi32, #tpu.memory_space<vmem>>)
          tpu.yield
        }) : () -> ()
        %mul3A_262 = arith.constant 4000 : i32
        %mul3A_263 = arith.muli %scan3A_257, %mul3A_262 : i32
        %add3A_264 = arith.addi %mul3A_0, %mul3A_263 : i32
        "tpu.region"() ({
          %run_scoped3A = tpu.sem_alloc : memref<!tpu.dma_semaphore, #tpu.memory_space<semaphore_mem>>
          %dma_start3A = arith.constant 0 : i32
          %dma_start3A_322 = tpu.memref_slice %arg10[%dma_start3A] : memref<4016xi32, #tpu.memory_space<vmem>> -> memref<4000xi32, #tpu.memory_space<vmem>>
          %dma_start3A_323 = tpu.memref_slice %arg3[%add3A_264] : memref<320000xi32, #tpu.memory_space<hbm>> -> memref<4000xi32, #tpu.memory_space<hbm>>
          %dma_start3A_324 = arith.constant 0 : i32
          %dma_start3A_325 = tpu.memref_slice %arg10[%dma_start3A_324] : memref<4016xi32, #tpu.memory_space<vmem>> -> memref<4000xi32, #tpu.memory_space<vmem>>
          %dma_start3A_326 = tpu.memref_slice %arg3[%add3A_264] : memref<320000xi32, #tpu.memory_space<hbm>> -> memref<4000xi32, #tpu.memory_space<hbm>>
          tpu.enqueue_dma source(%dma_start3A_326 : memref<4000xi32, #tpu.memory_space<hbm>>) target(%dma_start3A_325 : memref<4000xi32, #tpu.memory_space<vmem>>) target_semaphore(%run_scoped3A : memref<!tpu.dma_semaphore, #tpu.memory_space<semaphore_mem>>)
          %dma_wait3A = arith.constant 0 : i32
          %dma_wait3A_327 = tpu.memref_slice %arg10[%dma_wait3A] : memref<4016xi32, #tpu.memory_space<vmem>> -> memref<4000xi32, #tpu.memory_space<vmem>>
          %dma_wait3A_328 = tpu.memref_slice %arg3[%add3A_264] : memref<320000xi32, #tpu.memory_space<hbm>> -> memref<4000xi32, #tpu.memory_space<hbm>>
          %dma_wait3A_329 = arith.constant 0 : i32
          %dma_wait3A_330 = tpu.memref_slice %arg10[%dma_wait3A_329] : memref<4016xi32, #tpu.memory_space<vmem>> -> memref<4000xi32, #tpu.memory_space<vmem>>
          %dma_wait3A_331 = tpu.memref_slice %arg3[%add3A_264] : memref<320000xi32, #tpu.memory_space<hbm>> -> memref<4000xi32, #tpu.memory_space<hbm>>
          tpu.wait_dma2 semaphore(%run_scoped3A : memref<!tpu.dma_semaphore, #tpu.memory_space<semaphore_mem>>) src(%dma_wait3A_331 : memref<4000xi32, #tpu.memory_space<hbm>>) dst(%dma_wait3A_330 : memref<4000xi32, #tpu.memory_space<vmem>>)
          tpu.yield
        }) : () -> ()
        %scan3A_265 = arith.constant 0 : i32
        %scan3A_266 = arith.constant 250 : i32
        %scan3A_267 = arith.addi %scan3A_265, %scan3A_266 : i32
        %scan3A_268 = arith.constant 1 : i32
        %scan3A_269 = scf.for %scan3A_322 = %scan3A_265 to %scan3A_267 step %scan3A_268 iter_args(%scan3A_323 = %scan3A_258) -> (i32)  : i32 {
          %mul3A_324 = arith.constant 16 : i32
          %mul3A_325 = arith.muli %scan3A_322, %mul3A_324 : i32
          %get3A_326 = arith.index_cast %mul3A_325 : i32 to index
          %get3A_327 = tpu.vector_load %arg11[%get3A_326] {strides = array<i32>} : memref<4016xi32, #tpu.memory_space<vmem>>, vector<16xi32>,
          %gather3A = tpu.vector_load_idx %arg13[%get3A_327] : memref<10240xi32, #tpu.memory_space<vmem>>[vector<16xi32>], vector<16xi32>,
          %ge3A = vector.broadcast %mul3A_137 : i32 to vector<16xi32>
          %ge3A_328 = arith.cmpi sge, %gather3A, %ge3A : vector<16xi32>
          %add3A_329 = arith.addi %mul3A_137, %min3A_140 : i32
          %lt3A = vector.broadcast %add3A_329 : i32 to vector<16xi32>
          %lt3A_330 = arith.cmpi slt, %gather3A, %lt3A : vector<16xi32>
          %and3A_331 = arith.andi %ge3A_328, %lt3A_330 : vector<16xi1>
          %jit3A_332 = arith.constant 1 : i32
          %jit3A_333 = arith.constant 0 : i32
          %broadcast_in_dim3A_334 = vector.broadcast %jit3A_332 : i32 to vector<16xi32>
          %broadcast_in_dim3A_335 = vector.broadcast %jit3A_333 : i32 to vector<16xi32>
          %select_n3A_336 = arith.select %and3A_331, %broadcast_in_dim3A_334, %broadcast_in_dim3A_335 : vector<16xi1>, vector<16xi32>
          %reduce_sum3A = arith.constant true
          %reduce_sum3A_337 = vector.broadcast %reduce_sum3A : i1 to vector<16xi1>
          %reduce_sum3A_338 = tpu.scan <sum>, %select_n3A_336 masked %reduce_sum3A_337 : vector<16xi32>, vector<16xi1> -> vector<16xi32>
          %reduce_sum3A_339 = vector.extract %reduce_sum3A_338[15] : i32 from vector<16xi32>
          %gt3A_340 = arith.constant 0 : i32
          %gt3A_341 = arith.cmpi sgt, %reduce_sum3A_339, %gt3A_340 : i32
          %convert_element_type3A_342 = arith.extui %gt3A_341 : i1 to i32
          %cond3A_343 = arith.constant 0 : i32
          %cond3A_344 = arith.cmpi ne, %convert_element_type3A_342, %cond3A_343 : i32
          %cond3A_345 = scf.if %cond3A_344 -> (i32) {
            %scan3A_346 = arith.constant 0 : i32
            %scan3A_347 = arith.constant 16 : i32
            %scan3A_348 = arith.addi %scan3A_346, %scan3A_347 : i32
            %scan3A_349 = arith.constant 1 : i32
            %scan3A_350 = scf.for %scan3A_352 = %scan3A_346 to %scan3A_348 step %scan3A_349 iter_args(%scan3A_353 = %scan3A_323) -> (i32)  : i32 {
              %add3A_354 = arith.addi %mul3A_325, %scan3A_352 : i32
              %get3A_355 = arith.index_cast %add3A_354 : i32 to index
              %get3A_356 = tpu.vector_load %arg11[%get3A_355] {strides = array<i32>} : memref<4016xi32, #tpu.memory_space<vmem>>, vector<16xi32>,
              %slice3A_357 = vector.extract_strided_slice %get3A_356 {offsets = [0], sizes = [1], strides = [1]} : vector<16xi32> to vector<1xi32>
              %squeeze3A_358 = vector.extract %slice3A_357[0] : i32 from vector<1xi32>
              %get3A_359 = arith.index_cast %squeeze3A_358 : i32 to index
              %get3A_360 = tpu.vector_load %arg13[%get3A_359] {strides = array<i32>} : memref<10240xi32, #tpu.memory_space<vmem>>, vector<16xi32>,
              %slice3A_361 = vector.extract_strided_slice %get3A_360 {offsets = [0], sizes = [1], strides = [1]} : vector<16xi32> to vector<1xi32>
              %squeeze3A_362 = vector.extract %slice3A_361[0] : i32 from vector<1xi32>
              %add3A_363 = arith.addi %mul3A_325, %scan3A_352 : i32
              %get3A_364 = arith.index_cast %add3A_363 : i32 to index
              %get3A_365 = tpu.vector_load %arg10[%get3A_364] {strides = array<i32>} : memref<4016xi32, #tpu.memory_space<vmem>>, vector<16xi32>,
              %slice3A_366 = vector.extract_strided_slice %get3A_365 {offsets = [0], sizes = [1], strides = [1]} : vector<16xi32> to vector<1xi32>
              %squeeze3A_367 = vector.extract %slice3A_366[0] : i32 from vector<1xi32>
              %iota3A_368 = tpu.iota {dimensions = array<i32: 0>} : vector<16xi32>
              %broadcast_in_dim3A_369 = vector.broadcast %scan3A_353 : i32 to vector<16xi32>
              %broadcast_in_dim3A_370 = vector.broadcast %squeeze3A_367 : i32 to vector<16xi32>
              %eq3A_371 = arith.constant 0 : i32
              %eq3A_372 = vector.broadcast %eq3A_371 : i32 to vector<16xi32>
              %eq3A_373 = arith.cmpi eq, %iota3A_368, %eq3A_372 : vector<16xi32>
              tpu.vector_store_idx %arg17[%broadcast_in_dim3A_369], %broadcast_in_dim3A_370 masked %eq3A_373 : memref<4048xi32, #tpu.memory_space<vmem>>[vector<16xi32>], vector<16xi32>, vector<16xi1>
              %sub3A_374 = arith.subi %squeeze3A_362, %mul3A_137 : i32
              %iota3A_375 = tpu.iota {dimensions = array<i32: 0>} : vector<16xi32>
              %broadcast_in_dim3A_376 = vector.broadcast %scan3A_353 : i32 to vector<16xi32>
              %broadcast_in_dim3A_377 = vector.broadcast %sub3A_374 : i32 to vector<16xi32>
              %eq3A_378 = arith.constant 0 : i32
              %eq3A_379 = vector.broadcast %eq3A_378 : i32 to vector<16xi32>
              %eq3A_380 = arith.cmpi eq, %iota3A_375, %eq3A_379 : vector<16xi32>
              tpu.vector_store_idx %arg18[%broadcast_in_dim3A_376], %broadcast_in_dim3A_377 masked %eq3A_380 : memref<4048xi32, #tpu.memory_space<vmem>>[vector<16xi32>], vector<16xi32>, vector<16xi1>
              %ge3A_381 = arith.cmpi sge, %squeeze3A_362, %mul3A_137 : i32
              %add3A_382 = arith.addi %mul3A_137, %min3A_140 : i32
              %lt3A_383 = arith.cmpi slt, %squeeze3A_362, %add3A_382 : i32
              %and3A_384 = arith.andi %ge3A_381, %lt3A_383 : i1
              %jit3A_385 = arith.constant 1 : i32
              %jit3A_386 = arith.constant 0 : i32
              %select_n3A_387 = arith.select %and3A_384, %jit3A_385, %jit3A_386 : i32
              %add3A_388 = arith.addi %scan3A_353, %select_n3A_387 : i32
              scf.yield %add3A_388 : i32
            }
            %scan3A_351 = arith.constant 16 : i32
            scf.yield %scan3A_350 : i32
          } else {
            scf.yield %scan3A_323 : i32
          }
          scf.yield %cond3A_345 : i32
        }
        %scan3A_270 = arith.constant 250 : i32
        %jit3A_271 = arith.constant 16 : i32
        %div3A_272 = arith.divsi %scan3A_269, %jit3A_271 : i32
        %sign3A_273 = arith.constant 0 : i32
        %sign3A_274 = arith.cmpi sgt, %scan3A_269, %sign3A_273 : i32
        %sign3A_275 = arith.extui %sign3A_274 : i1 to i32
        %sign3A_276 = arith.constant 0 : i32
        %sign3A_277 = arith.cmpi slt, %scan3A_269, %sign3A_276 : i32
        %sign3A_278 = arith.extui %sign3A_277 : i1 to i32
        %sign3A_279 = arith.subi %sign3A_275, %sign3A_278 : i32
        %sign3A_280 = arith.constant 0 : i32
        %sign3A_281 = arith.cmpi sgt, %jit3A_271, %sign3A_280 : i32
        %sign3A_282 = arith.extui %sign3A_281 : i1 to i32
        %sign3A_283 = arith.constant 0 : i32
        %sign3A_284 = arith.cmpi slt, %jit3A_271, %sign3A_283 : i32
        %sign3A_285 = arith.extui %sign3A_284 : i1 to i32
        %sign3A_286 = arith.subi %sign3A_282, %sign3A_285 : i32
        %ne3A_287 = arith.cmpi ne, %sign3A_279, %sign3A_286 : i32
        %rem3A_288 = arith.remsi %scan3A_269, %jit3A_271 : i32
        %ne3A_289 = arith.constant 0 : i32
        %ne3A_290 = arith.cmpi ne, %rem3A_288, %ne3A_289 : i32
        %and3A_291 = arith.andi %ne3A_287, %ne3A_290 : i1
        %sub3A_292 = arith.constant 1 : i32
        %sub3A_293 = arith.subi %div3A_272, %sub3A_292 : i32
        %select_n3A_294 = arith.select %and3A_291, %sub3A_293, %div3A_272 : i32
        %while3A_295 = arith.constant 0 : i32
        %while3A_296 = arith.constant 0 : i32
        %while3A_297 = arith.subi %select_n3A_294, %while3A_295 : i32
        %while3A_298 = arith.addi %while3A_295, %while3A_297 : i32
        %while3A_299 = arith.constant 1 : i32
        %while3A_300 = arith.divsi %while3A_297, %while3A_299 : i32
        %while3A_301 = arith.muli %while3A_300, %while3A_299 : i32
        %while3A_302 = arith.addi %while3A_295, %while3A_301 : i32
        %while3A_303 = arith.constant 1 : i32
        %while3A_304 = scf.for %while3A_322 = %while3A_295 to %while3A_302 step %while3A_303 iter_args(%while3A_323 = %while3A_296) -> (i32)  : i32 {
          %mul3A_324 = arith.constant 16 : i32
          %mul3A_325 = arith.muli %while3A_322, %mul3A_324 : i32
          %get3A_326 = arith.index_cast %mul3A_325 : i32 to index
          %get3A_327 = tpu.vector_load %arg17[%get3A_326] {strides = array<i32>} : memref<4048xi32, #tpu.memory_space<vmem>>, vector<16xi32>,
          %mul3A_328 = arith.constant 16 : i32
          %mul3A_329 = arith.muli %while3A_322, %mul3A_328 : i32
          %get3A_330 = arith.index_cast %mul3A_329 : i32 to index
          %get3A_331 = tpu.vector_load %arg18[%get3A_330] {strides = array<i32>} : memref<4048xi32, #tpu.memory_space<vmem>>, vector<16xi32>,
          %gather3A = tpu.vector_load_idx %arg12[%get3A_327] : memref<10240xf32, #tpu.memory_space<vmem>>[vector<16xi32>], vector<16xf32>,
          %swap3A_332 = arith.constant 0 : index
          %swap3A_333 = tpu.vector_load %arg25[%swap3A_332] {strides = array<i32>} : memref<16xi32, #tpu.memory_space<vmem>>, vector<16xi32>,
          tpu.vector_store %arg25[%swap3A_332], %get3A_327 {strides = array<i32>} : memref<16xi32, #tpu.memory_space<vmem>>, vector<16xi32>,
          %swap3A_334 = arith.constant 0 : index
          %swap3A_335 = tpu.vector_load %arg26[%swap3A_334] {strides = array<i32>} : memref<16xi32, #tpu.memory_space<vmem>>, vector<16xi32>,
          tpu.vector_store %arg26[%swap3A_334], %get3A_331 {strides = array<i32>} : memref<16xi32, #tpu.memory_space<vmem>>, vector<16xi32>,
          %swap3A_336 = arith.constant 0 : index
          %swap3A_337 = tpu.vector_load %arg27[%swap3A_336] {strides = array<i32>} : memref<32xf32, #tpu.memory_space<vmem>>, vector<16xf32>,
          tpu.vector_store %arg27[%swap3A_336], %gather3A {strides = array<i32>} : memref<32xf32, #tpu.memory_space<vmem>>, vector<16xf32>,
          %dma_start3A = arith.constant 0 : i32
          %dma_start3A_338 = arith.constant 0 : i32
          %dma_start3A_339 = tpu.memref_slice %arg2[%dma_start3A, %dma_start3A_338] : memref<10000x128xf32, #tpu.memory_space<hbm>> -> memref<10000x128xf32, #tpu.memory_space<hbm>>
          tpu.enqueue_indirect_dma source(%dma_start3A_339 : memref<10000x128xf32, #tpu.memory_space<hbm>>) target(%arg19 : memref<16x128xf32, #tpu.memory_space<vmem>>) offsets(%arg25 : memref<16xi32, #tpu.memory_space<vmem>>) semaphore(%arg37 : memref<!tpu.dma_semaphore, #tpu.memory_space<semaphore_mem>>)
          %dma_wait3A = arith.constant 0 : i32
          %dma_wait3A_340 = arith.constant 0 : i32
          %dma_wait3A_341 = tpu.memref_slice %arg2[%dma_wait3A, %dma_wait3A_340] : memref<10000x128xf32, #tpu.memory_space<hbm>> -> memref<10000x128xf32, #tpu.memory_space<hbm>>
          tpu.wait_indirect_dma semaphore(%arg37 : memref<!tpu.dma_semaphore, #tpu.memory_space<semaphore_mem>>) src(%dma_wait3A_341 : memref<10000x128xf32, #tpu.memory_space<hbm>>) dst(%arg19 : memref<16x128xf32, #tpu.memory_space<vmem>>)
          %scan3A_342 = arith.constant 0 : i32
          %scan3A_343 = arith.constant 0 : i32
          %scan3A_344 = arith.constant 16 : i32
          %scan3A_345 = arith.addi %scan3A_343, %scan3A_344 : i32
          %scan3A_346 = arith.constant 1 : i32
          %scan3A_347 = scf.for %scan3A_350 = %scan3A_343 to %scan3A_345 step %scan3A_346 iter_args(%scan3A_351 = %scan3A_342) -> (i32)  : i32 {
            %get3A_352 = arith.index_cast %scan3A_350 : i32 to index
            %get3A_353 = tpu.vector_load %arg27[%get3A_352] {strides = array<i32>} : memref<32xf32, #tpu.memory_space<vmem>>, vector<16xf32>,
            %slice3A_354 = vector.extract_strided_slice %get3A_353 {offsets = [0], sizes = [1], strides = [1]} : vector<16xf32> to vector<1xf32>
            %squeeze3A_355 = vector.extract %slice3A_354[0] : f32 from vector<1xf32>
            %broadcast_in_dim3A_356 = vector.broadcast %squeeze3A_355 : f32 to vector<16xf32>
            %get3A_357 = arith.index_cast %scan3A_350 : i32 to index
            %get3A_358 = arith.constant 0 : index
            %get3A_359 = tpu.vector_load %arg19[%get3A_357, %get3A_358] {strides = array<i32>} : memref<16x128xf32, #tpu.memory_space<vmem>>, vector<16xf32>,
            %mul3A_360 = arith.mulf %get3A_359, %broadcast_in_dim3A_356 : vector<16xf32>
            %swap3A_361 = arith.index_cast %scan3A_350 : i32 to index
            %swap3A_362 = arith.constant 0 : index
            %swap3A_363 = tpu.vector_load %arg19[%swap3A_361, %swap3A_362] {strides = array<i32>} : memref<16x128xf32, #tpu.memory_space<vmem>>, vector<16xf32>,
            tpu.vector_store %arg19[%swap3A_361, %swap3A_362], %mul3A_360 {strides = array<i32>} : memref<16x128xf32, #tpu.memory_space<vmem>>, vector<16xf32>,
            %get3A_364 = arith.index_cast %scan3A_350 : i32 to index
            %get3A_365 = arith.constant 16 : index
            %get3A_366 = tpu.vector_load %arg19[%get3A_364, %get3A_365] {strides = array<i32>} : memref<16x128xf32, #tpu.memory_space<vmem>>, vector<16xf32>,
            %mul3A_367 = arith.mulf %get3A_366, %broadcast_in_dim3A_356 : vector<16xf32>
            %swap3A_368 = arith.index_cast %scan3A_350 : i32 to index
            %swap3A_369 = arith.constant 16 : index
            %swap3A_370 = tpu.vector_load %arg19[%swap3A_368, %swap3A_369] {strides = array<i32>} : memref<16x128xf32, #tpu.memory_space<vmem>>, vector<16xf32>,
            tpu.vector_store %arg19[%swap3A_368, %swap3A_369], %mul3A_367 {strides = array<i32>} : memref<16x128xf32, #tpu.memory_space<vmem>>, vector<16xf32>,
            %get3A_371 = arith.index_cast %scan3A_350 : i32 to index
            %get3A_372 = arith.constant 32 : index
            %get3A_373 = tpu.vector_load %arg19[%get3A_371, %get3A_372] {strides = array<i32>} : memref<16x128xf32, #tpu.memory_space<vmem>>, vector<16xf32>,
            %mul3A_374 = arith.mulf %get3A_373, %broadcast_in_dim3A_356 : vector<16xf32>
            %swap3A_375 = arith.index_cast %scan3A_350 : i32 to index
            %swap3A_376 = arith.constant 32 : index
            %swap3A_377 = tpu.vector_load %arg19[%swap3A_375, %swap3A_376] {strides = array<i32>} : memref<16x128xf32, #tpu.memory_space<vmem>>, vector<16xf32>,
            tpu.vector_store %arg19[%swap3A_375, %swap3A_376], %mul3A_374 {strides = array<i32>} : memref<16x128xf32, #tpu.memory_space<vmem>>, vector<16xf32>,
            %get3A_378 = arith.index_cast %scan3A_350 : i32 to index
            %get3A_379 = arith.constant 48 : index
            %get3A_380 = tpu.vector_load %arg19[%get3A_378, %get3A_379] {strides = array<i32>} : memref<16x128xf32, #tpu.memory_space<vmem>>, vector<16xf32>,
            %mul3A_381 = arith.mulf %get3A_380, %broadcast_in_dim3A_356 : vector<16xf32>
            %swap3A_382 = arith.index_cast %scan3A_350 : i32 to index
            %swap3A_383 = arith.constant 48 : index
            %swap3A_384 = tpu.vector_load %arg19[%swap3A_382, %swap3A_383] {strides = array<i32>} : memref<16x128xf32, #tpu.memory_space<vmem>>, vector<16xf32>,
            tpu.vector_store %arg19[%swap3A_382, %swap3A_383], %mul3A_381 {strides = array<i32>} : memref<16x128xf32, #tpu.memory_space<vmem>>, vector<16xf32>,
            %get3A_385 = arith.index_cast %scan3A_350 : i32 to index
            %get3A_386 = arith.constant 64 : index
            %get3A_387 = tpu.vector_load %arg19[%get3A_385, %get3A_386] {strides = array<i32>} : memref<16x128xf32, #tpu.memory_space<vmem>>, vector<16xf32>,
            %mul3A_388 = arith.mulf %get3A_387, %broadcast_in_dim3A_356 : vector<16xf32>
            %swap3A_389 = arith.index_cast %scan3A_350 : i32 to index
            %swap3A_390 = arith.constant 64 : index
            %swap3A_391 = tpu.vector_load %arg19[%swap3A_389, %swap3A_390] {strides = array<i32>} : memref<16x128xf32, #tpu.memory_space<vmem>>, vector<16xf32>,
            tpu.vector_store %arg19[%swap3A_389, %swap3A_390], %mul3A_388 {strides = array<i32>} : memref<16x128xf32, #tpu.memory_space<vmem>>, vector<16xf32>,
            %get3A_392 = arith.index_cast %scan3A_350 : i32 to index
            %get3A_393 = arith.constant 80 : index
            %get3A_394 = tpu.vector_load %arg19[%get3A_392, %get3A_393] {strides = array<i32>} : memref<16x128xf32, #tpu.memory_space<vmem>>, vector<16xf32>,
            %mul3A_395 = arith.mulf %get3A_394, %broadcast_in_dim3A_356 : vector<16xf32>
            %swap3A_396 = arith.index_cast %scan3A_350 : i32 to index
            %swap3A_397 = arith.constant 80 : index
            %swap3A_398 = tpu.vector_load %arg19[%swap3A_396, %swap3A_397] {strides = array<i32>} : memref<16x128xf32, #tpu.memory_space<vmem>>, vector<16xf32>,
            tpu.vector_store %arg19[%swap3A_396, %swap3A_397], %mul3A_395 {strides = array<i32>} : memref<16x128xf32, #tpu.memory_space<vmem>>, vector<16xf32>,
            %get3A_399 = arith.index_cast %scan3A_350 : i32 to index
            %get3A_400 = arith.constant 96 : index
            %get3A_401 = tpu.vector_load %arg19[%get3A_399, %get3A_400] {strides = array<i32>} : memref<16x128xf32, #tpu.memory_space<vmem>>, vector<16xf32>,
            %mul3A_402 = arith.mulf %get3A_401, %broadcast_in_dim3A_356 : vector<16xf32>
            %swap3A_403 = arith.index_cast %scan3A_350 : i32 to index
            %swap3A_404 = arith.constant 96 : index
            %swap3A_405 = tpu.vector_load %arg19[%swap3A_403, %swap3A_404] {strides = array<i32>} : memref<16x128xf32, #tpu.memory_space<vmem>>, vector<16xf32>,
            tpu.vector_store %arg19[%swap3A_403, %swap3A_404], %mul3A_402 {strides = array<i32>} : memref<16x128xf32, #tpu.memory_space<vmem>>, vector<16xf32>,
            %get3A_406 = arith.index_cast %scan3A_350 : i32 to index
            %get3A_407 = arith.constant 112 : index
            %get3A_408 = tpu.vector_load %arg19[%get3A_406, %get3A_407] {strides = array<i32>} : memref<16x128xf32, #tpu.memory_space<vmem>>, vector<16xf32>,
            %mul3A_409 = arith.mulf %get3A_408, %broadcast_in_dim3A_356 : vector<16xf32>
            %swap3A_410 = arith.index_cast %scan3A_350 : i32 to index
            %swap3A_411 = arith.constant 112 : index
            %swap3A_412 = tpu.vector_load %arg19[%swap3A_410, %swap3A_411] {strides = array<i32>} : memref<16x128xf32, #tpu.memory_space<vmem>>, vector<16xf32>,
            tpu.vector_store %arg19[%swap3A_410, %swap3A_411], %mul3A_409 {strides = array<i32>} : memref<16x128xf32, #tpu.memory_space<vmem>>, vector<16xf32>,
            %scan3A_413 = arith.constant 0 : i32
            scf.yield %scan3A_413 : i32
          }
          %scan3A_348 = arith.constant 16 : i32
          "tpu.region"() ({
            %run_scoped3A = tpu.sem_alloc : memref<!tpu.dma_semaphore, #tpu.memory_space<semaphore_mem>>
            %dma_start3A_350 = arith.constant 0 : i32
            %dma_start3A_351 = arith.constant 0 : i32
            %dma_start3A_352 = tpu.memref_slice %arg36[%dma_start3A_350, %dma_start3A_351] : memref<4112x128xf32, #tpu.memory_space<vmem_shared>> -> memref<4112x128xf32, #tpu.memory_space<vmem_shared>>
            tpu.enqueue_indirect_dma source(%arg19 : memref<16x128xf32, #tpu.memory_space<vmem>>) target(%dma_start3A_352 : memref<4112x128xf32, #tpu.memory_space<vmem_shared>>) offsets(%arg26 : memref<16xi32, #tpu.memory_space<vmem>>) semaphore(%run_scoped3A : memref<!tpu.dma_semaphore, #tpu.memory_space<semaphore_mem>>) {add = true}
            %dma_wait3A_353 = arith.constant 0 : i32
            %dma_wait3A_354 = arith.constant 0 : i32
            %dma_wait3A_355 = tpu.memref_slice %arg36[%dma_wait3A_353, %dma_wait3A_354] : memref<4112x128xf32, #tpu.memory_space<vmem_shared>> -> memref<4112x128xf32, #tpu.memory_space<vmem_shared>>
            tpu.wait_indirect_dma semaphore(%run_scoped3A : memref<!tpu.dma_semaphore, #tpu.memory_space<semaphore_mem>>) src(%arg19 : memref<16x128xf32, #tpu.memory_space<vmem>>) dst(%dma_wait3A_355 : memref<4112x128xf32, #tpu.memory_space<vmem_shared>>)
            tpu.yield
          }) : () -> ()
          %while3A_349 = arith.constant 0 : i32
          scf.yield %while3A_349 : i32
        }
        %while3A_305 = arith.constant 1 : i32
        %while3A_306 = scf.for %while3A_322 = %while3A_302 to %while3A_298 step %while3A_305 iter_args(%while3A_323 = %while3A_304) -> (i32)  : i32 {
          %mul3A_324 = arith.constant 16 : i32
          %mul3A_325 = arith.muli %while3A_322, %mul3A_324 : i32
          %get3A_326 = arith.index_cast %mul3A_325 : i32 to index
          %get3A_327 = tpu.vector_load %arg17[%get3A_326] {strides = array<i32>} : memref<4048xi32, #tpu.memory_space<vmem>>, vector<16xi32>,
          %mul3A_328 = arith.constant 16 : i32
          %mul3A_329 = arith.muli %while3A_322, %mul3A_328 : i32
          %get3A_330 = arith.index_cast %mul3A_329 : i32 to index
          %get3A_331 = tpu.vector_load %arg18[%get3A_330] {strides = array<i32>} : memref<4048xi32, #tpu.memory_space<vmem>>, vector<16xi32>,
          %gather3A = tpu.vector_load_idx %arg12[%get3A_327] : memref<10240xf32, #tpu.memory_space<vmem>>[vector<16xi32>], vector<16xf32>,
          %swap3A_332 = arith.constant 0 : index
          %swap3A_333 = tpu.vector_load %arg25[%swap3A_332] {strides = array<i32>} : memref<16xi32, #tpu.memory_space<vmem>>, vector<16xi32>,
          tpu.vector_store %arg25[%swap3A_332], %get3A_327 {strides = array<i32>} : memref<16xi32, #tpu.memory_space<vmem>>, vector<16xi32>,
          %swap3A_334 = arith.constant 0 : index
          %swap3A_335 = tpu.vector_load %arg26[%swap3A_334] {strides = array<i32>} : memref<16xi32, #tpu.memory_space<vmem>>, vector<16xi32>,
          tpu.vector_store %arg26[%swap3A_334], %get3A_331 {strides = array<i32>} : memref<16xi32, #tpu.memory_space<vmem>>, vector<16xi32>,
          %swap3A_336 = arith.constant 0 : index
          %swap3A_337 = tpu.vector_load %arg27[%swap3A_336] {strides = array<i32>} : memref<32xf32, #tpu.memory_space<vmem>>, vector<16xf32>,
          tpu.vector_store %arg27[%swap3A_336], %gather3A {strides = array<i32>} : memref<32xf32, #tpu.memory_space<vmem>>, vector<16xf32>,
          %dma_start3A = arith.constant 0 : i32
          %dma_start3A_338 = arith.constant 0 : i32
          %dma_start3A_339 = tpu.memref_slice %arg2[%dma_start3A, %dma_start3A_338] : memref<10000x128xf32, #tpu.memory_space<hbm>> -> memref<10000x128xf32, #tpu.memory_space<hbm>>
          tpu.enqueue_indirect_dma source(%dma_start3A_339 : memref<10000x128xf32, #tpu.memory_space<hbm>>) target(%arg19 : memref<16x128xf32, #tpu.memory_space<vmem>>) offsets(%arg25 : memref<16xi32, #tpu.memory_space<vmem>>) semaphore(%arg37 : memref<!tpu.dma_semaphore, #tpu.memory_space<semaphore_mem>>)
          %dma_wait3A = arith.constant 0 : i32
          %dma_wait3A_340 = arith.constant 0 : i32
          %dma_wait3A_341 = tpu.memref_slice %arg2[%dma_wait3A, %dma_wait3A_340] : memref<10000x128xf32, #tpu.memory_space<hbm>> -> memref<10000x128xf32, #tpu.memory_space<hbm>>
          tpu.wait_indirect_dma semaphore(%arg37 : memref<!tpu.dma_semaphore, #tpu.memory_space<semaphore_mem>>) src(%dma_wait3A_341 : memref<10000x128xf32, #tpu.memory_space<hbm>>) dst(%arg19 : memref<16x128xf32, #tpu.memory_space<vmem>>)
          %scan3A_342 = arith.constant 0 : i32
          %scan3A_343 = arith.constant 0 : i32
          %scan3A_344 = arith.constant 16 : i32
          %scan3A_345 = arith.addi %scan3A_343, %scan3A_344 : i32
          %scan3A_346 = arith.constant 1 : i32
          %scan3A_347 = scf.for %scan3A_350 = %scan3A_343 to %scan3A_345 step %scan3A_346 iter_args(%scan3A_351 = %scan3A_342) -> (i32)  : i32 {
            %get3A_352 = arith.index_cast %scan3A_350 : i32 to index
            %get3A_353 = tpu.vector_load %arg27[%get3A_352] {strides = array<i32>} : memref<32xf32, #tpu.memory_space<vmem>>, vector<16xf32>,
            %slice3A_354 = vector.extract_strided_slice %get3A_353 {offsets = [0], sizes = [1], strides = [1]} : vector<16xf32> to vector<1xf32>
            %squeeze3A_355 = vector.extract %slice3A_354[0] : f32 from vector<1xf32>
            %broadcast_in_dim3A_356 = vector.broadcast %squeeze3A_355 : f32 to vector<16xf32>
            %get3A_357 = arith.index_cast %scan3A_350 : i32 to index
            %get3A_358 = arith.constant 0 : index
            %get3A_359 = tpu.vector_load %arg19[%get3A_357, %get3A_358] {strides = array<i32>} : memref<16x128xf32, #tpu.memory_space<vmem>>, vector<16xf32>,
            %mul3A_360 = arith.mulf %get3A_359, %broadcast_in_dim3A_356 : vector<16xf32>
            %swap3A_361 = arith.index_cast %scan3A_350 : i32 to index
            %swap3A_362 = arith.constant 0 : index
            %swap3A_363 = tpu.vector_load %arg19[%swap3A_361, %swap3A_362] {strides = array<i32>} : memref<16x128xf32, #tpu.memory_space<vmem>>, vector<16xf32>,
            tpu.vector_store %arg19[%swap3A_361, %swap3A_362], %mul3A_360 {strides = array<i32>} : memref<16x128xf32, #tpu.memory_space<vmem>>, vector<16xf32>,
            %get3A_364 = arith.index_cast %scan3A_350 : i32 to index
            %get3A_365 = arith.constant 16 : index
            %get3A_366 = tpu.vector_load %arg19[%get3A_364, %get3A_365] {strides = array<i32>} : memref<16x128xf32, #tpu.memory_space<vmem>>, vector<16xf32>,
            %mul3A_367 = arith.mulf %get3A_366, %broadcast_in_dim3A_356 : vector<16xf32>
            %swap3A_368 = arith.index_cast %scan3A_350 : i32 to index
            %swap3A_369 = arith.constant 16 : index
            %swap3A_370 = tpu.vector_load %arg19[%swap3A_368, %swap3A_369] {strides = array<i32>} : memref<16x128xf32, #tpu.memory_space<vmem>>, vector<16xf32>,
            tpu.vector_store %arg19[%swap3A_368, %swap3A_369], %mul3A_367 {strides = array<i32>} : memref<16x128xf32, #tpu.memory_space<vmem>>, vector<16xf32>,
            %get3A_371 = arith.index_cast %scan3A_350 : i32 to index
            %get3A_372 = arith.constant 32 : index
            %get3A_373 = tpu.vector_load %arg19[%get3A_371, %get3A_372] {strides = array<i32>} : memref<16x128xf32, #tpu.memory_space<vmem>>, vector<16xf32>,
            %mul3A_374 = arith.mulf %get3A_373, %broadcast_in_dim3A_356 : vector<16xf32>
            %swap3A_375 = arith.index_cast %scan3A_350 : i32 to index
            %swap3A_376 = arith.constant 32 : index
            %swap3A_377 = tpu.vector_load %arg19[%swap3A_375, %swap3A_376] {strides = array<i32>} : memref<16x128xf32, #tpu.memory_space<vmem>>, vector<16xf32>,
            tpu.vector_store %arg19[%swap3A_375, %swap3A_376], %mul3A_374 {strides = array<i32>} : memref<16x128xf32, #tpu.memory_space<vmem>>, vector<16xf32>,
            %get3A_378 = arith.index_cast %scan3A_350 : i32 to index
            %get3A_379 = arith.constant 48 : index
            %get3A_380 = tpu.vector_load %arg19[%get3A_378, %get3A_379] {strides = array<i32>} : memref<16x128xf32, #tpu.memory_space<vmem>>, vector<16xf32>,
            %mul3A_381 = arith.mulf %get3A_380, %broadcast_in_dim3A_356 : vector<16xf32>
            %swap3A_382 = arith.index_cast %scan3A_350 : i32 to index
            %swap3A_383 = arith.constant 48 : index
            %swap3A_384 = tpu.vector_load %arg19[%swap3A_382, %swap3A_383] {strides = array<i32>} : memref<16x128xf32, #tpu.memory_space<vmem>>, vector<16xf32>,
            tpu.vector_store %arg19[%swap3A_382, %swap3A_383], %mul3A_381 {strides = array<i32>} : memref<16x128xf32, #tpu.memory_space<vmem>>, vector<16xf32>,
            %get3A_385 = arith.index_cast %scan3A_350 : i32 to index
            %get3A_386 = arith.constant 64 : index
            %get3A_387 = tpu.vector_load %arg19[%get3A_385, %get3A_386] {strides = array<i32>} : memref<16x128xf32, #tpu.memory_space<vmem>>, vector<16xf32>,
            %mul3A_388 = arith.mulf %get3A_387, %broadcast_in_dim3A_356 : vector<16xf32>
            %swap3A_389 = arith.index_cast %scan3A_350 : i32 to index
            %swap3A_390 = arith.constant 64 : index
            %swap3A_391 = tpu.vector_load %arg19[%swap3A_389, %swap3A_390] {strides = array<i32>} : memref<16x128xf32, #tpu.memory_space<vmem>>, vector<16xf32>,
            tpu.vector_store %arg19[%swap3A_389, %swap3A_390], %mul3A_388 {strides = array<i32>} : memref<16x128xf32, #tpu.memory_space<vmem>>, vector<16xf32>,
            %get3A_392 = arith.index_cast %scan3A_350 : i32 to index
            %get3A_393 = arith.constant 80 : index
            %get3A_394 = tpu.vector_load %arg19[%get3A_392, %get3A_393] {strides = array<i32>} : memref<16x128xf32, #tpu.memory_space<vmem>>, vector<16xf32>,
            %mul3A_395 = arith.mulf %get3A_394, %broadcast_in_dim3A_356 : vector<16xf32>
            %swap3A_396 = arith.index_cast %scan3A_350 : i32 to index
            %swap3A_397 = arith.constant 80 : index
            %swap3A_398 = tpu.vector_load %arg19[%swap3A_396, %swap3A_397] {strides = array<i32>} : memref<16x128xf32, #tpu.memory_space<vmem>>, vector<16xf32>,
            tpu.vector_store %arg19[%swap3A_396, %swap3A_397], %mul3A_395 {strides = array<i32>} : memref<16x128xf32, #tpu.memory_space<vmem>>, vector<16xf32>,
            %get3A_399 = arith.index_cast %scan3A_350 : i32 to index
            %get3A_400 = arith.constant 96 : index
            %get3A_401 = tpu.vector_load %arg19[%get3A_399, %get3A_400] {strides = array<i32>} : memref<16x128xf32, #tpu.memory_space<vmem>>, vector<16xf32>,
            %mul3A_402 = arith.mulf %get3A_401, %broadcast_in_dim3A_356 : vector<16xf32>
            %swap3A_403 = arith.index_cast %scan3A_350 : i32 to index
            %swap3A_404 = arith.constant 96 : index
            %swap3A_405 = tpu.vector_load %arg19[%swap3A_403, %swap3A_404] {strides = array<i32>} : memref<16x128xf32, #tpu.memory_space<vmem>>, vector<16xf32>,
            tpu.vector_store %arg19[%swap3A_403, %swap3A_404], %mul3A_402 {strides = array<i32>} : memref<16x128xf32, #tpu.memory_space<vmem>>, vector<16xf32>,
            %get3A_406 = arith.index_cast %scan3A_350 : i32 to index
            %get3A_407 = arith.constant 112 : index
            %get3A_408 = tpu.vector_load %arg19[%get3A_406, %get3A_407] {strides = array<i32>} : memref<16x128xf32, #tpu.memory_space<vmem>>, vector<16xf32>,
            %mul3A_409 = arith.mulf %get3A_408, %broadcast_in_dim3A_356 : vector<16xf32>
            %swap3A_410 = arith.index_cast %scan3A_350 : i32 to index
            %swap3A_411 = arith.constant 112 : index
            %swap3A_412 = tpu.vector_load %arg19[%swap3A_410, %swap3A_411] {strides = array<i32>} : memref<16x128xf32, #tpu.memory_space<vmem>>, vector<16xf32>,
            tpu.vector_store %arg19[%swap3A_410, %swap3A_411], %mul3A_409 {strides = array<i32>} : memref<16x128xf32, #tpu.memory_space<vmem>>, vector<16xf32>,
            %scan3A_413 = arith.constant 0 : i32
            scf.yield %scan3A_413 : i32
          }
          %scan3A_348 = arith.constant 16 : i32
          "tpu.region"() ({
            %run_scoped3A = tpu.sem_alloc : memref<!tpu.dma_semaphore, #tpu.memory_space<semaphore_mem>>
            %dma_start3A_350 = arith.constant 0 : i32
            %dma_start3A_351 = arith.constant 0 : i32
            %dma_start3A_352 = tpu.memref_slice %arg36[%dma_start3A_350, %dma_start3A_351] : memref<4112x128xf32, #tpu.memory_space<vmem_shared>> -> memref<4112x128xf32, #tpu.memory_space<vmem_shared>>
            tpu.enqueue_indirect_dma source(%arg19 : memref<16x128xf32, #tpu.memory_space<vmem>>) target(%dma_start3A_352 : memref<4112x128xf32, #tpu.memory_space<vmem_shared>>) offsets(%arg26 : memref<16xi32, #tpu.memory_space<vmem>>) semaphore(%run_scoped3A : memref<!tpu.dma_semaphore, #tpu.memory_space<semaphore_mem>>) {add = true}
            %dma_wait3A_353 = arith.constant 0 : i32
            %dma_wait3A_354 = arith.constant 0 : i32
            %dma_wait3A_355 = tpu.memref_slice %arg36[%dma_wait3A_353, %dma_wait3A_354] : memref<4112x128xf32, #tpu.memory_space<vmem_shared>> -> memref<4112x128xf32, #tpu.memory_space<vmem_shared>>
            tpu.wait_indirect_dma semaphore(%run_scoped3A : memref<!tpu.dma_semaphore, #tpu.memory_space<semaphore_mem>>) src(%arg19 : memref<16x128xf32, #tpu.memory_space<vmem>>) dst(%dma_wait3A_355 : memref<4112x128xf32, #tpu.memory_space<vmem_shared>>)
            tpu.yield
          }) : () -> ()
          %while3A_349 = arith.constant 0 : i32
          scf.yield %while3A_349 : i32
        }
        %mul3A_307 = arith.constant 16 : i32
        %mul3A_308 = arith.muli %select_n3A_294, %mul3A_307 : i32
        %get3A_309 = arith.index_cast %mul3A_308 : i32 to index
        %get3A_310 = tpu.vector_load %arg17[%get3A_309] {strides = array<i32>} : memref<4048xi32, #tpu.memory_space<vmem>>, vector<16xi32>,
        %swap3A_311 = arith.constant 0 : index
        %swap3A_312 = tpu.vector_load %arg17[%swap3A_311] {strides = array<i32>} : memref<4048xi32, #tpu.memory_space<vmem>>, vector<16xi32>,
        tpu.vector_store %arg17[%swap3A_311], %get3A_310 {strides = array<i32>} : memref<4048xi32, #tpu.memory_space<vmem>>, vector<16xi32>,
        %mul3A_313 = arith.constant 16 : i32
        %mul3A_314 = arith.muli %select_n3A_294, %mul3A_313 : i32
        %get3A_315 = arith.index_cast %mul3A_314 : i32 to index
        %get3A_316 = tpu.vector_load %arg18[%get3A_315] {strides = array<i32>} : memref<4048xi32, #tpu.memory_space<vmem>>, vector<16xi32>,
        %swap3A_317 = arith.constant 0 : index
        %swap3A_318 = tpu.vector_load %arg18[%swap3A_317] {strides = array<i32>} : memref<4048xi32, #tpu.memory_space<vmem>>, vector<16xi32>,
        tpu.vector_store %arg18[%swap3A_317], %get3A_316 {strides = array<i32>} : memref<4048xi32, #tpu.memory_space<vmem>>, vector<16xi32>,
        %mul3A_319 = arith.constant 16 : i32
        %mul3A_320 = arith.muli %select_n3A_294, %mul3A_319 : i32
        %sub3A_321 = arith.subi %scan3A_269, %mul3A_320 : i32
        scf.yield %sub3A_321 : i32
      }
      %scan3A_225 = arith.constant 5 : i32
      %gt3A = arith.constant 0 : i32
      %gt3A_226 = arith.cmpi sgt, %scan3A_224, %gt3A : i32
      %convert_element_type3A_227 = arith.extui %gt3A_226 : i1 to i32
      %cond3A_228 = arith.constant 0 : i32
      %cond3A_229 = arith.cmpi ne, %convert_element_type3A_227, %cond3A_228 : i32
      scf.if %cond3A_229 {
        %lt3A = vector.broadcast %scan3A_224 : i32 to vector<16xi32>
        %lt3A_257 = arith.cmpi slt, %iota3A, %lt3A : vector<16xi32>
        %get3A_258 = arith.constant 0 : index
        %get3A_259 = tpu.vector_load %arg17[%get3A_258] {strides = array<i32>} : memref<4048xi32, #tpu.memory_space<vmem>>, vector<16xi32>,
        %jit3A_260 = arith.constant 0 : i32
        %broadcast_in_dim3A_261 = vector.broadcast %jit3A_260 : i32 to vector<16xi32>
        %select_n3A_262 = arith.select %lt3A_257, %get3A_259, %broadcast_in_dim3A_261 : vector<16xi1>, vector<16xi32>
        %get3A_263 = arith.constant 0 : index
        %get3A_264 = tpu.vector_load %arg18[%get3A_263] {strides = array<i32>} : memref<4048xi32, #tpu.memory_space<vmem>>, vector<16xi32>,
        %jit3A_265 = arith.constant 4096 : i32
        %broadcast_in_dim3A_266 = vector.broadcast %jit3A_265 : i32 to vector<16xi32>
        %select_n3A_267 = arith.select %lt3A_257, %get3A_264, %broadcast_in_dim3A_266 : vector<16xi1>, vector<16xi32>
        %gather3A = tpu.vector_load_idx %arg12[%select_n3A_262] : memref<10240xf32, #tpu.memory_space<vmem>>[vector<16xi32>], vector<16xf32>,
        %jit3A_268 = arith.constant 0.000000e+00 : f32
        %broadcast_in_dim3A_269 = vector.broadcast %jit3A_268 : f32 to vector<16xf32>
        %select_n3A_270 = arith.select %lt3A_257, %gather3A, %broadcast_in_dim3A_269 : vector<16xi1>, vector<16xf32>
        %swap3A_271 = arith.constant 0 : index
        %swap3A_272 = tpu.vector_load %arg25[%swap3A_271] {strides = array<i32>} : memref<16xi32, #tpu.memory_space<vmem>>, vector<16xi32>,
        tpu.vector_store %arg25[%swap3A_271], %select_n3A_262 {strides = array<i32>} : memref<16xi32, #tpu.memory_space<vmem>>, vector<16xi32>,
        %swap3A_273 = arith.constant 0 : index
        %swap3A_274 = tpu.vector_load %arg26[%swap3A_273] {strides = array<i32>} : memref<16xi32, #tpu.memory_space<vmem>>, vector<16xi32>,
        tpu.vector_store %arg26[%swap3A_273], %select_n3A_267 {strides = array<i32>} : memref<16xi32, #tpu.memory_space<vmem>>, vector<16xi32>,
        %swap3A_275 = arith.constant 0 : index
        %swap3A_276 = tpu.vector_load %arg27[%swap3A_275] {strides = array<i32>} : memref<32xf32, #tpu.memory_space<vmem>>, vector<16xf32>,
        tpu.vector_store %arg27[%swap3A_275], %select_n3A_270 {strides = array<i32>} : memref<32xf32, #tpu.memory_space<vmem>>, vector<16xf32>,
        %dma_start3A = arith.constant 0 : i32
        %dma_start3A_277 = arith.constant 0 : i32
        %dma_start3A_278 = tpu.memref_slice %arg2[%dma_start3A, %dma_start3A_277] : memref<10000x128xf32, #tpu.memory_space<hbm>> -> memref<10000x128xf32, #tpu.memory_space<hbm>>
        tpu.enqueue_indirect_dma source(%dma_start3A_278 : memref<10000x128xf32, #tpu.memory_space<hbm>>) target(%arg19 : memref<16x128xf32, #tpu.memory_space<vmem>>) offsets(%arg25 : memref<16xi32, #tpu.memory_space<vmem>>) semaphore(%arg37 : memref<!tpu.dma_semaphore, #tpu.memory_space<semaphore_mem>>)
        %dma_wait3A = arith.constant 0 : i32
        %dma_wait3A_279 = arith.constant 0 : i32
        %dma_wait3A_280 = tpu.memref_slice %arg2[%dma_wait3A, %dma_wait3A_279] : memref<10000x128xf32, #tpu.memory_space<hbm>> -> memref<10000x128xf32, #tpu.memory_space<hbm>>
        tpu.wait_indirect_dma semaphore(%arg37 : memref<!tpu.dma_semaphore, #tpu.memory_space<semaphore_mem>>) src(%dma_wait3A_280 : memref<10000x128xf32, #tpu.memory_space<hbm>>) dst(%arg19 : memref<16x128xf32, #tpu.memory_space<vmem>>)
        %scan3A_281 = arith.constant 0 : i32
        %scan3A_282 = arith.constant 0 : i32
        %scan3A_283 = arith.constant 16 : i32
        %scan3A_284 = arith.addi %scan3A_282, %scan3A_283 : i32
        %scan3A_285 = arith.constant 1 : i32
        %scan3A_286 = scf.for %scan3A_288 = %scan3A_282 to %scan3A_284 step %scan3A_285 iter_args(%scan3A_289 = %scan3A_281) -> (i32)  : i32 {
          %get3A_290 = arith.index_cast %scan3A_288 : i32 to index
          %get3A_291 = tpu.vector_load %arg27[%get3A_290] {strides = array<i32>} : memref<32xf32, #tpu.memory_space<vmem>>, vector<16xf32>,
          %slice3A_292 = vector.extract_strided_slice %get3A_291 {offsets = [0], sizes = [1], strides = [1]} : vector<16xf32> to vector<1xf32>
          %squeeze3A_293 = vector.extract %slice3A_292[0] : f32 from vector<1xf32>
          %broadcast_in_dim3A_294 = vector.broadcast %squeeze3A_293 : f32 to vector<16xf32>
          %get3A_295 = arith.index_cast %scan3A_288 : i32 to index
          %get3A_296 = arith.constant 0 : index
          %get3A_297 = tpu.vector_load %arg19[%get3A_295, %get3A_296] {strides = array<i32>} : memref<16x128xf32, #tpu.memory_space<vmem>>, vector<16xf32>,
          %mul3A_298 = arith.mulf %get3A_297, %broadcast_in_dim3A_294 : vector<16xf32>
          %swap3A_299 = arith.index_cast %scan3A_288 : i32 to index
          %swap3A_300 = arith.constant 0 : index
          %swap3A_301 = tpu.vector_load %arg19[%swap3A_299, %swap3A_300] {strides = array<i32>} : memref<16x128xf32, #tpu.memory_space<vmem>>, vector<16xf32>,
          tpu.vector_store %arg19[%swap3A_299, %swap3A_300], %mul3A_298 {strides = array<i32>} : memref<16x128xf32, #tpu.memory_space<vmem>>, vector<16xf32>,
          %get3A_302 = arith.index_cast %scan3A_288 : i32 to index
          %get3A_303 = arith.constant 16 : index
          %get3A_304 = tpu.vector_load %arg19[%get3A_302, %get3A_303] {strides = array<i32>} : memref<16x128xf32, #tpu.memory_space<vmem>>, vector<16xf32>,
          %mul3A_305 = arith.mulf %get3A_304, %broadcast_in_dim3A_294 : vector<16xf32>
          %swap3A_306 = arith.index_cast %scan3A_288 : i32 to index
          %swap3A_307 = arith.constant 16 : index
          %swap3A_308 = tpu.vector_load %arg19[%swap3A_306, %swap3A_307] {strides = array<i32>} : memref<16x128xf32, #tpu.memory_space<vmem>>, vector<16xf32>,
          tpu.vector_store %arg19[%swap3A_306, %swap3A_307], %mul3A_305 {strides = array<i32>} : memref<16x128xf32, #tpu.memory_space<vmem>>, vector<16xf32>,
          %get3A_309 = arith.index_cast %scan3A_288 : i32 to index
          %get3A_310 = arith.constant 32 : index
          %get3A_311 = tpu.vector_load %arg19[%get3A_309, %get3A_310] {strides = array<i32>} : memref<16x128xf32, #tpu.memory_space<vmem>>, vector<16xf32>,
          %mul3A_312 = arith.mulf %get3A_311, %broadcast_in_dim3A_294 : vector<16xf32>
          %swap3A_313 = arith.index_cast %scan3A_288 : i32 to index
          %swap3A_314 = arith.constant 32 : index
          %swap3A_315 = tpu.vector_load %arg19[%swap3A_313, %swap3A_314] {strides = array<i32>} : memref<16x128xf32, #tpu.memory_space<vmem>>, vector<16xf32>,
          tpu.vector_store %arg19[%swap3A_313, %swap3A_314], %mul3A_312 {strides = array<i32>} : memref<16x128xf32, #tpu.memory_space<vmem>>, vector<16xf32>,
          %get3A_316 = arith.index_cast %scan3A_288 : i32 to index
          %get3A_317 = arith.constant 48 : index
          %get3A_318 = tpu.vector_load %arg19[%get3A_316, %get3A_317] {strides = array<i32>} : memref<16x128xf32, #tpu.memory_space<vmem>>, vector<16xf32>,
          %mul3A_319 = arith.mulf %get3A_318, %broadcast_in_dim3A_294 : vector<16xf32>
          %swap3A_320 = arith.index_cast %scan3A_288 : i32 to index
          %swap3A_321 = arith.constant 48 : index
          %swap3A_322 = tpu.vector_load %arg19[%swap3A_320, %swap3A_321] {strides = array<i32>} : memref<16x128xf32, #tpu.memory_space<vmem>>, vector<16xf32>,
          tpu.vector_store %arg19[%swap3A_320, %swap3A_321], %mul3A_319 {strides = array<i32>} : memref<16x128xf32, #tpu.memory_space<vmem>>, vector<16xf32>,
          %get3A_323 = arith.index_cast %scan3A_288 : i32 to index
          %get3A_324 = arith.constant 64 : index
          %get3A_325 = tpu.vector_load %arg19[%get3A_323, %get3A_324] {strides = array<i32>} : memref<16x128xf32, #tpu.memory_space<vmem>>, vector<16xf32>,
          %mul3A_326 = arith.mulf %get3A_325, %broadcast_in_dim3A_294 : vector<16xf32>
          %swap3A_327 = arith.index_cast %scan3A_288 : i32 to index
          %swap3A_328 = arith.constant 64 : index
          %swap3A_329 = tpu.vector_load %arg19[%swap3A_327, %swap3A_328] {strides = array<i32>} : memref<16x128xf32, #tpu.memory_space<vmem>>, vector<16xf32>,
          tpu.vector_store %arg19[%swap3A_327, %swap3A_328], %mul3A_326 {strides = array<i32>} : memref<16x128xf32, #tpu.memory_space<vmem>>, vector<16xf32>,
          %get3A_330 = arith.index_cast %scan3A_288 : i32 to index
          %get3A_331 = arith.constant 80 : index
          %get3A_332 = tpu.vector_load %arg19[%get3A_330, %get3A_331] {strides = array<i32>} : memref<16x128xf32, #tpu.memory_space<vmem>>, vector<16xf32>,
          %mul3A_333 = arith.mulf %get3A_332, %broadcast_in_dim3A_294 : vector<16xf32>
          %swap3A_334 = arith.index_cast %scan3A_288 : i32 to index
          %swap3A_335 = arith.constant 80 : index
          %swap3A_336 = tpu.vector_load %arg19[%swap3A_334, %swap3A_335] {strides = array<i32>} : memref<16x128xf32, #tpu.memory_space<vmem>>, vector<16xf32>,
          tpu.vector_store %arg19[%swap3A_334, %swap3A_335], %mul3A_333 {strides = array<i32>} : memref<16x128xf32, #tpu.memory_space<vmem>>, vector<16xf32>,
          %get3A_337 = arith.index_cast %scan3A_288 : i32 to index
          %get3A_338 = arith.constant 96 : index
          %get3A_339 = tpu.vector_load %arg19[%get3A_337, %get3A_338] {strides = array<i32>} : memref<16x128xf32, #tpu.memory_space<vmem>>, vector<16xf32>,
          %mul3A_340 = arith.mulf %get3A_339, %broadcast_in_dim3A_294 : vector<16xf32>
          %swap3A_341 = arith.index_cast %scan3A_288 : i32 to index
          %swap3A_342 = arith.constant 96 : index
          %swap3A_343 = tpu.vector_load %arg19[%swap3A_341, %swap3A_342] {strides = array<i32>} : memref<16x128xf32, #tpu.memory_space<vmem>>, vector<16xf32>,
          tpu.vector_store %arg19[%swap3A_341, %swap3A_342], %mul3A_340 {strides = array<i32>} : memref<16x128xf32, #tpu.memory_space<vmem>>, vector<16xf32>,
          %get3A_344 = arith.index_cast %scan3A_288 : i32 to index
          %get3A_345 = arith.constant 112 : index
          %get3A_346 = tpu.vector_load %arg19[%get3A_344, %get3A_345] {strides = array<i32>} : memref<16x128xf32, #tpu.memory_space<vmem>>, vector<16xf32>,
          %mul3A_347 = arith.mulf %get3A_346, %broadcast_in_dim3A_294 : vector<16xf32>
          %swap3A_348 = arith.index_cast %scan3A_288 : i32 to index
          %swap3A_349 = arith.constant 112 : index
          %swap3A_350 = tpu.vector_load %arg19[%swap3A_348, %swap3A_349] {strides = array<i32>} : memref<16x128xf32, #tpu.memory_space<vmem>>, vector<16xf32>,
          tpu.vector_store %arg19[%swap3A_348, %swap3A_349], %mul3A_347 {strides = array<i32>} : memref<16x128xf32, #tpu.memory_space<vmem>>, vector<16xf32>,
          %scan3A_351 = arith.constant 0 : i32
          scf.yield %scan3A_351 : i32
        }
        %scan3A_287 = arith.constant 16 : i32
        "tpu.region"() ({
          %run_scoped3A = tpu.sem_alloc : memref<!tpu.dma_semaphore, #tpu.memory_space<semaphore_mem>>
          %dma_start3A_288 = arith.constant 0 : i32
          %dma_start3A_289 = arith.constant 0 : i32
          %dma_start3A_290 = tpu.memref_slice %arg36[%dma_start3A_288, %dma_start3A_289] : memref<4112x128xf32, #tpu.memory_space<vmem_shared>> -> memref<4112x128xf32, #tpu.memory_space<vmem_shared>>
          tpu.enqueue_indirect_dma source(%arg19 : memref<16x128xf32, #tpu.memory_space<vmem>>) target(%dma_start3A_290 : memref<4112x128xf32, #tpu.memory_space<vmem_shared>>) offsets(%arg26 : memref<16xi32, #tpu.memory_space<vmem>>) semaphore(%run_scoped3A : memref<!tpu.dma_semaphore, #tpu.memory_space<semaphore_mem>>) {add = true}
          %dma_wait3A_291 = arith.constant 0 : i32
          %dma_wait3A_292 = arith.constant 0 : i32
          %dma_wait3A_293 = tpu.memref_slice %arg36[%dma_wait3A_291, %dma_wait3A_292] : memref<4112x128xf32, #tpu.memory_space<vmem_shared>> -> memref<4112x128xf32, #tpu.memory_space<vmem_shared>>
          tpu.wait_indirect_dma semaphore(%run_scoped3A : memref<!tpu.dma_semaphore, #tpu.memory_space<semaphore_mem>>) src(%arg19 : memref<16x128xf32, #tpu.memory_space<vmem>>) dst(%dma_wait3A_293 : memref<4112x128xf32, #tpu.memory_space<vmem_shared>>)
          tpu.yield
        }) : () -> ()
      } else {
      }
      %while3A_230 = arith.constant 0 : i32
      %while3A_231 = arith.constant 0 : i32
      %while3A_232 = arith.subi %max3A_198, %while3A_230 : i32
      %while3A_233 = arith.addi %while3A_230, %while3A_232 : i32
      %while3A_234 = arith.constant 1 : i32
      %while3A_235 = arith.divsi %while3A_232, %while3A_234 : i32
      %while3A_236 = arith.muli %while3A_235, %while3A_234 : i32
      %while3A_237 = arith.addi %while3A_230, %while3A_236 : i32
      %while3A_238 = arith.constant 1 : i32
      %while3A_239 = scf.for %while3A_257 = %while3A_230 to %while3A_237 step %while3A_238 iter_args(%while3A_258 = %while3A_231) -> (i32)  : i32 {
        %mul3A_259 = arith.constant 16 : i32
        %mul3A_260 = arith.muli %while3A_257, %mul3A_259 : i32
        %add3A_261 = arith.addi %arg1, %mul3A_260 : i32
        %mul3A_262 = arith.constant 16 : i32
        %mul3A_263 = arith.muli %add3A_261, %mul3A_262 : i32
        %add3A_264 = arith.addi %mul3A_137, %mul3A_263 : i32
        %get3A_265 = arith.index_cast %add3A_264 : i32 to index
        %get3A_266 = tpu.vector_load %arg14[%get3A_265] {strides = array<i32>} : memref<10240xi32, #tpu.memory_space<vmem>>, vector<16xi32>,
        %mul3A_267 = arith.constant 16 : i32
        %mul3A_268 = arith.muli %add3A_261, %mul3A_267 : i32
        %add3A_269 = vector.broadcast %mul3A_268 : i32 to vector<16xi32>
        %add3A_270 = arith.addi %add3A_269, %iota3A : vector<16xi32>
        %lt3A = vector.broadcast %min3A_140 : i32 to vector<16xi32>
        %lt3A_271 = arith.cmpi slt, %add3A_270, %lt3A : vector<16xi32>
        %jit3A_272 = arith.constant 0 : i32
        %broadcast_in_dim3A_273 = vector.broadcast %jit3A_272 : i32 to vector<16xi32>
        %select_n3A_274 = arith.select %lt3A_271, %get3A_266, %broadcast_in_dim3A_273 : vector<16xi1>, vector<16xi32>
        %mul3A_275 = arith.constant 16 : i32
        %mul3A_276 = arith.muli %add3A_261, %mul3A_275 : i32
        %add3A_277 = vector.broadcast %mul3A_276 : i32 to vector<16xi32>
        %add3A_278 = arith.addi %add3A_277, %iota3A : vector<16xi32>
        %jit3A_279 = arith.constant 4096 : i32
        %broadcast_in_dim3A_280 = vector.broadcast %jit3A_279 : i32 to vector<16xi32>
        %select_n3A_281 = arith.select %lt3A_271, %add3A_278, %broadcast_in_dim3A_280 : vector<16xi1>, vector<16xi32>
        %gather3A = tpu.vector_load_idx %arg12[%select_n3A_274] : memref<10240xf32, #tpu.memory_space<vmem>>[vector<16xi32>], vector<16xf32>,
        %jit3A_282 = arith.constant 0.000000e+00 : f32
        %broadcast_in_dim3A_283 = vector.broadcast %jit3A_282 : f32 to vector<16xf32>
        %select_n3A_284 = arith.select %lt3A_271, %gather3A, %broadcast_in_dim3A_283 : vector<16xi1>, vector<16xf32>
        %swap3A_285 = arith.constant 0 : index
        %swap3A_286 = tpu.vector_load %arg25[%swap3A_285] {strides = array<i32>} : memref<16xi32, #tpu.memory_space<vmem>>, vector<16xi32>,
        tpu.vector_store %arg25[%swap3A_285], %select_n3A_274 {strides = array<i32>} : memref<16xi32, #tpu.memory_space<vmem>>, vector<16xi32>,
        %swap3A_287 = arith.constant 0 : index
        %swap3A_288 = tpu.vector_load %arg26[%swap3A_287] {strides = array<i32>} : memref<16xi32, #tpu.memory_space<vmem>>, vector<16xi32>,
        tpu.vector_store %arg26[%swap3A_287], %select_n3A_281 {strides = array<i32>} : memref<16xi32, #tpu.memory_space<vmem>>, vector<16xi32>,
        %swap3A_289 = arith.constant 0 : index
        %swap3A_290 = tpu.vector_load %arg27[%swap3A_289] {strides = array<i32>} : memref<32xf32, #tpu.memory_space<vmem>>, vector<16xf32>,
        tpu.vector_store %arg27[%swap3A_289], %select_n3A_284 {strides = array<i32>} : memref<32xf32, #tpu.memory_space<vmem>>, vector<16xf32>,
        %dma_start3A = arith.constant 0 : i32
        %dma_start3A_291 = arith.constant 0 : i32
        %dma_start3A_292 = tpu.memref_slice %arg2[%dma_start3A, %dma_start3A_291] : memref<10000x128xf32, #tpu.memory_space<hbm>> -> memref<10000x128xf32, #tpu.memory_space<hbm>>
        tpu.enqueue_indirect_dma source(%dma_start3A_292 : memref<10000x128xf32, #tpu.memory_space<hbm>>) target(%arg19 : memref<16x128xf32, #tpu.memory_space<vmem>>) offsets(%arg25 : memref<16xi32, #tpu.memory_space<vmem>>) semaphore(%arg37 : memref<!tpu.dma_semaphore, #tpu.memory_space<semaphore_mem>>)
        %dma_wait3A = arith.constant 0 : i32
        %dma_wait3A_293 = arith.constant 0 : i32
        %dma_wait3A_294 = tpu.memref_slice %arg2[%dma_wait3A, %dma_wait3A_293] : memref<10000x128xf32, #tpu.memory_space<hbm>> -> memref<10000x128xf32, #tpu.memory_space<hbm>>
        tpu.wait_indirect_dma semaphore(%arg37 : memref<!tpu.dma_semaphore, #tpu.memory_space<semaphore_mem>>) src(%dma_wait3A_294 : memref<10000x128xf32, #tpu.memory_space<hbm>>) dst(%arg19 : memref<16x128xf32, #tpu.memory_space<vmem>>)
        %scan3A_295 = arith.constant 0 : i32
        %scan3A_296 = arith.constant 0 : i32
        %scan3A_297 = arith.constant 16 : i32
        %scan3A_298 = arith.addi %scan3A_296, %scan3A_297 : i32
        %scan3A_299 = arith.constant 1 : i32
        %scan3A_300 = scf.for %scan3A_303 = %scan3A_296 to %scan3A_298 step %scan3A_299 iter_args(%scan3A_304 = %scan3A_295) -> (i32)  : i32 {
          %get3A_305 = arith.index_cast %scan3A_303 : i32 to index
          %get3A_306 = tpu.vector_load %arg27[%get3A_305] {strides = array<i32>} : memref<32xf32, #tpu.memory_space<vmem>>, vector<16xf32>,
          %slice3A_307 = vector.extract_strided_slice %get3A_306 {offsets = [0], sizes = [1], strides = [1]} : vector<16xf32> to vector<1xf32>
          %squeeze3A_308 = vector.extract %slice3A_307[0] : f32 from vector<1xf32>
          %broadcast_in_dim3A_309 = vector.broadcast %squeeze3A_308 : f32 to vector<16xf32>
          %get3A_310 = arith.index_cast %scan3A_303 : i32 to index
          %get3A_311 = arith.constant 0 : index
          %get3A_312 = tpu.vector_load %arg19[%get3A_310, %get3A_311] {strides = array<i32>} : memref<16x128xf32, #tpu.memory_space<vmem>>, vector<16xf32>,
          %mul3A_313 = arith.mulf %get3A_312, %broadcast_in_dim3A_309 : vector<16xf32>
          %swap3A_314 = arith.index_cast %scan3A_303 : i32 to index
          %swap3A_315 = arith.constant 0 : index
          %swap3A_316 = tpu.vector_load %arg19[%swap3A_314, %swap3A_315] {strides = array<i32>} : memref<16x128xf32, #tpu.memory_space<vmem>>, vector<16xf32>,
          tpu.vector_store %arg19[%swap3A_314, %swap3A_315], %mul3A_313 {strides = array<i32>} : memref<16x128xf32, #tpu.memory_space<vmem>>, vector<16xf32>,
          %get3A_317 = arith.index_cast %scan3A_303 : i32 to index
          %get3A_318 = arith.constant 16 : index
          %get3A_319 = tpu.vector_load %arg19[%get3A_317, %get3A_318] {strides = array<i32>} : memref<16x128xf32, #tpu.memory_space<vmem>>, vector<16xf32>,
          %mul3A_320 = arith.mulf %get3A_319, %broadcast_in_dim3A_309 : vector<16xf32>
          %swap3A_321 = arith.index_cast %scan3A_303 : i32 to index
          %swap3A_322 = arith.constant 16 : index
          %swap3A_323 = tpu.vector_load %arg19[%swap3A_321, %swap3A_322] {strides = array<i32>} : memref<16x128xf32, #tpu.memory_space<vmem>>, vector<16xf32>,
          tpu.vector_store %arg19[%swap3A_321, %swap3A_322], %mul3A_320 {strides = array<i32>} : memref<16x128xf32, #tpu.memory_space<vmem>>, vector<16xf32>,
          %get3A_324 = arith.index_cast %scan3A_303 : i32 to index
          %get3A_325 = arith.constant 32 : index
          %get3A_326 = tpu.vector_load %arg19[%get3A_324, %get3A_325] {strides = array<i32>} : memref<16x128xf32, #tpu.memory_space<vmem>>, vector<16xf32>,
          %mul3A_327 = arith.mulf %get3A_326, %broadcast_in_dim3A_309 : vector<16xf32>
          %swap3A_328 = arith.index_cast %scan3A_303 : i32 to index
          %swap3A_329 = arith.constant 32 : index
          %swap3A_330 = tpu.vector_load %arg19[%swap3A_328, %swap3A_329] {strides = array<i32>} : memref<16x128xf32, #tpu.memory_space<vmem>>, vector<16xf32>,
          tpu.vector_store %arg19[%swap3A_328, %swap3A_329], %mul3A_327 {strides = array<i32>} : memref<16x128xf32, #tpu.memory_space<vmem>>, vector<16xf32>,
          %get3A_331 = arith.index_cast %scan3A_303 : i32 to index
          %get3A_332 = arith.constant 48 : index
          %get3A_333 = tpu.vector_load %arg19[%get3A_331, %get3A_332] {strides = array<i32>} : memref<16x128xf32, #tpu.memory_space<vmem>>, vector<16xf32>,
          %mul3A_334 = arith.mulf %get3A_333, %broadcast_in_dim3A_309 : vector<16xf32>
          %swap3A_335 = arith.index_cast %scan3A_303 : i32 to index
          %swap3A_336 = arith.constant 48 : index
          %swap3A_337 = tpu.vector_load %arg19[%swap3A_335, %swap3A_336] {strides = array<i32>} : memref<16x128xf32, #tpu.memory_space<vmem>>, vector<16xf32>,
          tpu.vector_store %arg19[%swap3A_335, %swap3A_336], %mul3A_334 {strides = array<i32>} : memref<16x128xf32, #tpu.memory_space<vmem>>, vector<16xf32>,
          %get3A_338 = arith.index_cast %scan3A_303 : i32 to index
          %get3A_339 = arith.constant 64 : index
          %get3A_340 = tpu.vector_load %arg19[%get3A_338, %get3A_339] {strides = array<i32>} : memref<16x128xf32, #tpu.memory_space<vmem>>, vector<16xf32>,
          %mul3A_341 = arith.mulf %get3A_340, %broadcast_in_dim3A_309 : vector<16xf32>
          %swap3A_342 = arith.index_cast %scan3A_303 : i32 to index
          %swap3A_343 = arith.constant 64 : index
          %swap3A_344 = tpu.vector_load %arg19[%swap3A_342, %swap3A_343] {strides = array<i32>} : memref<16x128xf32, #tpu.memory_space<vmem>>, vector<16xf32>,
          tpu.vector_store %arg19[%swap3A_342, %swap3A_343], %mul3A_341 {strides = array<i32>} : memref<16x128xf32, #tpu.memory_space<vmem>>, vector<16xf32>,
          %get3A_345 = arith.index_cast %scan3A_303 : i32 to index
          %get3A_346 = arith.constant 80 : index
          %get3A_347 = tpu.vector_load %arg19[%get3A_345, %get3A_346] {strides = array<i32>} : memref<16x128xf32, #tpu.memory_space<vmem>>, vector<16xf32>,
          %mul3A_348 = arith.mulf %get3A_347, %broadcast_in_dim3A_309 : vector<16xf32>
          %swap3A_349 = arith.index_cast %scan3A_303 : i32 to index
          %swap3A_350 = arith.constant 80 : index
          %swap3A_351 = tpu.vector_load %arg19[%swap3A_349, %swap3A_350] {strides = array<i32>} : memref<16x128xf32, #tpu.memory_space<vmem>>, vector<16xf32>,
          tpu.vector_store %arg19[%swap3A_349, %swap3A_350], %mul3A_348 {strides = array<i32>} : memref<16x128xf32, #tpu.memory_space<vmem>>, vector<16xf32>,
          %get3A_352 = arith.index_cast %scan3A_303 : i32 to index
          %get3A_353 = arith.constant 96 : index
          %get3A_354 = tpu.vector_load %arg19[%get3A_352, %get3A_353] {strides = array<i32>} : memref<16x128xf32, #tpu.memory_space<vmem>>, vector<16xf32>,
          %mul3A_355 = arith.mulf %get3A_354, %broadcast_in_dim3A_309 : vector<16xf32>
          %swap3A_356 = arith.index_cast %scan3A_303 : i32 to index
          %swap3A_357 = arith.constant 96 : index
          %swap3A_358 = tpu.vector_load %arg19[%swap3A_356, %swap3A_357] {strides = array<i32>} : memref<16x128xf32, #tpu.memory_space<vmem>>, vector<16xf32>,
          tpu.vector_store %arg19[%swap3A_356, %swap3A_357], %mul3A_355 {strides = array<i32>} : memref<16x128xf32, #tpu.memory_space<vmem>>, vector<16xf32>,
          %get3A_359 = arith.index_cast %scan3A_303 : i32 to index
          %get3A_360 = arith.constant 112 : index
          %get3A_361 = tpu.vector_load %arg19[%get3A_359, %get3A_360] {strides = array<i32>} : memref<16x128xf32, #tpu.memory_space<vmem>>, vector<16xf32>,
          %mul3A_362 = arith.mulf %get3A_361, %broadcast_in_dim3A_309 : vector<16xf32>
          %swap3A_363 = arith.index_cast %scan3A_303 : i32 to index
          %swap3A_364 = arith.constant 112 : index
          %swap3A_365 = tpu.vector_load %arg19[%swap3A_363, %swap3A_364] {strides = array<i32>} : memref<16x128xf32, #tpu.memory_space<vmem>>, vector<16xf32>,
          tpu.vector_store %arg19[%swap3A_363, %swap3A_364], %mul3A_362 {strides = array<i32>} : memref<16x128xf32, #tpu.memory_space<vmem>>, vector<16xf32>,
          %scan3A_366 = arith.constant 0 : i32
          scf.yield %scan3A_366 : i32
        }
        %scan3A_301 = arith.constant 16 : i32
        "tpu.region"() ({
          %run_scoped3A = tpu.sem_alloc : memref<!tpu.dma_semaphore, #tpu.memory_space<semaphore_mem>>
          %dma_start3A_303 = arith.constant 0 : i32
          %dma_start3A_304 = arith.constant 0 : i32
          %dma_start3A_305 = tpu.memref_slice %arg36[%dma_start3A_303, %dma_start3A_304] : memref<4112x128xf32, #tpu.memory_space<vmem_shared>> -> memref<4112x128xf32, #tpu.memory_space<vmem_shared>>
          tpu.enqueue_indirect_dma source(%arg19 : memref<16x128xf32, #tpu.memory_space<vmem>>) target(%dma_start3A_305 : memref<4112x128xf32, #tpu.memory_space<vmem_shared>>) offsets(%arg26 : memref<16xi32, #tpu.memory_space<vmem>>) semaphore(%run_scoped3A : memref<!tpu.dma_semaphore, #tpu.memory_space<semaphore_mem>>) {add = true}
          %dma_wait3A_306 = arith.constant 0 : i32
          %dma_wait3A_307 = arith.constant 0 : i32
          %dma_wait3A_308 = tpu.memref_slice %arg36[%dma_wait3A_306, %dma_wait3A_307] : memref<4112x128xf32, #tpu.memory_space<vmem_shared>> -> memref<4112x128xf32, #tpu.memory_space<vmem_shared>>
          tpu.wait_indirect_dma semaphore(%run_scoped3A : memref<!tpu.dma_semaphore, #tpu.memory_space<semaphore_mem>>) src(%arg19 : memref<16x128xf32, #tpu.memory_space<vmem>>) dst(%dma_wait3A_308 : memref<4112x128xf32, #tpu.memory_space<vmem_shared>>)
          tpu.yield
        }) : () -> ()
        %while3A_302 = arith.constant 0 : i32
        scf.yield %while3A_302 : i32
      }
      %while3A_240 = arith.constant 1 : i32
      %while3A_241 = scf.for %while3A_257 = %while3A_237 to %while3A_233 step %while3A_240 iter_args(%while3A_258 = %while3A_239) -> (i32)  : i32 {
        %mul3A_259 = arith.constant 16 : i32
        %mul3A_260 = arith.muli %while3A_257, %mul3A_259 : i32
        %add3A_261 = arith.addi %arg1, %mul3A_260 : i32
        %mul3A_262 = arith.constant 16 : i32
        %mul3A_263 = arith.muli %add3A_261, %mul3A_262 : i32
        %add3A_264 = arith.addi %mul3A_137, %mul3A_263 : i32
        %get3A_265 = arith.index_cast %add3A_264 : i32 to index
        %get3A_266 = tpu.vector_load %arg14[%get3A_265] {strides = array<i32>} : memref<10240xi32, #tpu.memory_space<vmem>>, vector<16xi32>,
        %mul3A_267 = arith.constant 16 : i32
        %mul3A_268 = arith.muli %add3A_261, %mul3A_267 : i32
        %add3A_269 = vector.broadcast %mul3A_268 : i32 to vector<16xi32>
        %add3A_270 = arith.addi %add3A_269, %iota3A : vector<16xi32>
        %lt3A = vector.broadcast %min3A_140 : i32 to vector<16xi32>
        %lt3A_271 = arith.cmpi slt, %add3A_270, %lt3A : vector<16xi32>
        %jit3A_272 = arith.constant 0 : i32
        %broadcast_in_dim3A_273 = vector.broadcast %jit3A_272 : i32 to vector<16xi32>
        %select_n3A_274 = arith.select %lt3A_271, %get3A_266, %broadcast_in_dim3A_273 : vector<16xi1>, vector<16xi32>
        %mul3A_275 = arith.constant 16 : i32
        %mul3A_276 = arith.muli %add3A_261, %mul3A_275 : i32
        %add3A_277 = vector.broadcast %mul3A_276 : i32 to vector<16xi32>
        %add3A_278 = arith.addi %add3A_277, %iota3A : vector<16xi32>
        %jit3A_279 = arith.constant 4096 : i32
        %broadcast_in_dim3A_280 = vector.broadcast %jit3A_279 : i32 to vector<16xi32>
        %select_n3A_281 = arith.select %lt3A_271, %add3A_278, %broadcast_in_dim3A_280 : vector<16xi1>, vector<16xi32>
        %gather3A = tpu.vector_load_idx %arg12[%select_n3A_274] : memref<10240xf32, #tpu.memory_space<vmem>>[vector<16xi32>], vector<16xf32>,
        %jit3A_282 = arith.constant 0.000000e+00 : f32
        %broadcast_in_dim3A_283 = vector.broadcast %jit3A_282 : f32 to vector<16xf32>
        %select_n3A_284 = arith.select %lt3A_271, %gather3A, %broadcast_in_dim3A_283 : vector<16xi1>, vector<16xf32>
        %swap3A_285 = arith.constant 0 : index
        %swap3A_286 = tpu.vector_load %arg25[%swap3A_285] {strides = array<i32>} : memref<16xi32, #tpu.memory_space<vmem>>, vector<16xi32>,
        tpu.vector_store %arg25[%swap3A_285], %select_n3A_274 {strides = array<i32>} : memref<16xi32, #tpu.memory_space<vmem>>, vector<16xi32>,
        %swap3A_287 = arith.constant 0 : index
        %swap3A_288 = tpu.vector_load %arg26[%swap3A_287] {strides = array<i32>} : memref<16xi32, #tpu.memory_space<vmem>>, vector<16xi32>,
        tpu.vector_store %arg26[%swap3A_287], %select_n3A_281 {strides = array<i32>} : memref<16xi32, #tpu.memory_space<vmem>>, vector<16xi32>,
        %swap3A_289 = arith.constant 0 : index
        %swap3A_290 = tpu.vector_load %arg27[%swap3A_289] {strides = array<i32>} : memref<32xf32, #tpu.memory_space<vmem>>, vector<16xf32>,
        tpu.vector_store %arg27[%swap3A_289], %select_n3A_284 {strides = array<i32>} : memref<32xf32, #tpu.memory_space<vmem>>, vector<16xf32>,
        %dma_start3A = arith.constant 0 : i32
        %dma_start3A_291 = arith.constant 0 : i32
        %dma_start3A_292 = tpu.memref_slice %arg2[%dma_start3A, %dma_start3A_291] : memref<10000x128xf32, #tpu.memory_space<hbm>> -> memref<10000x128xf32, #tpu.memory_space<hbm>>
        tpu.enqueue_indirect_dma source(%dma_start3A_292 : memref<10000x128xf32, #tpu.memory_space<hbm>>) target(%arg19 : memref<16x128xf32, #tpu.memory_space<vmem>>) offsets(%arg25 : memref<16xi32, #tpu.memory_space<vmem>>) semaphore(%arg37 : memref<!tpu.dma_semaphore, #tpu.memory_space<semaphore_mem>>)
        %dma_wait3A = arith.constant 0 : i32
        %dma_wait3A_293 = arith.constant 0 : i32
        %dma_wait3A_294 = tpu.memref_slice %arg2[%dma_wait3A, %dma_wait3A_293] : memref<10000x128xf32, #tpu.memory_space<hbm>> -> memref<10000x128xf32, #tpu.memory_space<hbm>>
        tpu.wait_indirect_dma semaphore(%arg37 : memref<!tpu.dma_semaphore, #tpu.memory_space<semaphore_mem>>) src(%dma_wait3A_294 : memref<10000x128xf32, #tpu.memory_space<hbm>>) dst(%arg19 : memref<16x128xf32, #tpu.memory_space<vmem>>)
        %scan3A_295 = arith.constant 0 : i32
        %scan3A_296 = arith.constant 0 : i32
        %scan3A_297 = arith.constant 16 : i32
        %scan3A_298 = arith.addi %scan3A_296, %scan3A_297 : i32
        %scan3A_299 = arith.constant 1 : i32
        %scan3A_300 = scf.for %scan3A_303 = %scan3A_296 to %scan3A_298 step %scan3A_299 iter_args(%scan3A_304 = %scan3A_295) -> (i32)  : i32 {
          %get3A_305 = arith.index_cast %scan3A_303 : i32 to index
          %get3A_306 = tpu.vector_load %arg27[%get3A_305] {strides = array<i32>} : memref<32xf32, #tpu.memory_space<vmem>>, vector<16xf32>,
          %slice3A_307 = vector.extract_strided_slice %get3A_306 {offsets = [0], sizes = [1], strides = [1]} : vector<16xf32> to vector<1xf32>
          %squeeze3A_308 = vector.extract %slice3A_307[0] : f32 from vector<1xf32>
          %broadcast_in_dim3A_309 = vector.broadcast %squeeze3A_308 : f32 to vector<16xf32>
          %get3A_310 = arith.index_cast %scan3A_303 : i32 to index
          %get3A_311 = arith.constant 0 : index
          %get3A_312 = tpu.vector_load %arg19[%get3A_310, %get3A_311] {strides = array<i32>} : memref<16x128xf32, #tpu.memory_space<vmem>>, vector<16xf32>,
          %mul3A_313 = arith.mulf %get3A_312, %broadcast_in_dim3A_309 : vector<16xf32>
          %swap3A_314 = arith.index_cast %scan3A_303 : i32 to index
          %swap3A_315 = arith.constant 0 : index
          %swap3A_316 = tpu.vector_load %arg19[%swap3A_314, %swap3A_315] {strides = array<i32>} : memref<16x128xf32, #tpu.memory_space<vmem>>, vector<16xf32>,
          tpu.vector_store %arg19[%swap3A_314, %swap3A_315], %mul3A_313 {strides = array<i32>} : memref<16x128xf32, #tpu.memory_space<vmem>>, vector<16xf32>,
          %get3A_317 = arith.index_cast %scan3A_303 : i32 to index
          %get3A_318 = arith.constant 16 : index
          %get3A_319 = tpu.vector_load %arg19[%get3A_317, %get3A_318] {strides = array<i32>} : memref<16x128xf32, #tpu.memory_space<vmem>>, vector<16xf32>,
          %mul3A_320 = arith.mulf %get3A_319, %broadcast_in_dim3A_309 : vector<16xf32>
          %swap3A_321 = arith.index_cast %scan3A_303 : i32 to index
          %swap3A_322 = arith.constant 16 : index
          %swap3A_323 = tpu.vector_load %arg19[%swap3A_321, %swap3A_322] {strides = array<i32>} : memref<16x128xf32, #tpu.memory_space<vmem>>, vector<16xf32>,
          tpu.vector_store %arg19[%swap3A_321, %swap3A_322], %mul3A_320 {strides = array<i32>} : memref<16x128xf32, #tpu.memory_space<vmem>>, vector<16xf32>,
          %get3A_324 = arith.index_cast %scan3A_303 : i32 to index
          %get3A_325 = arith.constant 32 : index
          %get3A_326 = tpu.vector_load %arg19[%get3A_324, %get3A_325] {strides = array<i32>} : memref<16x128xf32, #tpu.memory_space<vmem>>, vector<16xf32>,
          %mul3A_327 = arith.mulf %get3A_326, %broadcast_in_dim3A_309 : vector<16xf32>
          %swap3A_328 = arith.index_cast %scan3A_303 : i32 to index
          %swap3A_329 = arith.constant 32 : index
          %swap3A_330 = tpu.vector_load %arg19[%swap3A_328, %swap3A_329] {strides = array<i32>} : memref<16x128xf32, #tpu.memory_space<vmem>>, vector<16xf32>,
          tpu.vector_store %arg19[%swap3A_328, %swap3A_329], %mul3A_327 {strides = array<i32>} : memref<16x128xf32, #tpu.memory_space<vmem>>, vector<16xf32>,
          %get3A_331 = arith.index_cast %scan3A_303 : i32 to index
          %get3A_332 = arith.constant 48 : index
          %get3A_333 = tpu.vector_load %arg19[%get3A_331, %get3A_332] {strides = array<i32>} : memref<16x128xf32, #tpu.memory_space<vmem>>, vector<16xf32>,
          %mul3A_334 = arith.mulf %get3A_333, %broadcast_in_dim3A_309 : vector<16xf32>
          %swap3A_335 = arith.index_cast %scan3A_303 : i32 to index
          %swap3A_336 = arith.constant 48 : index
          %swap3A_337 = tpu.vector_load %arg19[%swap3A_335, %swap3A_336] {strides = array<i32>} : memref<16x128xf32, #tpu.memory_space<vmem>>, vector<16xf32>,
          tpu.vector_store %arg19[%swap3A_335, %swap3A_336], %mul3A_334 {strides = array<i32>} : memref<16x128xf32, #tpu.memory_space<vmem>>, vector<16xf32>,
          %get3A_338 = arith.index_cast %scan3A_303 : i32 to index
          %get3A_339 = arith.constant 64 : index
          %get3A_340 = tpu.vector_load %arg19[%get3A_338, %get3A_339] {strides = array<i32>} : memref<16x128xf32, #tpu.memory_space<vmem>>, vector<16xf32>,
          %mul3A_341 = arith.mulf %get3A_340, %broadcast_in_dim3A_309 : vector<16xf32>
          %swap3A_342 = arith.index_cast %scan3A_303 : i32 to index
          %swap3A_343 = arith.constant 64 : index
          %swap3A_344 = tpu.vector_load %arg19[%swap3A_342, %swap3A_343] {strides = array<i32>} : memref<16x128xf32, #tpu.memory_space<vmem>>, vector<16xf32>,
          tpu.vector_store %arg19[%swap3A_342, %swap3A_343], %mul3A_341 {strides = array<i32>} : memref<16x128xf32, #tpu.memory_space<vmem>>, vector<16xf32>,
          %get3A_345 = arith.index_cast %scan3A_303 : i32 to index
          %get3A_346 = arith.constant 80 : index
          %get3A_347 = tpu.vector_load %arg19[%get3A_345, %get3A_346] {strides = array<i32>} : memref<16x128xf32, #tpu.memory_space<vmem>>, vector<16xf32>,
          %mul3A_348 = arith.mulf %get3A_347, %broadcast_in_dim3A_309 : vector<16xf32>
          %swap3A_349 = arith.index_cast %scan3A_303 : i32 to index
          %swap3A_350 = arith.constant 80 : index
          %swap3A_351 = tpu.vector_load %arg19[%swap3A_349, %swap3A_350] {strides = array<i32>} : memref<16x128xf32, #tpu.memory_space<vmem>>, vector<16xf32>,
          tpu.vector_store %arg19[%swap3A_349, %swap3A_350], %mul3A_348 {strides = array<i32>} : memref<16x128xf32, #tpu.memory_space<vmem>>, vector<16xf32>,
          %get3A_352 = arith.index_cast %scan3A_303 : i32 to index
          %get3A_353 = arith.constant 96 : index
          %get3A_354 = tpu.vector_load %arg19[%get3A_352, %get3A_353] {strides = array<i32>} : memref<16x128xf32, #tpu.memory_space<vmem>>, vector<16xf32>,
          %mul3A_355 = arith.mulf %get3A_354, %broadcast_in_dim3A_309 : vector<16xf32>
          %swap3A_356 = arith.index_cast %scan3A_303 : i32 to index
          %swap3A_357 = arith.constant 96 : index
          %swap3A_358 = tpu.vector_load %arg19[%swap3A_356, %swap3A_357] {strides = array<i32>} : memref<16x128xf32, #tpu.memory_space<vmem>>, vector<16xf32>,
          tpu.vector_store %arg19[%swap3A_356, %swap3A_357], %mul3A_355 {strides = array<i32>} : memref<16x128xf32, #tpu.memory_space<vmem>>, vector<16xf32>,
          %get3A_359 = arith.index_cast %scan3A_303 : i32 to index
          %get3A_360 = arith.constant 112 : index
          %get3A_361 = tpu.vector_load %arg19[%get3A_359, %get3A_360] {strides = array<i32>} : memref<16x128xf32, #tpu.memory_space<vmem>>, vector<16xf32>,
          %mul3A_362 = arith.mulf %get3A_361, %broadcast_in_dim3A_309 : vector<16xf32>
          %swap3A_363 = arith.index_cast %scan3A_303 : i32 to index
          %swap3A_364 = arith.constant 112 : index
          %swap3A_365 = tpu.vector_load %arg19[%swap3A_363, %swap3A_364] {strides = array<i32>} : memref<16x128xf32, #tpu.memory_space<vmem>>, vector<16xf32>,
          tpu.vector_store %arg19[%swap3A_363, %swap3A_364], %mul3A_362 {strides = array<i32>} : memref<16x128xf32, #tpu.memory_space<vmem>>, vector<16xf32>,
          %scan3A_366 = arith.constant 0 : i32
          scf.yield %scan3A_366 : i32
        }
        %scan3A_301 = arith.constant 16 : i32
        "tpu.region"() ({
          %run_scoped3A = tpu.sem_alloc : memref<!tpu.dma_semaphore, #tpu.memory_space<semaphore_mem>>
          %dma_start3A_303 = arith.constant 0 : i32
          %dma_start3A_304 = arith.constant 0 : i32
          %dma_start3A_305 = tpu.memref_slice %arg36[%dma_start3A_303, %dma_start3A_304] : memref<4112x128xf32, #tpu.memory_space<vmem_shared>> -> memref<4112x128xf32, #tpu.memory_space<vmem_shared>>
          tpu.enqueue_indirect_dma source(%arg19 : memref<16x128xf32, #tpu.memory_space<vmem>>) target(%dma_start3A_305 : memref<4112x128xf32, #tpu.memory_space<vmem_shared>>) offsets(%arg26 : memref<16xi32, #tpu.memory_space<vmem>>) semaphore(%run_scoped3A : memref<!tpu.dma_semaphore, #tpu.memory_space<semaphore_mem>>) {add = true}
          %dma_wait3A_306 = arith.constant 0 : i32
          %dma_wait3A_307 = arith.constant 0 : i32
          %dma_wait3A_308 = tpu.memref_slice %arg36[%dma_wait3A_306, %dma_wait3A_307] : memref<4112x128xf32, #tpu.memory_space<vmem_shared>> -> memref<4112x128xf32, #tpu.memory_space<vmem_shared>>
          tpu.wait_indirect_dma semaphore(%run_scoped3A : memref<!tpu.dma_semaphore, #tpu.memory_space<semaphore_mem>>) src(%arg19 : memref<16x128xf32, #tpu.memory_space<vmem>>) dst(%dma_wait3A_308 : memref<4112x128xf32, #tpu.memory_space<vmem_shared>>)
          tpu.yield
        }) : () -> ()
        %while3A_302 = arith.constant 0 : i32
        scf.yield %while3A_302 : i32
      }
      %barrier3A_242 = arith.constant 0 : index
      tpu.barrier barrier_id(%barrier3A_242)
      %while3A_243 = arith.constant 0 : i32
      %while3A_244 = arith.constant 0 : i32
      %while3A_245 = arith.subi %max3A_198, %while3A_243 : i32
      %while3A_246 = arith.addi %while3A_243, %while3A_245 : i32
      %while3A_247 = arith.constant 1 : i32
      %while3A_248 = arith.divsi %while3A_245, %while3A_247 : i32
      %while3A_249 = arith.muli %while3A_248, %while3A_247 : i32
      %while3A_250 = arith.addi %while3A_243, %while3A_249 : i32
      %while3A_251 = arith.constant 1 : i32
      %while3A_252 = scf.for %while3A_257 = %while3A_243 to %while3A_250 step %while3A_251 iter_args(%while3A_258 = %while3A_244) -> (i32)  : i32 {
        %mul3A_259 = arith.constant 16 : i32
        %mul3A_260 = arith.muli %while3A_257, %mul3A_259 : i32
        %add3A_261 = arith.addi %arg1, %mul3A_260 : i32
        %mul3A_262 = arith.constant 16 : i32
        %mul3A_263 = arith.muli %add3A_261, %mul3A_262 : i32
        %mul3A_264 = arith.constant 16 : i32
        %mul3A_265 = arith.muli %add3A_261, %mul3A_264 : i32
        %add3A_266 = arith.addi %mul3A_137, %mul3A_265 : i32
        "tpu.region"() ({
          %run_scoped3A = tpu.sem_alloc : memref<!tpu.dma_semaphore, #tpu.memory_space<semaphore_mem>>
          %dma_start3A = arith.constant 0 : i32
          %dma_start3A_268 = tpu.memref_slice %arg6[%add3A_266, %dma_start3A] : memref<10240x128xf32, #tpu.memory_space<hbm>> -> memref<16x128xf32, #tpu.memory_space<hbm>>
          %dma_start3A_269 = arith.constant 0 : i32
          %dma_start3A_270 = tpu.memref_slice %arg36[%mul3A_263, %dma_start3A_269] : memref<4112x128xf32, #tpu.memory_space<vmem_shared>> -> memref<16x128xf32, #tpu.memory_space<vmem_shared>>
          tpu.enqueue_dma source(%dma_start3A_270 : memref<16x128xf32, #tpu.memory_space<vmem_shared>>) target(%dma_start3A_268 : memref<16x128xf32, #tpu.memory_space<hbm>>) target_semaphore(%run_scoped3A : memref<!tpu.dma_semaphore, #tpu.memory_space<semaphore_mem>>)
          %dma_wait3A = arith.constant 0 : i32
          %dma_wait3A_271 = tpu.memref_slice %arg6[%add3A_266, %dma_wait3A] : memref<10240x128xf32, #tpu.memory_space<hbm>> -> memref<16x128xf32, #tpu.memory_space<hbm>>
          %dma_wait3A_272 = arith.constant 0 : i32
          %dma_wait3A_273 = tpu.memref_slice %arg36[%mul3A_263, %dma_wait3A_272] : memref<4112x128xf32, #tpu.memory_space<vmem_shared>> -> memref<16x128xf32, #tpu.memory_space<vmem_shared>>
          tpu.wait_dma2 semaphore(%run_scoped3A : memref<!tpu.dma_semaphore, #tpu.memory_space<semaphore_mem>>) src(%dma_wait3A_273 : memref<16x128xf32, #tpu.memory_space<vmem_shared>>) dst(%dma_wait3A_271 : memref<16x128xf32, #tpu.memory_space<hbm>>)
          tpu.yield
        }) : () -> ()
        %while3A_267 = arith.constant 0 : i32
        scf.yield %while3A_267 : i32
      }
      %while3A_253 = arith.constant 1 : i32
      %while3A_254 = scf.for %while3A_257 = %while3A_250 to %while3A_246 step %while3A_253 iter_args(%while3A_258 = %while3A_252) -> (i32)  : i32 {
        %mul3A_259 = arith.constant 16 : i32
        %mul3A_260 = arith.muli %while3A_257, %mul3A_259 : i32
        %add3A_261 = arith.addi %arg1, %mul3A_260 : i32
        %mul3A_262 = arith.constant 16 : i32
        %mul3A_263 = arith.muli %add3A_261, %mul3A_262 : i32
        %mul3A_264 = arith.constant 16 : i32
        %mul3A_265 = arith.muli %add3A_261, %mul3A_264 : i32
        %add3A_266 = arith.addi %mul3A_137, %mul3A_265 : i32
        "tpu.region"() ({
          %run_scoped3A = tpu.sem_alloc : memref<!tpu.dma_semaphore, #tpu.memory_space<semaphore_mem>>
          %dma_start3A = arith.constant 0 : i32
          %dma_start3A_268 = tpu.memref_slice %arg6[%add3A_266, %dma_start3A] : memref<10240x128xf32, #tpu.memory_space<hbm>> -> memref<16x128xf32, #tpu.memory_space<hbm>>
          %dma_start3A_269 = arith.constant 0 : i32
          %dma_start3A_270 = tpu.memref_slice %arg36[%mul3A_263, %dma_start3A_269] : memref<4112x128xf32, #tpu.memory_space<vmem_shared>> -> memref<16x128xf32, #tpu.memory_space<vmem_shared>>
          tpu.enqueue_dma source(%dma_start3A_270 : memref<16x128xf32, #tpu.memory_space<vmem_shared>>) target(%dma_start3A_268 : memref<16x128xf32, #tpu.memory_space<hbm>>) target_semaphore(%run_scoped3A : memref<!tpu.dma_semaphore, #tpu.memory_space<semaphore_mem>>)
          %dma_wait3A = arith.constant 0 : i32
          %dma_wait3A_271 = tpu.memref_slice %arg6[%add3A_266, %dma_wait3A] : memref<10240x128xf32, #tpu.memory_space<hbm>> -> memref<16x128xf32, #tpu.memory_space<hbm>>
          %dma_wait3A_272 = arith.constant 0 : i32
          %dma_wait3A_273 = tpu.memref_slice %arg36[%mul3A_263, %dma_wait3A_272] : memref<4112x128xf32, #tpu.memory_space<vmem_shared>> -> memref<16x128xf32, #tpu.memory_space<vmem_shared>>
          tpu.wait_dma2 semaphore(%run_scoped3A : memref<!tpu.dma_semaphore, #tpu.memory_space<semaphore_mem>>) src(%dma_wait3A_273 : memref<16x128xf32, #tpu.memory_space<vmem_shared>>) dst(%dma_wait3A_271 : memref<16x128xf32, #tpu.memory_space<hbm>>)
          tpu.yield
        }) : () -> ()
        %while3A_267 = arith.constant 0 : i32
        scf.yield %while3A_267 : i32
      }
      %barrier3A_255 = arith.constant 0 : index
      tpu.barrier barrier_id(%barrier3A_255)
      %while3A_256 = arith.constant 0 : i32
      scf.yield %while3A_256 : i32
    }
    %scan3A_122 = arith.constant 0 : i32
    %scan3A_123 = arith.constant 0 : i32
    %scan3A_124 = arith.constant 40 : i32
    %scan3A_125 = arith.addi %scan3A_123, %scan3A_124 : i32
    %scan3A_126 = arith.constant 1 : i32
    %scan3A_127 = scf.for %scan3A_134 = %scan3A_123 to %scan3A_125 step %scan3A_126 iter_args(%scan3A_135 = %scan3A_122) -> (i32)  : i32 {
      %mul3A_136 = arith.constant 16 : i32
      %mul3A_137 = arith.muli %scan3A_134, %mul3A_136 : i32
      %add3A_138 = arith.addi %mul3A_52, %mul3A_137 : i32
      %get3A_139 = arith.index_cast %add3A_138 : i32 to index
      %get3A_140 = tpu.vector_load %arg14[%get3A_139] {strides = array<i32>} : memref<10240xi32, #tpu.memory_space<vmem>>, vector<16xi32>,
      %add3A_141 = vector.broadcast %add3A_138 : i32 to vector<16xi32>
      %add3A_142 = arith.addi %add3A_141, %iota3A : vector<16xi32>
      %lt3A = vector.broadcast %squeeze3A_81 : i32 to vector<16xi32>
      %lt3A_143 = arith.cmpi slt, %add3A_142, %lt3A : vector<16xi32>
      %jit3A_144 = arith.constant 0 : i32
      %broadcast_in_dim3A_145 = vector.broadcast %jit3A_144 : i32 to vector<16xi32>
      %select_n3A_146 = arith.select %lt3A_143, %get3A_140, %broadcast_in_dim3A_145 : vector<16xi1>, vector<16xi32>
      %gather3A = tpu.vector_load_idx %arg12[%select_n3A_146] : memref<10240xf32, #tpu.memory_space<vmem>>[vector<16xi32>], vector<16xf32>,
      %jit3A_147 = arith.constant 0.000000e+00 : f32
      %broadcast_in_dim3A_148 = vector.broadcast %jit3A_147 : f32 to vector<16xf32>
      %select_n3A_149 = arith.select %lt3A_143, %gather3A, %broadcast_in_dim3A_148 : vector<16xi1>, vector<16xf32>
      %mul3A_150 = arith.constant 16 : i32
      %mul3A_151 = arith.muli %scan3A_134, %mul3A_150 : i32
      %swap3A_152 = arith.index_cast %mul3A_151 : i32 to index
      %swap3A_153 = tpu.vector_load %arg21[%swap3A_152] {strides = array<i32>} : memref<656xf32, #tpu.memory_space<vmem>>, vector<16xf32>,
      tpu.vector_store %arg21[%swap3A_152], %select_n3A_149 {strides = array<i32>} : memref<656xf32, #tpu.memory_space<vmem>>, vector<16xf32>,
      %scan3A_154 = arith.constant 0 : i32
      scf.yield %scan3A_154 : i32
    }
    %scan3A_128 = arith.constant 40 : i32
    "tpu.region"() ({
      %run_scoped3A = tpu.sem_alloc : memref<!tpu.dma_semaphore, #tpu.memory_space<semaphore_mem>>
      %dma_start3A = arith.constant 0 : i32
      %dma_start3A_134 = tpu.memref_slice %arg21[%dma_start3A] : memref<656xf32, #tpu.memory_space<vmem>> -> memref<640xf32, #tpu.memory_space<vmem>>
      %dma_start3A_135 = tpu.memref_slice %arg8[%mul3A_52] : memref<10240xf32, #tpu.memory_space<hbm>> -> memref<640xf32, #tpu.memory_space<hbm>>
      %dma_start3A_136 = tpu.memref_slice %arg8[%mul3A_52] : memref<10240xf32, #tpu.memory_space<hbm>> -> memref<640xf32, #tpu.memory_space<hbm>>
      %dma_start3A_137 = arith.constant 0 : i32
      %dma_start3A_138 = tpu.memref_slice %arg21[%dma_start3A_137] : memref<656xf32, #tpu.memory_space<vmem>> -> memref<640xf32, #tpu.memory_space<vmem>>
      tpu.enqueue_dma source(%dma_start3A_138 : memref<640xf32, #tpu.memory_space<vmem>>) target(%dma_start3A_136 : memref<640xf32, #tpu.memory_space<hbm>>) target_semaphore(%run_scoped3A : memref<!tpu.dma_semaphore, #tpu.memory_space<semaphore_mem>>)
      %dma_wait3A = arith.constant 0 : i32
      %dma_wait3A_139 = tpu.memref_slice %arg21[%dma_wait3A] : memref<656xf32, #tpu.memory_space<vmem>> -> memref<640xf32, #tpu.memory_space<vmem>>
      %dma_wait3A_140 = tpu.memref_slice %arg8[%mul3A_52] : memref<10240xf32, #tpu.memory_space<hbm>> -> memref<640xf32, #tpu.memory_space<hbm>>
      %dma_wait3A_141 = tpu.memref_slice %arg8[%mul3A_52] : memref<10240xf32, #tpu.memory_space<hbm>> -> memref<640xf32, #tpu.memory_space<hbm>>
      %dma_wait3A_142 = arith.constant 0 : i32
      %dma_wait3A_143 = tpu.memref_slice %arg21[%dma_wait3A_142] : memref<656xf32, #tpu.memory_space<vmem>> -> memref<640xf32, #tpu.memory_space<vmem>>
      tpu.wait_dma2 semaphore(%run_scoped3A : memref<!tpu.dma_semaphore, #tpu.memory_space<semaphore_mem>>) src(%dma_wait3A_143 : memref<640xf32, #tpu.memory_space<vmem>>) dst(%dma_wait3A_141 : memref<640xf32, #tpu.memory_space<hbm>>)
      tpu.yield
    }) : () -> ()
    %eq3A_129 = arith.constant 0 : i32
    %eq3A_130 = arith.cmpi eq, %arg1, %eq3A_129 : i32
    %convert_element_type3A_131 = arith.extui %eq3A_130 : i1 to i32
    %cond3A_132 = arith.constant 0 : i32
    %cond3A_133 = arith.cmpi ne, %convert_element_type3A_131, %cond3A_132 : i32
    scf.if %cond3A_133 {
      %get3A_134 = arith.index_cast %sub3A_2 : i32 to index
      %get3A_135 = tpu.vector_load %arg12[%get3A_134] {strides = array<i32>} : memref<10240xf32, #tpu.memory_space<vmem>>, vector<16xf32>,
      %slice3A_136 = vector.extract_strided_slice %get3A_135 {offsets = [0], sizes = [1], strides = [1]} : vector<16xf32> to vector<1xf32>
      %squeeze3A_137 = vector.extract %slice3A_136[0] : f32 from vector<1xf32>
      %convert_element_type3A_138 = arith.sitofp %squeeze3A_81 : i32 to f32
      %eq3A_139 = arith.constant 0 : i32
      %eq3A_140 = vector.broadcast %eq3A_139 : i32 to vector<16xi32>
      %eq3A_141 = arith.cmpi eq, %iota3A, %eq3A_140 : vector<16xi32>
      %eq3A_142 = arith.constant 1 : i32
      %eq3A_143 = vector.broadcast %eq3A_142 : i32 to vector<16xi32>
      %eq3A_144 = arith.cmpi eq, %iota3A, %eq3A_143 : vector<16xi32>
      %jit3A_145 = arith.constant 0.000000e+00 : f32
      %broadcast_in_dim3A_146 = vector.broadcast %squeeze3A_137 : f32 to vector<16xf32>
      %broadcast_in_dim3A_147 = vector.broadcast %jit3A_145 : f32 to vector<16xf32>
      %select_n3A_148 = arith.select %eq3A_144, %broadcast_in_dim3A_146, %broadcast_in_dim3A_147 : vector<16xi1>, vector<16xf32>
      %broadcast_in_dim3A_149 = vector.broadcast %convert_element_type3A_138 : f32 to vector<16xf32>
      %select_n3A_150 = arith.select %eq3A_141, %broadcast_in_dim3A_149, %select_n3A_148 : vector<16xi1>, vector<16xf32>
      %swap3A_151 = arith.constant 0 : index
      %swap3A_152 = tpu.vector_load %arg27[%swap3A_151] {strides = array<i32>} : memref<32xf32, #tpu.memory_space<vmem>>, vector<16xf32>,
      tpu.vector_store %arg27[%swap3A_151], %select_n3A_150 {strides = array<i32>} : memref<32xf32, #tpu.memory_space<vmem>>, vector<16xf32>,
      "tpu.region"() ({
        %run_scoped3A = tpu.sem_alloc : memref<!tpu.dma_semaphore, #tpu.memory_space<semaphore_mem>>
        %dma_start3A = arith.constant 0 : i32
        %dma_start3A_153 = tpu.memref_slice %arg27[%dma_start3A] : memref<32xf32, #tpu.memory_space<vmem>> -> memref<16xf32, #tpu.memory_space<vmem>>
        %dma_start3A_154 = arith.constant 0 : i32
        %dma_start3A_155 = tpu.memref_slice %arg27[%dma_start3A_154] : memref<32xf32, #tpu.memory_space<vmem>> -> memref<16xf32, #tpu.memory_space<vmem>>
        tpu.enqueue_dma source(%dma_start3A_155 : memref<16xf32, #tpu.memory_space<vmem>>) target(%arg9 : memref<16xf32, #tpu.memory_space<hbm>>) target_semaphore(%run_scoped3A : memref<!tpu.dma_semaphore, #tpu.memory_space<semaphore_mem>>)
        %dma_wait3A = arith.constant 0 : i32
        %dma_wait3A_156 = tpu.memref_slice %arg27[%dma_wait3A] : memref<32xf32, #tpu.memory_space<vmem>> -> memref<16xf32, #tpu.memory_space<vmem>>
        %dma_wait3A_157 = arith.constant 0 : i32
        %dma_wait3A_158 = tpu.memref_slice %arg27[%dma_wait3A_157] : memref<32xf32, #tpu.memory_space<vmem>> -> memref<16xf32, #tpu.memory_space<vmem>>
        tpu.wait_dma2 semaphore(%run_scoped3A : memref<!tpu.dma_semaphore, #tpu.memory_space<semaphore_mem>>) src(%dma_wait3A_158 : memref<16xf32, #tpu.memory_space<vmem>>) dst(%arg9 : memref<16xf32, #tpu.memory_space<hbm>>)
        tpu.yield
      }) : () -> ()
    } else {
    }
    return
  }
}

</mosaic_0001>

<sc_bundles>
// kernel: _sc_call.3.cloned.1.call-start
scs
__scs_entry_jumppad:
0x0: {  	(pc) =	sbr.rel $0x88, $3  }
0x1: {  	(tag) =	ssettag $0x0;
	lr =	simm.s32 $0x1  }
0x2: {  	[smem:$0x3F9D] =	sst lr;
	_ =	strace $0xD0000000  }
0x3: {  	_ = 	snop  }
0x4: {  	_ = 	snop  }
0x5: {  	_ = 	snop  }
0x6: {  	_ = 	snop  }
0x7: {  	_ = 	snop  }
__scs_overlays_trampoline_lowered:
0x8: {  	[smem:$0x3FAC] =	sst s0  }
0x9: {  	[smem:$0x3FAD] =	sst s1  }
0xa: {  	[smem:$0x3FAE] =	sst s2  }
0xb: {  	[smem:$0x3FAF] =	sst s3  }
0xc: {  	[smem:$0x3FB0] =	sst s4  }
0xd: {  	[smem:$0x3FB1] =	sst s5  }
0xe: {  	[smem:$0x3FB2] =	sst s6  }
0xf: {  	[smem:$0x3FB3] =	sst s7  }
0x10: {  	[smem:$0x3FB4] =	sst s8  }
0x11: {  	[smem:$0x3FB5] =	sst s9;
	s0 =	simm.s32 @!p0 $0x0  }
0x12: {  	s1 =	sld [smem:$0x3F9B];
	s0 =	simm.s32 @p0 $0x1  }
0x13: {  	[smem:$0x3FB6] =	sst s0;
	s0 =	simm.s32 @!p1 $0x0  }
0x14: {  	s2 =	sld [smem:$0x3F9A];
	s0 =	simm.s32 @p1 $0x1  }
0x15: {  	[smem:$0x3FB7] =	sst s0;
	s0 =	simm.s32 @!p2 $0x0  }
0x16: {  	s3 =	sld [smem:$0x3FDB];
	s0 =	simm.s32 @p2 $0x1  }
0x17: {  	s4 =	simm.s32 $0x1BF5;
	[smem:$0x3FB9] =	sst s0  }
0x18: {  	s0 =	sld [smem:$0x3F9C];
	_ =	swait.ge [sflag:s4], $0x0  }
0x19: {  	s7 =	sld [smem:$0x3F9D]  }
0x1a: {  	s8 =	sadd.s32 $0xFFFFE003, lr  }
0x1b: {  	s9 =	sadd.s32 $0xFFFFFEF7, lr;
	s5 =	simm.s32 $0xFFFFFFFF;
	p2 =	slt.u32 s8, $0xFFFFF086  }
0x1c: {  	p1 =	slt.u32 s9, $0xF7A;
	s5 =	simm.s32 @!p2 $0x0  }
0x1d: {  	s5 =	simm.s32 @p1 $0x1;
	p0 =	seq.s32 s7, s2  }
0x1e: {  	s7 =	smul.u32 @!p0 $0xF7A, s2;
	p2 =	seq.s32 @!p0 s5, $0x0  }
0x1f: {  	s9 =	smul.u32 $0xF7A, s1;
	s8 =	simm.s32 @!p0 $0x1BF5;
	p2 =	por !p2, p0  }
0x20: {  	[sflag:s8] =	ssyncset.s32 @!p0 $0xFFFFF086;
	s6 =	sadd.s32 @!p0 s3, s7;
	s7 =	simm.s32 @!p0 $0x108  }
0x21: {  	s3 =	sadd.s32 s3, s9;
	s6 =	sadd.s32 @!p0 $0x88, s6;
	s7 =	simm.s32 @p2 $0x1082  }
0x22: {  	[simem:s7], [sflag:s8] =	dma.local @!p0 [hbm:s6], $0xF7A  }
0x23: {  	s9 =	sor.u32 $0xD0000000, s2;
	s6 =	simm.s32 $0x108;
	_ =	swait.ge @!p0 [sflag:s8], $0x0  }
0x24: {  	s3 =	sadd.s32 $0x88, s3;
	s6 =	simm.s32 @!p1 $0x1082;
	[sflag:s4] =	ssyncset.s32 $0xFFFFF086  }
0x25: {  	[simem:s6], [sflag:s4] =	dma.local [hbm:s3], $0xF7A  }
0x26: {  	[smem:$0x3F9D] =	sst s1;
	(tag) =	ssettag s2;
	_ =	strace s9  }
0x27: {  	s1 =	sld [smem:$0x3FAD]  }
0x28: {  	s2 =	sld [smem:$0x3FAE]  }
0x29: {  	s4 =	sld [smem:$0x3FB0]  }
0x2a: {  	p0 =	seq.s32 s5, $0x0;
	s5 =	sld [smem:$0x3FB1]  }
0x2b: {  	s6 =	sld [smem:$0x3FB2]  }
0x2c: {  	s7 =	sld [smem:$0x3FB3]  }
0x2d: {  	s3 =	simm.s32 $0x108;
	s8 =	sld [smem:$0x3FB4]  }
0x2e: {  	s3 =	simm.s32 @!p0 $0x1082;
	s9 =	sld [smem:$0x3FB5]  }
0x2f: {  	lr =	sadd.s32 s0, s3;
	s0 =	sld [smem:$0x3FAC]  }
0x30: {  	s3 =	sld [smem:$0x3FAF]  }
0x31: {  	[smem:$0x3FB8] =	sst s10  }
0x32: {  	s10 =	sld [smem:$0x3FB6];
	_ =	sdelay $0x3  }
0x33: {  	p0 =	seq.s32 s10, $0x1;
	s10 =	sld [smem:$0x3FB8];
	_ =	sdelay $0x3  }
0x34: {  	[smem:$0x3FB8] =	sst s10  }
0x35: {  	s10 =	sld [smem:$0x3FB7];
	_ =	sdelay $0x3  }
0x36: {  	p1 =	seq.s32 s10, $0x1;
	s10 =	sld [smem:$0x3FB8];
	_ =	sdelay $0x3  }
0x37: {  	[smem:$0x3FB8] =	sst s10  }
0x38: {  	s10 =	sld [smem:$0x3FB9]  }
0x39: {  	_ = 	snop;
	(pc) =	sbr.ind lr, $3  }
0x3a: {  	_ = 	snop  }
0x3b: {  	_ = 	snop  }
0x3c: {  	p2 =	seq.s32 s10, $0x1;
	s10 =	sld [smem:$0x3FB8]  }
0x3d: {  	_ =	shalt  }
0x3e: {  	_ =	shalt  }
0x3f: {  	_ =	shalt  }
0x40: {  	_ =	shalt  }
0x41: {  	_ =	shalt  }
0x42: {  	_ =	shalt  }
0x43: {  	_ =	shalt  }
0x44: {  	_ =	shalt  }
0x45: {  	_ =	shalt  }
0x46: {  	_ =	shalt  }
0x47: {  	_ =	shalt  }
0x48: {  	_ =	shalt  }
0x49: {  	_ =	shalt  }
0x4a: {  	_ =	shalt  }
0x4b: {  	_ =	shalt  }
0x4c: {  	_ =	shalt  }
0x4d: {  	_ =	shalt  }
0x4e: {  	_ =	shalt  }
0x4f: {  	_ =	shalt  }
0x50: {  	_ =	shalt  }
0x51: {  	_ =	shalt  }
0x52: {  	_ =	shalt  }
0x53: {  	_ =	shalt  }
0x54: {  	_ =	shalt  }
0x55: {  	_ =	shalt  }
0x56: {  	_ =	shalt  }
0x57: {  	_ =	shalt  }
0x58: {  	_ =	shalt  }
0x59: {  	_ =	shalt  }
0x5a: {  	_ =	shalt  }
0x5b: {  	_ =	shalt  }
0x5c: {  	_ =	shalt  }
0x5d: {  	_ =	shalt  }
0x5e: {  	_ =	shalt  }
0x5f: {  	_ =	shalt  }
0x60: {  	_ =	shalt  }
0x61: {  	_ =	shalt  }
0x62: {  	_ =	shalt  }
0x63: {  	_ =	shalt  }
0x64: {  	_ =	shalt  }
0x65: {  	_ =	shalt  }
0x66: {  	_ =	shalt  }
0x67: {  	_ =	shalt  }
0x68: {  	_ =	shalt  }
0x69: {  	_ =	shalt  }
0x6a: {  	_ =	shalt  }
0x6b: {  	_ =	shalt  }
0x6c: {  	_ =	shalt  }
0x6d: {  	_ =	shalt  }
0x6e: {  	_ =	shalt  }
0x6f: {  	_ =	shalt  }
0x70: {  	_ =	shalt  }
0x71: {  	_ =	shalt  }
0x72: {  	_ =	shalt  }
0x73: {  	_ =	shalt  }
0x74: {  	_ =	shalt  }
0x75: {  	_ =	shalt  }
0x76: {  	_ =	shalt  }
0x77: {  	_ =	shalt  }
0x78: {  	_ =	shalt  }
0x79: {  	_ =	shalt  }
0x7a: {  	_ =	shalt  }
0x7b: {  	_ =	shalt  }
0x7c: {  	_ =	shalt  }
0x7d: {  	_ =	shalt  }
0x7e: {  	_ =	shalt  }
0x7f: {  	_ =	shalt  }
0x80: {  	_ =	shalt  }
0x81: {  	_ =	shalt  }
0x82: {  	_ =	shalt  }
0x83: {  	_ =	shalt  }
0x84: {  	_ =	shalt  }
0x85: {  	_ =	shalt  }
0x86: {  	_ =	shalt  }
0x87: {  	_ =	shalt  }
.Lfunc_end0:
.L_simem_size_0:
called_computation_lowered:
.L_overlay_start_0:
0x88: {  	s0 =	sld [smem:$0x3FD9]  }
0x89: {  	s1 =	sld [smem:$0x3FFE];
	_ =	sdelay $0x3  }
0x8a: {  	s0 =	sadd.s32 s1, s0  }
0x8b: {  	[smem:$0x3FC4] =	sst s0  }
0x8c: {  	_ = 	snop  }
0x8d: {  	s0 =	sld [smem:$0x3FC9]  }
0x8e: {  	s4 =	sld [smem:$0x3FD0]  }
0x8f: {  	s29 =	sld [smem:$0x3FC8]  }
0x90: {  	s2 =	sld [smem:$0x3FC7]  }
0x91: {  	s7 =	simm.s32 $0xA;
	s5 =	simm.s32 $0x10;
	s3 =	sld [smem:$0x3FC6]  }
0x92: {  	[smem:s5], [sflag:s7] =	dma.local [hbm:s4], $0x1  }
0x93: {  	_ =	swait.eq [sflag:s7], $0x1  }
0x94: {  	s30 =	sld [smem:$0x10]  }
0x95: {  	s31 =	sld [smem:$0x11];
	[sflag:s7] =	ssyncset.done $0x0  }
0x96: {  	s6 =	sld [smem:$0x12];
	[sflag:s7] =	ssyncadd.s32 $0xFFFFFFFF  }
0x97: {  	s8 =	sld [smem:$0x13];
	(tm) =	ssettm $0x1  }
0x98: {  	s12 =	sld [smem:$0x3FFB];
	_ =	sdelay $0x3  }
0x99: {  	_ =	strace s12  }
0x9a: {  	s7 =	sld [smem:$0x3FFC];
	_ =	sdelay $0x3  }
0x9b: {  	_ =	strace s7  }
0x9c: {  	s7 =	sld [smem:$0x3FFD];
	_ =	sdelay $0x3  }
0x9d: {  	_ =	strace s7  }
0x9e: {  	_ =	strace $0x8FFFFFFF  }
0x9f: {  	s13 =	sld [smem:$0x3FDB];
	_ =	sdelay $0x1  }
0xa0: {  	s9 =	simm.s32 $_scs_section_size  }
0xa1: {  	s10 =	simm.s32 $_size__tile_task_arg_handler_lowered;
	s11 =	simm.s32 $_tile_task_arg_handler_lowered  }
0xa2: {  	s16 =	simm.s32 $0x1BFF;
	s15 =	sshll.u32 s11, $0x1;
	s9 =	sadd.s32 s9, s13  }
0xa3: {  	s14 =	sshll.u32 s10, $0x1;
	s12 =	simm.s32 $0x60;
	s10 =	sadd.s32 s15, s9  }
0xa4: {  	[timem:s12], [sflag:s16] =	dma.local [hbm:s10], s14  }
0xa5: {  	_ =	swait.ge [sflag:s16], s14  }
0xa6: {  	s17 =	simm.s32 $_tile_overlayer_lowered;
	s7 =	ssub.s32 $0x0, s14;
	[sflag:s16] =	ssyncset.done $0x0  }
0xa7: {  	s18 =	simm.s32 $_size__tile_overlayer_lowered;
	s10 =	sshll.u32 s17, $0x1;
	[sflag:s16] =	ssyncadd.s32 s7  }
0xa8: {  	s20 =	simm.s32 $0x0;
	s19 =	sshll.u32 s18, $0x1;
	s10 =	sadd.s32 s10, s9  }
0xa9: {  	[timem:s20], [sflag:s16] =	dma.local [hbm:s10], s19  }
0xaa: {  	_ =	swait.ge [sflag:s16], s19  }
0xab: {  	s21 =	ssub.s32 $0x0, s19;
	[sflag:s16] =	ssyncset.done $0x0  }
0xac: {  	[sflag:s16] =	ssyncadd.s32 s21;
	_ =	sdelay $0x1  }
0xad: {  	s22 =	simm.s32 $0x1B8B  }
0xae: {  	_ =	swait.ge [sflag:s22], $0x1  }
0xaf: {  	[sflag:s22] =	ssyncset.done $0x0  }
0xb0: {  	s23 =	simm.s32 $0x1B8E;
	[sflag:s22] =	ssyncadd.s32 $0xFFFFFFFF  }
0xb1: {  	s24 =	simm.s32 $execute0_lowered;
	[smem:$0x3FD2] =	sst s23  }
0xb2: {  	s10 =	sshll.u32 s24, $0x1;
	_ =	strace $0x80000046;
	[dreg:$0x1] =	wrdreg $0xFFFFFFFF  }
0xb3: {  	s25 =	simm.s32 $_size_execute0_lowered;
	s9 =	sadd.s32 s9, s10;
	[dreg:$0x0] =	wrdreg $0x0  }
0xb4: {  	s10 =	sshll.u32 s25, $0x1;
	[dreg:$0x2] =	wrdreg s9  }
0xb5: {  	[dreg:$0x3] =	wrdreg s10  }
0xb6: {  	[dreg:$0x4] =	wrdreg $0xC0  }
0xb7: {  	_ =	task [dreg:s20], $0x5FFFF  }
0xb8: {  	[dreg:$0x1] =	wrdreg $0xFFFFFFFF  }
0xb9: {  	[dreg:$0x0] =	wrdreg $0x30  }
0xba: {  	[dreg:$0x2] =	wrdreg $0x0  }
0xbb: {  	[dreg:$0x3] =	wrdreg $0x12D900  }
0xbc: {  	[dreg:$0x4] =	wrdreg $0x130100  }
0xbd: {  	[dreg:$0x5] =	wrdreg $0x9  }
0xbe: {  	_ =	task [dreg:s20], $0x6FFFF  }
0xbf: {  	[dreg:$0x1] =	wrdreg $0xFFFFFFFF  }
0xc0: {  	[dreg:$0x0] =	wrdreg $0x60  }
0xc1: {  	[dreg:$0x2] =	wrdreg s0  }
0xc2: {  	[dreg:$0x3] =	wrdreg s29  }
0xc3: {  	[dreg:$0x4] =	wrdreg s2  }
0xc4: {  	[dreg:$0x5] =	wrdreg s3  }
0xc5: {  	[dreg:$0x6] =	wrdreg s30  }
0xc6: {  	[dreg:$0x7] =	wrdreg s31  }
0xc7: {  	[dreg:$0x8] =	wrdreg s6  }
0xc8: {  	[dreg:$0x9] =	wrdreg s8  }
0xc9: {  	[dreg:$0xa] =	wrdreg $0x12D800  }
0xca: {  	[dreg:$0xb] =	wrdreg $0x132980  }
0xcb: {  	[dreg:$0xc] =	wrdreg $0x125800  }
0xcc: {  	[dreg:$0xd] =	wrdreg $0xFB000  }
0xcd: {  	[dreg:$0xe] =	wrdreg $0x123000  }
0xce: {  	[dreg:$0xf] =	wrdreg $0x132900  }
0xcf: {  	_ =	task.clear_ibuf [dreg:s20], $0x10FFFF;
	_ =	strace $0x90000046  }
0xd0: {  	s26 =	simm.s32 $0x9;
	_ =	strace $0x80000048  }
0xd1: {  	_ =	swait.ge [sflag:s26], $0x1  }
0xd2: {  	[sflag:s26] =	ssyncadd.s32 $0xFFFFFFFF  }
0xd3: {  	_ =	strace $0x90000048  }
0xd4: {  	_ =	sfence  }
0xd5: {  	s28 =	sld [smem:$0x0];
	_ =	sdelay $0x1  }
0xd6: {  	s29 =	srdreg.scid  }
0xd7: {  	s30 =	sshll.u32 s29, $0xD;
	s31 =	sshrl.u32 s29, $0x2  }
0xd8: {  	s1 =	sand.u32 $0x1, s29;
	s2 =	sand.u32 $0x4000, s30;
	s0 =	sadd.s32 s31, s28  }
0xd9: {  	s1 =	sor.u32 s2, s1;
	s0 =	sshll.u32 s0, $0x11  }
0xda: {  	s0 =	sor.u32 s0, s1  }
0xdb: {  	s0 =	sadd.s32 $0x8F2B, s0  }
0xdc: {  	[sflag:s0] =	ssyncadd.remote.s32 $0x1  }
0xdd: {  	_ =	sfence.sel $0xFFFF  }
0xde: {  	[dreg:$0x0] =	wrdreg $0xFFFFFFFF;
	(pc) =	sbr.abs _section_cstart, $3  }
0xdf: {  	[dreg:$0x1] =	wrdreg $0xFFFFFFFF  }
0xe0: {  	_ =	task.clear_ibuf [dreg:s20], $0x2FFFF;
	_ =	strace $0x9FFFFFFF  }
0xe1: {  	(tm) =	ssettm $0x7FFFFFFF  }
tec
_tile_task_arg_handler_lowered:
.L_overlay_start_1:
0x0: {  	(tag) =	ssettag $0x1  }
0x1: {  	s0 =	rddreg [dreg:$0x0]  }
0x2: {  	s1 =	rddreg [dreg:$0x1]  }
0x3: {  	s2 =	rddreg [dreg:$0x2]  }
0x4: {  	s3 =	rddreg [dreg:$0x3]  }
0x5: {  	s4 =	rddreg [dreg:$0x4]  }
0x6: {  	s5 =	rddreg [dreg:$0x5]  }
0x7: {  	s6 =	rddreg [dreg:$0x6]  }
0x8: {  	s7 =	rddreg [dreg:$0x7]  }
0x9: {  	s8 =	rddreg [dreg:$0x8]  }
0xa: {  	s9 =	rddreg [dreg:$0x9]  }
0xb: {  	s10 =	rddreg [dreg:$0xa]  }
0xc: {  	s11 =	rddreg [dreg:$0xb]  }
0xd: {  	s12 =	rddreg [dreg:$0xc]  }
0xe: {  	s13 =	rddreg [dreg:$0xd]  }
0xf: {  	[smem:s0] =	sst s1  }
0x10: {  	[smem:s0+$0x1] =	sst s2  }
0x11: {  	[smem:s0+$0x2] =	sst s3  }
0x12: {  	[smem:s0+$0x3] =	sst s4  }
0x13: {  	[smem:s0+$0x4] =	sst s5  }
0x14: {  	[smem:s0+$0x5] =	sst s6  }
0x15: {  	[smem:s0+$0x6] =	sst s7  }
0x16: {  	[smem:s0+$0x7] =	sst s8  }
0x17: {  	[smem:s0+$0x8] =	sst s9  }
0x18: {  	[smem:s0+$0x9] =	sst s10  }
0x19: {  	[smem:s0+$0xA] =	sst s11  }
0x1a: {  	[smem:s0+$0xB] =	sst s12  }
0x1b: {  	[smem:s0+$0xC] =	sst s13;
	_ =	shalt  }
.Lfunc_end2:
execute0_lowered:
.L_overlay_start_2:
0x1c: {  	(tag) =	ssettag $0x2  }
0x1d: {  	s3 =	rddreg [dreg:$0x0]  }
0x1e: {  	s0 =	rddreg [dreg:$0x3]  }
0x1f: {  	s28 =	rddreg [dreg:$0x4]  }
0x20: {  	s11 =	rddreg [dreg:$0x6]  }
0x21: {  	s20 =	rddreg [dreg:$0x8]  }
0x22: {  	s6 =	rddreg [dreg:$0x9]  }
0x23: {  	s18 =	rddreg [dreg:$0xa]  }
0x24: {  	s12 =	rddreg [dreg:$0xb]  }
0x25: {  	s22 =	rddreg [dreg:$0xc];
	s1 =	simm.s32 $0x0  }
0x26: {  	[smem:$0x7FF] =	sst s1  }
0x27: {  	s2 =	sld [smem:$0x2]  }
0x28: {  	s29 =	rddreg [dreg:$0xd]  }
0x29: {  	s17 =	sld [smem:$0x0]  }
0x2a: {  	s26 =	simm.s32 $0xFA80;
	[dreg:$0xe] =	wrdreg s2  }
0x2b: {  	s31 =	simm.s32 $0x2;
	s30 =	sld [smem:$0x1];
	_ =	strace $0x80000047  }
0x2c: {  	[tilespmem:s26], [sflag:$0x2] =	stream.linear.gather [hbm4b:s0+s1], $0x80, $0x38;
	[tilespmem:$0x1B318] =	vst v63  }
0x2d: {  	_ =	swait.ge [sflag:s31], $0x80  }
0x2e: {  	[sflag:s31] =	ssyncset.done $0x0  }
0x2f: {  	[sflag:s31] =	ssyncadd.s32 $0xFFFFFF80  }
0x30: {  	v1 =	vimm.f32 $0.0e+00;
	s2 =	stileid.u32;
	s0 =	simm.s32 $0x40;
	s1 =	simm.s32 $0x0;
	v0 =	vld [tilespmem:$0xFA80]  }
.LBB3_1:
0x31: {  	p0 =	seq.s32 s0, $0x9FC0;
	[tilespmem:s1+$0x2000] =	vst v1;
	s1 =	smov.u32 s0;
	s0 =	sadd.s32 $0x40, s0  }
.Ltmp0:
0x32: {  	(pc) =	sbr.rel @!p0 .LBB3_1-.Ltmp0, $2  }
0x33: {  	_ =	sdelay $0x2  }
0x34: {  	s1 =	sshra.s32 s1, $0x2  }
0x35: {  	(v2sf) =	vpush v0, $0x0;
	_ =	sdelay $0xc  }
.Ltmp1:
0x36: {  	_ = 	snop;
	(pc) =	sbr.rel .LBB3_3-.Ltmp1, $4  }
0x37: {  	s8 =	smul.u32 $0x4E20, s2  }
0x38: {  	s9 =	simm.s32 $0x0;
	s10 =	simm.s32 $0x1000;
	s0 =	spop (v2sf)  }
0x39: {  	s21 =	simm.s32 $0x2;
	s23 =	simm.s32 $0x2000;
	s2 =	sadd.s32 $0xFFFFFFFF, s0  }
0x3a: {  	[tilespmem:s1+$0x2000] =	vst v1;
	v1 =	vimm.f32 $1.000000000e+00;
	v2 =	vimm.s32 $0x0;
	s19 =	simm.s32 $0x0;
	s1 =	simm.s32 $0x0;
	s0 =	simm.s32 $0xC000;
	v0 =	vmov s2  }
.LBB3_12:
0x3b: {  	s1 =	sadd.s32 $0x1, s1  }
0x3c: {  	p0 =	sne.s32 s1, $0x5  }
.Ltmp2:
0x3d: {  	_ = 	snop;
	(pc) =	sbr.rel @!p0 .LBB3_13-.Ltmp2, $1  }
0x3e: {  	_ =	sdelay $0x3  }
.LBB3_3:
0x3f: {  	s4 =	smul.u32 $0xFA0, s1;
	_ =	sdelay $0x1  }
0x40: {  	s4 =	sadd.s32 s8, s4  }
0x41: {  	s24 =	rddreg [dreg:$0x2];
	s13 =	sshrl.u32 s4, $0x3  }
0x42: {  	s4 =	sadd.s32 s24, s13  }
0x43: {  	[tilespmem:s10], [sflag:$0x2] =	stream.linear.gather [hbm4b:s4+s9], $0xFA0, $0x38;
	[tilespmem:$0x1B318] =	vst v63  }
0x44: {  	_ =	swait.ge [sflag:s21], $0xFA0  }
0x45: {  	[sflag:s21] =	ssyncset.done $0x0  }
0x46: {  	s25 =	simm.s32 $0x0;
	[sflag:s21] =	ssyncadd.s32 $0xFFFFF060  }
0x47: {  	v3 =	vld [tilespmem:s25+$0x1000]  }
0x48: {  	v4 =	vld [tilespmem:s25+$0x1010];
	_ =	sdelay $0x6  }
0x49: {  	[tilespmem:v3+s23+$0x0] =	vst.idx.add.f32.msk $0xffff, v1  }
0x4a: {  	s26 =	simm.s32 $0x20;
	[tilespmem:v4+s23+$0x0] =	vst.idx.add.f32.msk $0xffff, v1  }
0x4b: {  	vm0 =	veq.s32 v3, v0;
	v5 =	vld [tilespmem:s26+$0x1000]  }
0x4c: {  	vm11 =	veq.s32 v4, v0;
	v3 =	vsel vm0, $0x1, v2;
	v6 =	vld [tilespmem:s26+$0x1010]  }
0x4d: {  	v4 =	vsel vm11, $0x1, v2;
	(xrf0) =	vadd.scan.msk.s32 $0xffff, v3  }
0x4e: {  	(xrf0) =	vadd.scan.msk.s32 $0xffff, v4;
	_ =	sdelay $0x3  }
0x4f: {  	vm12 =	veq.s32 v5, v0  }
0x50: {  	vm13 =	veq.s32 v6, v0;
	v3 =	vsel vm12, $0x1, v2;
	[tilespmem:v5+s23+$0x0] =	vst.idx.add.f32.msk $0xffff, v1;
	v5, _, _ =	vpop (xrf0)  }
0x51: {  	v4 =	vsel vm13, $0x1, v2;
	(xrf0) =	vadd.scan.msk.s32 $0xffff, v3;
	[tilespmem:v6+s23+$0x0] =	vst.idx.add.f32.msk $0xffff, v1;
	v6, _, _ =	vpop (xrf0);
	(v2sf) =	vpush v5, $0xF  }
0x52: {  	(xrf0) =	vadd.scan.msk.s32 $0xffff, v4;
	(v2sf) =	vpush v6, $0xF;
	_ =	sdelay $0x3  }
0x53: {  	s31 =	simm.s32 $0x40  }
0x54: {  	v3 =	vld [tilespmem:s31+$0x1000];
	v5, _, _ =	vpop (xrf0)  }
0x55: {  	v4 =	vld [tilespmem:s31+$0x1010];
	(v2sf) =	vpush v5, $0xF;
	v5, _, _ =	vpop (xrf0)  }
0x56: {  	(v2sf) =	vpush v5, $0xF;
	_ =	sdelay $0x2  }
0x57: {  	vm14 =	veq.s32 v3, v0  }
0x58: {  	s16 =	simm.s32 $0x180;
	s14 =	simm.s32 $0x200;
	vm15 =	veq.s32 v4, v0;
	v6 =	vsel vm14, $0x1, v2  }
0x59: {  	s15 =	simm.s32 $0x280;
	s7 =	simm.s32 $0x0;
	s24 =	simm.s32 $0x300;
	v5 =	vsel vm15, $0x1, v2;
	(xrf0) =	vadd.scan.msk.s32 $0xffff, v6  }
.LBB3_4:
0x5a: {  	p0 =	sne.s32 s24, $0x3E00;
	[tilespmem:v3+s23+$0x0] =	vst.idx.add.f32.msk $0xffff, v1;
	(xrf0) =	vadd.scan.msk.s32 $0xffff, v5  }
0x5b: {  	s4 =	sshra.s32 s16, $0x2;
	s16 =	smov.u32 s14;
	[tilespmem:v4+s23+$0x0] =	vst.idx.add.f32.msk $0xffff, v1;
	s25 =	spop (v2sf)  }
0x5c: {  	s14 =	smov.u32 s15;
	v3 =	vld [tilespmem:s4+$0x1000];
	s7 =	sadd.s32 s7, s25;
	s25 =	spop (v2sf)  }
0x5d: {  	s15 =	smov.u32 s24;
	v4 =	vld [tilespmem:s4+$0x1010];
	s7 =	sadd.s32 s25, s7;
	_ =	sdelay $0x1  }
.Ltmp3:
0x5e: {  	v5, _, _ =	vpop (xrf0);
	(pc) =	sbr.rel @p0 .LBB3_4-.Ltmp3, $4  }
0x5f: {  	(v2sf) =	vpush v5, $0xF;
	v5, _, _ =	vpop (xrf0)  }
0x60: {  	vm0 =	veq.s32 v3, v0;
	(v2sf) =	vpush v5, $0xF  }
0x61: {  	v6 =	vsel vm0, $0x1, v2;
	vm0 =	veq.s32 v4, v0  }
0x62: {  	s24 =	sadd.s32 $0x80, s24;
	v5 =	vsel vm0, $0x1, v2;
	(xrf0) =	vadd.scan.msk.s32 $0xffff, v6  }
0x63: {  	_ =	sdelay $0x3  }
0x64: {  	[tilespmem:v3+s23+$0x0] =	vst.idx.add.f32.msk $0xffff, v1  }
0x65: {  	s4 =	sshra.s32 s16, $0x2;
	[tilespmem:v4+s23+$0x0] =	vst.idx.add.f32.msk $0xffff, v1  }
0x66: {  	v3 =	vld [tilespmem:s4+$0x1000]  }
0x67: {  	v4 =	vld [tilespmem:s4+$0x1010];
	_ =	sdelay $0x6  }
0x68: {  	[tilespmem:v3+s23+$0x0] =	vst.idx.add.f32.msk $0xffff, v1  }
0x69: {  	s14 =	sshra.s32 s14, $0x2;
	[tilespmem:v4+s23+$0x0] =	vst.idx.add.f32.msk $0xffff, v1  }
0x6a: {  	v6 =	vld [tilespmem:s14+$0x1000]  }
0x6b: {  	v7 =	vld [tilespmem:s14+$0x1010];
	_ =	sdelay $0x6  }
0x6c: {  	[tilespmem:v6+s23+$0x0] =	vst.idx.add.f32.msk $0xffff, v1  }
0x6d: {  	s15 =	sshra.s32 s15, $0x2;
	[tilespmem:v7+s23+$0x0] =	vst.idx.add.f32.msk $0xffff, v1  }
0x6e: {  	v8 =	vld [tilespmem:s15+$0x1000]  }
0x6f: {  	vm0 =	veq.s32 v3, v0;
	v3 =	vld [tilespmem:s15+$0x1010]  }
0x70: {  	(xrf0) =	vadd.scan.msk.s32 $0xffff, v5;
	vm11 =	veq.s32 v4, v0;
	v51 =	vsel vm0, $0x1, v2  }
0x71: {  	(xrf0) =	vadd.scan.msk.s32 $0xffff, v51;
	v4 =	vsel vm11, $0x1, v2;
	vm12 =	veq.s32 v6, v0  }
0x72: {  	(xrf0) =	vadd.scan.msk.s32 $0xffff, v4;
	vm13 =	veq.s32 v7, v0;
	v52 =	vsel vm12, $0x1, v2  }
0x73: {  	v53 =	vsel vm13, $0x1, v2;
	(xrf0) =	vadd.scan.msk.s32 $0xffff, v52;
	vm14 =	veq.s32 v8, v0  }
0x74: {  	(xrf0) =	vadd.scan.msk.s32 $0xffff, v53;
	vm15 =	veq.s32 v3, v0;
	v54 =	vsel vm14, $0x1, v2  }
0x75: {  	v55, _, _ =	vpop (xrf0);
	v56 =	vsel vm15, $0x1, v2;
	(xrf0) =	vadd.scan.msk.s32 $0xffff, v54  }
0x76: {  	(v2sf) =	vpush v55, $0xF;
	v57, _, _ =	vpop (xrf0);
	(xrf0) =	vadd.scan.msk.s32 $0xffff, v56  }
0x77: {  	(v2sf) =	vpush v57, $0xF;
	v58, _, _ =	vpop (xrf0)  }
0x78: {  	(v2sf) =	vpush v58, $0xF;
	v59, _, _ =	vpop (xrf0)  }
0x79: {  	(v2sf) =	vpush v59, $0xF;
	v60, _, _ =	vpop (xrf0)  }
0x7a: {  	v61, _, _ =	vpop (xrf0);
	(v2sf) =	vpush v60, $0xF  }
0x7b: {  	(v2sf) =	vpush v61, $0xF;
	v62, _, _ =	vpop (xrf0)  }
0x7c: {  	(v2sf) =	vpush v62, $0xF;
	v63, _, _ =	vpop (xrf0)  }
0x7d: {  	(v2sf) =	vpush v63, $0xF;
	_ =	sdelay $0x3  }
0x7e: {  	s16 =	spop (v2sf)  }
0x7f: {  	s24 =	spop (v2sf);
	s4 =	sadd.s32 s7, s16  }
0x80: {  	s4 =	sadd.s32 s24, s4;
	s25 =	spop (v2sf)  }
0x81: {  	s26 =	spop (v2sf);
	s4 =	sadd.s32 s4, s25  }
0x82: {  	s4 =	sadd.s32 s26, s4;
	s31 =	spop (v2sf)  }
0x83: {  	s5 =	spop (v2sf);
	s4 =	sadd.s32 s4, s31  }
0x84: {  	s4 =	sadd.s32 s5, s4;
	s15 =	spop (v2sf)  }
0x85: {  	s4 =	sadd.s32 s4, s15;
	s16 =	spop (v2sf)  }
0x86: {  	s4 =	sadd.s32 s16, s4;
	s24 =	spop (v2sf)  }
0x87: {  	s4 =	sadd.s32 s4, s24;
	s25 =	spop (v2sf)  }
0x88: {  	s4 =	sadd.s32 s25, s4;
	s26 =	spop (v2sf)  }
0x89: {  	s4 =	sadd.s32 s4, s26;
	s31 =	spop (v2sf)  }
0x8a: {  	s4 =	sadd.s32 s31, s4  }
0x8b: {  	p0 =	slt.s32 s4, $0x1  }
.Ltmp4:
0x8c: {  	_ = 	snop;
	(pc) =	sbr.rel @p0 .LBB3_12-.Ltmp4, $3  }
0x8d: {  	_ =	sdelay $0x1  }
0x8e: {  	[tilespmem:v8+s23+$0x0] =	vst.idx.add.f32.msk $0xffff, v1  }
0x8f: {  	[tilespmem:v3+s23+$0x0] =	vst.idx.add.f32.msk $0xffff, v1  }
0x90: {  	s4 =	rddreg [dreg:$0x1]  }
.Ltmp5:
0x91: {  	s7 =	simm.s32 $0x0;
	s4 =	sadd.s32 s4, s13;
	(pc) =	sbr.rel .LBB3_7-.Ltmp5, $4  }
0x92: {  	[tilespmem:s7], [sflag:$0x2] =	stream.linear.gather [hbm4b:s4+s7], $0xFA0, $0x38;
	[tilespmem:$0x1B318] =	vst v63  }
0x93: {  	_ =	swait.ge [sflag:s21], $0xFA0  }
0x94: {  	s14 =	simm.s32 $0x0;
	[sflag:s21] =	ssyncset.done $0x0  }
0x95: {  	s15 =	simm.s32 $0x0;
	s13 =	simm.s32 $0x1000;
	[sflag:s21] =	ssyncadd.s32 $0xFFFFF060  }
.LBB3_11:
0x96: {  	s15 =	sadd.s32 $0x1, s15  }
0x97: {  	p0 =	sne.s32 s15, $0xFA  }
.Ltmp6:
0x98: {  	_ = 	snop;
	(pc) =	sbr.rel @!p0 .LBB3_12-.Ltmp6, $2  }
0x99: {  	_ =	sdelay $0x2  }
0x9a: {  	s14 =	sadd.s32 $0x10, s14;
	s13 =	sadd.s32 $0x10, s13  }
.LBB3_7:
0x9b: {  	s4 =	sshll.u32 s15, $0x4  }
0x9c: {  	v3 =	vld [tilespmem:s4+$0x1000];
	_ =	sdelay $0x4  }
0x9d: {  	vm0 =	veq.s32 v3, v0  }
0x9e: {  	v3 =	vsel vm0, $0x1, v2  }
0x9f: {  	(xrf0) =	vadd.scan.msk.s32 $0xffff, v3;
	_ =	sdelay $0x5  }
0xa0: {  	v3, _, _ =	vpop (xrf0)  }
0xa1: {  	(v2sf) =	vpush v3, $0xF;
	_ =	sdelay $0xe  }
0xa2: {  	s31 =	spop (v2sf)  }
0xa3: {  	p0 =	slt.s32 s31, $0x1  }
.Ltmp7:
0xa4: {  	_ = 	snop;
	(pc) =	sbr.rel @p0 .LBB3_11-.Ltmp7, $1  }
0xa5: {  	_ =	sdelay $0x3  }
0xa6: {  	s4 =	sshra.s32 s7, $0x2  }
0xa7: {  	s16 =	sadd.s32 s4, s13  }
0xa8: {  	v3 =	vld [tilespmem:s16+$0x0];
	_ =	sdelay $0x4  }
0xa9: {  	(v2sf) =	vpush v3, $0x0;
	_ =	sdelay $0x2  }
0xaa: {  	p0 =	slt.s32 s19, $0x810;
	s16 =	smov.u32 s19  }
0xab: {  	s4 =	sadd.s32 s4, s14;
	s16 =	simm.s32 @!p0 $0x810  }
0xac: {  	v4 =	vmov s16;
	v3 =	vld.msk [tilespmem:s4+$0x0 ss:$0x0], $0xffff;
	_ =	sdelay $0x2  }
0xad: {  	s24 =	sadd.s32 $0x4, s7  }
0xae: {  	s16 =	sshra.s32 s24, $0x2;
	s24 =	sadd.s32 $0x4, s24  }
.LBB3_9:
0xaf: {  	p0 =	sne.s32 s24, $0x3C;
	s4 =	sadd.s32 s16, s13;
	[tilespmem:v4+s0+$0x0] =	vst.idx.msk $0x1, v3  }
0xb0: {  	v3 =	vld [tilespmem:s4+$0x0];
	_ =	sdelay $0x3  }
0xb1: {  	s4 =	spop (v2sf)  }
0xb2: {  	(v2sf) =	vpush v3, $0x0;
	p1 =	seq.s32 s4, s2;
	s4 =	simm.s32 $0x1  }
0xb3: {  	s4 =	simm.s32 @!p1 $0x0  }
0xb4: {  	s19 =	sadd.s32 s4, s19  }
0xb5: {  	s4 =	sadd.s32 s16, s14;
	p1 =	slt.s32 s19, $0x810;
	s16 =	smov.u32 s19  }
0xb6: {  	s16 =	simm.s32 @!p1 $0x810;
	v3 =	vld.msk [tilespmem:s4+$0x0 ss:$0x0], $0xffff  }
.Ltmp8:
0xb7: {  	v4 =	vmov s16;
	(pc) =	sbr.rel @p0 .LBB3_9-.Ltmp8, $2  }
0xb8: {  	_ =	sdelay $0x2  }
0xb9: {  	s16 =	sshra.s32 s24, $0x2;
	s24 =	sadd.s32 $0x4, s24  }
0xba: {  	_ =	sdelay $0x3  }
0xbb: {  	s4 =	sadd.s32 s16, s13;
	[tilespmem:v4+s0+$0x0] =	vst.idx.msk $0x1, v3  }
0xbc: {  	v3 =	vld [tilespmem:s4+$0x0];
	_ =	sdelay $0x4  }
0xbd: {  	(v2sf) =	vpush v3, $0x0;
	_ =	sdelay $0x6  }
0xbe: {  	s25 =	spop (v2sf)  }
0xbf: {  	s4 =	simm.s32 $0x1;
	p0 =	seq.s32 s25, s2  }
0xc0: {  	s4 =	simm.s32 @!p0 $0x0  }
0xc1: {  	s4 =	sadd.s32 s4, s19  }
0xc2: {  	p0 =	slt.s32 s4, $0x810;
	s19 =	smov.u32 s4  }
0xc3: {  	s26 =	sadd.s32 s16, s14;
	s19 =	simm.s32 @!p0 $0x810  }
0xc4: {  	v3 =	vld.msk [tilespmem:s26+$0x0 ss:$0x0], $0xffff;
	v63 =	vmov s19  }
.Ltmp9:
0xc5: {  	_ = 	snop;
	(pc) =	sbr.rel .LBB3_11-.Ltmp9, $4  }
0xc6: {  	s31 =	spop (v2sf)  }
0xc7: {  	s16 =	simm.s32 $0x1;
	p0 =	seq.s32 s31, s2  }
0xc8: {  	s16 =	simm.s32 @!p0 $0x0  }
0xc9: {  	[tilespmem:v63+s0+$0x0] =	vst.idx.msk $0x1, v3;
	s19 =	sadd.s32 s16, s4  }
.LBB3_13:
0xca: {  	p0 =	slt.s32 s19, $0x800;
	s1 =	smov.u32 s19  }
0xcb: {  	s1 =	simm.s32 @!p0 $0x800  }
0xcc: {  	s5 =	stileid.u32;
	s1 =	sadd.s32 $0xFF, s1  }
0xcd: {  	p6 =	slt.s32 s19, $0xFFFFFF02;
	s4 =	sshll.u32 s5, $0x7;
	s26 =	sand.u32 $0xFF, s1  }
0xce: {  	s7 =	sand.u32 $0x380, s4;
	s9 =	sshra.s32 s1, $0x1F;
	p1 =	sne.s32 s26, $0x0  }
0xcf: {  	s14 =	sadd.s32 s4, s20;
	s31 =	sshrl.u32 s9, $0x18;
	p0 =	por !p6, !p1  }
0xd0: {  	s4 =	simm.s32 $0x1;
	s1 =	sadd.s32 s31, s1;
	p0 =	por !p0, !p0  }
0xd1: {  	s1 =	sshra.s32 s1, $0x8;
	s4 =	simm.s32 @!p0 $0x0  }
0xd2: {  	s0 =	sshrl.u32 s5, $0x3;
	s26 =	ssub.s32 s1, s4  }
0xd3: {  	s0 =	smul.u32 $0x50000, s0;
	p0 =	slt.s32 s26, $0x1  }
.Ltmp10:
0xd4: {  	_ = 	snop;
	(pc) =	sbr.rel @p0 .LBB3_17-.Ltmp10, $4  }
0xd5: {  	s10 =	smul.u32 $0x5000, s5;
	s0 =	sshrl.u32 s0, $0x2  }
0xd6: {  	s9 =	smul.u32 $0x280, s5;
	s0 =	sadd.s32 s0, s12  }
0xd7: {  	s21 =	sadd.s32 s7, s0;
	s0 =	sshrl.u32 s10, $0x2;
	s10 =	sshll.u32 s5, $0x4  }
0xd8: {  	s7 =	sshll.u32 s5, $0xB;
	s13 =	sand.u32 $0x70, s10;
	s1 =	sshrl.u32 s9, $0x3  }
0xd9: {  	s5 =	stileid.u32  }
0xda: {  	s4 =	sshll.u32 s5, $0xD;
	s15 =	sand.u32 $0x7, s5  }
0xdb: {  	s4 =	sand.u32 $0x10000, s4;
	s15 =	sshll.u32 s15, $0x9  }
0xdc: {  	s16 =	simm.s32 $0xC000;
	p0 =	sne.s32 s26, $0x1;
	s4 =	sor.u32 s15, s4  }
.Ltmp11:
0xdd: {  	s23 =	simm.s32 $0x80;
	s4 =	sshrl.u32 s4, $0x2;
	(pc) =	sbr.rel @!p0 .LBB3_16-.Ltmp11, $4  }
0xde: {  	s25 =	simm.s32 $0x400;
	s24 =	simm.s32 $0x2;
	s15 =	sadd.s32 s4, s18  }
0xdf: {  	[spmem:s15] =	stream.strided.scatter [tilespmem:s16], [sflag:$0x2], $0x100, s25, s23, $0x38;
	[tilespmem:$0x1B318] =	vst v63  }
0xe0: {  	_ =	swait.ge [sflag:s24], $0x100  }
0xe1: {  	s26 =	sadd.s32 $0xFFFFFFFF, s26;
	[sflag:s24] =	ssyncset.done $0x0  }
.LBB3_15:
0xe2: {  	[sflag:s24] =	ssyncadd.s32 $0xFFFFFF00  }
0xe3: {  	s16 =	sadd.s32 $0x100, s16;
	s15 =	sadd.s32 $0x800, s15;
	p0 =	sne.s32 s26, $0x1  }
.Ltmp12:
0xe4: {  	s26 =	sadd.s32 $0xFFFFFFFF, s26;
	(pc) =	sbr.rel @p0 .LBB3_15-.Ltmp12, $4  }
0xe5: {  	_ = 	snop  }
0xe6: {  	[spmem:s15] =	stream.strided.scatter [tilespmem:s16], [sflag:$0x2], $0x100, s25, s23, $0x38;
	[tilespmem:$0x1B318] =	vst v63  }
0xe7: {  	_ =	swait.ge [sflag:s24], $0x100  }
0xe8: {  	[sflag:s24] =	ssyncset.done $0x0  }
.LBB3_16:
0xe9: {  	[sflag:s24] =	ssyncadd.s32 $0xFFFFFF00  }
.LBB3_17:
0xea: {  	v1 =	vmov s19  }
0xeb: {  	s4 =	simm.s32 $0xF680;
	[tilespmem:$0xF680] =	vst v1  }
0xec: {  	[spmem:s14] =	stream.linear.scatter [tilespmem:s4], [sflag:$0x2], $0x80, $0x38;
	[tilespmem:$0x1B318] =	vst v63  }
0xed: {  	s14 =	simm.s32 $0x2  }
0xee: {  	_ =	swait.ge [sflag:s14], $0x80  }
0xef: {  	s15 =	simm.s32 $0x80;
	[sflag:s14] =	ssyncset.done $0x0  }
0xf0: {  	s16 =	simm.s32 $0x400;
	s26 =	simm.s32 $0x2000;
	[sflag:s14] =	ssyncadd.s32 $0xFFFFFF80  }
0xf1: {  	[spmem:s21] =	stream.strided.scatter [tilespmem:s26], [sflag:$0x2], $0x2800, s16, s15, $0x38;
	[tilespmem:$0x1B318] =	vst v63  }
0xf2: {  	_ =	swait.ge [sflag:s14], $0x2800  }
0xf3: {  	[sflag:s14] =	ssyncset.done $0x0  }
0xf4: {  	[sflag:s14] =	ssyncadd.s32 $0xFFFFD800  }
0xf5: {  	v1 =	vimm.f32 $0.0e+00;
	[bflag:$0x0] =	sbarrier.arrive $0xFFFF  }
0xf6: {  	[tilespmem:$0xF380] =	vst v1  }
0xf7: {  	[tilespmem:$0xF390] =	vst v1  }
0xf8: {  	[tilespmem:$0xF3A0] =	vst v1  }
0xf9: {  	[tilespmem:$0xF3B0] =	vst v1  }
0xfa: {  	[tilespmem:$0xF3C0] =	vst v1  }
0xfb: {  	[tilespmem:$0xF3D0] =	vst v1  }
0xfc: {  	[tilespmem:$0xF3E0] =	vst v1  }
0xfd: {  	[tilespmem:$0xF3F0] =	vst v1  }
0xfe: {  	[tilespmem:$0xF400] =	vst v1  }
0xff: {  	[tilespmem:$0xF410] =	vst v1  }
0x100: {  	[tilespmem:$0xF420] =	vst v1  }
0x101: {  	[tilespmem:$0xF430] =	vst v1  }
0x102: {  	[tilespmem:$0xF440] =	vst v1  }
0x103: {  	[tilespmem:$0xF450] =	vst v1  }
0x104: {  	[tilespmem:$0xF460] =	vst v1  }
0x105: {  	[tilespmem:$0xF470] =	vst v1  }
0x106: {  	[tilespmem:$0xF480] =	vst v1  }
0x107: {  	[tilespmem:$0xF490] =	vst v1  }
0x108: {  	[tilespmem:$0xF4A0] =	vst v1  }
0x109: {  	[tilespmem:$0xF4B0] =	vst v1  }
0x10a: {  	[tilespmem:$0xF4C0] =	vst v1  }
0x10b: {  	[tilespmem:$0xF4D0] =	vst v1  }
0x10c: {  	[tilespmem:$0xF4E0] =	vst v1  }
0x10d: {  	[tilespmem:$0xF4F0] =	vst v1  }
0x10e: {  	[tilespmem:$0xF500] =	vst v1  }
0x10f: {  	[tilespmem:$0xF510] =	vst v1  }
0x110: {  	[tilespmem:$0xF520] =	vst v1  }
0x111: {  	[tilespmem:$0xF530] =	vst v1  }
0x112: {  	[tilespmem:$0xF540] =	vst v1  }
0x113: {  	[tilespmem:$0xF550] =	vst v1  }
0x114: {  	[tilespmem:$0xF560] =	vst v1  }
0x115: {  	[tilespmem:$0xF570] =	vst v1  }
0x116: {  	[tilespmem:$0xF580] =	vst v1  }
0x117: {  	[tilespmem:$0xF590] =	vst v1  }
0x118: {  	[tilespmem:$0xF5A0] =	vst v1  }
0x119: {  	[tilespmem:$0xF5B0] =	vst v1  }
0x11a: {  	[tilespmem:$0xF5C0] =	vst v1  }
0x11b: {  	s12 =	sadd.s32 s0, s12;
	s0 =	sadd.s32 s9, s22;
	s31 =	sadd.s32 s7, s6;
	[tilespmem:$0xF5D0] =	vst v1  }
0x11c: {  	s19 =	sor.u32 $0x7000, s13;
	s1 =	sadd.s32 s11, s1;
	[dreg:$0x10] =	wrdreg s31;
	[tilespmem:$0xF5E0] =	vst v1  }
0x11d: {  	s7 =	simm.s32 $0xF080;
	[dreg:$0xf] =	wrdreg s1;
	[tilespmem:$0xF5F0] =	vst v1;
	s1 =	simm.s32 $0x0  }
.LBB3_18:
0x11e: {  	s4 =	sshrl.u32 s1, $0x3  }
0x11f: {  	s4 =	smul.u32 $0x50000, s4;
	_ =	sdelay $0x1  }
0x120: {  	s11 =	sshll.u32 s1, $0x7;
	s4 =	sshra.s32 s4, $0x2  }
0x121: {  	s11 =	sand.u32 $0x380, s11;
	s4 =	sadd.s32 s4, s12  }
0x122: {  	s4 =	sadd.s32 s11, s4  }
0x123: {  	[tilespmem:s7], [sflag:$0x2] =	stream.strided.gather [spmem:s4], $0x280, s16, s15, $0x38;
	[tilespmem:$0x1B318] =	vst v63  }
0x124: {  	_ =	swait.ge [sflag:s14], $0x280  }
0x125: {  	[sflag:s14] =	ssyncset.done $0x0  }
0x126: {  	s11 =	simm.s32 $0x0;
	[sflag:s14] =	ssyncadd.s32 $0xFFFFFD80  }
0x127: {  	s13 =	simm.s32 $0x40;
	v1 =	vld [tilespmem:s11+$0xF080]  }
.LBB3_19:
0x128: {  	p0 =	sne.s32 s13, $0x9C0;
	v2 =	vld [tilespmem:s11+$0xF380];
	_ =	sdelay $0x2  }
.Ltmp13:
0x129: {  	(pc) =	sbr.rel @p0 .LBB3_19-.Ltmp13, $4  }
0x12a: {  	_ = 	snop  }
0x12b: {  	v2 =	vadd.f32 v1, v2  }
0x12c: {  	s4 =	sshra.s32 s13, $0x2  }
0x12d: {  	s13 =	sadd.s32 $0x40, s13;
	v1 =	vld [tilespmem:s4+$0xF080];
	[tilespmem:s11+$0xF380] =	vst v2;
	s11 =	smov.u32 s4  }
0x12e: {  	v2 =	vld [tilespmem:s11+$0xF380]  }
0x12f: {  	s1 =	sadd.s32 $0x1, s1  }
0x130: {  	p0 =	sne.s32 s1, $0x10  }
.Ltmp14:
0x131: {  	_ = 	snop;
	(pc) =	sbr.rel @p0 .LBB3_18-.Ltmp14, $3  }
0x132: {  	_ = 	snop  }
0x133: {  	v1 =	vadd.f32 v1, v2;
	_ =	sdelay $0x1  }
0x134: {  	[tilespmem:s11+$0xF380] =	vst v1  }
0x135: {  	s1 =	simm.s32 $0x0;
	s7 =	simm.s32 $0x40  }
.LBB3_22:
0x136: {  	p0 =	sne.s32 s7, $0x9C0;
	v1 =	vld [tilespmem:s1+$0xF380];
	_ =	sdelay $0x4  }
0x137: {  	v1 =	vadd.f32 $1.000000000e+00, v1;
	_ =	sdelay $0x1  }
0x138: {  	v2 =	vshra.s32 v1, $0x1;
	v1 =	vmul.f32 $5.000000000e-01, v1  }
0x139: {  	v2 =	vsub.s32 $0x5F3759DF, v2  }
0x13a: {  	v3 =	vmul.f32 v2, v1;
	_ =	sdelay $0x1  }
0x13b: {  	v3 =	vmul.f32 v2, v3;
	_ =	sdelay $0x1  }
0x13c: {  	v3 =	vsub.f32 $1.500000000e+00, v3;
	_ =	sdelay $0x1  }
0x13d: {  	v2 =	vmul.f32 v2, v3;
	_ =	sdelay $0x1  }
0x13e: {  	v3 =	vmul.f32 v2, v1;
	_ =	sdelay $0x1  }
0x13f: {  	v3 =	vmul.f32 v3, v2;
	_ =	sdelay $0x1  }
0x140: {  	v3 =	vsub.f32 $1.500000000e+00, v3;
	_ =	sdelay $0x1  }
0x141: {  	v2 =	vmul.f32 v3, v2;
	_ =	sdelay $0x1  }
0x142: {  	v1 =	vmul.f32 v2, v1;
	_ =	sdelay $0x1  }
0x143: {  	v1 =	vmul.f32 v1, v2;
	_ =	sdelay $0x1  }
.Ltmp15:
0x144: {  	v1 =	vsub.f32 $1.500000000e+00, v1;
	(pc) =	sbr.rel @p0 .LBB3_22-.Ltmp15, $3  }
0x145: {  	_ = 	snop  }
0x146: {  	v1 =	vmul.f32 v1, v2;
	_ =	sdelay $0x1  }
0x147: {  	[tilespmem:s1+$0xF380] =	vst v1;
	s1 =	sshra.s32 s7, $0x2;
	s7 =	sadd.s32 $0x40, s7  }
0x148: {  	v1 =	vld [tilespmem:s1+$0xF380];
	_ =	sdelay $0x4  }
0x149: {  	v1 =	vadd.f32 $1.000000000e+00, v1;
	_ =	sdelay $0x1  }
0x14a: {  	v2 =	vshra.s32 v1, $0x1;
	v1 =	vmul.f32 $5.000000000e-01, v1  }
0x14b: {  	v2 =	vsub.s32 $0x5F3759DF, v2  }
0x14c: {  	v3 =	vmul.f32 v2, v1;
	_ =	sdelay $0x1  }
0x14d: {  	v3 =	vmul.f32 v2, v3;
	_ =	sdelay $0x1  }
0x14e: {  	v3 =	vsub.f32 $1.500000000e+00, v3;
	_ =	sdelay $0x1  }
0x14f: {  	v2 =	vmul.f32 v2, v3;
	_ =	sdelay $0x1  }
0x150: {  	v3 =	vmul.f32 v2, v1;
	_ =	sdelay $0x1  }
0x151: {  	v3 =	vmul.f32 v3, v2;
	_ =	sdelay $0x1  }
0x152: {  	v3 =	vsub.f32 $1.500000000e+00, v3;
	_ =	sdelay $0x1  }
0x153: {  	v2 =	vmul.f32 v3, v2;
	_ =	sdelay $0x1  }
0x154: {  	v1 =	vmul.f32 v2, v1;
	_ =	sdelay $0x1  }
0x155: {  	v1 =	vmul.f32 v1, v2;
	_ =	sdelay $0x1  }
0x156: {  	v1 =	vsub.f32 $1.500000000e+00, v1;
	_ =	sdelay $0x1  }
0x157: {  	v1 =	vmul.f32 v1, v2;
	_ =	sdelay $0x1  }
0x158: {  	s25 =	simm.s32 $0xF380;
	s21 =	simm.s32 $0x2;
	[tilespmem:s1+$0xF380] =	vst v1  }
0x159: {  	[spmem:s0] =	stream.linear.scatter [tilespmem:s25], [sflag:$0x2], $0x280, $0x38;
	[tilespmem:$0x1B318] =	vst v63  }
0x15a: {  	_ =	swait.ge [sflag:s21], $0x280  }
0x15b: {  	s31 =	stileid.u32;
	[sflag:s21] =	ssyncset.done $0x0  }
0x15c: {  	p0 =	sne.s32 s31, $0x0;
	[sflag:s21] =	ssyncadd.s32 $0xFFFFFD80  }
.Ltmp16:
0x15d: {  	s26 =	simm.s32 $0x2000;
	[bflag:$0x0] =	sbarrier.arrive $0xFFFF;
	(pc) =	sbr.rel @p0 .LBB3_46-.Ltmp16, $4  }
0x15e: {  	[tilespmem:s26], [sflag:$0x2] =	stream.linear.gather [spmem:s22], $0x2800, $0x38;
	[tilespmem:$0x1B318] =	vst v63  }
0x15f: {  	_ =	swait.ge [sflag:s21], $0x2800  }
0x160: {  	[sflag:s21] =	ssyncset.done $0x0  }
0x161: {  	[sflag:s21] =	ssyncadd.s32 $0xFFFFD800  }
0x162: {  	[dreg:$0x11] =	wrdreg s30;
	v1 =	vimm.s32 $0xFFFFFFFF;
	s0 =	simm.s32 $0x40;
	s1 =	simm.s32 $0x0  }
.LBB3_25:
0x163: {  	p1 =	sne.s32 s0, $0x9FC0;
	[tilespmem:s1+$0x4800] =	vst v1;
	s1 =	smov.u32 s0;
	s0 =	sadd.s32 $0x40, s0  }
.Ltmp17:
0x164: {  	(pc) =	sbr.rel @p1 .LBB3_25-.Ltmp17, $2  }
0x165: {  	_ =	sdelay $0x2  }
0x166: {  	s1 =	sshra.s32 s1, $0x2  }
0x167: {  	[tilespmem:s1+$0x4800] =	vst v1;
	s0 =	simm.s32 $0xF700;
	s22 =	simm.s32 $0x2  }
0x168: {  	[tilespmem:s0], [sflag:$0x2] =	stream.linear.gather [spmem:s20], $0x10, $0x38;
	[tilespmem:$0x1B318] =	vst v63  }
0x169: {  	_ =	swait.ge [sflag:s22], $0x10  }
0x16a: {  	[sflag:s22] =	ssyncset.done $0x0  }
0x16b: {  	s26 =	sadd.s32 $0x80, s20;
	s31 =	simm.s32 $0xF710;
	[sflag:s22] =	ssyncadd.s32 $0xFFFFFFF0  }
0x16c: {  	[tilespmem:s31], [sflag:$0x2] =	stream.linear.gather [spmem:s26], $0x10, $0x38;
	[tilespmem:$0x1B318] =	vst v63  }
0x16d: {  	_ =	swait.ge [sflag:s22], $0x10  }
0x16e: {  	[sflag:s22] =	ssyncset.done $0x0  }
0x16f: {  	s4 =	sadd.s32 $0x100, s20;
	s5 =	simm.s32 $0xF720;
	[sflag:s22] =	ssyncadd.s32 $0xFFFFFFF0  }
0x170: {  	[tilespmem:s5], [sflag:$0x2] =	stream.linear.gather [spmem:s4], $0x10, $0x38;
	[tilespmem:$0x1B318] =	vst v63  }
0x171: {  	_ =	swait.ge [sflag:s22], $0x10  }
0x172: {  	[sflag:s22] =	ssyncset.done $0x0  }
0x173: {  	s7 =	sadd.s32 $0x180, s20;
	s11 =	simm.s32 $0xF730;
	[sflag:s22] =	ssyncadd.s32 $0xFFFFFFF0  }
0x174: {  	[tilespmem:s11], [sflag:$0x2] =	stream.linear.gather [spmem:s7], $0x10, $0x38;
	[tilespmem:$0x1B318] =	vst v63  }
0x175: {  	_ =	swait.ge [sflag:s22], $0x10  }
0x176: {  	[sflag:s22] =	ssyncset.done $0x0  }
0x177: {  	s12 =	sadd.s32 $0x200, s20;
	s13 =	simm.s32 $0xF740;
	[sflag:s22] =	ssyncadd.s32 $0xFFFFFFF0  }
0x178: {  	[tilespmem:s13], [sflag:$0x2] =	stream.linear.gather [spmem:s12], $0x10, $0x38;
	[tilespmem:$0x1B318] =	vst v63  }
0x179: {  	_ =	swait.ge [sflag:s22], $0x10  }
0x17a: {  	[sflag:s22] =	ssyncset.done $0x0  }
0x17b: {  	s14 =	sadd.s32 $0x280, s20;
	s15 =	simm.s32 $0xF750;
	[sflag:s22] =	ssyncadd.s32 $0xFFFFFFF0  }
0x17c: {  	[tilespmem:s15], [sflag:$0x2] =	stream.linear.gather [spmem:s14], $0x10, $0x38;
	[tilespmem:$0x1B318] =	vst v63  }
0x17d: {  	_ =	swait.ge [sflag:s22], $0x10  }
0x17e: {  	[sflag:s22] =	ssyncset.done $0x0  }
0x17f: {  	s16 =	sadd.s32 $0x300, s20;
	s23 =	simm.s32 $0xF760;
	[sflag:s22] =	ssyncadd.s32 $0xFFFFFFF0  }
0x180: {  	[tilespmem:s23], [sflag:$0x2] =	stream.linear.gather [spmem:s16], $0x10, $0x38;
	[tilespmem:$0x1B318] =	vst v63  }
0x181: {  	_ =	swait.ge [sflag:s22], $0x10  }
0x182: {  	[sflag:s22] =	ssyncset.done $0x0  }
0x183: {  	s24 =	sadd.s32 $0x380, s20;
	s25 =	simm.s32 $0xF770;
	[sflag:s22] =	ssyncadd.s32 $0xFFFFFFF0  }
0x184: {  	[tilespmem:s25], [sflag:$0x2] =	stream.linear.gather [spmem:s24], $0x10, $0x38;
	[tilespmem:$0x1B318] =	vst v63  }
0x185: {  	_ =	swait.ge [sflag:s22], $0x10  }
0x186: {  	[sflag:s22] =	ssyncset.done $0x0  }
0x187: {  	s26 =	sadd.s32 $0x400, s20;
	s31 =	simm.s32 $0xF780;
	[sflag:s22] =	ssyncadd.s32 $0xFFFFFFF0  }
0x188: {  	[tilespmem:s31], [sflag:$0x2] =	stream.linear.gather [spmem:s26], $0x10, $0x38;
	[tilespmem:$0x1B318] =	vst v63  }
0x189: {  	_ =	swait.ge [sflag:s22], $0x10  }
0x18a: {  	[sflag:s22] =	ssyncset.done $0x0  }
0x18b: {  	s4 =	sadd.s32 $0x480, s20;
	s5 =	simm.s32 $0xF790;
	[sflag:s22] =	ssyncadd.s32 $0xFFFFFFF0  }
0x18c: {  	[tilespmem:s5], [sflag:$0x2] =	stream.linear.gather [spmem:s4], $0x10, $0x38;
	[tilespmem:$0x1B318] =	vst v63  }
0x18d: {  	_ =	swait.ge [sflag:s22], $0x10  }
0x18e: {  	[sflag:s22] =	ssyncset.done $0x0  }
0x18f: {  	s7 =	sadd.s32 $0x500, s20;
	s11 =	simm.s32 $0xF7A0;
	[sflag:s22] =	ssyncadd.s32 $0xFFFFFFF0  }
0x190: {  	[tilespmem:s11], [sflag:$0x2] =	stream.linear.gather [spmem:s7], $0x10, $0x38;
	[tilespmem:$0x1B318] =	vst v63  }
0x191: {  	_ =	swait.ge [sflag:s22], $0x10  }
0x192: {  	[sflag:s22] =	ssyncset.done $0x0  }
0x193: {  	s12 =	sadd.s32 $0x580, s20;
	s13 =	simm.s32 $0xF7B0;
	[sflag:s22] =	ssyncadd.s32 $0xFFFFFFF0  }
0x194: {  	[tilespmem:s13], [sflag:$0x2] =	stream.linear.gather [spmem:s12], $0x10, $0x38;
	[tilespmem:$0x1B318] =	vst v63  }
0x195: {  	_ =	swait.ge [sflag:s22], $0x10  }
0x196: {  	[sflag:s22] =	ssyncset.done $0x0  }
0x197: {  	s14 =	sadd.s32 $0x600, s20;
	s15 =	simm.s32 $0xF7C0;
	[sflag:s22] =	ssyncadd.s32 $0xFFFFFFF0  }
0x198: {  	[tilespmem:s15], [sflag:$0x2] =	stream.linear.gather [spmem:s14], $0x10, $0x38;
	[tilespmem:$0x1B318] =	vst v63  }
0x199: {  	_ =	swait.ge [sflag:s22], $0x10  }
0x19a: {  	[sflag:s22] =	ssyncset.done $0x0  }
0x19b: {  	s16 =	sadd.s32 $0x680, s20;
	s23 =	simm.s32 $0xF7D0;
	[sflag:s22] =	ssyncadd.s32 $0xFFFFFFF0  }
0x19c: {  	[tilespmem:s23], [sflag:$0x2] =	stream.linear.gather [spmem:s16], $0x10, $0x38;
	[tilespmem:$0x1B318] =	vst v63  }
0x19d: {  	_ =	swait.ge [sflag:s22], $0x10  }
0x19e: {  	[sflag:s22] =	ssyncset.done $0x0  }
0x19f: {  	s24 =	sadd.s32 $0x700, s20;
	s25 =	simm.s32 $0xF7E0;
	[sflag:s22] =	ssyncadd.s32 $0xFFFFFFF0  }
0x1a0: {  	[tilespmem:s25], [sflag:$0x2] =	stream.linear.gather [spmem:s24], $0x10, $0x38;
	[tilespmem:$0x1B318] =	vst v63  }
0x1a1: {  	s28 =	simm.s32 $0x9800;
	_ =	swait.ge [sflag:s22], $0x10  }
0x1a2: {  	s30 =	simm.s32 $0x0;
	s26 =	sadd.s32 $0x780, s20;
	[sflag:s22] =	ssyncset.done $0x0  }
.Ltmp18:
0x1a3: {  	s31 =	simm.s32 $0xF7F0;
	[sflag:s22] =	ssyncadd.s32 $0xFFFFFFF0;
	(pc) =	sbr.rel .LBB3_27-.Ltmp18, $4  }
0x1a4: {  	[tilespmem:s31], [sflag:$0x2] =	stream.linear.gather [spmem:s26], $0x10, $0x38;
	[tilespmem:$0x1B318] =	vst v63  }
0x1a5: {  	s29 =	simm.s32 $0x0;
	s20 =	simm.s32 $0x0;
	_ =	swait.ge [sflag:s22], $0x10  }
0x1a6: {  	s23 =	simm.s32 $0x80;
	s24 =	simm.s32 $0x400;
	[sflag:s22] =	ssyncset.done $0x0  }
0x1a7: {  	v1 =	vimm.s32 $0x0;
	s25 =	simm.s32 $0x4800;
	s26 =	simm.s32 $0x7000;
	[sflag:s22] =	ssyncadd.s32 $0xFFFFFFF0  }
.LBB3_43:
0x1a8: {  	_ =	sdelay $0x3  }
0x1a9: {  	[tilespmem:v2+s28+$0x0] =	vst.idx.msk $0x1, v3  }
.LBB3_44:
0x1aa: {  	s29 =	sadd.s32 $0x1, s29  }
0x1ab: {  	p1 =	sne.s32 s29, $0x10  }
.Ltmp19:
0x1ac: {  	_ = 	snop;
	(pc) =	sbr.rel @!p1 .LBB3_45-.Ltmp19, $2  }
0x1ad: {  	_ =	sdelay $0x2  }
0x1ae: {  	s20 =	sadd.s32 $0x1, s20  }
.LBB3_27:
0x1af: {  	s0 =	sshll.u32 s29, $0x4  }
0x1b0: {  	s0 =	sand.u32 $0x3FFFFFF0, s0  }
0x1b1: {  	v2 =	vld [tilespmem:s0+$0xF700];
	_ =	sdelay $0x4  }
0x1b2: {  	(v2sf) =	vpush v2, $0x0;
	_ =	sdelay $0xe  }
0x1b3: {  	s1 =	spop (v2sf)  }
0x1b4: {  	p1 =	slt.s32 s1, $0x801  }
.Ltmp20:
0x1b5: {  	_ = 	snop;
	(pc) =	sbr.rel @!p1 .LBB3_28-.Ltmp20, $1  }
0x1b6: {  	_ =	sdelay $0x3  }
0x1b7: {  	s0 =	sadd.s32 $0xFF, s1  }
0x1b8: {  	s4 =	sand.u32 $0xFF, s0  }
0x1b9: {  	p1 =	slt.s32 s1, $0xFFFFFF02;
	s7 =	sshra.s32 s0, $0x1F;
	p2 =	sne.s32 s4, $0x0  }
0x1ba: {  	s31 =	sshrl.u32 s7, $0x18;
	p1 =	por !p1, !p2  }
0x1bb: {  	s4 =	simm.s32 $0x1;
	s0 =	sadd.s32 s31, s0;
	p1 =	por !p1, !p1  }
0x1bc: {  	s0 =	sshra.s32 s0, $0x8;
	s4 =	simm.s32 @!p1 $0x0  }
0x1bd: {  	s11 =	ssub.s32 s0, s4  }
0x1be: {  	p1 =	sgt.s32 s11, $0x0  }
.Ltmp21:
0x1bf: {  	_ = 	snop;
	(pc) =	sbr.rel @!p1 .LBB3_40-.Ltmp21, $1  }
0x1c0: {  	_ =	sdelay $0x3  }
0x1c1: {  	s0 =	sshll.u32 s29, $0xD;
	s4 =	sand.u32 $0x7, s20  }
0x1c2: {  	s0 =	sand.u32 $0xFFFF0000, s0;
	s4 =	sshll.u32 s4, $0x9  }
0x1c3: {  	p1 =	seq.s32 s11, $0x1;
	s0 =	sor.u32 s4, s0  }
.Ltmp22:
0x1c4: {  	s0 =	sshrl.u32 s0, $0x2;
	(pc) =	sbr.rel @p1 .LBB3_39-.Ltmp22, $4  }
0x1c5: {  	s7 =	simm.s32 $0xC000;
	s0 =	sadd.s32 s0, s18  }
0x1c6: {  	[tilespmem:s7], [sflag:$0x2] =	stream.strided.gather [spmem:s0], $0x100, s24, s23, $0x38;
	[tilespmem:$0x1B318] =	vst v63  }
0x1c7: {  	_ =	swait.ge [sflag:s22], $0x100  }
0x1c8: {  	s11 =	sadd.s32 $0xFFFFFFFF, s11;
	[sflag:s22] =	ssyncset.done $0x0  }
.LBB3_38:
0x1c9: {  	[sflag:s22] =	ssyncadd.s32 $0xFFFFFF00  }
0x1ca: {  	s0 =	sadd.s32 $0x800, s0;
	s7 =	sadd.s32 $0x100, s7;
	p1 =	seq.s32 s11, $0x1  }
.Ltmp23:
0x1cb: {  	s11 =	sadd.s32 $0xFFFFFFFF, s11;
	(pc) =	sbr.rel @!p1 .LBB3_38-.Ltmp23, $4  }
0x1cc: {  	_ = 	snop  }
0x1cd: {  	[tilespmem:s7], [sflag:$0x2] =	stream.strided.gather [spmem:s0], $0x100, s24, s23, $0x38;
	[tilespmem:$0x1B318] =	vst v63  }
0x1ce: {  	_ =	swait.ge [sflag:s22], $0x100  }
0x1cf: {  	[sflag:s22] =	ssyncset.done $0x0  }
.LBB3_39:
0x1d0: {  	[sflag:s22] =	ssyncadd.s32 $0xFFFFFF00  }
.LBB3_40:
0x1d1: {  	p1 =	sgt.s32 s1, $0x0  }
.Ltmp24:
0x1d2: {  	_ = 	snop;
	(pc) =	sbr.rel @!p1 .LBB3_44-.Ltmp24, $2  }
0x1d3: {  	_ =	sdelay $0x2  }
0x1d4: {  	s0 =	simm.s32 $0xC000  }
0x1d5: {  	v2 =	vld [tilespmem:s0+$0x0];
	_ =	sdelay $0x4  }
0x1d6: {  	(v2sf) =	vpush v2, $0x0;
	_ =	sdelay $0xe  }
0x1d7: {  	s4 =	spop (v2sf)  }
0x1d8: {  	v3 =	vld [tilespmem:s4+$0x4800];
	_ =	sdelay $0x4  }
0x1d9: {  	(v2sf) =	vpush v3, $0x0;
	_ =	sdelay $0xe  }
0x1da: {  	s7 =	spop (v2sf)  }
0x1db: {  	v3 =	vbroadcast v2, $0x0;
	p1 =	slt.s32 s7, $0x0  }
0x1dc: {  	s11 =	sshrl.u32 s7, $0x1F;
	s7 =	smov.u32 @p1 s30  }
0x1dd: {  	v2 =	vmov s7;
	_ =	sdelay $0x3  }
0x1de: {  	[tilespmem:v3+s25+$0x0] =	vst.idx.msk $0x1, v2  }
0x1df: {  	[tilespmem:v2+s26+$0x0] =	vst.idx.msk $0x1, v3  }
0x1e0: {  	v3 =	vld [tilespmem:s4+$0x2000]  }
0x1e1: {  	v4 =	vld [tilespmem:s7+$0x9800];
	_ =	sdelay $0x3  }
0x1e2: {  	(v2sf) =	vpush v3, $0x0  }
0x1e3: {  	(v2sf) =	vpush v4, $0x0;
	_ =	sdelay $0xd  }
0x1e4: {  	s31 =	spop (v2sf)  }
0x1e5: {  	s7 =	spop (v2sf)  }
0x1e6: {  	s7 =	simm.s32 @p1 $0x0;
	p1 =	seq.s32 s1, $0x1  }
.Ltmp25:
0x1e7: {  	s4 =	sadd.f32 $0.0e+00, s31;
	(pc) =	sbr.rel @p1 .LBB3_43-.Ltmp25, $3  }
0x1e8: {  	_ = 	snop  }
0x1e9: {  	s4 =	sadd.f32 s7, s4;
	_ =	sdelay $0x1  }
0x1ea: {  	s30 =	sadd.s32 s30, s11;
	s1 =	sadd.s32 $0xFFFFFFFF, s1;
	v3 =	vmov s4  }
.LBB3_42:
0x1eb: {  	p1 =	seq.s32 s1, $0x1;
	s1 =	sadd.s32 $0xFFFFFFFF, s1;
	[tilespmem:v2+s28+$0x0] =	vst.idx.msk $0x1, v3;
	s0 =	sadd.s32 $0x1, s0  }
0x1ec: {  	_ = 	snop  }
0x1ed: {  	v2 =	vld [tilespmem:s0+$0x0];
	_ =	sdelay $0x4  }
0x1ee: {  	(v2sf) =	vpush v2, $0x0;
	_ =	sdelay $0xe  }
0x1ef: {  	s4 =	spop (v2sf)  }
0x1f0: {  	v3 =	vld [tilespmem:s4+$0x4800];
	_ =	sdelay $0x4  }
0x1f1: {  	(v2sf) =	vpush v3, $0x0;
	_ =	sdelay $0xe  }
0x1f2: {  	s7 =	spop (v2sf)  }
0x1f3: {  	v3 =	vbroadcast v2, $0x0;
	p2 =	slt.s32 s7, $0x0;
	s11 =	sshrl.u32 s7, $0x1F  }
0x1f4: {  	s7 =	smov.u32 @p2 s30;
	s30 =	sadd.s32 s30, s11  }
0x1f5: {  	v2 =	vmov s7;
	_ =	sdelay $0x3  }
0x1f6: {  	[tilespmem:v3+s25+$0x0] =	vst.idx.msk $0x1, v2  }
0x1f7: {  	[tilespmem:v2+s26+$0x0] =	vst.idx.msk $0x1, v3  }
0x1f8: {  	v3 =	vld [tilespmem:s4+$0x2000]  }
0x1f9: {  	v4 =	vld [tilespmem:s7+$0x9800];
	_ =	sdelay $0x3  }
0x1fa: {  	(v2sf) =	vpush v3, $0x0  }
0x1fb: {  	(v2sf) =	vpush v4, $0x0;
	_ =	sdelay $0xd  }
0x1fc: {  	s4 =	spop (v2sf)  }
0x1fd: {  	s4 =	sadd.f32 $0.0e+00, s4  }
.Ltmp26:
0x1fe: {  	s7 =	spop (v2sf);
	(pc) =	sbr.rel @!p1 .LBB3_42-.Ltmp26, $3  }
0x1ff: {  	s7 =	simm.s32 @p2 $0x0  }
0x200: {  	s4 =	sadd.f32 s7, s4;
	_ =	sdelay $0x1  }
0x201: {  	v3 =	vmov s4  }
.Ltmp27:
0x202: {  	_ = 	snop;
	(pc) =	sbr.rel .LBB3_43-.Ltmp27, $1  }
0x203: {  	_ =	sdelay $0x3  }
.LBB3_28:
.Ltmp28:
0x204: {  	(pc) =	sbr.rel .LBB3_29-.Ltmp28, $2  }
0x205: {  	_ =	sdelay $0x2  }
0x206: {  	s0 =	smul.u32 $0x4E20, s29;
	s1 =	simm.s32 $0x0;
	s11 =	simm.s32 $0x0  }
.LBB3_35:
0x207: {  	s11 =	sadd.s32 $0x1, s11  }
0x208: {  	p1 =	sne.s32 s11, $0x5  }
.Ltmp29:
0x209: {  	_ = 	snop;
	(pc) =	sbr.rel @!p1 .LBB3_44-.Ltmp29, $1  }
0x20a: {  	_ =	sdelay $0x3  }
.LBB3_29:
0x20b: {  	s4 =	smul.u32 $0xFA0, s11;
	_ =	sdelay $0x1  }
0x20c: {  	s4 =	sadd.s32 s0, s4  }
0x20d: {  	s5 =	rddreg [dreg:$0x2];
	s4 =	sshrl.u32 s4, $0x3  }
0x20e: {  	s31 =	simm.s32 $0x1000;
	s7 =	sadd.s32 s5, s4  }
0x20f: {  	[tilespmem:s31], [sflag:$0x2] =	stream.linear.gather [hbm4b:s7+s1], $0xFA0, $0x38;
	[tilespmem:$0x1B318] =	vst v63  }
0x210: {  	_ =	swait.ge [sflag:s22], $0xFA0  }
0x211: {  	[sflag:s22] =	ssyncset.done $0x0  }
0x212: {  	[sflag:s22] =	ssyncadd.s32 $0xFFFFF060  }
0x213: {  	s16 =	rddreg [dreg:$0x1]  }
.Ltmp30:
0x214: {  	s4 =	sadd.s32 s16, s4;
	(pc) =	sbr.rel .LBB3_30-.Ltmp30, $4  }
0x215: {  	[tilespmem:s1], [sflag:$0x2] =	stream.linear.gather [hbm4b:s4+s1], $0xFA0, $0x38;
	[tilespmem:$0x1B318] =	vst v63  }
0x216: {  	_ =	swait.ge [sflag:s22], $0xFA0  }
0x217: {  	[sflag:s22] =	ssyncset.done $0x0  }
0x218: {  	s13 =	simm.s32 $0x0;
	s16 =	simm.s32 $0x0;
	[sflag:s22] =	ssyncadd.s32 $0xFFFFF060  }
.LBB3_34:
0x219: {  	s13 =	sadd.s32 $0x1, s13  }
0x21a: {  	p1 =	sne.s32 s13, $0xFA  }
.Ltmp31:
0x21b: {  	_ = 	snop;
	(pc) =	sbr.rel @!p1 .LBB3_35-.Ltmp31, $2  }
0x21c: {  	_ =	sdelay $0x2  }
0x21d: {  	s16 =	sadd.s32 $0x10, s16;
	s31 =	sadd.s32 $0x10, s31  }
.LBB3_30:
0x21e: {  	s4 =	sshll.u32 s13, $0x4  }
0x21f: {  	v2 =	vld [tilespmem:s4+$0x1000];
	_ =	sdelay $0x4  }
0x220: {  	vm0 =	veq.s32 v2, v0  }
0x221: {  	v2 =	vsel vm0, $0x1, v1  }
0x222: {  	(xrf0) =	vadd.scan.msk.s32 $0xffff, v2;
	_ =	sdelay $0x5  }
0x223: {  	v2, _, _ =	vpop (xrf0)  }
0x224: {  	(v2sf) =	vpush v2, $0xF;
	_ =	sdelay $0xe  }
0x225: {  	s15 =	spop (v2sf)  }
0x226: {  	p1 =	slt.s32 s15, $0x1  }
.Ltmp32:
0x227: {  	_ = 	snop;
	(pc) =	sbr.rel @p1 .LBB3_34-.Ltmp32, $1  }
0x228: {  	_ =	sdelay $0x3  }
0x229: {  	s4 =	sadd.s32 $0x0, s31  }
0x22a: {  	v2 =	vld [tilespmem:s4+$0x0];
	_ =	sdelay $0x4  }
0x22b: {  	(v2sf) =	vpush v2, $0x0;
	_ =	sdelay $0xe  }
0x22c: {  	s15 =	spop (v2sf)  }
0x22d: {  	p1 =	sne.s32 s15, s2  }
0x22e: {  	s4 =	sadd.s32 @!p1 $0x0, s16  }
0x22f: {  	v2 =	vld @!p1 [tilespmem:s4+$0x0];
	_ =	sdelay $0x4  }
0x230: {  	(v2sf) =	vpush @!p1 v2, $0x0;
	_ =	sdelay $0xe  }
0x231: {  	s4 =	spop @!p1 (v2sf)  }
0x232: {  	v3 =	vld @!p1 [tilespmem:s4+$0x4800];
	_ =	sdelay $0x4  }
0x233: {  	(v2sf) =	vpush @!p1 v3, $0x0;
	_ =	sdelay $0xe  }
0x234: {  	s7 =	spop @!p1 (v2sf)  }
0x235: {  	s12 =	sshrl.u32 @!p1 s7, $0x1F;
	p2 =	slt.s32 @!p1 s7, $0x0  }
0x236: {  	v3 =	vbroadcast @!p1 v2, $0x0;
	s14 =	sadd.s32 @!p1 s30, s12;
	p2 =	por !p2, p1  }
0x237: {  	s14 =	smov.u32 @p1 s30;
	s30 =	smov.u32 @p2 s7  }
0x238: {  	v2 =	vmov @!p1 s30;
	_ =	sdelay $0x2  }
0x239: {  	s7 =	simm.s32 @!p1 $0x4800  }
0x23a: {  	[tilespmem:v3+s7+$0x0] =	vst.idx.msk @!p1 $0x1, v2;
	s7 =	simm.s32 @!p1 $0x7000  }
0x23b: {  	[tilespmem:v2+s7+$0x0] =	vst.idx.msk @!p1 $0x1, v3  }
0x23c: {  	v3 =	vld @!p1 [tilespmem:s4+$0x2000]  }
0x23d: {  	v4 =	vld @!p1 [tilespmem:s30+$0x9800];
	_ =	sdelay $0x3  }
0x23e: {  	(v2sf) =	vpush @!p1 v3, $0x0  }
0x23f: {  	(v2sf) =	vpush @!p1 v4, $0x0;
	_ =	sdelay $0xd  }
0x240: {  	s4 =	spop @!p1 (v2sf)  }
0x241: {  	s4 =	sadd.f32 @!p1 $0.0e+00, s4;
	s7 =	spop @!p1 (v2sf)  }
0x242: {  	s7 =	simm.s32 @!p2 $0x0  }
0x243: {  	s4 =	sadd.f32 @!p1 s7, s4;
	_ =	sdelay $0x1  }
0x244: {  	s30 =	simm.s32 $0x4;
	s7 =	simm.s32 $0x8;
	v3 =	vmov @!p1 s4;
	s4 =	simm.s32 @!p1 $0x9800  }
.LBB3_32:
0x245: {  	s15 =	smov.u32 s14  }
0x246: {  	s12 =	sshra.s32 s30, $0x2;
	[tilespmem:v2+s4+$0x0] =	vst.idx.msk @!p1 $0x1, v3;
	s4 =	smov.u32 s7;
	s7 =	sadd.s32 $0x4, s7  }
0x247: {  	s12 =	sadd.s32 s12, s31;
	p2 =	sne.s32 s7, $0x40  }
0x248: {  	v2 =	vld [tilespmem:s12+$0x0];
	_ =	sdelay $0x4  }
0x249: {  	(v2sf) =	vpush v2, $0x0;
	_ =	sdelay $0xe  }
0x24a: {  	s12 =	spop (v2sf)  }
0x24b: {  	p1 =	sne.s32 s12, s2  }
0x24c: {  	s12 =	sshra.s32 @!p1 s30, $0x2;
	s30 =	smov.u32 s4  }
0x24d: {  	s4 =	sadd.s32 @!p1 s12, s16  }
0x24e: {  	v2 =	vld @!p1 [tilespmem:s4+$0x0];
	_ =	sdelay $0x4  }
0x24f: {  	(v2sf) =	vpush @!p1 v2, $0x0;
	_ =	sdelay $0xe  }
0x250: {  	s4 =	spop @!p1 (v2sf)  }
0x251: {  	v3 =	vld @!p1 [tilespmem:s4+$0x4800];
	_ =	sdelay $0x4  }
0x252: {  	(v2sf) =	vpush @!p1 v3, $0x0;
	_ =	sdelay $0xd  }
0x253: {  	v3 =	vbroadcast @!p1 v2, $0x0  }
0x254: {  	s12 =	spop @!p1 (v2sf)  }
0x255: {  	p3 =	slt.s32 @!p1 s12, $0x0;
	s14 =	sshrl.u32 @!p1 s12, $0x1F  }
0x256: {  	p3 =	por !p3, p1;
	s14 =	sadd.s32 @!p1 s15, s14  }
0x257: {  	s14 =	smov.u32 @p1 s15;
	s15 =	smov.u32 @p3 s12  }
0x258: {  	s12 =	simm.s32 @!p1 $0x4800;
	v2 =	vmov @!p1 s15  }
0x259: {  	[tilespmem:v3+s12+$0x0] =	vst.idx.msk @!p1 $0x1, v2;
	_ =	sdelay $0x2  }
0x25a: {  	s12 =	simm.s32 @!p1 $0x7000  }
0x25b: {  	[tilespmem:v2+s12+$0x0] =	vst.idx.msk @!p1 $0x1, v3  }
0x25c: {  	v3 =	vld @!p1 [tilespmem:s4+$0x2000]  }
0x25d: {  	v4 =	vld @!p1 [tilespmem:s15+$0x9800];
	_ =	sdelay $0x3  }
0x25e: {  	(v2sf) =	vpush @!p1 v3, $0x0  }
0x25f: {  	(v2sf) =	vpush @!p1 v4, $0x0;
	_ =	sdelay $0xd  }
0x260: {  	s4 =	spop @!p1 (v2sf)  }
0x261: {  	s4 =	sadd.f32 @!p1 $0.0e+00, s4  }
.Ltmp33:
0x262: {  	s12 =	spop @!p1 (v2sf);
	(pc) =	sbr.rel @p2 .LBB3_32-.Ltmp33, $3  }
0x263: {  	s12 =	simm.s32 @!p3 $0x0  }
0x264: {  	s4 =	sadd.f32 @!p1 s12, s4;
	_ =	sdelay $0x1  }
0x265: {  	v3 =	vmov @!p1 s4;
	s4 =	simm.s32 @!p1 $0x9800  }
0x266: {  	_ =	sdelay $0x2  }
0x267: {  	s7 =	sshra.s32 s30, $0x2  }
0x268: {  	[tilespmem:v2+s4+$0x0] =	vst.idx.msk @!p1 $0x1, v3;
	s12 =	sadd.s32 s7, s31  }
0x269: {  	v2 =	vld [tilespmem:s12+$0x0];
	_ =	sdelay $0x4  }
0x26a: {  	(v2sf) =	vpush v2, $0x0;
	_ =	sdelay $0xe  }
0x26b: {  	s15 =	spop (v2sf)  }
0x26c: {  	p1 =	sne.s32 s15, s2  }
0x26d: {  	s4 =	sshra.s32 @!p1 s30, $0x2  }
0x26e: {  	s4 =	sadd.s32 @!p1 s4, s16  }
0x26f: {  	v2 =	vld @!p1 [tilespmem:s4+$0x0];
	_ =	sdelay $0x4  }
0x270: {  	(v2sf) =	vpush @!p1 v2, $0x0;
	_ =	sdelay $0xe  }
0x271: {  	s4 =	spop @!p1 (v2sf)  }
0x272: {  	v3 =	vld @!p1 [tilespmem:s4+$0x4800];
	_ =	sdelay $0x4  }
0x273: {  	(v2sf) =	vpush @!p1 v3, $0x0;
	_ =	sdelay $0xe  }
0x274: {  	s7 =	spop @!p1 (v2sf)  }
0x275: {  	s12 =	sshrl.u32 @!p1 s7, $0x1F;
	p2 =	slt.s32 @!p1 s7, $0x0  }
0x276: {  	v2 =	vbroadcast @!p1 v2, $0x0;
	s30 =	sadd.s32 @!p1 s14, s12;
	p2 =	por !p2, p1  }
0x277: {  	s30 =	smov.u32 @p1 s14;
	s14 =	smov.u32 @p2 s7  }
0x278: {  	v3 =	vmov @!p1 s14;
	_ =	sdelay $0x2  }
0x279: {  	s7 =	simm.s32 @!p1 $0x4800  }
0x27a: {  	[tilespmem:v2+s7+$0x0] =	vst.idx.msk @!p1 $0x1, v3;
	s7 =	simm.s32 @!p1 $0x7000  }
0x27b: {  	[tilespmem:v3+s7+$0x0] =	vst.idx.msk @!p1 $0x1, v2  }
0x27c: {  	v2 =	vld @!p1 [tilespmem:s4+$0x2000]  }
0x27d: {  	v4 =	vld @!p1 [tilespmem:s14+$0x9800];
	_ =	sdelay $0x3  }
0x27e: {  	(v2sf) =	vpush @!p1 v2, $0x0  }
0x27f: {  	(v2sf) =	vpush @!p1 v4, $0x0;
	_ =	sdelay $0xd  }
0x280: {  	s4 =	spop @!p1 (v2sf)  }
0x281: {  	s4 =	sadd.f32 @!p1 $0.0e+00, s4;
	s7 =	spop @!p1 (v2sf)  }
.Ltmp34:
0x282: {  	s7 =	simm.s32 @!p2 $0x0;
	(pc) =	sbr.rel .LBB3_34-.Ltmp34, $3  }
0x283: {  	s4 =	sadd.f32 @!p1 s7, s4;
	_ =	sdelay $0x1  }
0x284: {  	v2 =	vmov @!p1 s4;
	s4 =	simm.s32 @!p1 $0x9800  }
0x285: {  	[tilespmem:v3+s4+$0x0] =	vst.idx.msk @!p1 $0x1, v2  }
.LBB3_45:
0x286: {  	v1 =	vld [tilespmem:s2+$0x4800];
	_ =	sdelay $0x4  }
0x287: {  	(v2sf) =	vpush v1, $0x0;
	_ =	sdelay $0xe  }
0x288: {  	s0 =	spop (v2sf)  }
0x289: {  	p1 =	slt.s32 s0, $0x0;
	s1 =	smov.u32 s0  }
0x28a: {  	s1 =	smov.u32 @p1 s30  }
0x28b: {  	v61 =	vmov s1;
	_ =	sdelay $0x2  }
0x28c: {  	s4 =	simm.s32 $0x4800  }
0x28d: {  	s7 =	simm.s32 $0x7000;
	[tilespmem:v0+s4+$0x0] =	vst.idx.msk $0x1, v61  }
0x28e: {  	[tilespmem:v61+s7+$0x0] =	vst.idx.msk $0x1, v0  }
0x28f: {  	v0 =	vld [tilespmem:s2+$0x2000]  }
0x290: {  	v2 =	vld [tilespmem:s1+$0x9800];
	_ =	sdelay $0x3  }
0x291: {  	(v2sf) =	vpush v0, $0x0  }
0x292: {  	(v2sf) =	vpush v2, $0x0;
	_ =	sdelay $0xd  }
0x293: {  	s23 =	spop (v2sf)  }
0x294: {  	s1 =	sadd.f32 $0.0e+00, s23;
	s11 =	spop (v2sf)  }
0x295: {  	s11 =	simm.s32 @p1 $0x0  }
0x296: {  	s1 =	sadd.f32 s11, s1  }
0x297: {  	s0 =	sshrl.u32 s0, $0x1F  }
0x298: {  	s24 =	simm.s32 $0x9800;
	s0 =	sadd.s32 s30, s0;
	v62 =	vmov s1  }
0x299: {  	v63 =	vmov s0;
	[tilespmem:v61+s24+$0x0] =	vst.idx.msk $0x1, v62  }
0x29a: {  	s25 =	simm.s32 $0xF880;
	s29 =	rddreg [dreg:$0xd];
	s26 =	simm.s32 $0x2;
	[tilespmem:$0xF880] =	vst v63  }
0x29b: {  	[spmem:s29] =	stream.linear.scatter [tilespmem:s25], [sflag:$0x2], $0x80, $0x38;
	[tilespmem:$0x1B318] =	vst v63  }
0x29c: {  	_ =	swait.ge [sflag:s26], $0x80  }
0x29d: {  	[sflag:s26] =	ssyncset.done $0x0  }
0x29e: {  	[sflag:s26] =	ssyncadd.s32 $0xFFFFFF80  }
0x29f: {  	[spmem:s17] =	stream.linear.scatter [tilespmem:s4], [sflag:$0x2], $0x2800, $0x38;
	[tilespmem:$0x1B318] =	vst v63  }
0x2a0: {  	_ =	swait.ge [sflag:s26], $0x2800  }
0x2a1: {  	[sflag:s26] =	ssyncset.done $0x0  }
0x2a2: {  	s30 =	rddreg [dreg:$0x11];
	[sflag:s26] =	ssyncadd.s32 $0xFFFFD800  }
0x2a3: {  	[spmem:s30] =	stream.linear.scatter [tilespmem:s7], [sflag:$0x2], $0x2800, $0x38;
	[tilespmem:$0x1B318] =	vst v63  }
0x2a4: {  	_ =	swait.ge [sflag:s26], $0x2800  }
0x2a5: {  	[sflag:s26] =	ssyncset.done $0x0  }
0x2a6: {  	[sflag:s26] =	ssyncadd.s32 $0xFFFFD800  }
0x2a7: {  	s31 =	simm.s32 $0x0;
	s5 =	rddreg [dreg:$0x5]  }
0x2a8: {  	[hbm4b:s5+s31] =	stream.linear.scatter [tilespmem:s24], [sflag:$0x2], $0x2800, $0x38;
	[tilespmem:$0x1B318] =	vst v63  }
0x2a9: {  	_ =	swait.ge [sflag:s26], $0x2800  }
0x2aa: {  	[sflag:s26] =	ssyncset.done $0x0  }
0x2ab: {  	[sflag:s26] =	ssyncadd.s32 $0xFFFFD800  }
0x2ac: {  	s28 =	rddreg [dreg:$0x4]  }
.LBB3_46:
0x2ad: {  	[bflag:$0x0] =	sbarrier.arrive $0xFFFF;
	s16 =	simm.s32 $0x4800  }
0x2ae: {  	[tilespmem:s16], [sflag:$0x2] =	stream.linear.gather [spmem:s17], $0x2800, $0x38;
	[tilespmem:$0x1B318] =	vst v63  }
0x2af: {  	_ =	swait.ge [sflag:s21], $0x2800  }
0x2b0: {  	[sflag:s21] =	ssyncset.done $0x0  }
0x2b1: {  	s0 =	simm.s32 $0x7000;
	[sflag:s21] =	ssyncadd.s32 $0xFFFFD800  }
0x2b2: {  	[tilespmem:s0], [sflag:$0x2] =	stream.linear.gather [spmem:s30], $0x2800, $0x38;
	[tilespmem:$0x1B318] =	vst v63  }
0x2b3: {  	_ =	swait.ge [sflag:s21], $0x2800  }
0x2b4: {  	[sflag:s21] =	ssyncset.done $0x0  }
0x2b5: {  	s26 =	simm.s32 $0xF880;
	[sflag:s21] =	ssyncadd.s32 $0xFFFFD800  }
0x2b6: {  	[tilespmem:s26], [sflag:$0x2] =	stream.linear.gather [spmem:s29], $0x80, $0x38;
	[tilespmem:$0x1B318] =	vst v63  }
0x2b7: {  	_ =	swait.ge [sflag:s21], $0x80  }
0x2b8: {  	[sflag:s21] =	ssyncset.done $0x0  }
0x2b9: {  	[sflag:s21] =	ssyncadd.s32 $0xFFFFFF80  }
0x2ba: {  	v0 =	vld [tilespmem:$0xF880];
	_ =	sdelay $0x4  }
0x2bb: {  	(v2sf) =	vpush v0, $0x0;
	_ =	sdelay $0xe  }
0x2bc: {  	s30 =	spop (v2sf)  }
0x2bd: {  	s0 =	sadd.s32 $0xFFF, s30  }
0x2be: {  	s1 =	sand.u32 $0xFFF, s0  }
0x2bf: {  	s4 =	sshra.s32 s0, $0x1F;
	p1 =	slt.s32 s0, $0x1;
	p2 =	sne.s32 s1, $0x0  }
0x2c0: {  	s31 =	sshrl.u32 s4, $0x14;
	p1 =	por !p1, !p2  }
0x2c1: {  	s1 =	simm.s32 $0x1;
	s0 =	sadd.s32 s31, s0;
	p1 =	por !p1, !p1  }
0x2c2: {  	s0 =	sshra.s32 s0, $0xC;
	s1 =	simm.s32 @!p1 $0x0  }
0x2c3: {  	s0 =	ssub.s32 s0, s1  }
0x2c4: {  	p1 =	slt.s32 s0, $0x1  }
.Ltmp35:
0x2c5: {  	_ = 	snop;
	(pc) =	sbr.rel @p1 .LBB3_80-.Ltmp35, $3  }
0x2c6: {  	_ =	sdelay $0x1  }
0x2c7: {  	[dreg:$0x12] =	wrdreg s30  }
0x2c8: {  	s17 =	simm.s32 $0x1;
	[dreg:$0x13] =	wrdreg s0  }
.Ltmp36:
0x2c9: {  	(pc) =	sbr.rel .LBB3_48-.Ltmp36, $4  }
0x2ca: {  	s0 =	stileid.u32;
	s18 =	simm.s32 $0x0;
	s20 =	simm.s32 $0xE880  }
0x2cb: {  	s21 =	simm.s32 $0x2;
	s22 =	simm.s32 $0xC880;
	s23 =	simm.s32 $0xD880  }
0x2cc: {  	v1 =	vimm.f32 $0.0e+00;
	s24 =	simm.s32 $0x2000;
	s25 =	simm.s32 $0x10;
	s0 =	sshll.u32 s0, $0x8  }
0x2cd: {  	v2 =	vimm.s32 $0x0;
	s26 =	simm.s32 $0xF900;
	v3 =	vlaneseq.u32;
	v4 =	vmov s19;
	s5 =	sadd.s32 s0, s28;
	s28 =	simm.s32 $0xF980  }
.LBB3_71:
0x2ce: {  	[bflag:$0x0] =	sbarrier.arrive $0xFFFF  }
.LBB3_79:
0x2cf: {  	s18 =	sadd.s32 $0x1, s18;
	s0 =	rddreg [dreg:$0x13]  }
0x2d0: {  	p1 =	seq.s32 s18, s0  }
.Ltmp37:
0x2d1: {  	_ = 	snop;
	(pc) =	sbr.rel @p1 .LBB3_80-.Ltmp37, $3  }
0x2d2: {  	_ =	sdelay $0x1  }
0x2d3: {  	[bflag:$0x0] =	sbarrier.arrive $0xFFFF  }
0x2d4: {  	s5 =	sadd.s32 $0x10000, s5  }
.LBB3_48:
0x2d5: {  	s0 =	simm.s32 $0x0;
	s1 =	simm.s32 $0x200  }
.LBB3_49:
0x2d6: {  	p1 =	seq.s32 s1, $0x1E00;
	[tilespmem:s0+$0xE8F0] =	vst v1  }
0x2d7: {  	[tilespmem:s0+$0xE880] =	vst v1  }
0x2d8: {  	[tilespmem:s0+$0xE890] =	vst v1  }
.Ltmp38:
0x2d9: {  	[tilespmem:s0+$0xE8A0] =	vst v1;
	(pc) =	sbr.rel @!p1 .LBB3_49-.Ltmp38, $4  }
0x2da: {  	[tilespmem:s0+$0xE8B0] =	vst v1  }
0x2db: {  	[tilespmem:s0+$0xE8C0] =	vst v1  }
0x2dc: {  	[tilespmem:s0+$0xE8D0] =	vst v1  }
0x2dd: {  	[tilespmem:s0+$0xE8E0] =	vst v1;
	s0 =	sshra.s32 s1, $0x2;
	s1 =	sadd.s32 $0x200, s1  }
0x2de: {  	[tilespmem:s0+$0xE8F0] =	vst v1;
	s19 =	sshll.u32 s18, $0xC;
	s12 =	rddreg [dreg:$0x12]  }
0x2df: {  	[tilespmem:s0+$0xE880] =	vst v1;
	s30 =	ssub.s32 s12, s19  }
0x2e0: {  	[tilespmem:s0+$0xE890] =	vst v1;
	p1 =	slt.s32 s30, $0x1000  }
0x2e1: {  	[tilespmem:s0+$0xE8A0] =	vst v1;
	p2 =	slt.s32 s30, $0xFFFFFFF2;
	s30 =	simm.s32 @!p1 $0x1000  }
0x2e2: {  	[tilespmem:s0+$0xE8B0] =	vst v1;
	s13 =	sadd.s32 $0xF, s30  }
0x2e3: {  	[tilespmem:s0+$0xE8C0] =	vst v1;
	s1 =	sshra.s32 s13, $0x1F;
	s4 =	sand.u32 $0xF, s13  }
0x2e4: {  	[tilespmem:s0+$0xE8D0] =	vst v1;
	s1 =	sshrl.u32 s1, $0x1C;
	p4 =	sne.s32 s4, $0x0  }
0x2e5: {  	[tilespmem:s0+$0xE8E0] =	vst v1;
	s14 =	stileid.u32;
	s0 =	sadd.s32 s1, s13;
	p1 =	por !p2, !p4  }
0x2e6: {  	s1 =	simm.s32 $0x1;
	s0 =	sshra.s32 s0, $0x4;
	p1 =	por !p1, !p1  }
0x2e7: {  	s0 =	ssub.s32 s0, s14;
	s1 =	simm.s32 @!p1 $0x0  }
0x2e8: {  	s0 =	ssub.s32 s0, s1  }
0x2e9: {  	s1 =	sadd.s32 $0xF, s0  }
0x2ea: {  	s15 =	sand.u32 $0xF, s1  }
0x2eb: {  	p5 =	slt.s32 s0, $0xFFFFFFF2;
	s31 =	sshra.s32 s1, $0x1F;
	p6 =	sne.s32 s15, $0x0  }
0x2ec: {  	s0 =	sshrl.u32 s31, $0x1C;
	p1 =	por !p5, !p6  }
0x2ed: {  	s0 =	sadd.s32 s0, s1;
	s1 =	simm.s32 $0x1;
	p1 =	por !p1, !p1  }
0x2ee: {  	s0 =	sshra.s32 s0, $0x4;
	s1 =	simm.s32 @!p1 $0x0  }
0x2ef: {  	s29 =	ssub.s32 s0, s1  }
0x2f0: {  	p1 =	sgt.s32 s29, $0x0  }
.Ltmp39:
0x2f1: {  	_ = 	snop;
	(pc) =	sbr.rel @!p1 .LBB3_54-.Ltmp39, $1  }
0x2f2: {  	_ =	sdelay $0x3  }
0x2f3: {  	p2 =	sne.s32 s29, $0x1  }
.Ltmp40:
0x2f4: {  	_ = 	snop;
	(pc) =	sbr.rel @!p2 .LBB3_53-.Ltmp40, $4  }
0x2f5: {  	s1 =	rddreg [dreg:$0x10]  }
0x2f6: {  	[spmem:s1] =	stream.linear.scatter [tilespmem:s20], [sflag:$0x2], $0x800, $0x38;
	[tilespmem:$0x1B318] =	vst v63  }
0x2f7: {  	_ =	swait.ge [sflag:s21], $0x800  }
0x2f8: {  	s0 =	sadd.s32 $0xFFFFFFFF, s29;
	[sflag:s21] =	ssyncset.done $0x0  }
.LBB3_52:
0x2f9: {  	p2 =	sne.s32 s0, $0x1;
	[sflag:s21] =	ssyncadd.s32 $0xFFFFF800;
	s1 =	sadd.s32 $0x8000, s1  }
.Ltmp41:
0x2fa: {  	s0 =	sadd.s32 $0xFFFFFFFF, s0;
	(pc) =	sbr.rel @p2 .LBB3_52-.Ltmp41, $4  }
0x2fb: {  	_ = 	snop  }
0x2fc: {  	[spmem:s1] =	stream.linear.scatter [tilespmem:s20], [sflag:$0x2], $0x800, $0x38;
	[tilespmem:$0x1B318] =	vst v63  }
0x2fd: {  	_ =	swait.ge [sflag:s21], $0x800  }
0x2fe: {  	[sflag:s21] =	ssyncset.done $0x0  }
.LBB3_53:
0x2ff: {  	[sflag:s21] =	ssyncadd.s32 $0xFFFFF800  }
.LBB3_54:
.Ltmp42:
0x300: {  	(pc) =	sbr.rel .LBB3_55-.Ltmp42, $4  }
0x301: {  	_ = 	snop  }
0x302: {  	[dreg:$0x14] =	wrdreg s5  }
0x303: {  	s31 =	sadd.s32 s19, s30;
	[bflag:$0x0] =	sbarrier.arrive $0xFFFF  }
0x304: {  	v5 =	vmov s19;
	s0 =	simm.s32 $0x0;
	s11 =	simm.s32 $0x0;
	s1 =	simm.s32 $0x0;
	v6 =	vmov s31  }
.LBB3_65:
0x305: {  	s4 =	sshll.u32 s7, $0x4  }
0x306: {  	v7 =	vld [tilespmem:s4+$0xC880];
	_ =	sdelay $0x4  }
0x307: {  	s1 =	sadd.s32 $0x1, s1;
	[tilespmem:$0xC880] =	vst v7  }
0x308: {  	p2 =	sne.s32 s1, $0x5;
	v7 =	vld [tilespmem:s4+$0xD880]  }
.Ltmp43:
0x309: {  	_ = 	snop;
	(pc) =	sbr.rel @!p2 .LBB3_66-.Ltmp43, $2  }
0x30a: {  	_ =	sdelay $0x2  }
0x30b: {  	s11 =	ssub.s32 s11, s4;
	[tilespmem:$0xD880] =	vst v7  }
.LBB3_55:
0x30c: {  	s4 =	smul.u32 $0xFA0, s1;
	_ =	sdelay $0x1  }
0x30d: {  	s4 =	sadd.s32 s8, s4  }
0x30e: {  	s5 =	rddreg [dreg:$0x2];
	s4 =	sshrl.u32 s4, $0x3  }
0x30f: {  	s7 =	simm.s32 $0x1000;
	s12 =	sadd.s32 s5, s4  }
0x310: {  	[tilespmem:s7], [sflag:$0x2] =	stream.linear.gather [hbm4b:s12+s0], $0xFA0, $0x38;
	[tilespmem:$0x1B318] =	vst v63  }
0x311: {  	_ =	swait.ge [sflag:s21], $0xFA0  }
0x312: {  	[sflag:s21] =	ssyncset.done $0x0  }
0x313: {  	[sflag:s21] =	ssyncadd.s32 $0xFFFFF060  }
0x314: {  	s15 =	rddreg [dreg:$0x1]  }
.Ltmp44:
0x315: {  	s4 =	sadd.s32 s15, s4;
	(pc) =	sbr.rel .LBB3_56-.Ltmp44, $4  }
0x316: {  	[tilespmem:s0], [sflag:$0x2] =	stream.linear.gather [hbm4b:s4+s0], $0xFA0, $0x38;
	[tilespmem:$0x1B318] =	vst v63  }
0x317: {  	_ =	swait.ge [sflag:s21], $0xFA0  }
0x318: {  	[sflag:s21] =	ssyncset.done $0x0  }
0x319: {  	s14 =	simm.s32 $0x0;
	s15 =	simm.s32 $0x0;
	[sflag:s21] =	ssyncadd.s32 $0xFFFFF060  }
.LBB3_60:
0x31a: {  	s15 =	sadd.s32 $0x1, s15  }
0x31b: {  	p2 =	sne.s32 s15, $0xFA  }
.Ltmp45:
0x31c: {  	_ = 	snop;
	(pc) =	sbr.rel @!p2 .LBB3_61-.Ltmp45, $2  }
0x31d: {  	_ =	sdelay $0x2  }
0x31e: {  	s14 =	sadd.s32 $0x10, s14;
	s7 =	sadd.s32 $0x10, s7  }
.LBB3_56:
0x31f: {  	s4 =	sshll.u32 s15, $0x4  }
0x320: {  	v7 =	vld [tilespmem:s4+$0x1000];
	_ =	sdelay $0x7  }
0x321: {  	v7 =	vld.idx.msk [tilespmem:v7+s16+$0x0], $0xffff;
	_ =	sdelay $0x4  }
0x322: {  	vm0 =	vge.s32 v7, v5;
	vm1 =	vlt.s32 v7, v6  }
0x323: {  	vm0 =	vmand vm0, vm1  }
0x324: {  	v7 =	vsel vm0, $0x1, v2  }
0x325: {  	(xrf0) =	vadd.scan.msk.s32 $0xffff, v7;
	_ =	sdelay $0x5  }
0x326: {  	v7, _, _ =	vpop (xrf0)  }
0x327: {  	(v2sf) =	vpush v7, $0xF;
	_ =	sdelay $0xe  }
0x328: {  	s13 =	spop (v2sf)  }
0x329: {  	p2 =	slt.s32 s13, $0x1  }
.Ltmp46:
0x32a: {  	_ = 	snop;
	(pc) =	sbr.rel @p2 .LBB3_60-.Ltmp46, $1  }
0x32b: {  	_ =	sdelay $0x3  }
0x32c: {  	s4 =	sadd.s32 $0x0, s7  }
0x32d: {  	v7 =	vld [tilespmem:s4+$0x0];
	_ =	sdelay $0x4  }
0x32e: {  	(v2sf) =	vpush v7, $0x0;
	_ =	sdelay $0xe  }
0x32f: {  	s5 =	spop (v2sf)  }
0x330: {  	v7 =	vld [tilespmem:s5+$0x4800];
	_ =	sdelay $0x4  }
0x331: {  	(v2sf) =	vpush v7, $0x0;
	_ =	sdelay $0xa  }
0x332: {  	s12 =	sadd.s32 $0x0, s14  }
0x333: {  	v8 =	vmov s11;
	v7 =	vld.msk [tilespmem:s12+$0x0 ss:$0x0], $0xffff;
	_ =	sdelay $0x2  }
0x334: {  	s13 =	spop (v2sf)  }
0x335: {  	s12 =	ssub.s32 s13, s19;
	p2 =	sge.s32 s13, s19;
	p3 =	slt.s32 s13, s31  }
0x336: {  	[tilespmem:v8+s22+$0x0] =	vst.idx.msk $0x1, v7;
	v7 =	vmov s12;
	p2 =	por !p2, !p3  }
0x337: {  	s4 =	simm.s32 $0x1;
	s13 =	sadd.s32 $0x1, s7;
	[tilespmem:v8+s23+$0x0] =	vst.idx.msk $0x1, v7;
	p2 =	por !p2, !p2  }
0x338: {  	s12 =	simm.s32 $0x8;
	v7 =	vld [tilespmem:s13+$0x0];
	s13 =	sadd.s32 $0x1, s14;
	s4 =	simm.s32 @!p2 $0x0  }
.LBB3_58:
0x339: {  	p2 =	sne.s32 s12, $0x3C  }
0x33a: {  	s11 =	sadd.s32 s4, s11;
	s4 =	smov.u32 s12;
	s12 =	sadd.s32 $0x4, s12  }
0x33b: {  	_ =	sdelay $0x2  }
0x33c: {  	(v2sf) =	vpush v7, $0x0;
	_ =	sdelay $0xa  }
0x33d: {  	v7 =	vld.msk [tilespmem:s13+$0x0 ss:$0x0], $0xffff  }
0x33e: {  	v8 =	vmov s11;
	_ =	sdelay $0x2  }
0x33f: {  	s13 =	spop (v2sf)  }
0x340: {  	v9 =	vld [tilespmem:s13+$0x4800]  }
0x341: {  	[tilespmem:v8+s22+$0x0] =	vst.idx.msk $0x1, v7;
	_ =	sdelay $0x3  }
0x342: {  	(v2sf) =	vpush v9, $0x0;
	_ =	sdelay $0xe  }
.Ltmp47:
0x343: {  	s4 =	sshra.s32 s4, $0x2;
	s13 =	spop (v2sf);
	(pc) =	sbr.rel @p2 .LBB3_58-.Ltmp47, $4  }
0x344: {  	s5 =	ssub.s32 s13, s19;
	p3 =	sge.s32 s13, s19;
	p4 =	slt.s32 s13, s31  }
0x345: {  	s13 =	sadd.s32 s4, s14;
	v7 =	vmov s5;
	p3 =	por !p3, !p4  }
0x346: {  	s5 =	sadd.s32 s4, s7;
	s4 =	simm.s32 $0x1;
	[tilespmem:v8+s23+$0x0] =	vst.idx.msk $0x1, v7;
	p3 =	por !p3, !p3  }
0x347: {  	v7 =	vld [tilespmem:s5+$0x0];
	s4 =	simm.s32 @!p3 $0x0  }
0x348: {  	_ =	sdelay $0x3  }
0x349: {  	(v2sf) =	vpush v7, $0x0;
	_ =	sdelay $0xe  }
0x34a: {  	s5 =	spop (v2sf)  }
0x34b: {  	v7 =	vld [tilespmem:s5+$0x4800];
	_ =	sdelay $0x4  }
0x34c: {  	(v2sf) =	vpush v7, $0x0;
	_ =	sdelay $0xc  }
0x34d: {  	s4 =	sadd.s32 s4, s11  }
0x34e: {  	v8 =	vmov s4;
	v7 =	vld.msk [tilespmem:s13+$0x0 ss:$0x0], $0xffff  }
0x34f: {  	s13 =	spop (v2sf)  }
.Ltmp48:
0x350: {  	p2 =	sge.s32 s13, s19;
	p3 =	slt.s32 s13, s31;
	(pc) =	sbr.rel .LBB3_60-.Ltmp48, $4  }
0x351: {  	p2 =	por !p2, !p3  }
0x352: {  	s11 =	simm.s32 $0x1;
	s5 =	ssub.s32 s13, s19;
	p2 =	por !p2, !p2  }
0x353: {  	[tilespmem:v8+s22+$0x0] =	vst.idx.msk $0x1, v7;
	v7 =	vmov s5;
	s11 =	simm.s32 @!p2 $0x0  }
0x354: {  	[tilespmem:v8+s23+$0x0] =	vst.idx.msk $0x1, v7;
	s11 =	sadd.s32 s11, s4  }
.LBB3_61:
0x355: {  	s4 =	sand.u32 $0xF, s11  }
0x356: {  	s5 =	sshra.s32 s11, $0x1F;
	p2 =	slt.s32 s11, $0x1;
	p3 =	sne.s32 s4, $0x0  }
0x357: {  	s15 =	sshrl.u32 s5, $0x1C;
	p2 =	por !p2, !p3  }
0x358: {  	s5 =	simm.s32 $0x1;
	s4 =	sadd.s32 s15, s11;
	p2 =	por !p2, !p2  }
0x359: {  	s4 =	sshra.s32 s4, $0x4;
	s5 =	simm.s32 @!p2 $0x0  }
0x35a: {  	s7 =	ssub.s32 s4, s5  }
0x35b: {  	p2 =	slt.s32 s7, $0x1  }
.Ltmp49:
0x35c: {  	_ = 	snop;
	(pc) =	sbr.rel @p2 .LBB3_65-.Ltmp49, $2  }
0x35d: {  	_ =	sdelay $0x2  }
0x35e: {  	s14 =	simm.s32 $0x0  }
.LBB3_62:
0x35f: {  	s4 =	sshll.u32 s14, $0x4  }
0x360: {  	v7 =	vld [tilespmem:s4+$0xC880];
	_ =	sdelay $0x6  }
0x361: {  	v8 =	vld [tilespmem:s4+$0xD880]  }
0x362: {  	v9 =	vld.idx.msk [tilespmem:v7+s24+$0x0], $0xffff;
	_ =	sdelay $0x2  }
0x363: {  	[tilespmem:$0xF900] =	vst v7  }
0x364: {  	[tilespmem:$0xF980] =	vst v8  }
0x365: {  	[tilespmem:$0xFA00] =	vst v9  }
0x366: {  	[tilespmem:s20], [sflag:$0x1] =	stream.indirect.gather [hbm4b:s3+s25], $0x80, s26, s25, $0xb8;
	[tilespmem:$0x1B318] =	vst v63  }
0x367: {  	_ =	swait.ge [sflag:s17], $0x800  }
0x368: {  	[sflag:s17] =	ssyncset.done $0x0  }
0x369: {  	s15 =	simm.s32 $0xE8C0;
	[sflag:s17] =	ssyncadd.s32 $0xFFFFF800  }
0x36a: {  	v11 =	vld [tilespmem:s15+$0x30]  }
0x36b: {  	v14 =	vld [tilespmem:s15+$0x10]  }
0x36c: {  	s13 =	simm.s32 $0x0;
	v12 =	vld [tilespmem:s15+$0xFFFFFFC0]  }
0x36d: {  	v8 =	vld.msk [tilespmem:s13+$0xFA00 ss:$0x0], $0xffff  }
0x36e: {  	v16 =	vld [tilespmem:s15+$0xFFFFFFE0]  }
0x36f: {  	v7 =	vld [tilespmem:s15+$0xFFFFFFF0]  }
0x370: {  	v9 =	vld [tilespmem:s15+$0x20]  }
0x371: {  	v10 =	vld [tilespmem:s15+$0xFFFFFFD0]  }
0x372: {  	v15 =	vmul.f32 v11, v8;
	v11 =	vld [tilespmem:s15+$0x0]  }
0x373: {  	v13 =	vmul.f32 v8, v12  }
0x374: {  	s12 =	simm.s32 $0x4;
	s13 =	simm.s32 $0xE8C0;
	v12 =	vmul.f32 v16, v8;
	v14 =	vmul.f32 v14, v8  }
.LBB3_63:
0x375: {  	p2 =	sne.s32 s12, $0x3C  }
0x376: {  	v10 =	vmul.f32 v10, v8;
	v9 =	vmul.f32 v9, v8;
	[tilespmem:s15+$0x30] =	vst v15;
	s13 =	sadd.s32 $0x80, s13;
	s4 =	smov.u32 s12;
	s12 =	sadd.s32 $0x4, s12  }
0x377: {  	[tilespmem:s15+$0xFFFFFFC0] =	vst v13;
	v13 =	vmul.f32 v7, v8;
	v8 =	vmul.f32 v11, v8  }
0x378: {  	[tilespmem:s15+$0x10] =	vst v14  }
0x379: {  	[tilespmem:s15+$0xFFFFFFE0] =	vst v12  }
0x37a: {  	v7 =	vld [tilespmem:s13+$0xFFFFFFF0];
	[tilespmem:s15+$0xFFFFFFF0] =	vst v13  }
0x37b: {  	v12 =	vld [tilespmem:s13+$0x30];
	[tilespmem:s15+$0x0] =	vst v8  }
0x37c: {  	v14 =	vld [tilespmem:s13+$0x10];
	[tilespmem:s15+$0x20] =	vst v9  }
0x37d: {  	s4 =	sshra.s32 s4, $0x2;
	v13 =	vld [tilespmem:s13+$0xFFFFFFC0];
	[tilespmem:s15+$0xFFFFFFD0] =	vst v10;
	s15 =	smov.u32 s13  }
0x37e: {  	v8 =	vld.msk [tilespmem:s4+$0xFA00 ss:$0x0], $0xffff  }
0x37f: {  	v16 =	vld [tilespmem:s13+$0xFFFFFFE0]  }
0x380: {  	v9 =	vld [tilespmem:s13+$0x20]  }
.Ltmp50:
0x381: {  	v10 =	vld [tilespmem:s13+$0xFFFFFFD0];
	(pc) =	sbr.rel @p2 .LBB3_63-.Ltmp50, $3  }
0x382: {  	v11 =	vld [tilespmem:s13+$0x0];
	_ =	sdelay $0x1  }
0x383: {  	v13 =	vmul.f32 v8, v13;
	v15 =	vmul.f32 v12, v8  }
0x384: {  	v14 =	vmul.f32 v14, v8;
	v12 =	vmul.f32 v16, v8  }
0x385: {  	[tilespmem:s15+$0x30] =	vst v15  }
0x386: {  	[tilespmem:s15+$0xFFFFFFC0] =	vst v13  }
0x387: {  	v7 =	vmul.f32 v7, v8;
	[tilespmem:s15+$0x10] =	vst v14  }
0x388: {  	v9 =	vmul.f32 v9, v8;
	[tilespmem:s15+$0xFFFFFFE0] =	vst v12  }
0x389: {  	v11 =	vmul.f32 v11, v8;
	[tilespmem:s15+$0xFFFFFFF0] =	vst v7  }
0x38a: {  	v7 =	vmul.f32 v10, v8;
	[tilespmem:s15+$0x20] =	vst v9  }
0x38b: {  	s14 =	sadd.s32 $0x1, s14;
	[tilespmem:s15+$0x0] =	vst v11  }
0x38c: {  	p2 =	sne.s32 s14, s7;
	[tilespmem:s15+$0xFFFFFFD0] =	vst v7  }
0x38d: {  	[spmem:s6] =	stream.indirect.scatter.add.f32 [tilespmem:s20], [sflag:$0x2], $0x80, s28, s25, $0xb8;
	[tilespmem:$0x1B318] =	vst v63  }
.Ltmp51:
0x38e: {  	_ = 	snop;
	(pc) =	sbr.rel @p2 .LBB3_62-.Ltmp51, $4  }
.Ltmp52:
0x38f: {  	_ = 	snop;
	(pc) =	sbr.rel @!p2 .LBB3_65-.Ltmp52, $4  }
0x390: {  	_ =	swait.ge [sflag:s21], $0x800  }
0x391: {  	[sflag:s21] =	ssyncset.done $0x0  }
0x392: {  	[sflag:s21] =	ssyncadd.s32 $0xFFFFF800  }
0x393: {  	_ = 	snop  }
.LBB3_66:
0x394: {  	p2 =	slt.s32 s11, $0x1  }
.Ltmp53:
0x395: {  	_ = 	snop;
	(pc) =	sbr.rel @p2 .LBB3_70-.Ltmp53, $2  }
0x396: {  	_ =	sdelay $0x2  }
0x397: {  	s5 =	rddreg [dreg:$0x14]  }
0x398: {  	v5 =	vld [tilespmem:$0xC880];
	_ =	sdelay $0x2  }
0x399: {  	v6 =	vmov s11  }
0x39a: {  	vm0 =	vgt.s32 v6, v3  }
0x39b: {  	v5 =	vnsel vm0, $0x0, v5;
	_ =	sdelay $0x4  }
0x39c: {  	v6 =	vld.idx.msk [tilespmem:v5+s24+$0x0], $0xffff;
	_ =	sdelay $0x3  }
0x39d: {  	v7 =	vnsel vm0, $0x1000, v7;
	[tilespmem:$0xF900] =	vst v5  }
0x39e: {  	[tilespmem:$0xF980] =	vst v7;
	v5 =	vnsel vm0, $0x0, v6  }
0x39f: {  	[tilespmem:$0xFA00] =	vst v5  }
0x3a0: {  	[tilespmem:s20], [sflag:$0x1] =	stream.indirect.gather [hbm4b:s3+s25], $0x80, s26, s25, $0xb8;
	[tilespmem:$0x1B318] =	vst v63  }
0x3a1: {  	_ =	swait.ge [sflag:s17], $0x800  }
0x3a2: {  	[sflag:s17] =	ssyncset.done $0x0  }
0x3a3: {  	s0 =	simm.s32 $0xE8C0;
	[sflag:s17] =	ssyncadd.s32 $0xFFFFF800  }
0x3a4: {  	v9 =	vld [tilespmem:s0+$0x30]  }
0x3a5: {  	v12 =	vld [tilespmem:s0+$0x10]  }
0x3a6: {  	s1 =	simm.s32 $0x0;
	v10 =	vld [tilespmem:s0+$0xFFFFFFC0]  }
0x3a7: {  	v6 =	vld.msk [tilespmem:s1+$0xFA00 ss:$0x0], $0xffff  }
0x3a8: {  	v14 =	vld [tilespmem:s0+$0xFFFFFFE0]  }
0x3a9: {  	v5 =	vld [tilespmem:s0+$0xFFFFFFF0]  }
0x3aa: {  	v7 =	vld [tilespmem:s0+$0x20]  }
0x3ab: {  	v8 =	vld [tilespmem:s0+$0xFFFFFFD0]  }
0x3ac: {  	v13 =	vmul.f32 v9, v6;
	v9 =	vld [tilespmem:s0+$0x0]  }
0x3ad: {  	v11 =	vmul.f32 v6, v10  }
0x3ae: {  	s7 =	simm.s32 $0xE8C0;
	s1 =	simm.s32 $0x4;
	v10 =	vmul.f32 v14, v6;
	v12 =	vmul.f32 v12, v6  }
.LBB3_68:
0x3af: {  	p2 =	sne.s32 s1, $0x3C  }
0x3b0: {  	v8 =	vmul.f32 v8, v6;
	v7 =	vmul.f32 v7, v6;
	[tilespmem:s0+$0x30] =	vst v13;
	s7 =	sadd.s32 $0x80, s7;
	s4 =	smov.u32 s1;
	s1 =	sadd.s32 $0x4, s1  }
0x3b1: {  	[tilespmem:s0+$0xFFFFFFC0] =	vst v11;
	v11 =	vmul.f32 v5, v6;
	v6 =	vmul.f32 v9, v6  }
0x3b2: {  	[tilespmem:s0+$0x10] =	vst v12  }
0x3b3: {  	[tilespmem:s0+$0xFFFFFFE0] =	vst v10  }
0x3b4: {  	v5 =	vld [tilespmem:s7+$0xFFFFFFF0];
	[tilespmem:s0+$0xFFFFFFF0] =	vst v11  }
0x3b5: {  	v10 =	vld [tilespmem:s7+$0x30];
	[tilespmem:s0+$0x0] =	vst v6  }
0x3b6: {  	v12 =	vld [tilespmem:s7+$0x10];
	[tilespmem:s0+$0x20] =	vst v7  }
0x3b7: {  	s4 =	sshra.s32 s4, $0x2;
	v11 =	vld [tilespmem:s7+$0xFFFFFFC0];
	[tilespmem:s0+$0xFFFFFFD0] =	vst v8;
	s0 =	smov.u32 s7  }
0x3b8: {  	v6 =	vld.msk [tilespmem:s4+$0xFA00 ss:$0x0], $0xffff  }
0x3b9: {  	v14 =	vld [tilespmem:s7+$0xFFFFFFE0]  }
0x3ba: {  	v7 =	vld [tilespmem:s7+$0x20]  }
.Ltmp54:
0x3bb: {  	v8 =	vld [tilespmem:s7+$0xFFFFFFD0];
	(pc) =	sbr.rel @p2 .LBB3_68-.Ltmp54, $3  }
0x3bc: {  	v9 =	vld [tilespmem:s7+$0x0];
	_ =	sdelay $0x1  }
0x3bd: {  	v11 =	vmul.f32 v6, v11;
	v13 =	vmul.f32 v10, v6  }
0x3be: {  	v12 =	vmul.f32 v12, v6;
	v10 =	vmul.f32 v14, v6  }
0x3bf: {  	[tilespmem:s0+$0x30] =	vst v13  }
0x3c0: {  	[tilespmem:s0+$0xFFFFFFC0] =	vst v11  }
0x3c1: {  	v5 =	vmul.f32 v5, v6;
	[tilespmem:s0+$0x10] =	vst v12  }
0x3c2: {  	v7 =	vmul.f32 v7, v6;
	[tilespmem:s0+$0xFFFFFFE0] =	vst v10  }
0x3c3: {  	v9 =	vmul.f32 v9, v6;
	[tilespmem:s0+$0xFFFFFFF0] =	vst v5  }
0x3c4: {  	v5 =	vmul.f32 v8, v6;
	[tilespmem:s0+$0x20] =	vst v7  }
0x3c5: {  	[tilespmem:s0+$0x0] =	vst v9  }
0x3c6: {  	[tilespmem:s0+$0xFFFFFFD0] =	vst v5  }
0x3c7: {  	[spmem:s6] =	stream.indirect.scatter.add.f32 [tilespmem:s20], [sflag:$0x2], $0x80, s28, s25, $0xb8;
	[tilespmem:$0x1B318] =	vst v63  }
0x3c8: {  	_ =	swait.ge [sflag:s21], $0x800  }
0x3c9: {  	[sflag:s21] =	ssyncset.done $0x0  }
0x3ca: {  	[sflag:s21] =	ssyncadd.s32 $0xFFFFF800  }
.LBB3_70:
.Ltmp55:
0x3cb: {  	(pc) =	sbr.rel @!p1 .LBB3_71-.Ltmp55, $1  }
0x3cc: {  	_ =	sdelay $0x3  }
0x3cd: {  	v5 =	vmov s30;
	s0 =	simm.s32 $0x0  }
.LBB3_73:
0x3ce: {  	s1 =	sshll.u32 s0, $0x8  }
0x3cf: {  	s1 =	sor.u32 s10, s1  }
0x3d0: {  	s4 =	sadd.s32 s19, s1  }
0x3d1: {  	s4 =	sand.u32 $0xFFFFFF80, s4  }
0x3d2: {  	v6 =	vld.idx.msk [tilespmem:v4+s4+$0x0 ss:$0x1], $0xffff;
	_ =	sdelay $0x2  }
0x3d3: {  	v7 =	vor.u32 s1, v3  }
0x3d4: {  	vm0 =	vlt.s32 v7, v5  }
0x3d5: {  	v6 =	vnsel vm0, $0x0, v6;
	_ =	sdelay $0x4  }
0x3d6: {  	v8 =	vld.idx.msk [tilespmem:v6+s24+$0x0], $0xffff;
	_ =	sdelay $0x3  }
0x3d7: {  	v7 =	vnsel vm0, $0x1000, v7;
	[tilespmem:$0xF900] =	vst v6  }
0x3d8: {  	[tilespmem:$0xF980] =	vst v7;
	v6 =	vnsel vm0, $0x0, v8  }
0x3d9: {  	[tilespmem:$0xFA00] =	vst v6  }
0x3da: {  	[tilespmem:s20], [sflag:$0x1] =	stream.indirect.gather [hbm4b:s3+s25], $0x80, s26, s25, $0xb8;
	[tilespmem:$0x1B318] =	vst v63  }
0x3db: {  	_ =	swait.ge [sflag:s17], $0x800  }
0x3dc: {  	[sflag:s17] =	ssyncset.done $0x0  }
0x3dd: {  	s1 =	simm.s32 $0xE8C0;
	[sflag:s17] =	ssyncadd.s32 $0xFFFFF800  }
0x3de: {  	v10 =	vld [tilespmem:s1+$0x30]  }
0x3df: {  	v13 =	vld [tilespmem:s1+$0x10]  }
0x3e0: {  	s31 =	simm.s32 $0x0;
	v11 =	vld [tilespmem:s1+$0xFFFFFFC0]  }
0x3e1: {  	v7 =	vld.msk [tilespmem:s31+$0xFA00 ss:$0x0], $0xffff  }
0x3e2: {  	v15 =	vld [tilespmem:s1+$0xFFFFFFE0]  }
0x3e3: {  	v6 =	vld [tilespmem:s1+$0xFFFFFFF0]  }
0x3e4: {  	v8 =	vld [tilespmem:s1+$0x20]  }
0x3e5: {  	v9 =	vld [tilespmem:s1+$0xFFFFFFD0]  }
0x3e6: {  	v14 =	vmul.f32 v10, v7;
	v10 =	vld [tilespmem:s1+$0x0]  }
0x3e7: {  	v12 =	vmul.f32 v7, v11  }
0x3e8: {  	s7 =	simm.s32 $0x4;
	s11 =	simm.s32 $0xE8C0;
	v11 =	vmul.f32 v15, v7;
	v13 =	vmul.f32 v13, v7  }
.LBB3_74:
0x3e9: {  	p1 =	sne.s32 s7, $0x3C  }
0x3ea: {  	v9 =	vmul.f32 v9, v7;
	v8 =	vmul.f32 v8, v7;
	[tilespmem:s1+$0x30] =	vst v14;
	s11 =	sadd.s32 $0x80, s11;
	s4 =	smov.u32 s7;
	s7 =	sadd.s32 $0x4, s7  }
0x3eb: {  	[tilespmem:s1+$0xFFFFFFC0] =	vst v12;
	v12 =	vmul.f32 v6, v7;
	v7 =	vmul.f32 v10, v7  }
0x3ec: {  	[tilespmem:s1+$0x10] =	vst v13  }
0x3ed: {  	[tilespmem:s1+$0xFFFFFFE0] =	vst v11  }
0x3ee: {  	v6 =	vld [tilespmem:s11+$0xFFFFFFF0];
	[tilespmem:s1+$0xFFFFFFF0] =	vst v12  }
0x3ef: {  	v11 =	vld [tilespmem:s11+$0x30];
	[tilespmem:s1+$0x0] =	vst v7  }
0x3f0: {  	v13 =	vld [tilespmem:s11+$0x10];
	[tilespmem:s1+$0x20] =	vst v8  }
0x3f1: {  	s4 =	sshra.s32 s4, $0x2;
	v12 =	vld [tilespmem:s11+$0xFFFFFFC0];
	[tilespmem:s1+$0xFFFFFFD0] =	vst v9;
	s1 =	smov.u32 s11  }
0x3f2: {  	v7 =	vld.msk [tilespmem:s4+$0xFA00 ss:$0x0], $0xffff  }
0x3f3: {  	v15 =	vld [tilespmem:s11+$0xFFFFFFE0]  }
0x3f4: {  	v8 =	vld [tilespmem:s11+$0x20]  }
.Ltmp56:
0x3f5: {  	v9 =	vld [tilespmem:s11+$0xFFFFFFD0];
	(pc) =	sbr.rel @p1 .LBB3_74-.Ltmp56, $3  }
0x3f6: {  	v10 =	vld [tilespmem:s11+$0x0];
	_ =	sdelay $0x1  }
0x3f7: {  	v12 =	vmul.f32 v7, v12;
	v14 =	vmul.f32 v11, v7  }
0x3f8: {  	v13 =	vmul.f32 v13, v7;
	v11 =	vmul.f32 v15, v7  }
0x3f9: {  	[tilespmem:s1+$0x30] =	vst v14  }
0x3fa: {  	[tilespmem:s1+$0xFFFFFFC0] =	vst v12  }
0x3fb: {  	v6 =	vmul.f32 v6, v7;
	[tilespmem:s1+$0x10] =	vst v13  }
0x3fc: {  	v8 =	vmul.f32 v8, v7;
	[tilespmem:s1+$0xFFFFFFE0] =	vst v11  }
0x3fd: {  	v10 =	vmul.f32 v10, v7;
	[tilespmem:s1+$0xFFFFFFF0] =	vst v6  }
0x3fe: {  	s0 =	sadd.s32 $0x1, s0;
	v6 =	vmul.f32 v9, v7;
	[tilespmem:s1+$0x20] =	vst v8  }
0x3ff: {  	p1 =	sne.s32 s0, s29;
	[tilespmem:s1+$0x0] =	vst v10  }
.Ltmp57:
0x400: {  	[tilespmem:s1+$0xFFFFFFD0] =	vst v6;
	(pc) =	sbr.rel @p1 .LBB3_73-.Ltmp57, $4  }
0x401: {  	[spmem:s6] =	stream.indirect.scatter.add.f32 [tilespmem:s20], [sflag:$0x2], $0x80, s28, s25, $0xb8;
	[tilespmem:$0x1B318] =	vst v63  }
0x402: {  	_ =	swait.ge [sflag:s21], $0x800  }
0x403: {  	[sflag:s21] =	ssyncset.done $0x0  }
0x404: {  	[sflag:s21] =	ssyncadd.s32 $0xFFFFF800  }
0x405: {  	p1 =	sne.s32 s29, $0x1  }
.Ltmp58:
0x406: {  	s0 =	stileid.u32;
	[bflag:$0x0] =	sbarrier.arrive $0xFFFF;
	(pc) =	sbr.rel @!p1 .LBB3_78-.Ltmp58, $4  }
0x407: {  	s0 =	sshll.u32 s0, $0x6;
	s11 =	rddreg [dreg:$0x10]  }
0x408: {  	s0 =	sor.u32 $0x1C02, s0;
	s1 =	sshrl.u32 s11, $0x3  }
0x409: {  	[hbm:s5], [sflag:s0] =	dma.local [spmem:s1], $0x100  }
0x40a: {  	s7 =	sadd.s32 $0x1000, s5;
	s1 =	sadd.s32 $0xFFFFFFFF, s29;
	_ =	swait.ge [sflag:s21], $0x100  }
.LBB3_77:
0x40b: {  	[sflag:s21] =	ssyncset.done $0x0;
	s11 =	sadd.s32 $0x8000, s11;
	p1 =	sne.s32 s1, $0x1  }
.Ltmp59:
0x40c: {  	s4 =	sshrl.u32 s11, $0x3;
	[sflag:s21] =	ssyncadd.s32 $0xFFFFFF00;
	(pc) =	sbr.rel @p1 .LBB3_77-.Ltmp59, $3  }
0x40d: {  	[hbm:s7], [sflag:s0] =	dma.local [spmem:s4], $0x100  }
0x40e: {  	s1 =	sadd.s32 $0xFFFFFFFF, s1;
	_ =	sdelay $0x1  }
0x40f: {  	s7 =	sadd.s32 $0x1000, s7;
	_ =	swait.ge [sflag:s21], $0x100  }
.LBB3_78:
.Ltmp60:
0x410: {  	(pc) =	sbr.rel .LBB3_79-.Ltmp60, $3  }
0x411: {  	_ =	sdelay $0x1  }
0x412: {  	[sflag:s21] =	ssyncset.done $0x0  }
0x413: {  	[sflag:s21] =	ssyncadd.s32 $0xFFFFFF00  }
.LBB3_80:
0x414: {  	s3 =	simm.s32 $0x0;
	s4 =	sadd.s32 $0x0, s9  }
0x415: {  	s5 =	sand.u32 $0x7F80, s4;
	s3 =	sand.u32 $0x70, s3  }
0x416: {  	s3 =	sor.u32 s3, s5  }
0x417: {  	v2 =	vld [tilespmem:s3+$0x7000];
	_ =	sdelay $0x1  }
0x418: {  	v0 =	vbroadcast v0, $0x0;
	v1 =	vlaneseq.u32  }
0x419: {  	v3 =	vor.u32 s4, v1  }
0x41a: {  	vm0 =	vlt.s32 v3, v0  }
0x41b: {  	v2 =	vnsel vm0, $0x0, v2;
	_ =	sdelay $0x3  }
0x41c: {  	s1 =	simm.s32 $0x2000  }
0x41d: {  	v2 =	vld.idx.msk [tilespmem:v2+s1+$0x0], $0xffff;
	_ =	sdelay $0x2  }
0x41e: {  	s0 =	simm.s32 $0xF380  }
0x41f: {  	s4 =	simm.s32 $0x20;
	s5 =	sadd.s32 $0x10, s9;
	s3 =	simm.s32 $0x10  }
.LBB3_81:
0x420: {  	p1 =	sne.s32 s4, $0x270;
	s6 =	sand.u32 $0x7F80, s5;
	s3 =	sand.u32 $0x70, s3;
	v2 =	vnsel vm0, $0x0, v2  }
0x421: {  	s6 =	sor.u32 s3, s6;
	[tilespmem:s0+$0x0] =	vst v2;
	s3 =	smov.u32 s4  }
0x422: {  	v2 =	vld [tilespmem:s6+$0x7000];
	_ =	sdelay $0x2  }
0x423: {  	v3 =	vor.u32 s5, v1  }
0x424: {  	vm0 =	vlt.s32 v3, v0  }
0x425: {  	v2 =	vnsel vm0, $0x0, v2;
	_ =	sdelay $0x4  }
0x426: {  	v2 =	vld.idx.msk [tilespmem:v2+s1+$0x0], $0xffff  }
.Ltmp61:
0x427: {  	(pc) =	sbr.rel @p1 .LBB3_81-.Ltmp61, $2  }
0x428: {  	_ =	sdelay $0x2  }
0x429: {  	s4 =	sadd.s32 $0x10, s4;
	s0 =	sadd.s32 $0x10, s0;
	s5 =	sadd.s32 s3, s9  }
0x42a: {  	s4 =	sand.u32 $0x7F80, s5;
	s3 =	sand.u32 $0x70, s3;
	v2 =	vnsel vm0, $0x0, v2  }
0x42b: {  	s3 =	sor.u32 s3, s4;
	[tilespmem:s0+$0x0] =	vst v2  }
0x42c: {  	v2 =	vld [tilespmem:s3+$0x7000];
	_ =	sdelay $0x2  }
0x42d: {  	v1 =	vor.u32 s5, v1  }
0x42e: {  	vm15 =	vlt.s32 v1, v0  }
0x42f: {  	v0 =	vnsel vm15, $0x0, v2;
	_ =	sdelay $0x4  }
0x430: {  	v0 =	vld.idx.msk [tilespmem:v0+s1+$0x0], $0xffff;
	_ =	sdelay $0x4  }
0x431: {  	s26 =	sadd.s32 $0x10, s0;
	s28 =	simm.s32 $0x0;
	v0 =	vnsel vm15, $0x0, v0  }
0x432: {  	s29 =	simm.s32 $0xF380;
	s30 =	rddreg [dreg:$0xf];
	s31 =	simm.s32 $0x2;
	[tilespmem:s26+$0x0] =	vst v0  }
0x433: {  	[hbm4b:s30+s28] =	stream.linear.scatter [tilespmem:s29], [sflag:$0x2], $0x280, $0x38;
	[tilespmem:$0x1B318] =	vst v63  }
0x434: {  	_ =	swait.ge [sflag:s31], $0x280  }
0x435: {  	[sflag:s31] =	ssyncset.done $0x0  }
0x436: {  	[sflag:s31] =	ssyncadd.s32 $0xFFFFFD80  }
0x437: {  	_ =	sfence.sel @p0 $0x180000  }
0x438: {  	[bflag:$0x0] =	sbarrier.arrive @p0 $0xFFFF  }
0x439: {  	_ =	strace @p0 $0x90000047  }
0x43a: {  	[bflag:$0x2] =	sbarrier.arrive @p0 $0xFFFF  }
0x43b: {  	v0 =	vld.msk @!p0 [tilespmem:s2+$0x2000 ss:$0x0], $0xffff;
	_ =	sdelay $0x2  }
0x43c: {  	s0 =	rddreg [dreg:$0x12]  }
0x43d: {  	vm0 =	vcmask @!p0 $0x704;
	v1 =	vlaneseq.u32 @!p0;
	s0 =	scvt.s32.f32 @!p0 s0  }
0x43e: {  	v0 =	vnsel @!p0 vm0, $0x0, v0;
	vm0 =	veq.s32 @!p0 v1, $0x0  }
0x43f: {  	v0 =	vsel @!p0 vm0, s0, v0  }
0x440: {  	s1 =	simm.s32 @!p0 $0xFA00;
	s2 =	rddreg [dreg:$0x7];
	s0 =	simm.s32 @!p0 $0x0;
	[tilespmem:$0xFA00] =	vst @!p0 v0  }
0x441: {  	[hbm4b:s2+s0] =	stream.linear.scatter @!p0 [tilespmem:s1], [sflag:$0x2], $0x10, $0x38;
	[tilespmem:$0x1B318] =	vst v63  }
0x442: {  	s0 =	simm.s32 @!p0 $0x2  }
0x443: {  	_ =	swait.ge @!p0 [sflag:s0], $0x10  }
0x444: {  	[sflag:s0] =	ssyncset.done @!p0 $0x0  }
0x445: {  	[sflag:s0] =	ssyncadd.s32 @!p0 $0xFFFFFFF0  }
0x446: {  	_ =	sfence.sel @!p0 $0x180000  }
0x447: {  	[bflag:$0x0] =	sbarrier.arrive @!p0 $0xFFFF  }
0x448: {  	_ =	strace @!p0 $0x90000047  }
0x449: {  	[bflag:$0x2] =	sbarrier.arrive @!p0 $0xFFFF  }
0x44a: {  	s0 =	rddreg [dreg:$0xe]  }
0x44b: {  	s0 =	sadd.s32 @!p0 $0x100000, s0  }
0x44c: {  	[sflag:s0] =	ssyncadd.tile.s32 @!p0 $0x1;
	_ =	shalt  }
.Lfunc_end3:
_tile_overlayer_lowered:
.L_overlay_start_3:
0x44d: {  	(tag) =	ssettag $0x3  }
0x44e: {  	s0 =	rddreg [dreg:$0x0];
	s2 =	stileid.u32  }
0x44f: {  	s1 =	rddreg [dreg:$0x1];
	p0 =	sne.s32 s2, $0x0  }
0x450: {  	s3 =	rddreg [dreg:$0x2];
	[bflag:$0x3] =	sbarrier.arrive $0xFFFF;
	s2 =	simm.s32 @!p0 $0x1C02  }
0x451: {  	[timem:s3], [sflag:s2] =	dma.local @!p0 [hbm:s0], s1  }
0x452: {  	s0 =	simm.s32 @!p0 $0x2  }
0x453: {  	_ =	swait.ge @!p0 [sflag:s0], s1  }
0x454: {  	s1 =	ssub.s32 @!p0 $0x0, s1;
	[sflag:s0] =	ssyncset.done @!p0 $0x0  }
0x455: {  	[sflag:s0] =	ssyncadd.s32 @!p0 s1  }
0x456: {  	[bflag:$0x3] =	sbarrier.arrive $0xFFFF  }
0x457: {  	_ =	shalt  }

</sc_bundles>
